<compile_context>
chip_gen: v7x
topology: tpu7x:2x2x1
jax: 0.10.2.dev20260603
libtpu: 0.0.44.dev20260713+nightly
codegen_flags: <defaults>
</compile_context>

<pallas_src>
import functools

import jax
import jax.numpy as jnp
from jax import lax
from jax.experimental import pallas as pl
from jax.experimental.pallas import tpu as pltpu
from jax.experimental.pallas import tpu_sc as plsc

B = 16384
D = 100
C = 128
LANES = 16

_info = plsc.get_sparse_core_info()
NC = _info.num_cores
NS = _info.num_subcores
NW = NC * NS
PER_W = B // NW
N_CH = PER_W // C

S_OFFS = (0, 16, 32, 48, 64, 80, 84)
W_OFFS = (0, 16, 32, 48, 64, 80, 96)


def _pack_weights(W_out, b_out):
    w3 = W_out.reshape(3, 100).astype(jnp.float32)
    wp = jnp.zeros((3, 112), jnp.float32)
    wp = wp.at[:, :96].set(w3[:, :96])
    wp = wp.at[:, 108:112].set(w3[:, 96:100])
    bias = jnp.broadcast_to(b_out.astype(jnp.float32).reshape(1), (LANES,))
    return jnp.concatenate([wp.reshape(-1), bias])


_mesh = plsc.VectorSubcoreMesh(core_axis_name="c", subcore_axis_name="s")


@functools.partial(
    pl.kernel,
    out_type=jax.ShapeDtypeStruct((B,), jnp.float32),
    mesh=_mesh,
    compiler_params=pltpu.CompilerParams(needs_layout_passes=False),
    scratch_types=[
        pltpu.VMEM((C,), jnp.int32),
        pltpu.VMEM((C,), jnp.int32),
        pltpu.VMEM((C, D), jnp.float32),
        pltpu.VMEM((C, D), jnp.float32),
        pltpu.VMEM((C, D), jnp.float32),
        pltpu.VMEM((C, D), jnp.float32),
        pltpu.VMEM((352,), jnp.float32),
        pltpu.VMEM((C,), jnp.float32),
        pltpu.SemaphoreType.DMA,
        pltpu.SemaphoreType.DMA,
        pltpu.SemaphoreType.DMA,
        pltpu.SemaphoreType.DMA,
    ],
)
def _sc_kernel(user_hbm, sku_hbm, t_sku, t_u1, t_u2, t_u3, wb_hbm,
               out_hbm,
               idxu, idxs, rs, r1, r2, r3, wv, ov, sm0, sm1, sm2, sm3):
    wid = lax.axis_index("s") * NC + lax.axis_index("c")
    pltpu.sync_copy(wb_hbm, wv)
    bias = wv[pl.ds(336, LANES)]
    wregs = [[wv[pl.ds(112 * t + W_OFFS[ci], LANES)] for ci in range(7)]
             for t in range(3)]
    lane = lax.iota(jnp.int32, LANES)

    def chunk_body(ch, carry):
        base = wid * PER_W + ch * C
        pltpu.sync_copy(user_hbm.at[pl.ds(base, C)], idxu)
        pltpu.sync_copy(sku_hbm.at[pl.ds(base, C)], idxs)

        def issue_group(g, carry2):
            gb = g * LANES
            su = idxu[pl.ds(gb, LANES)]
            ss = idxs[pl.ds(gb, LANES)]
            for e in range(LANES):
                b = gb + e
                rsku = ss[e]
                rusr = su[e]
                pltpu.async_copy(t_sku.at[pl.ds(rsku, 1)],
                                 rs.at[pl.ds(b, 1)], sm0)
                pltpu.async_copy(t_u1.at[pl.ds(rusr, 1)],
                                 r1.at[pl.ds(b, 1)], sm1)
                pltpu.async_copy(t_u2.at[pl.ds(rusr, 1)],
                                 r2.at[pl.ds(b, 1)], sm2)
                pltpu.async_copy(t_u3.at[pl.ds(rusr, 1)],
                                 r3.at[pl.ds(b, 1)], sm3)
            return carry2

        lax.fori_loop(0, C // LANES, issue_group, 0)

        pltpu.make_async_copy(t_sku.at[pl.ds(0, C)], rs, sm0).wait()
        pltpu.make_async_copy(t_u1.at[pl.ds(0, C)], r1, sm1).wait()
        pltpu.make_async_copy(t_u2.at[pl.ds(0, C)], r2, sm2).wait()
        pltpu.make_async_copy(t_u3.at[pl.ds(0, C)], r3, sm3).wait()

        def body(g, carry2):
            totals = jnp.zeros((LANES,), jnp.float32)
            for e in range(LANES):
                b = g * LANES + e
                acc = jnp.zeros((LANES,), jnp.float32)
                for ci in range(7):
                    off = S_OFFS[ci]
                    s = rs[b, pl.ds(off, LANES)]
                    for t, r in enumerate((r1, r2, r3)):
                        u = r[b, pl.ds(off, LANES)]
                        acc = acc + jnp.abs(s - u) * wregs[t][ci]
                totals = jnp.where(lane == e, jnp.sum(acc), totals)
            y = 1.0 / (1.0 + jnp.exp(-(totals + bias)))
            ov[pl.ds(g * LANES, LANES)] = y
            return carry2

        lax.fori_loop(0, C // LANES, body, 0)
        pltpu.sync_copy(ov, out_hbm.at[pl.ds(base, C)])
        return carry

    lax.fori_loop(0, N_CH, chunk_body, 0)


def kernel(user, sku, sku_table, user_table1, user_table2, user_table3, W_out, b_out):
    wb = _pack_weights(W_out, b_out)
    out = _sc_kernel(user.astype(jnp.int32), sku.astype(jnp.int32),
                     sku_table, user_table1, user_table2, user_table3, wb)
    return out.reshape(B, 1)

# --- scband reference (transcript-rebuilt; emitter-appended) ---
"""Pipeline reference for scband-recommendation-system-12077448036713 (READ-ONLY COPY).

The authoritative reference and input builder live on the scoring server;
editing this copy changes nothing except your own understanding.
"""

import jax, jax.numpy as jnp
import numpy as np

NUM_SKU = 1000000
NUM_USER = 100000
EMBED_DIM = 100
BATCH = 16384

def setup_inputs(seed: int = 0) -> dict:
    key = jax.random.key(seed)
    k_user, k_sku, k_t0, k_t1, k_t2, k_t3, k_w, k_b = jax.random.split(key, 8)
    user = jax.random.randint(k_user, (BATCH,), 0, NUM_USER, dtype=jnp.int64 if jax.config.jax_enable_x64 else jnp.int32)
    sku = jax.random.randint(k_sku, (BATCH,), 0, NUM_SKU, dtype=jnp.int64 if jax.config.jax_enable_x64 else jnp.int32)
    sku_table = jax.random.normal(k_t0, (NUM_SKU, EMBED_DIM), dtype=jnp.float32) * 0.05
    user_table1 = jax.random.normal(k_t1, (NUM_USER, EMBED_DIM), dtype=jnp.float32) * 0.05
    user_table2 = jax.random.normal(k_t2, (NUM_USER, EMBED_DIM), dtype=jnp.float32) * 0.05
    user_table3 = jax.random.normal(k_t3, (NUM_USER, EMBED_DIM), dtype=jnp.float32) * 0.05
    W_out = jax.random.normal(k_w, (3 * EMBED_DIM, 1), dtype=jnp.float32) * (1.0 / np.sqrt(3 * EMBED_DIM))
    b_out = jnp.zeros((1,), dtype=jnp.float32)
    return {"user": user, "sku": sku, "sku_table": sku_table, "user_table1": user_table1, "user_table2": user_table2, "user_table3": user_table3, "W_out": W_out, "b_out": b_out}

def reference(user, sku, sku_table, user_table1, user_table2, user_table3, W_out, b_out):
    # Embedding lookups (gather)
    sku_vec = jnp.take(sku_table, sku, axis=0)          # [B, 100]
    usr_vec1 = jnp.take(user_table1, user, axis=0)      # [B, 100]
    usr_vec2 = jnp.take(user_table2, user, axis=0)      # [B, 100]
    usr_vec3 = jnp.take(user_table3, user, axis=0)      # [B, 100]
    # Taste differences: |sku_vec - usr_vec_i|
    taste_diff_1 = jnp.abs(sku_vec - usr_vec1)
    taste_diff_2 = jnp.abs(sku_vec - usr_vec2)
    taste_diff_3 = jnp.abs(sku_vec - usr_vec3)
    # Concatenate along feature axis -> [B, 300], flatten is identity here
    concat = jnp.concatenate([taste_diff_1, taste_diff_2, taste_diff_3], axis=-1)
    flat = concat.reshape(concat.shape[0], -1)
    # Output layer: Dense(1, sigmoid). (self.dense is defined but unused in call.)
    logits = flat @ W_out + b_out
    output = jax.nn.sigmoid(logits)
    return output

if __name__ == "__main__":
    import jax
    _d = setup_inputs()
    print(jax.jit(kernel)(*tuple(_d.values())))

</pallas_src>

<mosaic_0001>
#map = affine_map<(d0, d1) -> (0)>
#map1 = affine_map<(d0, d1) -> (0, 0)>
module attributes {stable_mosaic.version = 14 : i64} {
  func.func @_sc_kernel(%arg0: i32, %arg1: i32, %arg2: memref<16384xi32, #tpu.memory_space<hbm>>, %arg3: memref<16384xi32, #tpu.memory_space<hbm>>, %arg4: memref<1000000x100xf32, #tpu.memory_space<hbm>>, %arg5: memref<100000x100xf32, #tpu.memory_space<hbm>>, %arg6: memref<100000x100xf32, #tpu.memory_space<hbm>>, %arg7: memref<100000x100xf32, #tpu.memory_space<hbm>>, %arg8: memref<352xf32, #tpu.memory_space<hbm>>, %arg9: memref<16384xf32, #tpu.memory_space<hbm>>, %arg10: memref<128xi32, #tpu.memory_space<vmem>>, %arg11: memref<128xi32, #tpu.memory_space<vmem>>, %arg12: memref<128x100xf32, #tpu.memory_space<vmem>>, %arg13: memref<128x100xf32, #tpu.memory_space<vmem>>, %arg14: memref<128x100xf32, #tpu.memory_space<vmem>>, %arg15: memref<128x100xf32, #tpu.memory_space<vmem>>, %arg16: memref<352xf32, #tpu.memory_space<vmem>>, %arg17: memref<128xf32, #tpu.memory_space<vmem>>, %arg18: memref<!tpu.dma_semaphore, #tpu.memory_space<semaphore_mem>>, %arg19: memref<!tpu.dma_semaphore, #tpu.memory_space<semaphore_mem>>, %arg20: memref<!tpu.dma_semaphore, #tpu.memory_space<semaphore_mem>>, %arg21: memref<!tpu.dma_semaphore, #tpu.memory_space<semaphore_mem>>) attributes {dimension_semantics = [#tpu.dimension_semantics<core_parallel>, #tpu.dimension_semantics<subcore_parallel>], iteration_bounds = array<i64: 2, 16>, scalar_prefetch = 0 : i64, scratch_operands = 12 : i64, tpu.core_type = #tpu.core_type<sc_vector_subcore>, window_params = [{transform_indices = #map}, {transform_indices = #map}, {transform_indices = #map1}, {transform_indices = #map1}, {transform_indices = #map1}, {transform_indices = #map1}, {transform_indices = #map}, {transform_indices = #map}]} {
    %mul3A = arith.constant 2 : i32
    %mul3A_0 = arith.muli %arg1, %mul3A : i32
    %add3A = arith.addi %mul3A_0, %arg0 : i32
    "tpu.region"() ({
      %run_scoped3A = tpu.sem_alloc : memref<!tpu.dma_semaphore, #tpu.memory_space<semaphore_mem>>
      tpu.enqueue_dma source(%arg8 : memref<352xf32, #tpu.memory_space<hbm>>) target(%arg16 : memref<352xf32, #tpu.memory_space<vmem>>) target_semaphore(%run_scoped3A : memref<!tpu.dma_semaphore, #tpu.memory_space<semaphore_mem>>)
      tpu.wait_dma2 semaphore(%run_scoped3A : memref<!tpu.dma_semaphore, #tpu.memory_space<semaphore_mem>>) src(%arg8 : memref<352xf32, #tpu.memory_space<hbm>>) dst(%arg16 : memref<352xf32, #tpu.memory_space<vmem>>)
      tpu.yield
    }) : () -> ()
    %get3A = arith.constant 336 : index
    %get3A_1 = tpu.vector_load %arg16[%get3A] {strides = array<i32>} : memref<352xf32, #tpu.memory_space<vmem>>, vector<16xf32>,
    %get3A_2 = arith.constant 0 : index
    %get3A_3 = tpu.vector_load %arg16[%get3A_2] {strides = array<i32>} : memref<352xf32, #tpu.memory_space<vmem>>, vector<16xf32>,
    %get3A_4 = arith.constant 16 : index
    %get3A_5 = tpu.vector_load %arg16[%get3A_4] {strides = array<i32>} : memref<352xf32, #tpu.memory_space<vmem>>, vector<16xf32>,
    %get3A_6 = arith.constant 32 : index
    %get3A_7 = tpu.vector_load %arg16[%get3A_6] {strides = array<i32>} : memref<352xf32, #tpu.memory_space<vmem>>, vector<16xf32>,
    %get3A_8 = arith.constant 48 : index
    %get3A_9 = tpu.vector_load %arg16[%get3A_8] {strides = array<i32>} : memref<352xf32, #tpu.memory_space<vmem>>, vector<16xf32>,
    %get3A_10 = arith.constant 64 : index
    %get3A_11 = tpu.vector_load %arg16[%get3A_10] {strides = array<i32>} : memref<352xf32, #tpu.memory_space<vmem>>, vector<16xf32>,
    %get3A_12 = arith.constant 80 : index
    %get3A_13 = tpu.vector_load %arg16[%get3A_12] {strides = array<i32>} : memref<352xf32, #tpu.memory_space<vmem>>, vector<16xf32>,
    %get3A_14 = arith.constant 96 : index
    %get3A_15 = tpu.vector_load %arg16[%get3A_14] {strides = array<i32>} : memref<352xf32, #tpu.memory_space<vmem>>, vector<16xf32>,
    %get3A_16 = arith.constant 112 : index
    %get3A_17 = tpu.vector_load %arg16[%get3A_16] {strides = array<i32>} : memref<352xf32, #tpu.memory_space<vmem>>, vector<16xf32>,
    %get3A_18 = arith.constant 128 : index
    %get3A_19 = tpu.vector_load %arg16[%get3A_18] {strides = array<i32>} : memref<352xf32, #tpu.memory_space<vmem>>, vector<16xf32>,
    %get3A_20 = arith.constant 144 : index
    %get3A_21 = tpu.vector_load %arg16[%get3A_20] {strides = array<i32>} : memref<352xf32, #tpu.memory_space<vmem>>, vector<16xf32>,
    %get3A_22 = arith.constant 160 : index
    %get3A_23 = tpu.vector_load %arg16[%get3A_22] {strides = array<i32>} : memref<352xf32, #tpu.memory_space<vmem>>, vector<16xf32>,
    %get3A_24 = arith.constant 176 : index
    %get3A_25 = tpu.vector_load %arg16[%get3A_24] {strides = array<i32>} : memref<352xf32, #tpu.memory_space<vmem>>, vector<16xf32>,
    %get3A_26 = arith.constant 192 : index
    %get3A_27 = tpu.vector_load %arg16[%get3A_26] {strides = array<i32>} : memref<352xf32, #tpu.memory_space<vmem>>, vector<16xf32>,
    %get3A_28 = arith.constant 208 : index
    %get3A_29 = tpu.vector_load %arg16[%get3A_28] {strides = array<i32>} : memref<352xf32, #tpu.memory_space<vmem>>, vector<16xf32>,
    %get3A_30 = arith.constant 224 : index
    %get3A_31 = tpu.vector_load %arg16[%get3A_30] {strides = array<i32>} : memref<352xf32, #tpu.memory_space<vmem>>, vector<16xf32>,
    %get3A_32 = arith.constant 240 : index
    %get3A_33 = tpu.vector_load %arg16[%get3A_32] {strides = array<i32>} : memref<352xf32, #tpu.memory_space<vmem>>, vector<16xf32>,
    %get3A_34 = arith.constant 256 : index
    %get3A_35 = tpu.vector_load %arg16[%get3A_34] {strides = array<i32>} : memref<352xf32, #tpu.memory_space<vmem>>, vector<16xf32>,
    %get3A_36 = arith.constant 272 : index
    %get3A_37 = tpu.vector_load %arg16[%get3A_36] {strides = array<i32>} : memref<352xf32, #tpu.memory_space<vmem>>, vector<16xf32>,
    %get3A_38 = arith.constant 288 : index
    %get3A_39 = tpu.vector_load %arg16[%get3A_38] {strides = array<i32>} : memref<352xf32, #tpu.memory_space<vmem>>, vector<16xf32>,
    %get3A_40 = arith.constant 304 : index
    %get3A_41 = tpu.vector_load %arg16[%get3A_40] {strides = array<i32>} : memref<352xf32, #tpu.memory_space<vmem>>, vector<16xf32>,
    %get3A_42 = arith.constant 320 : index
    %get3A_43 = tpu.vector_load %arg16[%get3A_42] {strides = array<i32>} : memref<352xf32, #tpu.memory_space<vmem>>, vector<16xf32>,
    %iota3A = tpu.iota {dimensions = array<i32: 0>} : vector<16xi32>
    %scan3A = arith.constant 0 : i32
    %scan3A_44 = arith.constant 0 : i32
    %scan3A_45 = arith.constant 4 : i32
    %scan3A_46 = arith.addi %scan3A_44, %scan3A_45 : i32
    %scan3A_47 = arith.constant 1 : i32
    scf.for %scan3A_49 = %scan3A_44 to %scan3A_46 step %scan3A_47  : i32 {
      %mul3A_50 = arith.constant 512 : i32
      %mul3A_51 = arith.muli %add3A, %mul3A_50 : i32
      %mul3A_52 = arith.constant 128 : i32
      %mul3A_53 = arith.muli %scan3A_49, %mul3A_52 : i32
      %add3A_54 = arith.addi %mul3A_51, %mul3A_53 : i32
      "tpu.region"() ({
        %run_scoped3A = tpu.sem_alloc : memref<!tpu.dma_semaphore, #tpu.memory_space<semaphore_mem>>
        %dma_start3A = tpu.memref_slice %arg2[%add3A_54] : memref<16384xi32, #tpu.memory_space<hbm>> -> memref<128xi32, #tpu.memory_space<hbm>>
        %dma_start3A_90 = tpu.memref_slice %arg2[%add3A_54] : memref<16384xi32, #tpu.memory_space<hbm>> -> memref<128xi32, #tpu.memory_space<hbm>>
        tpu.enqueue_dma source(%dma_start3A_90 : memref<128xi32, #tpu.memory_space<hbm>>) target(%arg10 : memref<128xi32, #tpu.memory_space<vmem>>) target_semaphore(%run_scoped3A : memref<!tpu.dma_semaphore, #tpu.memory_space<semaphore_mem>>)
        %dma_wait3A_91 = tpu.memref_slice %arg2[%add3A_54] : memref<16384xi32, #tpu.memory_space<hbm>> -> memref<128xi32, #tpu.memory_space<hbm>>
        %dma_wait3A_92 = tpu.memref_slice %arg2[%add3A_54] : memref<16384xi32, #tpu.memory_space<hbm>> -> memref<128xi32, #tpu.memory_space<hbm>>
        tpu.wait_dma2 semaphore(%run_scoped3A : memref<!tpu.dma_semaphore, #tpu.memory_space<semaphore_mem>>) src(%dma_wait3A_92 : memref<128xi32, #tpu.memory_space<hbm>>) dst(%arg10 : memref<128xi32, #tpu.memory_space<vmem>>)
        tpu.yield
      }) : () -> ()
      "tpu.region"() ({
        %run_scoped3A = tpu.sem_alloc : memref<!tpu.dma_semaphore, #tpu.memory_space<semaphore_mem>>
        %dma_start3A = tpu.memref_slice %arg3[%add3A_54] : memref<16384xi32, #tpu.memory_space<hbm>> -> memref<128xi32, #tpu.memory_space<hbm>>
        %dma_start3A_90 = tpu.memref_slice %arg3[%add3A_54] : memref<16384xi32, #tpu.memory_space<hbm>> -> memref<128xi32, #tpu.memory_space<hbm>>
        tpu.enqueue_dma source(%dma_start3A_90 : memref<128xi32, #tpu.memory_space<hbm>>) target(%arg11 : memref<128xi32, #tpu.memory_space<vmem>>) target_semaphore(%run_scoped3A : memref<!tpu.dma_semaphore, #tpu.memory_space<semaphore_mem>>)
        %dma_wait3A_91 = tpu.memref_slice %arg3[%add3A_54] : memref<16384xi32, #tpu.memory_space<hbm>> -> memref<128xi32, #tpu.memory_space<hbm>>
        %dma_wait3A_92 = tpu.memref_slice %arg3[%add3A_54] : memref<16384xi32, #tpu.memory_space<hbm>> -> memref<128xi32, #tpu.memory_space<hbm>>
        tpu.wait_dma2 semaphore(%run_scoped3A : memref<!tpu.dma_semaphore, #tpu.memory_space<semaphore_mem>>) src(%dma_wait3A_92 : memref<128xi32, #tpu.memory_space<hbm>>) dst(%arg11 : memref<128xi32, #tpu.memory_space<vmem>>)
        tpu.yield
      }) : () -> ()
      %scan3A_55 = arith.constant 0 : i32
      %scan3A_56 = arith.constant 0 : i32
      %scan3A_57 = arith.constant 8 : i32
      %scan3A_58 = arith.addi %scan3A_56, %scan3A_57 : i32
      %scan3A_59 = arith.constant 1 : i32
      scf.for %scan3A_90 = %scan3A_56 to %scan3A_58 step %scan3A_59  : i32 {
        %mul3A_91 = arith.constant 16 : i32
        %mul3A_92 = arith.muli %scan3A_90, %mul3A_91 : i32
        %get3A_93 = arith.index_cast %mul3A_92 : i32 to index
        %get3A_94 = tpu.vector_load %arg10[%get3A_93] {strides = array<i32>} : memref<128xi32, #tpu.memory_space<vmem>>, vector<16xi32>,
        %get3A_95 = arith.index_cast %mul3A_92 : i32 to index
        %get3A_96 = tpu.vector_load %arg11[%get3A_95] {strides = array<i32>} : memref<128xi32, #tpu.memory_space<vmem>>, vector<16xi32>,
        %add3A_97 = arith.constant 0 : i32
        %add3A_98 = arith.addi %mul3A_92, %add3A_97 : i32
        %slice3A = vector.extract_strided_slice %get3A_96 {offsets = [0], sizes = [1], strides = [1]} : vector<16xi32> to vector<1xi32>
        %squeeze3A = vector.extract %slice3A[0] : i32 from vector<1xi32>
        %slice3A_99 = vector.extract_strided_slice %get3A_94 {offsets = [0], sizes = [1], strides = [1]} : vector<16xi32> to vector<1xi32>
        %squeeze3A_100 = vector.extract %slice3A_99[0] : i32 from vector<1xi32>
        %dma_start3A = arith.constant 0 : i32
        %dma_start3A_101 = tpu.memref_slice %arg12[%add3A_98, %dma_start3A] : memref<128x100xf32, #tpu.memory_space<vmem>> -> memref<1x100xf32, #tpu.memory_space<vmem>>
        %dma_start3A_102 = arith.constant 0 : i32
        %dma_start3A_103 = tpu.memref_slice %arg4[%squeeze3A, %dma_start3A_102] : memref<1000000x100xf32, #tpu.memory_space<hbm>> -> memref<1x100xf32, #tpu.memory_space<hbm>>
        %dma_start3A_104 = arith.constant 0 : i32
        %dma_start3A_105 = tpu.memref_slice %arg12[%add3A_98, %dma_start3A_104] : memref<128x100xf32, #tpu.memory_space<vmem>> -> memref<1x100xf32, #tpu.memory_space<vmem>>
        %dma_start3A_106 = arith.constant 0 : i32
        %dma_start3A_107 = tpu.memref_slice %arg4[%squeeze3A, %dma_start3A_106] : memref<1000000x100xf32, #tpu.memory_space<hbm>> -> memref<1x100xf32, #tpu.memory_space<hbm>>
        tpu.enqueue_dma source(%dma_start3A_107 : memref<1x100xf32, #tpu.memory_space<hbm>>) target(%dma_start3A_105 : memref<1x100xf32, #tpu.memory_space<vmem>>) target_semaphore(%arg18 : memref<!tpu.dma_semaphore, #tpu.memory_space<semaphore_mem>>)
        %dma_start3A_108 = arith.constant 0 : i32
        %dma_start3A_109 = tpu.memref_slice %arg13[%add3A_98, %dma_start3A_108] : memref<128x100xf32, #tpu.memory_space<vmem>> -> memref<1x100xf32, #tpu.memory_space<vmem>>
        %dma_start3A_110 = arith.constant 0 : i32
        %dma_start3A_111 = tpu.memref_slice %arg5[%squeeze3A_100, %dma_start3A_110] : memref<100000x100xf32, #tpu.memory_space<hbm>> -> memref<1x100xf32, #tpu.memory_space<hbm>>
        %dma_start3A_112 = arith.constant 0 : i32
        %dma_start3A_113 = tpu.memref_slice %arg13[%add3A_98, %dma_start3A_112] : memref<128x100xf32, #tpu.memory_space<vmem>> -> memref<1x100xf32, #tpu.memory_space<vmem>>
        %dma_start3A_114 = arith.constant 0 : i32
        %dma_start3A_115 = tpu.memref_slice %arg5[%squeeze3A_100, %dma_start3A_114] : memref<100000x100xf32, #tpu.memory_space<hbm>> -> memref<1x100xf32, #tpu.memory_space<hbm>>
        tpu.enqueue_dma source(%dma_start3A_115 : memref<1x100xf32, #tpu.memory_space<hbm>>) target(%dma_start3A_113 : memref<1x100xf32, #tpu.memory_space<vmem>>) target_semaphore(%arg19 : memref<!tpu.dma_semaphore, #tpu.memory_space<semaphore_mem>>)
        %dma_start3A_116 = arith.constant 0 : i32
        %dma_start3A_117 = tpu.memref_slice %arg14[%add3A_98, %dma_start3A_116] : memref<128x100xf32, #tpu.memory_space<vmem>> -> memref<1x100xf32, #tpu.memory_space<vmem>>
        %dma_start3A_118 = arith.constant 0 : i32
        %dma_start3A_119 = tpu.memref_slice %arg6[%squeeze3A_100, %dma_start3A_118] : memref<100000x100xf32, #tpu.memory_space<hbm>> -> memref<1x100xf32, #tpu.memory_space<hbm>>
        %dma_start3A_120 = arith.constant 0 : i32
        %dma_start3A_121 = tpu.memref_slice %arg14[%add3A_98, %dma_start3A_120] : memref<128x100xf32, #tpu.memory_space<vmem>> -> memref<1x100xf32, #tpu.memory_space<vmem>>
        %dma_start3A_122 = arith.constant 0 : i32
        %dma_start3A_123 = tpu.memref_slice %arg6[%squeeze3A_100, %dma_start3A_122] : memref<100000x100xf32, #tpu.memory_space<hbm>> -> memref<1x100xf32, #tpu.memory_space<hbm>>
        tpu.enqueue_dma source(%dma_start3A_123 : memref<1x100xf32, #tpu.memory_space<hbm>>) target(%dma_start3A_121 : memref<1x100xf32, #tpu.memory_space<vmem>>) target_semaphore(%arg20 : memref<!tpu.dma_semaphore, #tpu.memory_space<semaphore_mem>>)
        %dma_start3A_124 = arith.constant 0 : i32
        %dma_start3A_125 = tpu.memref_slice %arg15[%add3A_98, %dma_start3A_124] : memref<128x100xf32, #tpu.memory_space<vmem>> -> memref<1x100xf32, #tpu.memory_space<vmem>>
        %dma_start3A_126 = arith.constant 0 : i32
        %dma_start3A_127 = tpu.memref_slice %arg7[%squeeze3A_100, %dma_start3A_126] : memref<100000x100xf32, #tpu.memory_space<hbm>> -> memref<1x100xf32, #tpu.memory_space<hbm>>
        %dma_start3A_128 = arith.constant 0 : i32
        %dma_start3A_129 = tpu.memref_slice %arg15[%add3A_98, %dma_start3A_128] : memref<128x100xf32, #tpu.memory_space<vmem>> -> memref<1x100xf32, #tpu.memory_space<vmem>>
        %dma_start3A_130 = arith.constant 0 : i32
        %dma_start3A_131 = tpu.memref_slice %arg7[%squeeze3A_100, %dma_start3A_130] : memref<100000x100xf32, #tpu.memory_space<hbm>> -> memref<1x100xf32, #tpu.memory_space<hbm>>
        tpu.enqueue_dma source(%dma_start3A_131 : memref<1x100xf32, #tpu.memory_space<hbm>>) target(%dma_start3A_129 : memref<1x100xf32, #tpu.memory_space<vmem>>) target_semaphore(%arg21 : memref<!tpu.dma_semaphore, #tpu.memory_space<semaphore_mem>>)
        %add3A_132 = arith.constant 1 : i32
        %add3A_133 = arith.addi %mul3A_92, %add3A_132 : i32
        %slice3A_134 = vector.extract_strided_slice %get3A_96 {offsets = [1], sizes = [1], strides = [1]} : vector<16xi32> to vector<1xi32>
        %squeeze3A_135 = vector.extract %slice3A_134[0] : i32 from vector<1xi32>
        %slice3A_136 = vector.extract_strided_slice %get3A_94 {offsets = [1], sizes = [1], strides = [1]} : vector<16xi32> to vector<1xi32>
        %squeeze3A_137 = vector.extract %slice3A_136[0] : i32 from vector<1xi32>
        %dma_start3A_138 = arith.constant 0 : i32
        %dma_start3A_139 = tpu.memref_slice %arg12[%add3A_133, %dma_start3A_138] : memref<128x100xf32, #tpu.memory_space<vmem>> -> memref<1x100xf32, #tpu.memory_space<vmem>>
        %dma_start3A_140 = arith.constant 0 : i32
        %dma_start3A_141 = tpu.memref_slice %arg4[%squeeze3A_135, %dma_start3A_140] : memref<1000000x100xf32, #tpu.memory_space<hbm>> -> memref<1x100xf32, #tpu.memory_space<hbm>>
        %dma_start3A_142 = arith.constant 0 : i32
        %dma_start3A_143 = tpu.memref_slice %arg12[%add3A_133, %dma_start3A_142] : memref<128x100xf32, #tpu.memory_space<vmem>> -> memref<1x100xf32, #tpu.memory_space<vmem>>
        %dma_start3A_144 = arith.constant 0 : i32
        %dma_start3A_145 = tpu.memref_slice %arg4[%squeeze3A_135, %dma_start3A_144] : memref<1000000x100xf32, #tpu.memory_space<hbm>> -> memref<1x100xf32, #tpu.memory_space<hbm>>
        tpu.enqueue_dma source(%dma_start3A_145 : memref<1x100xf32, #tpu.memory_space<hbm>>) target(%dma_start3A_143 : memref<1x100xf32, #tpu.memory_space<vmem>>) target_semaphore(%arg18 : memref<!tpu.dma_semaphore, #tpu.memory_space<semaphore_mem>>)
        %dma_start3A_146 = arith.constant 0 : i32
        %dma_start3A_147 = tpu.memref_slice %arg13[%add3A_133, %dma_start3A_146] : memref<128x100xf32, #tpu.memory_space<vmem>> -> memref<1x100xf32, #tpu.memory_space<vmem>>
        %dma_start3A_148 = arith.constant 0 : i32
        %dma_start3A_149 = tpu.memref_slice %arg5[%squeeze3A_137, %dma_start3A_148] : memref<100000x100xf32, #tpu.memory_space<hbm>> -> memref<1x100xf32, #tpu.memory_space<hbm>>
        %dma_start3A_150 = arith.constant 0 : i32
        %dma_start3A_151 = tpu.memref_slice %arg13[%add3A_133, %dma_start3A_150] : memref<128x100xf32, #tpu.memory_space<vmem>> -> memref<1x100xf32, #tpu.memory_space<vmem>>
        %dma_start3A_152 = arith.constant 0 : i32
        %dma_start3A_153 = tpu.memref_slice %arg5[%squeeze3A_137, %dma_start3A_152] : memref<100000x100xf32, #tpu.memory_space<hbm>> -> memref<1x100xf32, #tpu.memory_space<hbm>>
        tpu.enqueue_dma source(%dma_start3A_153 : memref<1x100xf32, #tpu.memory_space<hbm>>) target(%dma_start3A_151 : memref<1x100xf32, #tpu.memory_space<vmem>>) target_semaphore(%arg19 : memref<!tpu.dma_semaphore, #tpu.memory_space<semaphore_mem>>)
        %dma_start3A_154 = arith.constant 0 : i32
        %dma_start3A_155 = tpu.memref_slice %arg14[%add3A_133, %dma_start3A_154] : memref<128x100xf32, #tpu.memory_space<vmem>> -> memref<1x100xf32, #tpu.memory_space<vmem>>
        %dma_start3A_156 = arith.constant 0 : i32
        %dma_start3A_157 = tpu.memref_slice %arg6[%squeeze3A_137, %dma_start3A_156] : memref<100000x100xf32, #tpu.memory_space<hbm>> -> memref<1x100xf32, #tpu.memory_space<hbm>>
        %dma_start3A_158 = arith.constant 0 : i32
        %dma_start3A_159 = tpu.memref_slice %arg14[%add3A_133, %dma_start3A_158] : memref<128x100xf32, #tpu.memory_space<vmem>> -> memref<1x100xf32, #tpu.memory_space<vmem>>
        %dma_start3A_160 = arith.constant 0 : i32
        %dma_start3A_161 = tpu.memref_slice %arg6[%squeeze3A_137, %dma_start3A_160] : memref<100000x100xf32, #tpu.memory_space<hbm>> -> memref<1x100xf32, #tpu.memory_space<hbm>>
        tpu.enqueue_dma source(%dma_start3A_161 : memref<1x100xf32, #tpu.memory_space<hbm>>) target(%dma_start3A_159 : memref<1x100xf32, #tpu.memory_space<vmem>>) target_semaphore(%arg20 : memref<!tpu.dma_semaphore, #tpu.memory_space<semaphore_mem>>)
        %dma_start3A_162 = arith.constant 0 : i32
        %dma_start3A_163 = tpu.memref_slice %arg15[%add3A_133, %dma_start3A_162] : memref<128x100xf32, #tpu.memory_space<vmem>> -> memref<1x100xf32, #tpu.memory_space<vmem>>
        %dma_start3A_164 = arith.constant 0 : i32
        %dma_start3A_165 = tpu.memref_slice %arg7[%squeeze3A_137, %dma_start3A_164] : memref<100000x100xf32, #tpu.memory_space<hbm>> -> memref<1x100xf32, #tpu.memory_space<hbm>>
        %dma_start3A_166 = arith.constant 0 : i32
        %dma_start3A_167 = tpu.memref_slice %arg15[%add3A_133, %dma_start3A_166] : memref<128x100xf32, #tpu.memory_space<vmem>> -> memref<1x100xf32, #tpu.memory_space<vmem>>
        %dma_start3A_168 = arith.constant 0 : i32
        %dma_start3A_169 = tpu.memref_slice %arg7[%squeeze3A_137, %dma_start3A_168] : memref<100000x100xf32, #tpu.memory_space<hbm>> -> memref<1x100xf32, #tpu.memory_space<hbm>>
        tpu.enqueue_dma source(%dma_start3A_169 : memref<1x100xf32, #tpu.memory_space<hbm>>) target(%dma_start3A_167 : memref<1x100xf32, #tpu.memory_space<vmem>>) target_semaphore(%arg21 : memref<!tpu.dma_semaphore, #tpu.memory_space<semaphore_mem>>)
        %add3A_170 = arith.constant 2 : i32
        %add3A_171 = arith.addi %mul3A_92, %add3A_170 : i32
        %slice3A_172 = vector.extract_strided_slice %get3A_96 {offsets = [2], sizes = [1], strides = [1]} : vector<16xi32> to vector<1xi32>
        %squeeze3A_173 = vector.extract %slice3A_172[0] : i32 from vector<1xi32>
        %slice3A_174 = vector.extract_strided_slice %get3A_94 {offsets = [2], sizes = [1], strides = [1]} : vector<16xi32> to vector<1xi32>
        %squeeze3A_175 = vector.extract %slice3A_174[0] : i32 from vector<1xi32>
        %dma_start3A_176 = arith.constant 0 : i32
        %dma_start3A_177 = tpu.memref_slice %arg12[%add3A_171, %dma_start3A_176] : memref<128x100xf32, #tpu.memory_space<vmem>> -> memref<1x100xf32, #tpu.memory_space<vmem>>
        %dma_start3A_178 = arith.constant 0 : i32
        %dma_start3A_179 = tpu.memref_slice %arg4[%squeeze3A_173, %dma_start3A_178] : memref<1000000x100xf32, #tpu.memory_space<hbm>> -> memref<1x100xf32, #tpu.memory_space<hbm>>
        %dma_start3A_180 = arith.constant 0 : i32
        %dma_start3A_181 = tpu.memref_slice %arg12[%add3A_171, %dma_start3A_180] : memref<128x100xf32, #tpu.memory_space<vmem>> -> memref<1x100xf32, #tpu.memory_space<vmem>>
        %dma_start3A_182 = arith.constant 0 : i32
        %dma_start3A_183 = tpu.memref_slice %arg4[%squeeze3A_173, %dma_start3A_182] : memref<1000000x100xf32, #tpu.memory_space<hbm>> -> memref<1x100xf32, #tpu.memory_space<hbm>>
        tpu.enqueue_dma source(%dma_start3A_183 : memref<1x100xf32, #tpu.memory_space<hbm>>) target(%dma_start3A_181 : memref<1x100xf32, #tpu.memory_space<vmem>>) target_semaphore(%arg18 : memref<!tpu.dma_semaphore, #tpu.memory_space<semaphore_mem>>)
        %dma_start3A_184 = arith.constant 0 : i32
        %dma_start3A_185 = tpu.memref_slice %arg13[%add3A_171, %dma_start3A_184] : memref<128x100xf32, #tpu.memory_space<vmem>> -> memref<1x100xf32, #tpu.memory_space<vmem>>
        %dma_start3A_186 = arith.constant 0 : i32
        %dma_start3A_187 = tpu.memref_slice %arg5[%squeeze3A_175, %dma_start3A_186] : memref<100000x100xf32, #tpu.memory_space<hbm>> -> memref<1x100xf32, #tpu.memory_space<hbm>>
        %dma_start3A_188 = arith.constant 0 : i32
        %dma_start3A_189 = tpu.memref_slice %arg13[%add3A_171, %dma_start3A_188] : memref<128x100xf32, #tpu.memory_space<vmem>> -> memref<1x100xf32, #tpu.memory_space<vmem>>
        %dma_start3A_190 = arith.constant 0 : i32
        %dma_start3A_191 = tpu.memref_slice %arg5[%squeeze3A_175, %dma_start3A_190] : memref<100000x100xf32, #tpu.memory_space<hbm>> -> memref<1x100xf32, #tpu.memory_space<hbm>>
        tpu.enqueue_dma source(%dma_start3A_191 : memref<1x100xf32, #tpu.memory_space<hbm>>) target(%dma_start3A_189 : memref<1x100xf32, #tpu.memory_space<vmem>>) target_semaphore(%arg19 : memref<!tpu.dma_semaphore, #tpu.memory_space<semaphore_mem>>)
        %dma_start3A_192 = arith.constant 0 : i32
        %dma_start3A_193 = tpu.memref_slice %arg14[%add3A_171, %dma_start3A_192] : memref<128x100xf32, #tpu.memory_space<vmem>> -> memref<1x100xf32, #tpu.memory_space<vmem>>
        %dma_start3A_194 = arith.constant 0 : i32
        %dma_start3A_195 = tpu.memref_slice %arg6[%squeeze3A_175, %dma_start3A_194] : memref<100000x100xf32, #tpu.memory_space<hbm>> -> memref<1x100xf32, #tpu.memory_space<hbm>>
        %dma_start3A_196 = arith.constant 0 : i32
        %dma_start3A_197 = tpu.memref_slice %arg14[%add3A_171, %dma_start3A_196] : memref<128x100xf32, #tpu.memory_space<vmem>> -> memref<1x100xf32, #tpu.memory_space<vmem>>
        %dma_start3A_198 = arith.constant 0 : i32
        %dma_start3A_199 = tpu.memref_slice %arg6[%squeeze3A_175, %dma_start3A_198] : memref<100000x100xf32, #tpu.memory_space<hbm>> -> memref<1x100xf32, #tpu.memory_space<hbm>>
        tpu.enqueue_dma source(%dma_start3A_199 : memref<1x100xf32, #tpu.memory_space<hbm>>) target(%dma_start3A_197 : memref<1x100xf32, #tpu.memory_space<vmem>>) target_semaphore(%arg20 : memref<!tpu.dma_semaphore, #tpu.memory_space<semaphore_mem>>)
        %dma_start3A_200 = arith.constant 0 : i32
        %dma_start3A_201 = tpu.memref_slice %arg15[%add3A_171, %dma_start3A_200] : memref<128x100xf32, #tpu.memory_space<vmem>> -> memref<1x100xf32, #tpu.memory_space<vmem>>
        %dma_start3A_202 = arith.constant 0 : i32
        %dma_start3A_203 = tpu.memref_slice %arg7[%squeeze3A_175, %dma_start3A_202] : memref<100000x100xf32, #tpu.memory_space<hbm>> -> memref<1x100xf32, #tpu.memory_space<hbm>>
        %dma_start3A_204 = arith.constant 0 : i32
        %dma_start3A_205 = tpu.memref_slice %arg15[%add3A_171, %dma_start3A_204] : memref<128x100xf32, #tpu.memory_space<vmem>> -> memref<1x100xf32, #tpu.memory_space<vmem>>
        %dma_start3A_206 = arith.constant 0 : i32
        %dma_start3A_207 = tpu.memref_slice %arg7[%squeeze3A_175, %dma_start3A_206] : memref<100000x100xf32, #tpu.memory_space<hbm>> -> memref<1x100xf32, #tpu.memory_space<hbm>>
        tpu.enqueue_dma source(%dma_start3A_207 : memref<1x100xf32, #tpu.memory_space<hbm>>) target(%dma_start3A_205 : memref<1x100xf32, #tpu.memory_space<vmem>>) target_semaphore(%arg21 : memref<!tpu.dma_semaphore, #tpu.memory_space<semaphore_mem>>)
        %add3A_208 = arith.constant 3 : i32
        %add3A_209 = arith.addi %mul3A_92, %add3A_208 : i32
        %slice3A_210 = vector.extract_strided_slice %get3A_96 {offsets = [3], sizes = [1], strides = [1]} : vector<16xi32> to vector<1xi32>
        %squeeze3A_211 = vector.extract %slice3A_210[0] : i32 from vector<1xi32>
        %slice3A_212 = vector.extract_strided_slice %get3A_94 {offsets = [3], sizes = [1], strides = [1]} : vector<16xi32> to vector<1xi32>
        %squeeze3A_213 = vector.extract %slice3A_212[0] : i32 from vector<1xi32>
        %dma_start3A_214 = arith.constant 0 : i32
        %dma_start3A_215 = tpu.memref_slice %arg12[%add3A_209, %dma_start3A_214] : memref<128x100xf32, #tpu.memory_space<vmem>> -> memref<1x100xf32, #tpu.memory_space<vmem>>
        %dma_start3A_216 = arith.constant 0 : i32
        %dma_start3A_217 = tpu.memref_slice %arg4[%squeeze3A_211, %dma_start3A_216] : memref<1000000x100xf32, #tpu.memory_space<hbm>> -> memref<1x100xf32, #tpu.memory_space<hbm>>
        %dma_start3A_218 = arith.constant 0 : i32
        %dma_start3A_219 = tpu.memref_slice %arg12[%add3A_209, %dma_start3A_218] : memref<128x100xf32, #tpu.memory_space<vmem>> -> memref<1x100xf32, #tpu.memory_space<vmem>>
        %dma_start3A_220 = arith.constant 0 : i32
        %dma_start3A_221 = tpu.memref_slice %arg4[%squeeze3A_211, %dma_start3A_220] : memref<1000000x100xf32, #tpu.memory_space<hbm>> -> memref<1x100xf32, #tpu.memory_space<hbm>>
        tpu.enqueue_dma source(%dma_start3A_221 : memref<1x100xf32, #tpu.memory_space<hbm>>) target(%dma_start3A_219 : memref<1x100xf32, #tpu.memory_space<vmem>>) target_semaphore(%arg18 : memref<!tpu.dma_semaphore, #tpu.memory_space<semaphore_mem>>)
        %dma_start3A_222 = arith.constant 0 : i32
        %dma_start3A_223 = tpu.memref_slice %arg13[%add3A_209, %dma_start3A_222] : memref<128x100xf32, #tpu.memory_space<vmem>> -> memref<1x100xf32, #tpu.memory_space<vmem>>
        %dma_start3A_224 = arith.constant 0 : i32
        %dma_start3A_225 = tpu.memref_slice %arg5[%squeeze3A_213, %dma_start3A_224] : memref<100000x100xf32, #tpu.memory_space<hbm>> -> memref<1x100xf32, #tpu.memory_space<hbm>>
        %dma_start3A_226 = arith.constant 0 : i32
        %dma_start3A_227 = tpu.memref_slice %arg13[%add3A_209, %dma_start3A_226] : memref<128x100xf32, #tpu.memory_space<vmem>> -> memref<1x100xf32, #tpu.memory_space<vmem>>
        %dma_start3A_228 = arith.constant 0 : i32
        %dma_start3A_229 = tpu.memref_slice %arg5[%squeeze3A_213, %dma_start3A_228] : memref<100000x100xf32, #tpu.memory_space<hbm>> -> memref<1x100xf32, #tpu.memory_space<hbm>>
        tpu.enqueue_dma source(%dma_start3A_229 : memref<1x100xf32, #tpu.memory_space<hbm>>) target(%dma_start3A_227 : memref<1x100xf32, #tpu.memory_space<vmem>>) target_semaphore(%arg19 : memref<!tpu.dma_semaphore, #tpu.memory_space<semaphore_mem>>)
        %dma_start3A_230 = arith.constant 0 : i32
        %dma_start3A_231 = tpu.memref_slice %arg14[%add3A_209, %dma_start3A_230] : memref<128x100xf32, #tpu.memory_space<vmem>> -> memref<1x100xf32, #tpu.memory_space<vmem>>
        %dma_start3A_232 = arith.constant 0 : i32
        %dma_start3A_233 = tpu.memref_slice %arg6[%squeeze3A_213, %dma_start3A_232] : memref<100000x100xf32, #tpu.memory_space<hbm>> -> memref<1x100xf32, #tpu.memory_space<hbm>>
        %dma_start3A_234 = arith.constant 0 : i32
        %dma_start3A_235 = tpu.memref_slice %arg14[%add3A_209, %dma_start3A_234] : memref<128x100xf32, #tpu.memory_space<vmem>> -> memref<1x100xf32, #tpu.memory_space<vmem>>
        %dma_start3A_236 = arith.constant 0 : i32
        %dma_start3A_237 = tpu.memref_slice %arg6[%squeeze3A_213, %dma_start3A_236] : memref<100000x100xf32, #tpu.memory_space<hbm>> -> memref<1x100xf32, #tpu.memory_space<hbm>>
        tpu.enqueue_dma source(%dma_start3A_237 : memref<1x100xf32, #tpu.memory_space<hbm>>) target(%dma_start3A_235 : memref<1x100xf32, #tpu.memory_space<vmem>>) target_semaphore(%arg20 : memref<!tpu.dma_semaphore, #tpu.memory_space<semaphore_mem>>)
        %dma_start3A_238 = arith.constant 0 : i32
        %dma_start3A_239 = tpu.memref_slice %arg15[%add3A_209, %dma_start3A_238] : memref<128x100xf32, #tpu.memory_space<vmem>> -> memref<1x100xf32, #tpu.memory_space<vmem>>
        %dma_start3A_240 = arith.constant 0 : i32
        %dma_start3A_241 = tpu.memref_slice %arg7[%squeeze3A_213, %dma_start3A_240] : memref<100000x100xf32, #tpu.memory_space<hbm>> -> memref<1x100xf32, #tpu.memory_space<hbm>>
        %dma_start3A_242 = arith.constant 0 : i32
        %dma_start3A_243 = tpu.memref_slice %arg15[%add3A_209, %dma_start3A_242] : memref<128x100xf32, #tpu.memory_space<vmem>> -> memref<1x100xf32, #tpu.memory_space<vmem>>
        %dma_start3A_244 = arith.constant 0 : i32
        %dma_start3A_245 = tpu.memref_slice %arg7[%squeeze3A_213, %dma_start3A_244] : memref<100000x100xf32, #tpu.memory_space<hbm>> -> memref<1x100xf32, #tpu.memory_space<hbm>>
        tpu.enqueue_dma source(%dma_start3A_245 : memref<1x100xf32, #tpu.memory_space<hbm>>) target(%dma_start3A_243 : memref<1x100xf32, #tpu.memory_space<vmem>>) target_semaphore(%arg21 : memref<!tpu.dma_semaphore, #tpu.memory_space<semaphore_mem>>)
        %add3A_246 = arith.constant 4 : i32
        %add3A_247 = arith.addi %mul3A_92, %add3A_246 : i32
        %slice3A_248 = vector.extract_strided_slice %get3A_96 {offsets = [4], sizes = [1], strides = [1]} : vector<16xi32> to vector<1xi32>
        %squeeze3A_249 = vector.extract %slice3A_248[0] : i32 from vector<1xi32>
        %slice3A_250 = vector.extract_strided_slice %get3A_94 {offsets = [4], sizes = [1], strides = [1]} : vector<16xi32> to vector<1xi32>
        %squeeze3A_251 = vector.extract %slice3A_250[0] : i32 from vector<1xi32>
        %dma_start3A_252 = arith.constant 0 : i32
        %dma_start3A_253 = tpu.memref_slice %arg12[%add3A_247, %dma_start3A_252] : memref<128x100xf32, #tpu.memory_space<vmem>> -> memref<1x100xf32, #tpu.memory_space<vmem>>
        %dma_start3A_254 = arith.constant 0 : i32
        %dma_start3A_255 = tpu.memref_slice %arg4[%squeeze3A_249, %dma_start3A_254] : memref<1000000x100xf32, #tpu.memory_space<hbm>> -> memref<1x100xf32, #tpu.memory_space<hbm>>
        %dma_start3A_256 = arith.constant 0 : i32
        %dma_start3A_257 = tpu.memref_slice %arg12[%add3A_247, %dma_start3A_256] : memref<128x100xf32, #tpu.memory_space<vmem>> -> memref<1x100xf32, #tpu.memory_space<vmem>>
        %dma_start3A_258 = arith.constant 0 : i32
        %dma_start3A_259 = tpu.memref_slice %arg4[%squeeze3A_249, %dma_start3A_258] : memref<1000000x100xf32, #tpu.memory_space<hbm>> -> memref<1x100xf32, #tpu.memory_space<hbm>>
        tpu.enqueue_dma source(%dma_start3A_259 : memref<1x100xf32, #tpu.memory_space<hbm>>) target(%dma_start3A_257 : memref<1x100xf32, #tpu.memory_space<vmem>>) target_semaphore(%arg18 : memref<!tpu.dma_semaphore, #tpu.memory_space<semaphore_mem>>)
        %dma_start3A_260 = arith.constant 0 : i32
        %dma_start3A_261 = tpu.memref_slice %arg13[%add3A_247, %dma_start3A_260] : memref<128x100xf32, #tpu.memory_space<vmem>> -> memref<1x100xf32, #tpu.memory_space<vmem>>
        %dma_start3A_262 = arith.constant 0 : i32
        %dma_start3A_263 = tpu.memref_slice %arg5[%squeeze3A_251, %dma_start3A_262] : memref<100000x100xf32, #tpu.memory_space<hbm>> -> memref<1x100xf32, #tpu.memory_space<hbm>>
        %dma_start3A_264 = arith.constant 0 : i32
        %dma_start3A_265 = tpu.memref_slice %arg13[%add3A_247, %dma_start3A_264] : memref<128x100xf32, #tpu.memory_space<vmem>> -> memref<1x100xf32, #tpu.memory_space<vmem>>
        %dma_start3A_266 = arith.constant 0 : i32
        %dma_start3A_267 = tpu.memref_slice %arg5[%squeeze3A_251, %dma_start3A_266] : memref<100000x100xf32, #tpu.memory_space<hbm>> -> memref<1x100xf32, #tpu.memory_space<hbm>>
        tpu.enqueue_dma source(%dma_start3A_267 : memref<1x100xf32, #tpu.memory_space<hbm>>) target(%dma_start3A_265 : memref<1x100xf32, #tpu.memory_space<vmem>>) target_semaphore(%arg19 : memref<!tpu.dma_semaphore, #tpu.memory_space<semaphore_mem>>)
        %dma_start3A_268 = arith.constant 0 : i32
        %dma_start3A_269 = tpu.memref_slice %arg14[%add3A_247, %dma_start3A_268] : memref<128x100xf32, #tpu.memory_space<vmem>> -> memref<1x100xf32, #tpu.memory_space<vmem>>
        %dma_start3A_270 = arith.constant 0 : i32
        %dma_start3A_271 = tpu.memref_slice %arg6[%squeeze3A_251, %dma_start3A_270] : memref<100000x100xf32, #tpu.memory_space<hbm>> -> memref<1x100xf32, #tpu.memory_space<hbm>>
        %dma_start3A_272 = arith.constant 0 : i32
        %dma_start3A_273 = tpu.memref_slice %arg14[%add3A_247, %dma_start3A_272] : memref<128x100xf32, #tpu.memory_space<vmem>> -> memref<1x100xf32, #tpu.memory_space<vmem>>
        %dma_start3A_274 = arith.constant 0 : i32
        %dma_start3A_275 = tpu.memref_slice %arg6[%squeeze3A_251, %dma_start3A_274] : memref<100000x100xf32, #tpu.memory_space<hbm>> -> memref<1x100xf32, #tpu.memory_space<hbm>>
        tpu.enqueue_dma source(%dma_start3A_275 : memref<1x100xf32, #tpu.memory_space<hbm>>) target(%dma_start3A_273 : memref<1x100xf32, #tpu.memory_space<vmem>>) target_semaphore(%arg20 : memref<!tpu.dma_semaphore, #tpu.memory_space<semaphore_mem>>)
        %dma_start3A_276 = arith.constant 0 : i32
        %dma_start3A_277 = tpu.memref_slice %arg15[%add3A_247, %dma_start3A_276] : memref<128x100xf32, #tpu.memory_space<vmem>> -> memref<1x100xf32, #tpu.memory_space<vmem>>
        %dma_start3A_278 = arith.constant 0 : i32
        %dma_start3A_279 = tpu.memref_slice %arg7[%squeeze3A_251, %dma_start3A_278] : memref<100000x100xf32, #tpu.memory_space<hbm>> -> memref<1x100xf32, #tpu.memory_space<hbm>>
        %dma_start3A_280 = arith.constant 0 : i32
        %dma_start3A_281 = tpu.memref_slice %arg15[%add3A_247, %dma_start3A_280] : memref<128x100xf32, #tpu.memory_space<vmem>> -> memref<1x100xf32, #tpu.memory_space<vmem>>
        %dma_start3A_282 = arith.constant 0 : i32
        %dma_start3A_283 = tpu.memref_slice %arg7[%squeeze3A_251, %dma_start3A_282] : memref<100000x100xf32, #tpu.memory_space<hbm>> -> memref<1x100xf32, #tpu.memory_space<hbm>>
        tpu.enqueue_dma source(%dma_start3A_283 : memref<1x100xf32, #tpu.memory_space<hbm>>) target(%dma_start3A_281 : memref<1x100xf32, #tpu.memory_space<vmem>>) target_semaphore(%arg21 : memref<!tpu.dma_semaphore, #tpu.memory_space<semaphore_mem>>)
        %add3A_284 = arith.constant 5 : i32
        %add3A_285 = arith.addi %mul3A_92, %add3A_284 : i32
        %slice3A_286 = vector.extract_strided_slice %get3A_96 {offsets = [5], sizes = [1], strides = [1]} : vector<16xi32> to vector<1xi32>
        %squeeze3A_287 = vector.extract %slice3A_286[0] : i32 from vector<1xi32>
        %slice3A_288 = vector.extract_strided_slice %get3A_94 {offsets = [5], sizes = [1], strides = [1]} : vector<16xi32> to vector<1xi32>
        %squeeze3A_289 = vector.extract %slice3A_288[0] : i32 from vector<1xi32>
        %dma_start3A_290 = arith.constant 0 : i32
        %dma_start3A_291 = tpu.memref_slice %arg12[%add3A_285, %dma_start3A_290] : memref<128x100xf32, #tpu.memory_space<vmem>> -> memref<1x100xf32, #tpu.memory_space<vmem>>
        %dma_start3A_292 = arith.constant 0 : i32
        %dma_start3A_293 = tpu.memref_slice %arg4[%squeeze3A_287, %dma_start3A_292] : memref<1000000x100xf32, #tpu.memory_space<hbm>> -> memref<1x100xf32, #tpu.memory_space<hbm>>
        %dma_start3A_294 = arith.constant 0 : i32
        %dma_start3A_295 = tpu.memref_slice %arg12[%add3A_285, %dma_start3A_294] : memref<128x100xf32, #tpu.memory_space<vmem>> -> memref<1x100xf32, #tpu.memory_space<vmem>>
        %dma_start3A_296 = arith.constant 0 : i32
        %dma_start3A_297 = tpu.memref_slice %arg4[%squeeze3A_287, %dma_start3A_296] : memref<1000000x100xf32, #tpu.memory_space<hbm>> -> memref<1x100xf32, #tpu.memory_space<hbm>>
        tpu.enqueue_dma source(%dma_start3A_297 : memref<1x100xf32, #tpu.memory_space<hbm>>) target(%dma_start3A_295 : memref<1x100xf32, #tpu.memory_space<vmem>>) target_semaphore(%arg18 : memref<!tpu.dma_semaphore, #tpu.memory_space<semaphore_mem>>)
        %dma_start3A_298 = arith.constant 0 : i32
        %dma_start3A_299 = tpu.memref_slice %arg13[%add3A_285, %dma_start3A_298] : memref<128x100xf32, #tpu.memory_space<vmem>> -> memref<1x100xf32, #tpu.memory_space<vmem>>
        %dma_start3A_300 = arith.constant 0 : i32
        %dma_start3A_301 = tpu.memref_slice %arg5[%squeeze3A_289, %dma_start3A_300] : memref<100000x100xf32, #tpu.memory_space<hbm>> -> memref<1x100xf32, #tpu.memory_space<hbm>>
        %dma_start3A_302 = arith.constant 0 : i32
        %dma_start3A_303 = tpu.memref_slice %arg13[%add3A_285, %dma_start3A_302] : memref<128x100xf32, #tpu.memory_space<vmem>> -> memref<1x100xf32, #tpu.memory_space<vmem>>
        %dma_start3A_304 = arith.constant 0 : i32
        %dma_start3A_305 = tpu.memref_slice %arg5[%squeeze3A_289, %dma_start3A_304] : memref<100000x100xf32, #tpu.memory_space<hbm>> -> memref<1x100xf32, #tpu.memory_space<hbm>>
        tpu.enqueue_dma source(%dma_start3A_305 : memref<1x100xf32, #tpu.memory_space<hbm>>) target(%dma_start3A_303 : memref<1x100xf32, #tpu.memory_space<vmem>>) target_semaphore(%arg19 : memref<!tpu.dma_semaphore, #tpu.memory_space<semaphore_mem>>)
        %dma_start3A_306 = arith.constant 0 : i32
        %dma_start3A_307 = tpu.memref_slice %arg14[%add3A_285, %dma_start3A_306] : memref<128x100xf32, #tpu.memory_space<vmem>> -> memref<1x100xf32, #tpu.memory_space<vmem>>
        %dma_start3A_308 = arith.constant 0 : i32
        %dma_start3A_309 = tpu.memref_slice %arg6[%squeeze3A_289, %dma_start3A_308] : memref<100000x100xf32, #tpu.memory_space<hbm>> -> memref<1x100xf32, #tpu.memory_space<hbm>>
        %dma_start3A_310 = arith.constant 0 : i32
        %dma_start3A_311 = tpu.memref_slice %arg14[%add3A_285, %dma_start3A_310] : memref<128x100xf32, #tpu.memory_space<vmem>> -> memref<1x100xf32, #tpu.memory_space<vmem>>
        %dma_start3A_312 = arith.constant 0 : i32
        %dma_start3A_313 = tpu.memref_slice %arg6[%squeeze3A_289, %dma_start3A_312] : memref<100000x100xf32, #tpu.memory_space<hbm>> -> memref<1x100xf32, #tpu.memory_space<hbm>>
        tpu.enqueue_dma source(%dma_start3A_313 : memref<1x100xf32, #tpu.memory_space<hbm>>) target(%dma_start3A_311 : memref<1x100xf32, #tpu.memory_space<vmem>>) target_semaphore(%arg20 : memref<!tpu.dma_semaphore, #tpu.memory_space<semaphore_mem>>)
        %dma_start3A_314 = arith.constant 0 : i32
        %dma_start3A_315 = tpu.memref_slice %arg15[%add3A_285, %dma_start3A_314] : memref<128x100xf32, #tpu.memory_space<vmem>> -> memref<1x100xf32, #tpu.memory_space<vmem>>
        %dma_start3A_316 = arith.constant 0 : i32
        %dma_start3A_317 = tpu.memref_slice %arg7[%squeeze3A_289, %dma_start3A_316] : memref<100000x100xf32, #tpu.memory_space<hbm>> -> memref<1x100xf32, #tpu.memory_space<hbm>>
        %dma_start3A_318 = arith.constant 0 : i32
        %dma_start3A_319 = tpu.memref_slice %arg15[%add3A_285, %dma_start3A_318] : memref<128x100xf32, #tpu.memory_space<vmem>> -> memref<1x100xf32, #tpu.memory_space<vmem>>
        %dma_start3A_320 = arith.constant 0 : i32
        %dma_start3A_321 = tpu.memref_slice %arg7[%squeeze3A_289, %dma_start3A_320] : memref<100000x100xf32, #tpu.memory_space<hbm>> -> memref<1x100xf32, #tpu.memory_space<hbm>>
        tpu.enqueue_dma source(%dma_start3A_321 : memref<1x100xf32, #tpu.memory_space<hbm>>) target(%dma_start3A_319 : memref<1x100xf32, #tpu.memory_space<vmem>>) target_semaphore(%arg21 : memref<!tpu.dma_semaphore, #tpu.memory_space<semaphore_mem>>)
        %add3A_322 = arith.constant 6 : i32
        %add3A_323 = arith.addi %mul3A_92, %add3A_322 : i32
        %slice3A_324 = vector.extract_strided_slice %get3A_96 {offsets = [6], sizes = [1], strides = [1]} : vector<16xi32> to vector<1xi32>
        %squeeze3A_325 = vector.extract %slice3A_324[0] : i32 from vector<1xi32>
        %slice3A_326 = vector.extract_strided_slice %get3A_94 {offsets = [6], sizes = [1], strides = [1]} : vector<16xi32> to vector<1xi32>
        %squeeze3A_327 = vector.extract %slice3A_326[0] : i32 from vector<1xi32>
        %dma_start3A_328 = arith.constant 0 : i32
        %dma_start3A_329 = tpu.memref_slice %arg12[%add3A_323, %dma_start3A_328] : memref<128x100xf32, #tpu.memory_space<vmem>> -> memref<1x100xf32, #tpu.memory_space<vmem>>
        %dma_start3A_330 = arith.constant 0 : i32
        %dma_start3A_331 = tpu.memref_slice %arg4[%squeeze3A_325, %dma_start3A_330] : memref<1000000x100xf32, #tpu.memory_space<hbm>> -> memref<1x100xf32, #tpu.memory_space<hbm>>
        %dma_start3A_332 = arith.constant 0 : i32
        %dma_start3A_333 = tpu.memref_slice %arg12[%add3A_323, %dma_start3A_332] : memref<128x100xf32, #tpu.memory_space<vmem>> -> memref<1x100xf32, #tpu.memory_space<vmem>>
        %dma_start3A_334 = arith.constant 0 : i32
        %dma_start3A_335 = tpu.memref_slice %arg4[%squeeze3A_325, %dma_start3A_334] : memref<1000000x100xf32, #tpu.memory_space<hbm>> -> memref<1x100xf32, #tpu.memory_space<hbm>>
        tpu.enqueue_dma source(%dma_start3A_335 : memref<1x100xf32, #tpu.memory_space<hbm>>) target(%dma_start3A_333 : memref<1x100xf32, #tpu.memory_space<vmem>>) target_semaphore(%arg18 : memref<!tpu.dma_semaphore, #tpu.memory_space<semaphore_mem>>)
        %dma_start3A_336 = arith.constant 0 : i32
        %dma_start3A_337 = tpu.memref_slice %arg13[%add3A_323, %dma_start3A_336] : memref<128x100xf32, #tpu.memory_space<vmem>> -> memref<1x100xf32, #tpu.memory_space<vmem>>
        %dma_start3A_338 = arith.constant 0 : i32
        %dma_start3A_339 = tpu.memref_slice %arg5[%squeeze3A_327, %dma_start3A_338] : memref<100000x100xf32, #tpu.memory_space<hbm>> -> memref<1x100xf32, #tpu.memory_space<hbm>>
        %dma_start3A_340 = arith.constant 0 : i32
        %dma_start3A_341 = tpu.memref_slice %arg13[%add3A_323, %dma_start3A_340] : memref<128x100xf32, #tpu.memory_space<vmem>> -> memref<1x100xf32, #tpu.memory_space<vmem>>
        %dma_start3A_342 = arith.constant 0 : i32
        %dma_start3A_343 = tpu.memref_slice %arg5[%squeeze3A_327, %dma_start3A_342] : memref<100000x100xf32, #tpu.memory_space<hbm>> -> memref<1x100xf32, #tpu.memory_space<hbm>>
        tpu.enqueue_dma source(%dma_start3A_343 : memref<1x100xf32, #tpu.memory_space<hbm>>) target(%dma_start3A_341 : memref<1x100xf32, #tpu.memory_space<vmem>>) target_semaphore(%arg19 : memref<!tpu.dma_semaphore, #tpu.memory_space<semaphore_mem>>)
        %dma_start3A_344 = arith.constant 0 : i32
        %dma_start3A_345 = tpu.memref_slice %arg14[%add3A_323, %dma_start3A_344] : memref<128x100xf32, #tpu.memory_space<vmem>> -> memref<1x100xf32, #tpu.memory_space<vmem>>
        %dma_start3A_346 = arith.constant 0 : i32
        %dma_start3A_347 = tpu.memref_slice %arg6[%squeeze3A_327, %dma_start3A_346] : memref<100000x100xf32, #tpu.memory_space<hbm>> -> memref<1x100xf32, #tpu.memory_space<hbm>>
        %dma_start3A_348 = arith.constant 0 : i32
        %dma_start3A_349 = tpu.memref_slice %arg14[%add3A_323, %dma_start3A_348] : memref<128x100xf32, #tpu.memory_space<vmem>> -> memref<1x100xf32, #tpu.memory_space<vmem>>
        %dma_start3A_350 = arith.constant 0 : i32
        %dma_start3A_351 = tpu.memref_slice %arg6[%squeeze3A_327, %dma_start3A_350] : memref<100000x100xf32, #tpu.memory_space<hbm>> -> memref<1x100xf32, #tpu.memory_space<hbm>>
        tpu.enqueue_dma source(%dma_start3A_351 : memref<1x100xf32, #tpu.memory_space<hbm>>) target(%dma_start3A_349 : memref<1x100xf32, #tpu.memory_space<vmem>>) target_semaphore(%arg20 : memref<!tpu.dma_semaphore, #tpu.memory_space<semaphore_mem>>)
        %dma_start3A_352 = arith.constant 0 : i32
        %dma_start3A_353 = tpu.memref_slice %arg15[%add3A_323, %dma_start3A_352] : memref<128x100xf32, #tpu.memory_space<vmem>> -> memref<1x100xf32, #tpu.memory_space<vmem>>
        %dma_start3A_354 = arith.constant 0 : i32
        %dma_start3A_355 = tpu.memref_slice %arg7[%squeeze3A_327, %dma_start3A_354] : memref<100000x100xf32, #tpu.memory_space<hbm>> -> memref<1x100xf32, #tpu.memory_space<hbm>>
        %dma_start3A_356 = arith.constant 0 : i32
        %dma_start3A_357 = tpu.memref_slice %arg15[%add3A_323, %dma_start3A_356] : memref<128x100xf32, #tpu.memory_space<vmem>> -> memref<1x100xf32, #tpu.memory_space<vmem>>
        %dma_start3A_358 = arith.constant 0 : i32
        %dma_start3A_359 = tpu.memref_slice %arg7[%squeeze3A_327, %dma_start3A_358] : memref<100000x100xf32, #tpu.memory_space<hbm>> -> memref<1x100xf32, #tpu.memory_space<hbm>>
        tpu.enqueue_dma source(%dma_start3A_359 : memref<1x100xf32, #tpu.memory_space<hbm>>) target(%dma_start3A_357 : memref<1x100xf32, #tpu.memory_space<vmem>>) target_semaphore(%arg21 : memref<!tpu.dma_semaphore, #tpu.memory_space<semaphore_mem>>)
        %add3A_360 = arith.constant 7 : i32
        %add3A_361 = arith.addi %mul3A_92, %add3A_360 : i32
        %slice3A_362 = vector.extract_strided_slice %get3A_96 {offsets = [7], sizes = [1], strides = [1]} : vector<16xi32> to vector<1xi32>
        %squeeze3A_363 = vector.extract %slice3A_362[0] : i32 from vector<1xi32>
        %slice3A_364 = vector.extract_strided_slice %get3A_94 {offsets = [7], sizes = [1], strides = [1]} : vector<16xi32> to vector<1xi32>
        %squeeze3A_365 = vector.extract %slice3A_364[0] : i32 from vector<1xi32>
        %dma_start3A_366 = arith.constant 0 : i32
        %dma_start3A_367 = tpu.memref_slice %arg12[%add3A_361, %dma_start3A_366] : memref<128x100xf32, #tpu.memory_space<vmem>> -> memref<1x100xf32, #tpu.memory_space<vmem>>
        %dma_start3A_368 = arith.constant 0 : i32
        %dma_start3A_369 = tpu.memref_slice %arg4[%squeeze3A_363, %dma_start3A_368] : memref<1000000x100xf32, #tpu.memory_space<hbm>> -> memref<1x100xf32, #tpu.memory_space<hbm>>
        %dma_start3A_370 = arith.constant 0 : i32
        %dma_start3A_371 = tpu.memref_slice %arg12[%add3A_361, %dma_start3A_370] : memref<128x100xf32, #tpu.memory_space<vmem>> -> memref<1x100xf32, #tpu.memory_space<vmem>>
        %dma_start3A_372 = arith.constant 0 : i32
        %dma_start3A_373 = tpu.memref_slice %arg4[%squeeze3A_363, %dma_start3A_372] : memref<1000000x100xf32, #tpu.memory_space<hbm>> -> memref<1x100xf32, #tpu.memory_space<hbm>>
        tpu.enqueue_dma source(%dma_start3A_373 : memref<1x100xf32, #tpu.memory_space<hbm>>) target(%dma_start3A_371 : memref<1x100xf32, #tpu.memory_space<vmem>>) target_semaphore(%arg18 : memref<!tpu.dma_semaphore, #tpu.memory_space<semaphore_mem>>)
        %dma_start3A_374 = arith.constant 0 : i32
        %dma_start3A_375 = tpu.memref_slice %arg13[%add3A_361, %dma_start3A_374] : memref<128x100xf32, #tpu.memory_space<vmem>> -> memref<1x100xf32, #tpu.memory_space<vmem>>
        %dma_start3A_376 = arith.constant 0 : i32
        %dma_start3A_377 = tpu.memref_slice %arg5[%squeeze3A_365, %dma_start3A_376] : memref<100000x100xf32, #tpu.memory_space<hbm>> -> memref<1x100xf32, #tpu.memory_space<hbm>>
        %dma_start3A_378 = arith.constant 0 : i32
        %dma_start3A_379 = tpu.memref_slice %arg13[%add3A_361, %dma_start3A_378] : memref<128x100xf32, #tpu.memory_space<vmem>> -> memref<1x100xf32, #tpu.memory_space<vmem>>
        %dma_start3A_380 = arith.constant 0 : i32
        %dma_start3A_381 = tpu.memref_slice %arg5[%squeeze3A_365, %dma_start3A_380] : memref<100000x100xf32, #tpu.memory_space<hbm>> -> memref<1x100xf32, #tpu.memory_space<hbm>>
        tpu.enqueue_dma source(%dma_start3A_381 : memref<1x100xf32, #tpu.memory_space<hbm>>) target(%dma_start3A_379 : memref<1x100xf32, #tpu.memory_space<vmem>>) target_semaphore(%arg19 : memref<!tpu.dma_semaphore, #tpu.memory_space<semaphore_mem>>)
        %dma_start3A_382 = arith.constant 0 : i32
        %dma_start3A_383 = tpu.memref_slice %arg14[%add3A_361, %dma_start3A_382] : memref<128x100xf32, #tpu.memory_space<vmem>> -> memref<1x100xf32, #tpu.memory_space<vmem>>
        %dma_start3A_384 = arith.constant 0 : i32
        %dma_start3A_385 = tpu.memref_slice %arg6[%squeeze3A_365, %dma_start3A_384] : memref<100000x100xf32, #tpu.memory_space<hbm>> -> memref<1x100xf32, #tpu.memory_space<hbm>>
        %dma_start3A_386 = arith.constant 0 : i32
        %dma_start3A_387 = tpu.memref_slice %arg14[%add3A_361, %dma_start3A_386] : memref<128x100xf32, #tpu.memory_space<vmem>> -> memref<1x100xf32, #tpu.memory_space<vmem>>
        %dma_start3A_388 = arith.constant 0 : i32
        %dma_start3A_389 = tpu.memref_slice %arg6[%squeeze3A_365, %dma_start3A_388] : memref<100000x100xf32, #tpu.memory_space<hbm>> -> memref<1x100xf32, #tpu.memory_space<hbm>>
        tpu.enqueue_dma source(%dma_start3A_389 : memref<1x100xf32, #tpu.memory_space<hbm>>) target(%dma_start3A_387 : memref<1x100xf32, #tpu.memory_space<vmem>>) target_semaphore(%arg20 : memref<!tpu.dma_semaphore, #tpu.memory_space<semaphore_mem>>)
        %dma_start3A_390 = arith.constant 0 : i32
        %dma_start3A_391 = tpu.memref_slice %arg15[%add3A_361, %dma_start3A_390] : memref<128x100xf32, #tpu.memory_space<vmem>> -> memref<1x100xf32, #tpu.memory_space<vmem>>
        %dma_start3A_392 = arith.constant 0 : i32
        %dma_start3A_393 = tpu.memref_slice %arg7[%squeeze3A_365, %dma_start3A_392] : memref<100000x100xf32, #tpu.memory_space<hbm>> -> memref<1x100xf32, #tpu.memory_space<hbm>>
        %dma_start3A_394 = arith.constant 0 : i32
        %dma_start3A_395 = tpu.memref_slice %arg15[%add3A_361, %dma_start3A_394] : memref<128x100xf32, #tpu.memory_space<vmem>> -> memref<1x100xf32, #tpu.memory_space<vmem>>
        %dma_start3A_396 = arith.constant 0 : i32
        %dma_start3A_397 = tpu.memref_slice %arg7[%squeeze3A_365, %dma_start3A_396] : memref<100000x100xf32, #tpu.memory_space<hbm>> -> memref<1x100xf32, #tpu.memory_space<hbm>>
        tpu.enqueue_dma source(%dma_start3A_397 : memref<1x100xf32, #tpu.memory_space<hbm>>) target(%dma_start3A_395 : memref<1x100xf32, #tpu.memory_space<vmem>>) target_semaphore(%arg21 : memref<!tpu.dma_semaphore, #tpu.memory_space<semaphore_mem>>)
        %add3A_398 = arith.constant 8 : i32
        %add3A_399 = arith.addi %mul3A_92, %add3A_398 : i32
        %slice3A_400 = vector.extract_strided_slice %get3A_96 {offsets = [8], sizes = [1], strides = [1]} : vector<16xi32> to vector<1xi32>
        %squeeze3A_401 = vector.extract %slice3A_400[0] : i32 from vector<1xi32>
        %slice3A_402 = vector.extract_strided_slice %get3A_94 {offsets = [8], sizes = [1], strides = [1]} : vector<16xi32> to vector<1xi32>
        %squeeze3A_403 = vector.extract %slice3A_402[0] : i32 from vector<1xi32>
        %dma_start3A_404 = arith.constant 0 : i32
        %dma_start3A_405 = tpu.memref_slice %arg12[%add3A_399, %dma_start3A_404] : memref<128x100xf32, #tpu.memory_space<vmem>> -> memref<1x100xf32, #tpu.memory_space<vmem>>
        %dma_start3A_406 = arith.constant 0 : i32
        %dma_start3A_407 = tpu.memref_slice %arg4[%squeeze3A_401, %dma_start3A_406] : memref<1000000x100xf32, #tpu.memory_space<hbm>> -> memref<1x100xf32, #tpu.memory_space<hbm>>
        %dma_start3A_408 = arith.constant 0 : i32
        %dma_start3A_409 = tpu.memref_slice %arg12[%add3A_399, %dma_start3A_408] : memref<128x100xf32, #tpu.memory_space<vmem>> -> memref<1x100xf32, #tpu.memory_space<vmem>>
        %dma_start3A_410 = arith.constant 0 : i32
        %dma_start3A_411 = tpu.memref_slice %arg4[%squeeze3A_401, %dma_start3A_410] : memref<1000000x100xf32, #tpu.memory_space<hbm>> -> memref<1x100xf32, #tpu.memory_space<hbm>>
        tpu.enqueue_dma source(%dma_start3A_411 : memref<1x100xf32, #tpu.memory_space<hbm>>) target(%dma_start3A_409 : memref<1x100xf32, #tpu.memory_space<vmem>>) target_semaphore(%arg18 : memref<!tpu.dma_semaphore, #tpu.memory_space<semaphore_mem>>)
        %dma_start3A_412 = arith.constant 0 : i32
        %dma_start3A_413 = tpu.memref_slice %arg13[%add3A_399, %dma_start3A_412] : memref<128x100xf32, #tpu.memory_space<vmem>> -> memref<1x100xf32, #tpu.memory_space<vmem>>
        %dma_start3A_414 = arith.constant 0 : i32
        %dma_start3A_415 = tpu.memref_slice %arg5[%squeeze3A_403, %dma_start3A_414] : memref<100000x100xf32, #tpu.memory_space<hbm>> -> memref<1x100xf32, #tpu.memory_space<hbm>>
        %dma_start3A_416 = arith.constant 0 : i32
        %dma_start3A_417 = tpu.memref_slice %arg13[%add3A_399, %dma_start3A_416] : memref<128x100xf32, #tpu.memory_space<vmem>> -> memref<1x100xf32, #tpu.memory_space<vmem>>
        %dma_start3A_418 = arith.constant 0 : i32
        %dma_start3A_419 = tpu.memref_slice %arg5[%squeeze3A_403, %dma_start3A_418] : memref<100000x100xf32, #tpu.memory_space<hbm>> -> memref<1x100xf32, #tpu.memory_space<hbm>>
        tpu.enqueue_dma source(%dma_start3A_419 : memref<1x100xf32, #tpu.memory_space<hbm>>) target(%dma_start3A_417 : memref<1x100xf32, #tpu.memory_space<vmem>>) target_semaphore(%arg19 : memref<!tpu.dma_semaphore, #tpu.memory_space<semaphore_mem>>)
        %dma_start3A_420 = arith.constant 0 : i32
        %dma_start3A_421 = tpu.memref_slice %arg14[%add3A_399, %dma_start3A_420] : memref<128x100xf32, #tpu.memory_space<vmem>> -> memref<1x100xf32, #tpu.memory_space<vmem>>
        %dma_start3A_422 = arith.constant 0 : i32
        %dma_start3A_423 = tpu.memref_slice %arg6[%squeeze3A_403, %dma_start3A_422] : memref<100000x100xf32, #tpu.memory_space<hbm>> -> memref<1x100xf32, #tpu.memory_space<hbm>>
        %dma_start3A_424 = arith.constant 0 : i32
        %dma_start3A_425 = tpu.memref_slice %arg14[%add3A_399, %dma_start3A_424] : memref<128x100xf32, #tpu.memory_space<vmem>> -> memref<1x100xf32, #tpu.memory_space<vmem>>
        %dma_start3A_426 = arith.constant 0 : i32
        %dma_start3A_427 = tpu.memref_slice %arg6[%squeeze3A_403, %dma_start3A_426] : memref<100000x100xf32, #tpu.memory_space<hbm>> -> memref<1x100xf32, #tpu.memory_space<hbm>>
        tpu.enqueue_dma source(%dma_start3A_427 : memref<1x100xf32, #tpu.memory_space<hbm>>) target(%dma_start3A_425 : memref<1x100xf32, #tpu.memory_space<vmem>>) target_semaphore(%arg20 : memref<!tpu.dma_semaphore, #tpu.memory_space<semaphore_mem>>)
        %dma_start3A_428 = arith.constant 0 : i32
        %dma_start3A_429 = tpu.memref_slice %arg15[%add3A_399, %dma_start3A_428] : memref<128x100xf32, #tpu.memory_space<vmem>> -> memref<1x100xf32, #tpu.memory_space<vmem>>
        %dma_start3A_430 = arith.constant 0 : i32
        %dma_start3A_431 = tpu.memref_slice %arg7[%squeeze3A_403, %dma_start3A_430] : memref<100000x100xf32, #tpu.memory_space<hbm>> -> memref<1x100xf32, #tpu.memory_space<hbm>>
        %dma_start3A_432 = arith.constant 0 : i32
        %dma_start3A_433 = tpu.memref_slice %arg15[%add3A_399, %dma_start3A_432] : memref<128x100xf32, #tpu.memory_space<vmem>> -> memref<1x100xf32, #tpu.memory_space<vmem>>
        %dma_start3A_434 = arith.constant 0 : i32
        %dma_start3A_435 = tpu.memref_slice %arg7[%squeeze3A_403, %dma_start3A_434] : memref<100000x100xf32, #tpu.memory_space<hbm>> -> memref<1x100xf32, #tpu.memory_space<hbm>>
        tpu.enqueue_dma source(%dma_start3A_435 : memref<1x100xf32, #tpu.memory_space<hbm>>) target(%dma_start3A_433 : memref<1x100xf32, #tpu.memory_space<vmem>>) target_semaphore(%arg21 : memref<!tpu.dma_semaphore, #tpu.memory_space<semaphore_mem>>)
        %add3A_436 = arith.constant 9 : i32
        %add3A_437 = arith.addi %mul3A_92, %add3A_436 : i32
        %slice3A_438 = vector.extract_strided_slice %get3A_96 {offsets = [9], sizes = [1], strides = [1]} : vector<16xi32> to vector<1xi32>
        %squeeze3A_439 = vector.extract %slice3A_438[0] : i32 from vector<1xi32>
        %slice3A_440 = vector.extract_strided_slice %get3A_94 {offsets = [9], sizes = [1], strides = [1]} : vector<16xi32> to vector<1xi32>
        %squeeze3A_441 = vector.extract %slice3A_440[0] : i32 from vector<1xi32>
        %dma_start3A_442 = arith.constant 0 : i32
        %dma_start3A_443 = tpu.memref_slice %arg12[%add3A_437, %dma_start3A_442] : memref<128x100xf32, #tpu.memory_space<vmem>> -> memref<1x100xf32, #tpu.memory_space<vmem>>
        %dma_start3A_444 = arith.constant 0 : i32
        %dma_start3A_445 = tpu.memref_slice %arg4[%squeeze3A_439, %dma_start3A_444] : memref<1000000x100xf32, #tpu.memory_space<hbm>> -> memref<1x100xf32, #tpu.memory_space<hbm>>
        %dma_start3A_446 = arith.constant 0 : i32
        %dma_start3A_447 = tpu.memref_slice %arg12[%add3A_437, %dma_start3A_446] : memref<128x100xf32, #tpu.memory_space<vmem>> -> memref<1x100xf32, #tpu.memory_space<vmem>>
        %dma_start3A_448 = arith.constant 0 : i32
        %dma_start3A_449 = tpu.memref_slice %arg4[%squeeze3A_439, %dma_start3A_448] : memref<1000000x100xf32, #tpu.memory_space<hbm>> -> memref<1x100xf32, #tpu.memory_space<hbm>>
        tpu.enqueue_dma source(%dma_start3A_449 : memref<1x100xf32, #tpu.memory_space<hbm>>) target(%dma_start3A_447 : memref<1x100xf32, #tpu.memory_space<vmem>>) target_semaphore(%arg18 : memref<!tpu.dma_semaphore, #tpu.memory_space<semaphore_mem>>)
        %dma_start3A_450 = arith.constant 0 : i32
        %dma_start3A_451 = tpu.memref_slice %arg13[%add3A_437, %dma_start3A_450] : memref<128x100xf32, #tpu.memory_space<vmem>> -> memref<1x100xf32, #tpu.memory_space<vmem>>
        %dma_start3A_452 = arith.constant 0 : i32
        %dma_start3A_453 = tpu.memref_slice %arg5[%squeeze3A_441, %dma_start3A_452] : memref<100000x100xf32, #tpu.memory_space<hbm>> -> memref<1x100xf32, #tpu.memory_space<hbm>>
        %dma_start3A_454 = arith.constant 0 : i32
        %dma_start3A_455 = tpu.memref_slice %arg13[%add3A_437, %dma_start3A_454] : memref<128x100xf32, #tpu.memory_space<vmem>> -> memref<1x100xf32, #tpu.memory_space<vmem>>
        %dma_start3A_456 = arith.constant 0 : i32
        %dma_start3A_457 = tpu.memref_slice %arg5[%squeeze3A_441, %dma_start3A_456] : memref<100000x100xf32, #tpu.memory_space<hbm>> -> memref<1x100xf32, #tpu.memory_space<hbm>>
        tpu.enqueue_dma source(%dma_start3A_457 : memref<1x100xf32, #tpu.memory_space<hbm>>) target(%dma_start3A_455 : memref<1x100xf32, #tpu.memory_space<vmem>>) target_semaphore(%arg19 : memref<!tpu.dma_semaphore, #tpu.memory_space<semaphore_mem>>)
        %dma_start3A_458 = arith.constant 0 : i32
        %dma_start3A_459 = tpu.memref_slice %arg14[%add3A_437, %dma_start3A_458] : memref<128x100xf32, #tpu.memory_space<vmem>> -> memref<1x100xf32, #tpu.memory_space<vmem>>
        %dma_start3A_460 = arith.constant 0 : i32
        %dma_start3A_461 = tpu.memref_slice %arg6[%squeeze3A_441, %dma_start3A_460] : memref<100000x100xf32, #tpu.memory_space<hbm>> -> memref<1x100xf32, #tpu.memory_space<hbm>>
        %dma_start3A_462 = arith.constant 0 : i32
        %dma_start3A_463 = tpu.memref_slice %arg14[%add3A_437, %dma_start3A_462] : memref<128x100xf32, #tpu.memory_space<vmem>> -> memref<1x100xf32, #tpu.memory_space<vmem>>
        %dma_start3A_464 = arith.constant 0 : i32
        %dma_start3A_465 = tpu.memref_slice %arg6[%squeeze3A_441, %dma_start3A_464] : memref<100000x100xf32, #tpu.memory_space<hbm>> -> memref<1x100xf32, #tpu.memory_space<hbm>>
        tpu.enqueue_dma source(%dma_start3A_465 : memref<1x100xf32, #tpu.memory_space<hbm>>) target(%dma_start3A_463 : memref<1x100xf32, #tpu.memory_space<vmem>>) target_semaphore(%arg20 : memref<!tpu.dma_semaphore, #tpu.memory_space<semaphore_mem>>)
        %dma_start3A_466 = arith.constant 0 : i32
        %dma_start3A_467 = tpu.memref_slice %arg15[%add3A_437, %dma_start3A_466] : memref<128x100xf32, #tpu.memory_space<vmem>> -> memref<1x100xf32, #tpu.memory_space<vmem>>
        %dma_start3A_468 = arith.constant 0 : i32
        %dma_start3A_469 = tpu.memref_slice %arg7[%squeeze3A_441, %dma_start3A_468] : memref<100000x100xf32, #tpu.memory_space<hbm>> -> memref<1x100xf32, #tpu.memory_space<hbm>>
        %dma_start3A_470 = arith.constant 0 : i32
        %dma_start3A_471 = tpu.memref_slice %arg15[%add3A_437, %dma_start3A_470] : memref<128x100xf32, #tpu.memory_space<vmem>> -> memref<1x100xf32, #tpu.memory_space<vmem>>
        %dma_start3A_472 = arith.constant 0 : i32
        %dma_start3A_473 = tpu.memref_slice %arg7[%squeeze3A_441, %dma_start3A_472] : memref<100000x100xf32, #tpu.memory_space<hbm>> -> memref<1x100xf32, #tpu.memory_space<hbm>>
        tpu.enqueue_dma source(%dma_start3A_473 : memref<1x100xf32, #tpu.memory_space<hbm>>) target(%dma_start3A_471 : memref<1x100xf32, #tpu.memory_space<vmem>>) target_semaphore(%arg21 : memref<!tpu.dma_semaphore, #tpu.memory_space<semaphore_mem>>)
        %add3A_474 = arith.constant 10 : i32
        %add3A_475 = arith.addi %mul3A_92, %add3A_474 : i32
        %slice3A_476 = vector.extract_strided_slice %get3A_96 {offsets = [10], sizes = [1], strides = [1]} : vector<16xi32> to vector<1xi32>
        %squeeze3A_477 = vector.extract %slice3A_476[0] : i32 from vector<1xi32>
        %slice3A_478 = vector.extract_strided_slice %get3A_94 {offsets = [10], sizes = [1], strides = [1]} : vector<16xi32> to vector<1xi32>
        %squeeze3A_479 = vector.extract %slice3A_478[0] : i32 from vector<1xi32>
        %dma_start3A_480 = arith.constant 0 : i32
        %dma_start3A_481 = tpu.memref_slice %arg12[%add3A_475, %dma_start3A_480] : memref<128x100xf32, #tpu.memory_space<vmem>> -> memref<1x100xf32, #tpu.memory_space<vmem>>
        %dma_start3A_482 = arith.constant 0 : i32
        %dma_start3A_483 = tpu.memref_slice %arg4[%squeeze3A_477, %dma_start3A_482] : memref<1000000x100xf32, #tpu.memory_space<hbm>> -> memref<1x100xf32, #tpu.memory_space<hbm>>
        %dma_start3A_484 = arith.constant 0 : i32
        %dma_start3A_485 = tpu.memref_slice %arg12[%add3A_475, %dma_start3A_484] : memref<128x100xf32, #tpu.memory_space<vmem>> -> memref<1x100xf32, #tpu.memory_space<vmem>>
        %dma_start3A_486 = arith.constant 0 : i32
        %dma_start3A_487 = tpu.memref_slice %arg4[%squeeze3A_477, %dma_start3A_486] : memref<1000000x100xf32, #tpu.memory_space<hbm>> -> memref<1x100xf32, #tpu.memory_space<hbm>>
        tpu.enqueue_dma source(%dma_start3A_487 : memref<1x100xf32, #tpu.memory_space<hbm>>) target(%dma_start3A_485 : memref<1x100xf32, #tpu.memory_space<vmem>>) target_semaphore(%arg18 : memref<!tpu.dma_semaphore, #tpu.memory_space<semaphore_mem>>)
        %dma_start3A_488 = arith.constant 0 : i32
        %dma_start3A_489 = tpu.memref_slice %arg13[%add3A_475, %dma_start3A_488] : memref<128x100xf32, #tpu.memory_space<vmem>> -> memref<1x100xf32, #tpu.memory_space<vmem>>
        %dma_start3A_490 = arith.constant 0 : i32
        %dma_start3A_491 = tpu.memref_slice %arg5[%squeeze3A_479, %dma_start3A_490] : memref<100000x100xf32, #tpu.memory_space<hbm>> -> memref<1x100xf32, #tpu.memory_space<hbm>>
        %dma_start3A_492 = arith.constant 0 : i32
        %dma_start3A_493 = tpu.memref_slice %arg13[%add3A_475, %dma_start3A_492] : memref<128x100xf32, #tpu.memory_space<vmem>> -> memref<1x100xf32, #tpu.memory_space<vmem>>
        %dma_start3A_494 = arith.constant 0 : i32
        %dma_start3A_495 = tpu.memref_slice %arg5[%squeeze3A_479, %dma_start3A_494] : memref<100000x100xf32, #tpu.memory_space<hbm>> -> memref<1x100xf32, #tpu.memory_space<hbm>>
        tpu.enqueue_dma source(%dma_start3A_495 : memref<1x100xf32, #tpu.memory_space<hbm>>) target(%dma_start3A_493 : memref<1x100xf32, #tpu.memory_space<vmem>>) target_semaphore(%arg19 : memref<!tpu.dma_semaphore, #tpu.memory_space<semaphore_mem>>)
        %dma_start3A_496 = arith.constant 0 : i32
        %dma_start3A_497 = tpu.memref_slice %arg14[%add3A_475, %dma_start3A_496] : memref<128x100xf32, #tpu.memory_space<vmem>> -> memref<1x100xf32, #tpu.memory_space<vmem>>
        %dma_start3A_498 = arith.constant 0 : i32
        %dma_start3A_499 = tpu.memref_slice %arg6[%squeeze3A_479, %dma_start3A_498] : memref<100000x100xf32, #tpu.memory_space<hbm>> -> memref<1x100xf32, #tpu.memory_space<hbm>>
        %dma_start3A_500 = arith.constant 0 : i32
        %dma_start3A_501 = tpu.memref_slice %arg14[%add3A_475, %dma_start3A_500] : memref<128x100xf32, #tpu.memory_space<vmem>> -> memref<1x100xf32, #tpu.memory_space<vmem>>
        %dma_start3A_502 = arith.constant 0 : i32
        %dma_start3A_503 = tpu.memref_slice %arg6[%squeeze3A_479, %dma_start3A_502] : memref<100000x100xf32, #tpu.memory_space<hbm>> -> memref<1x100xf32, #tpu.memory_space<hbm>>
        tpu.enqueue_dma source(%dma_start3A_503 : memref<1x100xf32, #tpu.memory_space<hbm>>) target(%dma_start3A_501 : memref<1x100xf32, #tpu.memory_space<vmem>>) target_semaphore(%arg20 : memref<!tpu.dma_semaphore, #tpu.memory_space<semaphore_mem>>)
        %dma_start3A_504 = arith.constant 0 : i32
        %dma_start3A_505 = tpu.memref_slice %arg15[%add3A_475, %dma_start3A_504] : memref<128x100xf32, #tpu.memory_space<vmem>> -> memref<1x100xf32, #tpu.memory_space<vmem>>
        %dma_start3A_506 = arith.constant 0 : i32
        %dma_start3A_507 = tpu.memref_slice %arg7[%squeeze3A_479, %dma_start3A_506] : memref<100000x100xf32, #tpu.memory_space<hbm>> -> memref<1x100xf32, #tpu.memory_space<hbm>>
        %dma_start3A_508 = arith.constant 0 : i32
        %dma_start3A_509 = tpu.memref_slice %arg15[%add3A_475, %dma_start3A_508] : memref<128x100xf32, #tpu.memory_space<vmem>> -> memref<1x100xf32, #tpu.memory_space<vmem>>
        %dma_start3A_510 = arith.constant 0 : i32
        %dma_start3A_511 = tpu.memref_slice %arg7[%squeeze3A_479, %dma_start3A_510] : memref<100000x100xf32, #tpu.memory_space<hbm>> -> memref<1x100xf32, #tpu.memory_space<hbm>>
        tpu.enqueue_dma source(%dma_start3A_511 : memref<1x100xf32, #tpu.memory_space<hbm>>) target(%dma_start3A_509 : memref<1x100xf32, #tpu.memory_space<vmem>>) target_semaphore(%arg21 : memref<!tpu.dma_semaphore, #tpu.memory_space<semaphore_mem>>)
        %add3A_512 = arith.constant 11 : i32
        %add3A_513 = arith.addi %mul3A_92, %add3A_512 : i32
        %slice3A_514 = vector.extract_strided_slice %get3A_96 {offsets = [11], sizes = [1], strides = [1]} : vector<16xi32> to vector<1xi32>
        %squeeze3A_515 = vector.extract %slice3A_514[0] : i32 from vector<1xi32>
        %slice3A_516 = vector.extract_strided_slice %get3A_94 {offsets = [11], sizes = [1], strides = [1]} : vector<16xi32> to vector<1xi32>
        %squeeze3A_517 = vector.extract %slice3A_516[0] : i32 from vector<1xi32>
        %dma_start3A_518 = arith.constant 0 : i32
        %dma_start3A_519 = tpu.memref_slice %arg12[%add3A_513, %dma_start3A_518] : memref<128x100xf32, #tpu.memory_space<vmem>> -> memref<1x100xf32, #tpu.memory_space<vmem>>
        %dma_start3A_520 = arith.constant 0 : i32
        %dma_start3A_521 = tpu.memref_slice %arg4[%squeeze3A_515, %dma_start3A_520] : memref<1000000x100xf32, #tpu.memory_space<hbm>> -> memref<1x100xf32, #tpu.memory_space<hbm>>
        %dma_start3A_522 = arith.constant 0 : i32
        %dma_start3A_523 = tpu.memref_slice %arg12[%add3A_513, %dma_start3A_522] : memref<128x100xf32, #tpu.memory_space<vmem>> -> memref<1x100xf32, #tpu.memory_space<vmem>>
        %dma_start3A_524 = arith.constant 0 : i32
        %dma_start3A_525 = tpu.memref_slice %arg4[%squeeze3A_515, %dma_start3A_524] : memref<1000000x100xf32, #tpu.memory_space<hbm>> -> memref<1x100xf32, #tpu.memory_space<hbm>>
        tpu.enqueue_dma source(%dma_start3A_525 : memref<1x100xf32, #tpu.memory_space<hbm>>) target(%dma_start3A_523 : memref<1x100xf32, #tpu.memory_space<vmem>>) target_semaphore(%arg18 : memref<!tpu.dma_semaphore, #tpu.memory_space<semaphore_mem>>)
        %dma_start3A_526 = arith.constant 0 : i32
        %dma_start3A_527 = tpu.memref_slice %arg13[%add3A_513, %dma_start3A_526] : memref<128x100xf32, #tpu.memory_space<vmem>> -> memref<1x100xf32, #tpu.memory_space<vmem>>
        %dma_start3A_528 = arith.constant 0 : i32
        %dma_start3A_529 = tpu.memref_slice %arg5[%squeeze3A_517, %dma_start3A_528] : memref<100000x100xf32, #tpu.memory_space<hbm>> -> memref<1x100xf32, #tpu.memory_space<hbm>>
        %dma_start3A_530 = arith.constant 0 : i32
        %dma_start3A_531 = tpu.memref_slice %arg13[%add3A_513, %dma_start3A_530] : memref<128x100xf32, #tpu.memory_space<vmem>> -> memref<1x100xf32, #tpu.memory_space<vmem>>
        %dma_start3A_532 = arith.constant 0 : i32
        %dma_start3A_533 = tpu.memref_slice %arg5[%squeeze3A_517, %dma_start3A_532] : memref<100000x100xf32, #tpu.memory_space<hbm>> -> memref<1x100xf32, #tpu.memory_space<hbm>>
        tpu.enqueue_dma source(%dma_start3A_533 : memref<1x100xf32, #tpu.memory_space<hbm>>) target(%dma_start3A_531 : memref<1x100xf32, #tpu.memory_space<vmem>>) target_semaphore(%arg19 : memref<!tpu.dma_semaphore, #tpu.memory_space<semaphore_mem>>)
        %dma_start3A_534 = arith.constant 0 : i32
        %dma_start3A_535 = tpu.memref_slice %arg14[%add3A_513, %dma_start3A_534] : memref<128x100xf32, #tpu.memory_space<vmem>> -> memref<1x100xf32, #tpu.memory_space<vmem>>
        %dma_start3A_536 = arith.constant 0 : i32
        %dma_start3A_537 = tpu.memref_slice %arg6[%squeeze3A_517, %dma_start3A_536] : memref<100000x100xf32, #tpu.memory_space<hbm>> -> memref<1x100xf32, #tpu.memory_space<hbm>>
        %dma_start3A_538 = arith.constant 0 : i32
        %dma_start3A_539 = tpu.memref_slice %arg14[%add3A_513, %dma_start3A_538] : memref<128x100xf32, #tpu.memory_space<vmem>> -> memref<1x100xf32, #tpu.memory_space<vmem>>
        %dma_start3A_540 = arith.constant 0 : i32
        %dma_start3A_541 = tpu.memref_slice %arg6[%squeeze3A_517, %dma_start3A_540] : memref<100000x100xf32, #tpu.memory_space<hbm>> -> memref<1x100xf32, #tpu.memory_space<hbm>>
        tpu.enqueue_dma source(%dma_start3A_541 : memref<1x100xf32, #tpu.memory_space<hbm>>) target(%dma_start3A_539 : memref<1x100xf32, #tpu.memory_space<vmem>>) target_semaphore(%arg20 : memref<!tpu.dma_semaphore, #tpu.memory_space<semaphore_mem>>)
        %dma_start3A_542 = arith.constant 0 : i32
        %dma_start3A_543 = tpu.memref_slice %arg15[%add3A_513, %dma_start3A_542] : memref<128x100xf32, #tpu.memory_space<vmem>> -> memref<1x100xf32, #tpu.memory_space<vmem>>
        %dma_start3A_544 = arith.constant 0 : i32
        %dma_start3A_545 = tpu.memref_slice %arg7[%squeeze3A_517, %dma_start3A_544] : memref<100000x100xf32, #tpu.memory_space<hbm>> -> memref<1x100xf32, #tpu.memory_space<hbm>>
        %dma_start3A_546 = arith.constant 0 : i32
        %dma_start3A_547 = tpu.memref_slice %arg15[%add3A_513, %dma_start3A_546] : memref<128x100xf32, #tpu.memory_space<vmem>> -> memref<1x100xf32, #tpu.memory_space<vmem>>
        %dma_start3A_548 = arith.constant 0 : i32
        %dma_start3A_549 = tpu.memref_slice %arg7[%squeeze3A_517, %dma_start3A_548] : memref<100000x100xf32, #tpu.memory_space<hbm>> -> memref<1x100xf32, #tpu.memory_space<hbm>>
        tpu.enqueue_dma source(%dma_start3A_549 : memref<1x100xf32, #tpu.memory_space<hbm>>) target(%dma_start3A_547 : memref<1x100xf32, #tpu.memory_space<vmem>>) target_semaphore(%arg21 : memref<!tpu.dma_semaphore, #tpu.memory_space<semaphore_mem>>)
        %add3A_550 = arith.constant 12 : i32
        %add3A_551 = arith.addi %mul3A_92, %add3A_550 : i32
        %slice3A_552 = vector.extract_strided_slice %get3A_96 {offsets = [12], sizes = [1], strides = [1]} : vector<16xi32> to vector<1xi32>
        %squeeze3A_553 = vector.extract %slice3A_552[0] : i32 from vector<1xi32>
        %slice3A_554 = vector.extract_strided_slice %get3A_94 {offsets = [12], sizes = [1], strides = [1]} : vector<16xi32> to vector<1xi32>
        %squeeze3A_555 = vector.extract %slice3A_554[0] : i32 from vector<1xi32>
        %dma_start3A_556 = arith.constant 0 : i32
        %dma_start3A_557 = tpu.memref_slice %arg12[%add3A_551, %dma_start3A_556] : memref<128x100xf32, #tpu.memory_space<vmem>> -> memref<1x100xf32, #tpu.memory_space<vmem>>
        %dma_start3A_558 = arith.constant 0 : i32
        %dma_start3A_559 = tpu.memref_slice %arg4[%squeeze3A_553, %dma_start3A_558] : memref<1000000x100xf32, #tpu.memory_space<hbm>> -> memref<1x100xf32, #tpu.memory_space<hbm>>
        %dma_start3A_560 = arith.constant 0 : i32
        %dma_start3A_561 = tpu.memref_slice %arg12[%add3A_551, %dma_start3A_560] : memref<128x100xf32, #tpu.memory_space<vmem>> -> memref<1x100xf32, #tpu.memory_space<vmem>>
        %dma_start3A_562 = arith.constant 0 : i32
        %dma_start3A_563 = tpu.memref_slice %arg4[%squeeze3A_553, %dma_start3A_562] : memref<1000000x100xf32, #tpu.memory_space<hbm>> -> memref<1x100xf32, #tpu.memory_space<hbm>>
        tpu.enqueue_dma source(%dma_start3A_563 : memref<1x100xf32, #tpu.memory_space<hbm>>) target(%dma_start3A_561 : memref<1x100xf32, #tpu.memory_space<vmem>>) target_semaphore(%arg18 : memref<!tpu.dma_semaphore, #tpu.memory_space<semaphore_mem>>)
        %dma_start3A_564 = arith.constant 0 : i32
        %dma_start3A_565 = tpu.memref_slice %arg13[%add3A_551, %dma_start3A_564] : memref<128x100xf32, #tpu.memory_space<vmem>> -> memref<1x100xf32, #tpu.memory_space<vmem>>
        %dma_start3A_566 = arith.constant 0 : i32
        %dma_start3A_567 = tpu.memref_slice %arg5[%squeeze3A_555, %dma_start3A_566] : memref<100000x100xf32, #tpu.memory_space<hbm>> -> memref<1x100xf32, #tpu.memory_space<hbm>>
        %dma_start3A_568 = arith.constant 0 : i32
        %dma_start3A_569 = tpu.memref_slice %arg13[%add3A_551, %dma_start3A_568] : memref<128x100xf32, #tpu.memory_space<vmem>> -> memref<1x100xf32, #tpu.memory_space<vmem>>
        %dma_start3A_570 = arith.constant 0 : i32
        %dma_start3A_571 = tpu.memref_slice %arg5[%squeeze3A_555, %dma_start3A_570] : memref<100000x100xf32, #tpu.memory_space<hbm>> -> memref<1x100xf32, #tpu.memory_space<hbm>>
        tpu.enqueue_dma source(%dma_start3A_571 : memref<1x100xf32, #tpu.memory_space<hbm>>) target(%dma_start3A_569 : memref<1x100xf32, #tpu.memory_space<vmem>>) target_semaphore(%arg19 : memref<!tpu.dma_semaphore, #tpu.memory_space<semaphore_mem>>)
        %dma_start3A_572 = arith.constant 0 : i32
        %dma_start3A_573 = tpu.memref_slice %arg14[%add3A_551, %dma_start3A_572] : memref<128x100xf32, #tpu.memory_space<vmem>> -> memref<1x100xf32, #tpu.memory_space<vmem>>
        %dma_start3A_574 = arith.constant 0 : i32
        %dma_start3A_575 = tpu.memref_slice %arg6[%squeeze3A_555, %dma_start3A_574] : memref<100000x100xf32, #tpu.memory_space<hbm>> -> memref<1x100xf32, #tpu.memory_space<hbm>>
        %dma_start3A_576 = arith.constant 0 : i32
        %dma_start3A_577 = tpu.memref_slice %arg14[%add3A_551, %dma_start3A_576] : memref<128x100xf32, #tpu.memory_space<vmem>> -> memref<1x100xf32, #tpu.memory_space<vmem>>
        %dma_start3A_578 = arith.constant 0 : i32
        %dma_start3A_579 = tpu.memref_slice %arg6[%squeeze3A_555, %dma_start3A_578] : memref<100000x100xf32, #tpu.memory_space<hbm>> -> memref<1x100xf32, #tpu.memory_space<hbm>>
        tpu.enqueue_dma source(%dma_start3A_579 : memref<1x100xf32, #tpu.memory_space<hbm>>) target(%dma_start3A_577 : memref<1x100xf32, #tpu.memory_space<vmem>>) target_semaphore(%arg20 : memref<!tpu.dma_semaphore, #tpu.memory_space<semaphore_mem>>)
        %dma_start3A_580 = arith.constant 0 : i32
        %dma_start3A_581 = tpu.memref_slice %arg15[%add3A_551, %dma_start3A_580] : memref<128x100xf32, #tpu.memory_space<vmem>> -> memref<1x100xf32, #tpu.memory_space<vmem>>
        %dma_start3A_582 = arith.constant 0 : i32
        %dma_start3A_583 = tpu.memref_slice %arg7[%squeeze3A_555, %dma_start3A_582] : memref<100000x100xf32, #tpu.memory_space<hbm>> -> memref<1x100xf32, #tpu.memory_space<hbm>>
        %dma_start3A_584 = arith.constant 0 : i32
        %dma_start3A_585 = tpu.memref_slice %arg15[%add3A_551, %dma_start3A_584] : memref<128x100xf32, #tpu.memory_space<vmem>> -> memref<1x100xf32, #tpu.memory_space<vmem>>
        %dma_start3A_586 = arith.constant 0 : i32
        %dma_start3A_587 = tpu.memref_slice %arg7[%squeeze3A_555, %dma_start3A_586] : memref<100000x100xf32, #tpu.memory_space<hbm>> -> memref<1x100xf32, #tpu.memory_space<hbm>>
        tpu.enqueue_dma source(%dma_start3A_587 : memref<1x100xf32, #tpu.memory_space<hbm>>) target(%dma_start3A_585 : memref<1x100xf32, #tpu.memory_space<vmem>>) target_semaphore(%arg21 : memref<!tpu.dma_semaphore, #tpu.memory_space<semaphore_mem>>)
        %add3A_588 = arith.constant 13 : i32
        %add3A_589 = arith.addi %mul3A_92, %add3A_588 : i32
        %slice3A_590 = vector.extract_strided_slice %get3A_96 {offsets = [13], sizes = [1], strides = [1]} : vector<16xi32> to vector<1xi32>
        %squeeze3A_591 = vector.extract %slice3A_590[0] : i32 from vector<1xi32>
        %slice3A_592 = vector.extract_strided_slice %get3A_94 {offsets = [13], sizes = [1], strides = [1]} : vector<16xi32> to vector<1xi32>
        %squeeze3A_593 = vector.extract %slice3A_592[0] : i32 from vector<1xi32>
        %dma_start3A_594 = arith.constant 0 : i32
        %dma_start3A_595 = tpu.memref_slice %arg12[%add3A_589, %dma_start3A_594] : memref<128x100xf32, #tpu.memory_space<vmem>> -> memref<1x100xf32, #tpu.memory_space<vmem>>
        %dma_start3A_596 = arith.constant 0 : i32
        %dma_start3A_597 = tpu.memref_slice %arg4[%squeeze3A_591, %dma_start3A_596] : memref<1000000x100xf32, #tpu.memory_space<hbm>> -> memref<1x100xf32, #tpu.memory_space<hbm>>
        %dma_start3A_598 = arith.constant 0 : i32
        %dma_start3A_599 = tpu.memref_slice %arg12[%add3A_589, %dma_start3A_598] : memref<128x100xf32, #tpu.memory_space<vmem>> -> memref<1x100xf32, #tpu.memory_space<vmem>>
        %dma_start3A_600 = arith.constant 0 : i32
        %dma_start3A_601 = tpu.memref_slice %arg4[%squeeze3A_591, %dma_start3A_600] : memref<1000000x100xf32, #tpu.memory_space<hbm>> -> memref<1x100xf32, #tpu.memory_space<hbm>>
        tpu.enqueue_dma source(%dma_start3A_601 : memref<1x100xf32, #tpu.memory_space<hbm>>) target(%dma_start3A_599 : memref<1x100xf32, #tpu.memory_space<vmem>>) target_semaphore(%arg18 : memref<!tpu.dma_semaphore, #tpu.memory_space<semaphore_mem>>)
        %dma_start3A_602 = arith.constant 0 : i32
        %dma_start3A_603 = tpu.memref_slice %arg13[%add3A_589, %dma_start3A_602] : memref<128x100xf32, #tpu.memory_space<vmem>> -> memref<1x100xf32, #tpu.memory_space<vmem>>
        %dma_start3A_604 = arith.constant 0 : i32
        %dma_start3A_605 = tpu.memref_slice %arg5[%squeeze3A_593, %dma_start3A_604] : memref<100000x100xf32, #tpu.memory_space<hbm>> -> memref<1x100xf32, #tpu.memory_space<hbm>>
        %dma_start3A_606 = arith.constant 0 : i32
        %dma_start3A_607 = tpu.memref_slice %arg13[%add3A_589, %dma_start3A_606] : memref<128x100xf32, #tpu.memory_space<vmem>> -> memref<1x100xf32, #tpu.memory_space<vmem>>
        %dma_start3A_608 = arith.constant 0 : i32
        %dma_start3A_609 = tpu.memref_slice %arg5[%squeeze3A_593, %dma_start3A_608] : memref<100000x100xf32, #tpu.memory_space<hbm>> -> memref<1x100xf32, #tpu.memory_space<hbm>>
        tpu.enqueue_dma source(%dma_start3A_609 : memref<1x100xf32, #tpu.memory_space<hbm>>) target(%dma_start3A_607 : memref<1x100xf32, #tpu.memory_space<vmem>>) target_semaphore(%arg19 : memref<!tpu.dma_semaphore, #tpu.memory_space<semaphore_mem>>)
        %dma_start3A_610 = arith.constant 0 : i32
        %dma_start3A_611 = tpu.memref_slice %arg14[%add3A_589, %dma_start3A_610] : memref<128x100xf32, #tpu.memory_space<vmem>> -> memref<1x100xf32, #tpu.memory_space<vmem>>
        %dma_start3A_612 = arith.constant 0 : i32
        %dma_start3A_613 = tpu.memref_slice %arg6[%squeeze3A_593, %dma_start3A_612] : memref<100000x100xf32, #tpu.memory_space<hbm>> -> memref<1x100xf32, #tpu.memory_space<hbm>>
        %dma_start3A_614 = arith.constant 0 : i32
        %dma_start3A_615 = tpu.memref_slice %arg14[%add3A_589, %dma_start3A_614] : memref<128x100xf32, #tpu.memory_space<vmem>> -> memref<1x100xf32, #tpu.memory_space<vmem>>
        %dma_start3A_616 = arith.constant 0 : i32
        %dma_start3A_617 = tpu.memref_slice %arg6[%squeeze3A_593, %dma_start3A_616] : memref<100000x100xf32, #tpu.memory_space<hbm>> -> memref<1x100xf32, #tpu.memory_space<hbm>>
        tpu.enqueue_dma source(%dma_start3A_617 : memref<1x100xf32, #tpu.memory_space<hbm>>) target(%dma_start3A_615 : memref<1x100xf32, #tpu.memory_space<vmem>>) target_semaphore(%arg20 : memref<!tpu.dma_semaphore, #tpu.memory_space<semaphore_mem>>)
        %dma_start3A_618 = arith.constant 0 : i32
        %dma_start3A_619 = tpu.memref_slice %arg15[%add3A_589, %dma_start3A_618] : memref<128x100xf32, #tpu.memory_space<vmem>> -> memref<1x100xf32, #tpu.memory_space<vmem>>
        %dma_start3A_620 = arith.constant 0 : i32
        %dma_start3A_621 = tpu.memref_slice %arg7[%squeeze3A_593, %dma_start3A_620] : memref<100000x100xf32, #tpu.memory_space<hbm>> -> memref<1x100xf32, #tpu.memory_space<hbm>>
        %dma_start3A_622 = arith.constant 0 : i32
        %dma_start3A_623 = tpu.memref_slice %arg15[%add3A_589, %dma_start3A_622] : memref<128x100xf32, #tpu.memory_space<vmem>> -> memref<1x100xf32, #tpu.memory_space<vmem>>
        %dma_start3A_624 = arith.constant 0 : i32
        %dma_start3A_625 = tpu.memref_slice %arg7[%squeeze3A_593, %dma_start3A_624] : memref<100000x100xf32, #tpu.memory_space<hbm>> -> memref<1x100xf32, #tpu.memory_space<hbm>>
        tpu.enqueue_dma source(%dma_start3A_625 : memref<1x100xf32, #tpu.memory_space<hbm>>) target(%dma_start3A_623 : memref<1x100xf32, #tpu.memory_space<vmem>>) target_semaphore(%arg21 : memref<!tpu.dma_semaphore, #tpu.memory_space<semaphore_mem>>)
        %add3A_626 = arith.constant 14 : i32
        %add3A_627 = arith.addi %mul3A_92, %add3A_626 : i32
        %slice3A_628 = vector.extract_strided_slice %get3A_96 {offsets = [14], sizes = [1], strides = [1]} : vector<16xi32> to vector<1xi32>
        %squeeze3A_629 = vector.extract %slice3A_628[0] : i32 from vector<1xi32>
        %slice3A_630 = vector.extract_strided_slice %get3A_94 {offsets = [14], sizes = [1], strides = [1]} : vector<16xi32> to vector<1xi32>
        %squeeze3A_631 = vector.extract %slice3A_630[0] : i32 from vector<1xi32>
        %dma_start3A_632 = arith.constant 0 : i32
        %dma_start3A_633 = tpu.memref_slice %arg12[%add3A_627, %dma_start3A_632] : memref<128x100xf32, #tpu.memory_space<vmem>> -> memref<1x100xf32, #tpu.memory_space<vmem>>
        %dma_start3A_634 = arith.constant 0 : i32
        %dma_start3A_635 = tpu.memref_slice %arg4[%squeeze3A_629, %dma_start3A_634] : memref<1000000x100xf32, #tpu.memory_space<hbm>> -> memref<1x100xf32, #tpu.memory_space<hbm>>
        %dma_start3A_636 = arith.constant 0 : i32
        %dma_start3A_637 = tpu.memref_slice %arg12[%add3A_627, %dma_start3A_636] : memref<128x100xf32, #tpu.memory_space<vmem>> -> memref<1x100xf32, #tpu.memory_space<vmem>>
        %dma_start3A_638 = arith.constant 0 : i32
        %dma_start3A_639 = tpu.memref_slice %arg4[%squeeze3A_629, %dma_start3A_638] : memref<1000000x100xf32, #tpu.memory_space<hbm>> -> memref<1x100xf32, #tpu.memory_space<hbm>>
        tpu.enqueue_dma source(%dma_start3A_639 : memref<1x100xf32, #tpu.memory_space<hbm>>) target(%dma_start3A_637 : memref<1x100xf32, #tpu.memory_space<vmem>>) target_semaphore(%arg18 : memref<!tpu.dma_semaphore, #tpu.memory_space<semaphore_mem>>)
        %dma_start3A_640 = arith.constant 0 : i32
        %dma_start3A_641 = tpu.memref_slice %arg13[%add3A_627, %dma_start3A_640] : memref<128x100xf32, #tpu.memory_space<vmem>> -> memref<1x100xf32, #tpu.memory_space<vmem>>
        %dma_start3A_642 = arith.constant 0 : i32
        %dma_start3A_643 = tpu.memref_slice %arg5[%squeeze3A_631, %dma_start3A_642] : memref<100000x100xf32, #tpu.memory_space<hbm>> -> memref<1x100xf32, #tpu.memory_space<hbm>>
        %dma_start3A_644 = arith.constant 0 : i32
        %dma_start3A_645 = tpu.memref_slice %arg13[%add3A_627, %dma_start3A_644] : memref<128x100xf32, #tpu.memory_space<vmem>> -> memref<1x100xf32, #tpu.memory_space<vmem>>
        %dma_start3A_646 = arith.constant 0 : i32
        %dma_start3A_647 = tpu.memref_slice %arg5[%squeeze3A_631, %dma_start3A_646] : memref<100000x100xf32, #tpu.memory_space<hbm>> -> memref<1x100xf32, #tpu.memory_space<hbm>>
        tpu.enqueue_dma source(%dma_start3A_647 : memref<1x100xf32, #tpu.memory_space<hbm>>) target(%dma_start3A_645 : memref<1x100xf32, #tpu.memory_space<vmem>>) target_semaphore(%arg19 : memref<!tpu.dma_semaphore, #tpu.memory_space<semaphore_mem>>)
        %dma_start3A_648 = arith.constant 0 : i32
        %dma_start3A_649 = tpu.memref_slice %arg14[%add3A_627, %dma_start3A_648] : memref<128x100xf32, #tpu.memory_space<vmem>> -> memref<1x100xf32, #tpu.memory_space<vmem>>
        %dma_start3A_650 = arith.constant 0 : i32
        %dma_start3A_651 = tpu.memref_slice %arg6[%squeeze3A_631, %dma_start3A_650] : memref<100000x100xf32, #tpu.memory_space<hbm>> -> memref<1x100xf32, #tpu.memory_space<hbm>>
        %dma_start3A_652 = arith.constant 0 : i32
        %dma_start3A_653 = tpu.memref_slice %arg14[%add3A_627, %dma_start3A_652] : memref<128x100xf32, #tpu.memory_space<vmem>> -> memref<1x100xf32, #tpu.memory_space<vmem>>
        %dma_start3A_654 = arith.constant 0 : i32
        %dma_start3A_655 = tpu.memref_slice %arg6[%squeeze3A_631, %dma_start3A_654] : memref<100000x100xf32, #tpu.memory_space<hbm>> -> memref<1x100xf32, #tpu.memory_space<hbm>>
        tpu.enqueue_dma source(%dma_start3A_655 : memref<1x100xf32, #tpu.memory_space<hbm>>) target(%dma_start3A_653 : memref<1x100xf32, #tpu.memory_space<vmem>>) target_semaphore(%arg20 : memref<!tpu.dma_semaphore, #tpu.memory_space<semaphore_mem>>)
        %dma_start3A_656 = arith.constant 0 : i32
        %dma_start3A_657 = tpu.memref_slice %arg15[%add3A_627, %dma_start3A_656] : memref<128x100xf32, #tpu.memory_space<vmem>> -> memref<1x100xf32, #tpu.memory_space<vmem>>
        %dma_start3A_658 = arith.constant 0 : i32
        %dma_start3A_659 = tpu.memref_slice %arg7[%squeeze3A_631, %dma_start3A_658] : memref<100000x100xf32, #tpu.memory_space<hbm>> -> memref<1x100xf32, #tpu.memory_space<hbm>>
        %dma_start3A_660 = arith.constant 0 : i32
        %dma_start3A_661 = tpu.memref_slice %arg15[%add3A_627, %dma_start3A_660] : memref<128x100xf32, #tpu.memory_space<vmem>> -> memref<1x100xf32, #tpu.memory_space<vmem>>
        %dma_start3A_662 = arith.constant 0 : i32
        %dma_start3A_663 = tpu.memref_slice %arg7[%squeeze3A_631, %dma_start3A_662] : memref<100000x100xf32, #tpu.memory_space<hbm>> -> memref<1x100xf32, #tpu.memory_space<hbm>>
        tpu.enqueue_dma source(%dma_start3A_663 : memref<1x100xf32, #tpu.memory_space<hbm>>) target(%dma_start3A_661 : memref<1x100xf32, #tpu.memory_space<vmem>>) target_semaphore(%arg21 : memref<!tpu.dma_semaphore, #tpu.memory_space<semaphore_mem>>)
        %add3A_664 = arith.constant 15 : i32
        %add3A_665 = arith.addi %mul3A_92, %add3A_664 : i32
        %slice3A_666 = vector.extract_strided_slice %get3A_96 {offsets = [15], sizes = [1], strides = [1]} : vector<16xi32> to vector<1xi32>
        %squeeze3A_667 = vector.extract %slice3A_666[0] : i32 from vector<1xi32>
        %slice3A_668 = vector.extract_strided_slice %get3A_94 {offsets = [15], sizes = [1], strides = [1]} : vector<16xi32> to vector<1xi32>
        %squeeze3A_669 = vector.extract %slice3A_668[0] : i32 from vector<1xi32>
        %dma_start3A_670 = arith.constant 0 : i32
        %dma_start3A_671 = tpu.memref_slice %arg12[%add3A_665, %dma_start3A_670] : memref<128x100xf32, #tpu.memory_space<vmem>> -> memref<1x100xf32, #tpu.memory_space<vmem>>
        %dma_start3A_672 = arith.constant 0 : i32
        %dma_start3A_673 = tpu.memref_slice %arg4[%squeeze3A_667, %dma_start3A_672] : memref<1000000x100xf32, #tpu.memory_space<hbm>> -> memref<1x100xf32, #tpu.memory_space<hbm>>
        %dma_start3A_674 = arith.constant 0 : i32
        %dma_start3A_675 = tpu.memref_slice %arg12[%add3A_665, %dma_start3A_674] : memref<128x100xf32, #tpu.memory_space<vmem>> -> memref<1x100xf32, #tpu.memory_space<vmem>>
        %dma_start3A_676 = arith.constant 0 : i32
        %dma_start3A_677 = tpu.memref_slice %arg4[%squeeze3A_667, %dma_start3A_676] : memref<1000000x100xf32, #tpu.memory_space<hbm>> -> memref<1x100xf32, #tpu.memory_space<hbm>>
        tpu.enqueue_dma source(%dma_start3A_677 : memref<1x100xf32, #tpu.memory_space<hbm>>) target(%dma_start3A_675 : memref<1x100xf32, #tpu.memory_space<vmem>>) target_semaphore(%arg18 : memref<!tpu.dma_semaphore, #tpu.memory_space<semaphore_mem>>)
        %dma_start3A_678 = arith.constant 0 : i32
        %dma_start3A_679 = tpu.memref_slice %arg13[%add3A_665, %dma_start3A_678] : memref<128x100xf32, #tpu.memory_space<vmem>> -> memref<1x100xf32, #tpu.memory_space<vmem>>
        %dma_start3A_680 = arith.constant 0 : i32
        %dma_start3A_681 = tpu.memref_slice %arg5[%squeeze3A_669, %dma_start3A_680] : memref<100000x100xf32, #tpu.memory_space<hbm>> -> memref<1x100xf32, #tpu.memory_space<hbm>>
        %dma_start3A_682 = arith.constant 0 : i32
        %dma_start3A_683 = tpu.memref_slice %arg13[%add3A_665, %dma_start3A_682] : memref<128x100xf32, #tpu.memory_space<vmem>> -> memref<1x100xf32, #tpu.memory_space<vmem>>
        %dma_start3A_684 = arith.constant 0 : i32
        %dma_start3A_685 = tpu.memref_slice %arg5[%squeeze3A_669, %dma_start3A_684] : memref<100000x100xf32, #tpu.memory_space<hbm>> -> memref<1x100xf32, #tpu.memory_space<hbm>>
        tpu.enqueue_dma source(%dma_start3A_685 : memref<1x100xf32, #tpu.memory_space<hbm>>) target(%dma_start3A_683 : memref<1x100xf32, #tpu.memory_space<vmem>>) target_semaphore(%arg19 : memref<!tpu.dma_semaphore, #tpu.memory_space<semaphore_mem>>)
        %dma_start3A_686 = arith.constant 0 : i32
        %dma_start3A_687 = tpu.memref_slice %arg14[%add3A_665, %dma_start3A_686] : memref<128x100xf32, #tpu.memory_space<vmem>> -> memref<1x100xf32, #tpu.memory_space<vmem>>
        %dma_start3A_688 = arith.constant 0 : i32
        %dma_start3A_689 = tpu.memref_slice %arg6[%squeeze3A_669, %dma_start3A_688] : memref<100000x100xf32, #tpu.memory_space<hbm>> -> memref<1x100xf32, #tpu.memory_space<hbm>>
        %dma_start3A_690 = arith.constant 0 : i32
        %dma_start3A_691 = tpu.memref_slice %arg14[%add3A_665, %dma_start3A_690] : memref<128x100xf32, #tpu.memory_space<vmem>> -> memref<1x100xf32, #tpu.memory_space<vmem>>
        %dma_start3A_692 = arith.constant 0 : i32
        %dma_start3A_693 = tpu.memref_slice %arg6[%squeeze3A_669, %dma_start3A_692] : memref<100000x100xf32, #tpu.memory_space<hbm>> -> memref<1x100xf32, #tpu.memory_space<hbm>>
        tpu.enqueue_dma source(%dma_start3A_693 : memref<1x100xf32, #tpu.memory_space<hbm>>) target(%dma_start3A_691 : memref<1x100xf32, #tpu.memory_space<vmem>>) target_semaphore(%arg20 : memref<!tpu.dma_semaphore, #tpu.memory_space<semaphore_mem>>)
        %dma_start3A_694 = arith.constant 0 : i32
        %dma_start3A_695 = tpu.memref_slice %arg15[%add3A_665, %dma_start3A_694] : memref<128x100xf32, #tpu.memory_space<vmem>> -> memref<1x100xf32, #tpu.memory_space<vmem>>
        %dma_start3A_696 = arith.constant 0 : i32
        %dma_start3A_697 = tpu.memref_slice %arg7[%squeeze3A_669, %dma_start3A_696] : memref<100000x100xf32, #tpu.memory_space<hbm>> -> memref<1x100xf32, #tpu.memory_space<hbm>>
        %dma_start3A_698 = arith.constant 0 : i32
        %dma_start3A_699 = tpu.memref_slice %arg15[%add3A_665, %dma_start3A_698] : memref<128x100xf32, #tpu.memory_space<vmem>> -> memref<1x100xf32, #tpu.memory_space<vmem>>
        %dma_start3A_700 = arith.constant 0 : i32
        %dma_start3A_701 = tpu.memref_slice %arg7[%squeeze3A_669, %dma_start3A_700] : memref<100000x100xf32, #tpu.memory_space<hbm>> -> memref<1x100xf32, #tpu.memory_space<hbm>>
        tpu.enqueue_dma source(%dma_start3A_701 : memref<1x100xf32, #tpu.memory_space<hbm>>) target(%dma_start3A_699 : memref<1x100xf32, #tpu.memory_space<vmem>>) target_semaphore(%arg21 : memref<!tpu.dma_semaphore, #tpu.memory_space<semaphore_mem>>)
      }
      %scan3A_60 = arith.constant 8 : i32
      %dma_wait3A = arith.constant 0 : i32
      %dma_wait3A_61 = arith.constant 0 : i32
      %dma_wait3A_62 = tpu.memref_slice %arg4[%dma_wait3A, %dma_wait3A_61] : memref<1000000x100xf32, #tpu.memory_space<hbm>> -> memref<128x100xf32, #tpu.memory_space<hbm>>
      %dma_wait3A_63 = arith.constant 0 : i32
      %dma_wait3A_64 = arith.constant 0 : i32
      %dma_wait3A_65 = tpu.memref_slice %arg4[%dma_wait3A_63, %dma_wait3A_64] : memref<1000000x100xf32, #tpu.memory_space<hbm>> -> memref<128x100xf32, #tpu.memory_space<hbm>>
      tpu.wait_dma2 semaphore(%arg18 : memref<!tpu.dma_semaphore, #tpu.memory_space<semaphore_mem>>) src(%dma_wait3A_65 : memref<128x100xf32, #tpu.memory_space<hbm>>) dst(%arg12 : memref<128x100xf32, #tpu.memory_space<vmem>>)
      %dma_wait3A_66 = arith.constant 0 : i32
      %dma_wait3A_67 = arith.constant 0 : i32
      %dma_wait3A_68 = tpu.memref_slice %arg5[%dma_wait3A_66, %dma_wait3A_67] : memref<100000x100xf32, #tpu.memory_space<hbm>> -> memref<128x100xf32, #tpu.memory_space<hbm>>
      %dma_wait3A_69 = arith.constant 0 : i32
      %dma_wait3A_70 = arith.constant 0 : i32
      %dma_wait3A_71 = tpu.memref_slice %arg5[%dma_wait3A_69, %dma_wait3A_70] : memref<100000x100xf32, #tpu.memory_space<hbm>> -> memref<128x100xf32, #tpu.memory_space<hbm>>
      tpu.wait_dma2 semaphore(%arg19 : memref<!tpu.dma_semaphore, #tpu.memory_space<semaphore_mem>>) src(%dma_wait3A_71 : memref<128x100xf32, #tpu.memory_space<hbm>>) dst(%arg13 : memref<128x100xf32, #tpu.memory_space<vmem>>)
      %dma_wait3A_72 = arith.constant 0 : i32
      %dma_wait3A_73 = arith.constant 0 : i32
      %dma_wait3A_74 = tpu.memref_slice %arg6[%dma_wait3A_72, %dma_wait3A_73] : memref<100000x100xf32, #tpu.memory_space<hbm>> -> memref<128x100xf32, #tpu.memory_space<hbm>>
      %dma_wait3A_75 = arith.constant 0 : i32
      %dma_wait3A_76 = arith.constant 0 : i32
      %dma_wait3A_77 = tpu.memref_slice %arg6[%dma_wait3A_75, %dma_wait3A_76] : memref<100000x100xf32, #tpu.memory_space<hbm>> -> memref<128x100xf32, #tpu.memory_space<hbm>>
      tpu.wait_dma2 semaphore(%arg20 : memref<!tpu.dma_semaphore, #tpu.memory_space<semaphore_mem>>) src(%dma_wait3A_77 : memref<128x100xf32, #tpu.memory_space<hbm>>) dst(%arg14 : memref<128x100xf32, #tpu.memory_space<vmem>>)
      %dma_wait3A_78 = arith.constant 0 : i32
      %dma_wait3A_79 = arith.constant 0 : i32
      %dma_wait3A_80 = tpu.memref_slice %arg7[%dma_wait3A_78, %dma_wait3A_79] : memref<100000x100xf32, #tpu.memory_space<hbm>> -> memref<128x100xf32, #tpu.memory_space<hbm>>
      %dma_wait3A_81 = arith.constant 0 : i32
      %dma_wait3A_82 = arith.constant 0 : i32
      %dma_wait3A_83 = tpu.memref_slice %arg7[%dma_wait3A_81, %dma_wait3A_82] : memref<100000x100xf32, #tpu.memory_space<hbm>> -> memref<128x100xf32, #tpu.memory_space<hbm>>
      tpu.wait_dma2 semaphore(%arg21 : memref<!tpu.dma_semaphore, #tpu.memory_space<semaphore_mem>>) src(%dma_wait3A_83 : memref<128x100xf32, #tpu.memory_space<hbm>>) dst(%arg15 : memref<128x100xf32, #tpu.memory_space<vmem>>)
      %scan3A_84 = arith.constant 0 : i32
      %scan3A_85 = arith.constant 0 : i32
      %scan3A_86 = arith.constant 8 : i32
      %scan3A_87 = arith.addi %scan3A_85, %scan3A_86 : i32
      %scan3A_88 = arith.constant 1 : i32
      scf.for %scan3A_90 = %scan3A_85 to %scan3A_87 step %scan3A_88  : i32 {
        %broadcast_in_dim3A = arith.constant 0.000000e+00 : f32
        %broadcast_in_dim3A_91 = vector.broadcast %broadcast_in_dim3A : f32 to vector<16xf32>
        %mul3A_92 = arith.constant 16 : i32
        %mul3A_93 = arith.muli %scan3A_90, %mul3A_92 : i32
        %add3A_94 = arith.constant 0 : i32
        %add3A_95 = arith.addi %mul3A_93, %add3A_94 : i32
        %broadcast_in_dim3A_96 = arith.constant 0.000000e+00 : f32
        %broadcast_in_dim3A_97 = vector.broadcast %broadcast_in_dim3A_96 : f32 to vector<16xf32>
        %get3A_98 = arith.index_cast %add3A_95 : i32 to index
        %get3A_99 = arith.constant 0 : index
        %get3A_100 = tpu.vector_load %arg12[%get3A_98, %get3A_99] {strides = array<i32>} : memref<128x100xf32, #tpu.memory_space<vmem>>, vector<16xf32>,
        %get3A_101 = arith.index_cast %add3A_95 : i32 to index
        %get3A_102 = arith.constant 0 : index
        %get3A_103 = tpu.vector_load %arg13[%get3A_101, %get3A_102] {strides = array<i32>} : memref<128x100xf32, #tpu.memory_space<vmem>>, vector<16xf32>,
        %sub3A = arith.subf %get3A_100, %get3A_103 : vector<16xf32>
        %abs3A = math.absf %sub3A : vector<16xf32>
        %mul3A_104 = arith.mulf %abs3A, %get3A_3 : vector<16xf32>
        %add3A_105 = arith.addf %broadcast_in_dim3A_97, %mul3A_104 : vector<16xf32>
        %get3A_106 = arith.index_cast %add3A_95 : i32 to index
        %get3A_107 = arith.constant 0 : index
        %get3A_108 = tpu.vector_load %arg14[%get3A_106, %get3A_107] {strides = array<i32>} : memref<128x100xf32, #tpu.memory_space<vmem>>, vector<16xf32>,
        %sub3A_109 = arith.subf %get3A_100, %get3A_108 : vector<16xf32>
        %abs3A_110 = math.absf %sub3A_109 : vector<16xf32>
        %mul3A_111 = arith.mulf %abs3A_110, %get3A_17 : vector<16xf32>
        %add3A_112 = arith.addf %add3A_105, %mul3A_111 : vector<16xf32>
        %get3A_113 = arith.index_cast %add3A_95 : i32 to index
        %get3A_114 = arith.constant 0 : index
        %get3A_115 = tpu.vector_load %arg15[%get3A_113, %get3A_114] {strides = array<i32>} : memref<128x100xf32, #tpu.memory_space<vmem>>, vector<16xf32>,
        %sub3A_116 = arith.subf %get3A_100, %get3A_115 : vector<16xf32>
        %abs3A_117 = math.absf %sub3A_116 : vector<16xf32>
        %mul3A_118 = arith.mulf %abs3A_117, %get3A_31 : vector<16xf32>
        %add3A_119 = arith.addf %add3A_112, %mul3A_118 : vector<16xf32>
        %get3A_120 = arith.index_cast %add3A_95 : i32 to index
        %get3A_121 = arith.constant 16 : index
        %get3A_122 = tpu.vector_load %arg12[%get3A_120, %get3A_121] {strides = array<i32>} : memref<128x100xf32, #tpu.memory_space<vmem>>, vector<16xf32>,
        %get3A_123 = arith.index_cast %add3A_95 : i32 to index
        %get3A_124 = arith.constant 16 : index
        %get3A_125 = tpu.vector_load %arg13[%get3A_123, %get3A_124] {strides = array<i32>} : memref<128x100xf32, #tpu.memory_space<vmem>>, vector<16xf32>,
        %sub3A_126 = arith.subf %get3A_122, %get3A_125 : vector<16xf32>
        %abs3A_127 = math.absf %sub3A_126 : vector<16xf32>
        %mul3A_128 = arith.mulf %abs3A_127, %get3A_5 : vector<16xf32>
        %add3A_129 = arith.addf %add3A_119, %mul3A_128 : vector<16xf32>
        %get3A_130 = arith.index_cast %add3A_95 : i32 to index
        %get3A_131 = arith.constant 16 : index
        %get3A_132 = tpu.vector_load %arg14[%get3A_130, %get3A_131] {strides = array<i32>} : memref<128x100xf32, #tpu.memory_space<vmem>>, vector<16xf32>,
        %sub3A_133 = arith.subf %get3A_122, %get3A_132 : vector<16xf32>
        %abs3A_134 = math.absf %sub3A_133 : vector<16xf32>
        %mul3A_135 = arith.mulf %abs3A_134, %get3A_19 : vector<16xf32>
        %add3A_136 = arith.addf %add3A_129, %mul3A_135 : vector<16xf32>
        %get3A_137 = arith.index_cast %add3A_95 : i32 to index
        %get3A_138 = arith.constant 16 : index
        %get3A_139 = tpu.vector_load %arg15[%get3A_137, %get3A_138] {strides = array<i32>} : memref<128x100xf32, #tpu.memory_space<vmem>>, vector<16xf32>,
        %sub3A_140 = arith.subf %get3A_122, %get3A_139 : vector<16xf32>
        %abs3A_141 = math.absf %sub3A_140 : vector<16xf32>
        %mul3A_142 = arith.mulf %abs3A_141, %get3A_33 : vector<16xf32>
        %add3A_143 = arith.addf %add3A_136, %mul3A_142 : vector<16xf32>
        %get3A_144 = arith.index_cast %add3A_95 : i32 to index
        %get3A_145 = arith.constant 32 : index
        %get3A_146 = tpu.vector_load %arg12[%get3A_144, %get3A_145] {strides = array<i32>} : memref<128x100xf32, #tpu.memory_space<vmem>>, vector<16xf32>,
        %get3A_147 = arith.index_cast %add3A_95 : i32 to index
        %get3A_148 = arith.constant 32 : index
        %get3A_149 = tpu.vector_load %arg13[%get3A_147, %get3A_148] {strides = array<i32>} : memref<128x100xf32, #tpu.memory_space<vmem>>, vector<16xf32>,
        %sub3A_150 = arith.subf %get3A_146, %get3A_149 : vector<16xf32>
        %abs3A_151 = math.absf %sub3A_150 : vector<16xf32>
        %mul3A_152 = arith.mulf %abs3A_151, %get3A_7 : vector<16xf32>
        %add3A_153 = arith.addf %add3A_143, %mul3A_152 : vector<16xf32>
        %get3A_154 = arith.index_cast %add3A_95 : i32 to index
        %get3A_155 = arith.constant 32 : index
        %get3A_156 = tpu.vector_load %arg14[%get3A_154, %get3A_155] {strides = array<i32>} : memref<128x100xf32, #tpu.memory_space<vmem>>, vector<16xf32>,
        %sub3A_157 = arith.subf %get3A_146, %get3A_156 : vector<16xf32>
        %abs3A_158 = math.absf %sub3A_157 : vector<16xf32>
        %mul3A_159 = arith.mulf %abs3A_158, %get3A_21 : vector<16xf32>
        %add3A_160 = arith.addf %add3A_153, %mul3A_159 : vector<16xf32>
        %get3A_161 = arith.index_cast %add3A_95 : i32 to index
        %get3A_162 = arith.constant 32 : index
        %get3A_163 = tpu.vector_load %arg15[%get3A_161, %get3A_162] {strides = array<i32>} : memref<128x100xf32, #tpu.memory_space<vmem>>, vector<16xf32>,
        %sub3A_164 = arith.subf %get3A_146, %get3A_163 : vector<16xf32>
        %abs3A_165 = math.absf %sub3A_164 : vector<16xf32>
        %mul3A_166 = arith.mulf %abs3A_165, %get3A_35 : vector<16xf32>
        %add3A_167 = arith.addf %add3A_160, %mul3A_166 : vector<16xf32>
        %get3A_168 = arith.index_cast %add3A_95 : i32 to index
        %get3A_169 = arith.constant 48 : index
        %get3A_170 = tpu.vector_load %arg12[%get3A_168, %get3A_169] {strides = array<i32>} : memref<128x100xf32, #tpu.memory_space<vmem>>, vector<16xf32>,
        %get3A_171 = arith.index_cast %add3A_95 : i32 to index
        %get3A_172 = arith.constant 48 : index
        %get3A_173 = tpu.vector_load %arg13[%get3A_171, %get3A_172] {strides = array<i32>} : memref<128x100xf32, #tpu.memory_space<vmem>>, vector<16xf32>,
        %sub3A_174 = arith.subf %get3A_170, %get3A_173 : vector<16xf32>
        %abs3A_175 = math.absf %sub3A_174 : vector<16xf32>
        %mul3A_176 = arith.mulf %abs3A_175, %get3A_9 : vector<16xf32>
        %add3A_177 = arith.addf %add3A_167, %mul3A_176 : vector<16xf32>
        %get3A_178 = arith.index_cast %add3A_95 : i32 to index
        %get3A_179 = arith.constant 48 : index
        %get3A_180 = tpu.vector_load %arg14[%get3A_178, %get3A_179] {strides = array<i32>} : memref<128x100xf32, #tpu.memory_space<vmem>>, vector<16xf32>,
        %sub3A_181 = arith.subf %get3A_170, %get3A_180 : vector<16xf32>
        %abs3A_182 = math.absf %sub3A_181 : vector<16xf32>
        %mul3A_183 = arith.mulf %abs3A_182, %get3A_23 : vector<16xf32>
        %add3A_184 = arith.addf %add3A_177, %mul3A_183 : vector<16xf32>
        %get3A_185 = arith.index_cast %add3A_95 : i32 to index
        %get3A_186 = arith.constant 48 : index
        %get3A_187 = tpu.vector_load %arg15[%get3A_185, %get3A_186] {strides = array<i32>} : memref<128x100xf32, #tpu.memory_space<vmem>>, vector<16xf32>,
        %sub3A_188 = arith.subf %get3A_170, %get3A_187 : vector<16xf32>
        %abs3A_189 = math.absf %sub3A_188 : vector<16xf32>
        %mul3A_190 = arith.mulf %abs3A_189, %get3A_37 : vector<16xf32>
        %add3A_191 = arith.addf %add3A_184, %mul3A_190 : vector<16xf32>
        %get3A_192 = arith.index_cast %add3A_95 : i32 to index
        %get3A_193 = arith.constant 64 : index
        %get3A_194 = tpu.vector_load %arg12[%get3A_192, %get3A_193] {strides = array<i32>} : memref<128x100xf32, #tpu.memory_space<vmem>>, vector<16xf32>,
        %get3A_195 = arith.index_cast %add3A_95 : i32 to index
        %get3A_196 = arith.constant 64 : index
        %get3A_197 = tpu.vector_load %arg13[%get3A_195, %get3A_196] {strides = array<i32>} : memref<128x100xf32, #tpu.memory_space<vmem>>, vector<16xf32>,
        %sub3A_198 = arith.subf %get3A_194, %get3A_197 : vector<16xf32>
        %abs3A_199 = math.absf %sub3A_198 : vector<16xf32>
        %mul3A_200 = arith.mulf %abs3A_199, %get3A_11 : vector<16xf32>
        %add3A_201 = arith.addf %add3A_191, %mul3A_200 : vector<16xf32>
        %get3A_202 = arith.index_cast %add3A_95 : i32 to index
        %get3A_203 = arith.constant 64 : index
        %get3A_204 = tpu.vector_load %arg14[%get3A_202, %get3A_203] {strides = array<i32>} : memref<128x100xf32, #tpu.memory_space<vmem>>, vector<16xf32>,
        %sub3A_205 = arith.subf %get3A_194, %get3A_204 : vector<16xf32>
        %abs3A_206 = math.absf %sub3A_205 : vector<16xf32>
        %mul3A_207 = arith.mulf %abs3A_206, %get3A_25 : vector<16xf32>
        %add3A_208 = arith.addf %add3A_201, %mul3A_207 : vector<16xf32>
        %get3A_209 = arith.index_cast %add3A_95 : i32 to index
        %get3A_210 = arith.constant 64 : index
        %get3A_211 = tpu.vector_load %arg15[%get3A_209, %get3A_210] {strides = array<i32>} : memref<128x100xf32, #tpu.memory_space<vmem>>, vector<16xf32>,
        %sub3A_212 = arith.subf %get3A_194, %get3A_211 : vector<16xf32>
        %abs3A_213 = math.absf %sub3A_212 : vector<16xf32>
        %mul3A_214 = arith.mulf %abs3A_213, %get3A_39 : vector<16xf32>
        %add3A_215 = arith.addf %add3A_208, %mul3A_214 : vector<16xf32>
        %get3A_216 = arith.index_cast %add3A_95 : i32 to index
        %get3A_217 = arith.constant 80 : index
        %get3A_218 = tpu.vector_load %arg12[%get3A_216, %get3A_217] {strides = array<i32>} : memref<128x100xf32, #tpu.memory_space<vmem>>, vector<16xf32>,
        %get3A_219 = arith.index_cast %add3A_95 : i32 to index
        %get3A_220 = arith.constant 80 : index
        %get3A_221 = tpu.vector_load %arg13[%get3A_219, %get3A_220] {strides = array<i32>} : memref<128x100xf32, #tpu.memory_space<vmem>>, vector<16xf32>,
        %sub3A_222 = arith.subf %get3A_218, %get3A_221 : vector<16xf32>
        %abs3A_223 = math.absf %sub3A_222 : vector<16xf32>
        %mul3A_224 = arith.mulf %abs3A_223, %get3A_13 : vector<16xf32>
        %add3A_225 = arith.addf %add3A_215, %mul3A_224 : vector<16xf32>
        %get3A_226 = arith.index_cast %add3A_95 : i32 to index
        %get3A_227 = arith.constant 80 : index
        %get3A_228 = tpu.vector_load %arg14[%get3A_226, %get3A_227] {strides = array<i32>} : memref<128x100xf32, #tpu.memory_space<vmem>>, vector<16xf32>,
        %sub3A_229 = arith.subf %get3A_218, %get3A_228 : vector<16xf32>
        %abs3A_230 = math.absf %sub3A_229 : vector<16xf32>
        %mul3A_231 = arith.mulf %abs3A_230, %get3A_27 : vector<16xf32>
        %add3A_232 = arith.addf %add3A_225, %mul3A_231 : vector<16xf32>
        %get3A_233 = arith.index_cast %add3A_95 : i32 to index
        %get3A_234 = arith.constant 80 : index
        %get3A_235 = tpu.vector_load %arg15[%get3A_233, %get3A_234] {strides = array<i32>} : memref<128x100xf32, #tpu.memory_space<vmem>>, vector<16xf32>,
        %sub3A_236 = arith.subf %get3A_218, %get3A_235 : vector<16xf32>
        %abs3A_237 = math.absf %sub3A_236 : vector<16xf32>
        %mul3A_238 = arith.mulf %abs3A_237, %get3A_41 : vector<16xf32>
        %add3A_239 = arith.addf %add3A_232, %mul3A_238 : vector<16xf32>
        %get3A_240 = arith.index_cast %add3A_95 : i32 to index
        %get3A_241 = arith.constant 84 : index
        %get3A_242 = tpu.vector_load %arg12[%get3A_240, %get3A_241] {strides = array<i32>} : memref<128x100xf32, #tpu.memory_space<vmem>>, vector<16xf32>,
        %get3A_243 = arith.index_cast %add3A_95 : i32 to index
        %get3A_244 = arith.constant 84 : index
        %get3A_245 = tpu.vector_load %arg13[%get3A_243, %get3A_244] {strides = array<i32>} : memref<128x100xf32, #tpu.memory_space<vmem>>, vector<16xf32>,
        %sub3A_246 = arith.subf %get3A_242, %get3A_245 : vector<16xf32>
        %abs3A_247 = math.absf %sub3A_246 : vector<16xf32>
        %mul3A_248 = arith.mulf %abs3A_247, %get3A_15 : vector<16xf32>
        %add3A_249 = arith.addf %add3A_239, %mul3A_248 : vector<16xf32>
        %get3A_250 = arith.index_cast %add3A_95 : i32 to index
        %get3A_251 = arith.constant 84 : index
        %get3A_252 = tpu.vector_load %arg14[%get3A_250, %get3A_251] {strides = array<i32>} : memref<128x100xf32, #tpu.memory_space<vmem>>, vector<16xf32>,
        %sub3A_253 = arith.subf %get3A_242, %get3A_252 : vector<16xf32>
        %abs3A_254 = math.absf %sub3A_253 : vector<16xf32>
        %mul3A_255 = arith.mulf %abs3A_254, %get3A_29 : vector<16xf32>
        %add3A_256 = arith.addf %add3A_249, %mul3A_255 : vector<16xf32>
        %get3A_257 = arith.index_cast %add3A_95 : i32 to index
        %get3A_258 = arith.constant 84 : index
        %get3A_259 = tpu.vector_load %arg15[%get3A_257, %get3A_258] {strides = array<i32>} : memref<128x100xf32, #tpu.memory_space<vmem>>, vector<16xf32>,
        %sub3A_260 = arith.subf %get3A_242, %get3A_259 : vector<16xf32>
        %abs3A_261 = math.absf %sub3A_260 : vector<16xf32>
        %mul3A_262 = arith.mulf %abs3A_261, %get3A_43 : vector<16xf32>
        %add3A_263 = arith.addf %add3A_256, %mul3A_262 : vector<16xf32>
        %eq3A = arith.constant 0 : i32
        %eq3A_264 = vector.broadcast %eq3A : i32 to vector<16xi32>
        %eq3A_265 = arith.cmpi eq, %iota3A, %eq3A_264 : vector<16xi32>
        %reduce_sum3A = arith.constant true
        %reduce_sum3A_266 = vector.broadcast %reduce_sum3A : i1 to vector<16xi1>
        %reduce_sum3A_267 = tpu.scan <sum>, %add3A_263 masked %reduce_sum3A_266 : vector<16xf32>, vector<16xi1> -> vector<16xf32>
        %reduce_sum3A_268 = vector.extract %reduce_sum3A_267[15] : f32 from vector<16xf32>
        %broadcast_in_dim3A_269 = vector.broadcast %reduce_sum3A_268 : f32 to vector<16xf32>
        %select_n3A = arith.select %eq3A_265, %broadcast_in_dim3A_269, %broadcast_in_dim3A_91 : vector<16xi1>, vector<16xf32>
        %mul3A_270 = arith.constant 16 : i32
        %mul3A_271 = arith.muli %scan3A_90, %mul3A_270 : i32
        %add3A_272 = arith.constant 1 : i32
        %add3A_273 = arith.addi %mul3A_271, %add3A_272 : i32
        %broadcast_in_dim3A_274 = arith.constant 0.000000e+00 : f32
        %broadcast_in_dim3A_275 = vector.broadcast %broadcast_in_dim3A_274 : f32 to vector<16xf32>
        %get3A_276 = arith.index_cast %add3A_273 : i32 to index
        %get3A_277 = arith.constant 0 : index
        %get3A_278 = tpu.vector_load %arg12[%get3A_276, %get3A_277] {strides = array<i32>} : memref<128x100xf32, #tpu.memory_space<vmem>>, vector<16xf32>,
        %get3A_279 = arith.index_cast %add3A_273 : i32 to index
        %get3A_280 = arith.constant 0 : index
        %get3A_281 = tpu.vector_load %arg13[%get3A_279, %get3A_280] {strides = array<i32>} : memref<128x100xf32, #tpu.memory_space<vmem>>, vector<16xf32>,
        %sub3A_282 = arith.subf %get3A_278, %get3A_281 : vector<16xf32>
        %abs3A_283 = math.absf %sub3A_282 : vector<16xf32>
        %mul3A_284 = arith.mulf %abs3A_283, %get3A_3 : vector<16xf32>
        %add3A_285 = arith.addf %broadcast_in_dim3A_275, %mul3A_284 : vector<16xf32>
        %get3A_286 = arith.index_cast %add3A_273 : i32 to index
        %get3A_287 = arith.constant 0 : index
        %get3A_288 = tpu.vector_load %arg14[%get3A_286, %get3A_287] {strides = array<i32>} : memref<128x100xf32, #tpu.memory_space<vmem>>, vector<16xf32>,
        %sub3A_289 = arith.subf %get3A_278, %get3A_288 : vector<16xf32>
        %abs3A_290 = math.absf %sub3A_289 : vector<16xf32>
        %mul3A_291 = arith.mulf %abs3A_290, %get3A_17 : vector<16xf32>
        %add3A_292 = arith.addf %add3A_285, %mul3A_291 : vector<16xf32>
        %get3A_293 = arith.index_cast %add3A_273 : i32 to index
        %get3A_294 = arith.constant 0 : index
        %get3A_295 = tpu.vector_load %arg15[%get3A_293, %get3A_294] {strides = array<i32>} : memref<128x100xf32, #tpu.memory_space<vmem>>, vector<16xf32>,
        %sub3A_296 = arith.subf %get3A_278, %get3A_295 : vector<16xf32>
        %abs3A_297 = math.absf %sub3A_296 : vector<16xf32>
        %mul3A_298 = arith.mulf %abs3A_297, %get3A_31 : vector<16xf32>
        %add3A_299 = arith.addf %add3A_292, %mul3A_298 : vector<16xf32>
        %get3A_300 = arith.index_cast %add3A_273 : i32 to index
        %get3A_301 = arith.constant 16 : index
        %get3A_302 = tpu.vector_load %arg12[%get3A_300, %get3A_301] {strides = array<i32>} : memref<128x100xf32, #tpu.memory_space<vmem>>, vector<16xf32>,
        %get3A_303 = arith.index_cast %add3A_273 : i32 to index
        %get3A_304 = arith.constant 16 : index
        %get3A_305 = tpu.vector_load %arg13[%get3A_303, %get3A_304] {strides = array<i32>} : memref<128x100xf32, #tpu.memory_space<vmem>>, vector<16xf32>,
        %sub3A_306 = arith.subf %get3A_302, %get3A_305 : vector<16xf32>
        %abs3A_307 = math.absf %sub3A_306 : vector<16xf32>
        %mul3A_308 = arith.mulf %abs3A_307, %get3A_5 : vector<16xf32>
        %add3A_309 = arith.addf %add3A_299, %mul3A_308 : vector<16xf32>
        %get3A_310 = arith.index_cast %add3A_273 : i32 to index
        %get3A_311 = arith.constant 16 : index
        %get3A_312 = tpu.vector_load %arg14[%get3A_310, %get3A_311] {strides = array<i32>} : memref<128x100xf32, #tpu.memory_space<vmem>>, vector<16xf32>,
        %sub3A_313 = arith.subf %get3A_302, %get3A_312 : vector<16xf32>
        %abs3A_314 = math.absf %sub3A_313 : vector<16xf32>
        %mul3A_315 = arith.mulf %abs3A_314, %get3A_19 : vector<16xf32>
        %add3A_316 = arith.addf %add3A_309, %mul3A_315 : vector<16xf32>
        %get3A_317 = arith.index_cast %add3A_273 : i32 to index
        %get3A_318 = arith.constant 16 : index
        %get3A_319 = tpu.vector_load %arg15[%get3A_317, %get3A_318] {strides = array<i32>} : memref<128x100xf32, #tpu.memory_space<vmem>>, vector<16xf32>,
        %sub3A_320 = arith.subf %get3A_302, %get3A_319 : vector<16xf32>
        %abs3A_321 = math.absf %sub3A_320 : vector<16xf32>
        %mul3A_322 = arith.mulf %abs3A_321, %get3A_33 : vector<16xf32>
        %add3A_323 = arith.addf %add3A_316, %mul3A_322 : vector<16xf32>
        %get3A_324 = arith.index_cast %add3A_273 : i32 to index
        %get3A_325 = arith.constant 32 : index
        %get3A_326 = tpu.vector_load %arg12[%get3A_324, %get3A_325] {strides = array<i32>} : memref<128x100xf32, #tpu.memory_space<vmem>>, vector<16xf32>,
        %get3A_327 = arith.index_cast %add3A_273 : i32 to index
        %get3A_328 = arith.constant 32 : index
        %get3A_329 = tpu.vector_load %arg13[%get3A_327, %get3A_328] {strides = array<i32>} : memref<128x100xf32, #tpu.memory_space<vmem>>, vector<16xf32>,
        %sub3A_330 = arith.subf %get3A_326, %get3A_329 : vector<16xf32>
        %abs3A_331 = math.absf %sub3A_330 : vector<16xf32>
        %mul3A_332 = arith.mulf %abs3A_331, %get3A_7 : vector<16xf32>
        %add3A_333 = arith.addf %add3A_323, %mul3A_332 : vector<16xf32>
        %get3A_334 = arith.index_cast %add3A_273 : i32 to index
        %get3A_335 = arith.constant 32 : index
        %get3A_336 = tpu.vector_load %arg14[%get3A_334, %get3A_335] {strides = array<i32>} : memref<128x100xf32, #tpu.memory_space<vmem>>, vector<16xf32>,
        %sub3A_337 = arith.subf %get3A_326, %get3A_336 : vector<16xf32>
        %abs3A_338 = math.absf %sub3A_337 : vector<16xf32>
        %mul3A_339 = arith.mulf %abs3A_338, %get3A_21 : vector<16xf32>
        %add3A_340 = arith.addf %add3A_333, %mul3A_339 : vector<16xf32>
        %get3A_341 = arith.index_cast %add3A_273 : i32 to index
        %get3A_342 = arith.constant 32 : index
        %get3A_343 = tpu.vector_load %arg15[%get3A_341, %get3A_342] {strides = array<i32>} : memref<128x100xf32, #tpu.memory_space<vmem>>, vector<16xf32>,
        %sub3A_344 = arith.subf %get3A_326, %get3A_343 : vector<16xf32>
        %abs3A_345 = math.absf %sub3A_344 : vector<16xf32>
        %mul3A_346 = arith.mulf %abs3A_345, %get3A_35 : vector<16xf32>
        %add3A_347 = arith.addf %add3A_340, %mul3A_346 : vector<16xf32>
        %get3A_348 = arith.index_cast %add3A_273 : i32 to index
        %get3A_349 = arith.constant 48 : index
        %get3A_350 = tpu.vector_load %arg12[%get3A_348, %get3A_349] {strides = array<i32>} : memref<128x100xf32, #tpu.memory_space<vmem>>, vector<16xf32>,
        %get3A_351 = arith.index_cast %add3A_273 : i32 to index
        %get3A_352 = arith.constant 48 : index
        %get3A_353 = tpu.vector_load %arg13[%get3A_351, %get3A_352] {strides = array<i32>} : memref<128x100xf32, #tpu.memory_space<vmem>>, vector<16xf32>,
        %sub3A_354 = arith.subf %get3A_350, %get3A_353 : vector<16xf32>
        %abs3A_355 = math.absf %sub3A_354 : vector<16xf32>
        %mul3A_356 = arith.mulf %abs3A_355, %get3A_9 : vector<16xf32>
        %add3A_357 = arith.addf %add3A_347, %mul3A_356 : vector<16xf32>
        %get3A_358 = arith.index_cast %add3A_273 : i32 to index
        %get3A_359 = arith.constant 48 : index
        %get3A_360 = tpu.vector_load %arg14[%get3A_358, %get3A_359] {strides = array<i32>} : memref<128x100xf32, #tpu.memory_space<vmem>>, vector<16xf32>,
        %sub3A_361 = arith.subf %get3A_350, %get3A_360 : vector<16xf32>
        %abs3A_362 = math.absf %sub3A_361 : vector<16xf32>
        %mul3A_363 = arith.mulf %abs3A_362, %get3A_23 : vector<16xf32>
        %add3A_364 = arith.addf %add3A_357, %mul3A_363 : vector<16xf32>
        %get3A_365 = arith.index_cast %add3A_273 : i32 to index
        %get3A_366 = arith.constant 48 : index
        %get3A_367 = tpu.vector_load %arg15[%get3A_365, %get3A_366] {strides = array<i32>} : memref<128x100xf32, #tpu.memory_space<vmem>>, vector<16xf32>,
        %sub3A_368 = arith.subf %get3A_350, %get3A_367 : vector<16xf32>
        %abs3A_369 = math.absf %sub3A_368 : vector<16xf32>
        %mul3A_370 = arith.mulf %abs3A_369, %get3A_37 : vector<16xf32>
        %add3A_371 = arith.addf %add3A_364, %mul3A_370 : vector<16xf32>
        %get3A_372 = arith.index_cast %add3A_273 : i32 to index
        %get3A_373 = arith.constant 64 : index
        %get3A_374 = tpu.vector_load %arg12[%get3A_372, %get3A_373] {strides = array<i32>} : memref<128x100xf32, #tpu.memory_space<vmem>>, vector<16xf32>,
        %get3A_375 = arith.index_cast %add3A_273 : i32 to index
        %get3A_376 = arith.constant 64 : index
        %get3A_377 = tpu.vector_load %arg13[%get3A_375, %get3A_376] {strides = array<i32>} : memref<128x100xf32, #tpu.memory_space<vmem>>, vector<16xf32>,
        %sub3A_378 = arith.subf %get3A_374, %get3A_377 : vector<16xf32>
        %abs3A_379 = math.absf %sub3A_378 : vector<16xf32>
        %mul3A_380 = arith.mulf %abs3A_379, %get3A_11 : vector<16xf32>
        %add3A_381 = arith.addf %add3A_371, %mul3A_380 : vector<16xf32>
        %get3A_382 = arith.index_cast %add3A_273 : i32 to index
        %get3A_383 = arith.constant 64 : index
        %get3A_384 = tpu.vector_load %arg14[%get3A_382, %get3A_383] {strides = array<i32>} : memref<128x100xf32, #tpu.memory_space<vmem>>, vector<16xf32>,
        %sub3A_385 = arith.subf %get3A_374, %get3A_384 : vector<16xf32>
        %abs3A_386 = math.absf %sub3A_385 : vector<16xf32>
        %mul3A_387 = arith.mulf %abs3A_386, %get3A_25 : vector<16xf32>
        %add3A_388 = arith.addf %add3A_381, %mul3A_387 : vector<16xf32>
        %get3A_389 = arith.index_cast %add3A_273 : i32 to index
        %get3A_390 = arith.constant 64 : index
        %get3A_391 = tpu.vector_load %arg15[%get3A_389, %get3A_390] {strides = array<i32>} : memref<128x100xf32, #tpu.memory_space<vmem>>, vector<16xf32>,
        %sub3A_392 = arith.subf %get3A_374, %get3A_391 : vector<16xf32>
        %abs3A_393 = math.absf %sub3A_392 : vector<16xf32>
        %mul3A_394 = arith.mulf %abs3A_393, %get3A_39 : vector<16xf32>
        %add3A_395 = arith.addf %add3A_388, %mul3A_394 : vector<16xf32>
        %get3A_396 = arith.index_cast %add3A_273 : i32 to index
        %get3A_397 = arith.constant 80 : index
        %get3A_398 = tpu.vector_load %arg12[%get3A_396, %get3A_397] {strides = array<i32>} : memref<128x100xf32, #tpu.memory_space<vmem>>, vector<16xf32>,
        %get3A_399 = arith.index_cast %add3A_273 : i32 to index
        %get3A_400 = arith.constant 80 : index
        %get3A_401 = tpu.vector_load %arg13[%get3A_399, %get3A_400] {strides = array<i32>} : memref<128x100xf32, #tpu.memory_space<vmem>>, vector<16xf32>,
        %sub3A_402 = arith.subf %get3A_398, %get3A_401 : vector<16xf32>
        %abs3A_403 = math.absf %sub3A_402 : vector<16xf32>
        %mul3A_404 = arith.mulf %abs3A_403, %get3A_13 : vector<16xf32>
        %add3A_405 = arith.addf %add3A_395, %mul3A_404 : vector<16xf32>
        %get3A_406 = arith.index_cast %add3A_273 : i32 to index
        %get3A_407 = arith.constant 80 : index
        %get3A_408 = tpu.vector_load %arg14[%get3A_406, %get3A_407] {strides = array<i32>} : memref<128x100xf32, #tpu.memory_space<vmem>>, vector<16xf32>,
        %sub3A_409 = arith.subf %get3A_398, %get3A_408 : vector<16xf32>
        %abs3A_410 = math.absf %sub3A_409 : vector<16xf32>
        %mul3A_411 = arith.mulf %abs3A_410, %get3A_27 : vector<16xf32>
        %add3A_412 = arith.addf %add3A_405, %mul3A_411 : vector<16xf32>
        %get3A_413 = arith.index_cast %add3A_273 : i32 to index
        %get3A_414 = arith.constant 80 : index
        %get3A_415 = tpu.vector_load %arg15[%get3A_413, %get3A_414] {strides = array<i32>} : memref<128x100xf32, #tpu.memory_space<vmem>>, vector<16xf32>,
        %sub3A_416 = arith.subf %get3A_398, %get3A_415 : vector<16xf32>
        %abs3A_417 = math.absf %sub3A_416 : vector<16xf32>
        %mul3A_418 = arith.mulf %abs3A_417, %get3A_41 : vector<16xf32>
        %add3A_419 = arith.addf %add3A_412, %mul3A_418 : vector<16xf32>
        %get3A_420 = arith.index_cast %add3A_273 : i32 to index
        %get3A_421 = arith.constant 84 : index
        %get3A_422 = tpu.vector_load %arg12[%get3A_420, %get3A_421] {strides = array<i32>} : memref<128x100xf32, #tpu.memory_space<vmem>>, vector<16xf32>,
        %get3A_423 = arith.index_cast %add3A_273 : i32 to index
        %get3A_424 = arith.constant 84 : index
        %get3A_425 = tpu.vector_load %arg13[%get3A_423, %get3A_424] {strides = array<i32>} : memref<128x100xf32, #tpu.memory_space<vmem>>, vector<16xf32>,
        %sub3A_426 = arith.subf %get3A_422, %get3A_425 : vector<16xf32>
        %abs3A_427 = math.absf %sub3A_426 : vector<16xf32>
        %mul3A_428 = arith.mulf %abs3A_427, %get3A_15 : vector<16xf32>
        %add3A_429 = arith.addf %add3A_419, %mul3A_428 : vector<16xf32>
        %get3A_430 = arith.index_cast %add3A_273 : i32 to index
        %get3A_431 = arith.constant 84 : index
        %get3A_432 = tpu.vector_load %arg14[%get3A_430, %get3A_431] {strides = array<i32>} : memref<128x100xf32, #tpu.memory_space<vmem>>, vector<16xf32>,
        %sub3A_433 = arith.subf %get3A_422, %get3A_432 : vector<16xf32>
        %abs3A_434 = math.absf %sub3A_433 : vector<16xf32>
        %mul3A_435 = arith.mulf %abs3A_434, %get3A_29 : vector<16xf32>
        %add3A_436 = arith.addf %add3A_429, %mul3A_435 : vector<16xf32>
        %get3A_437 = arith.index_cast %add3A_273 : i32 to index
        %get3A_438 = arith.constant 84 : index
        %get3A_439 = tpu.vector_load %arg15[%get3A_437, %get3A_438] {strides = array<i32>} : memref<128x100xf32, #tpu.memory_space<vmem>>, vector<16xf32>,
        %sub3A_440 = arith.subf %get3A_422, %get3A_439 : vector<16xf32>
        %abs3A_441 = math.absf %sub3A_440 : vector<16xf32>
        %mul3A_442 = arith.mulf %abs3A_441, %get3A_43 : vector<16xf32>
        %add3A_443 = arith.addf %add3A_436, %mul3A_442 : vector<16xf32>
        %eq3A_444 = arith.constant 1 : i32
        %eq3A_445 = vector.broadcast %eq3A_444 : i32 to vector<16xi32>
        %eq3A_446 = arith.cmpi eq, %iota3A, %eq3A_445 : vector<16xi32>
        %reduce_sum3A_447 = arith.constant true
        %reduce_sum3A_448 = vector.broadcast %reduce_sum3A_447 : i1 to vector<16xi1>
        %reduce_sum3A_449 = tpu.scan <sum>, %add3A_443 masked %reduce_sum3A_448 : vector<16xf32>, vector<16xi1> -> vector<16xf32>
        %reduce_sum3A_450 = vector.extract %reduce_sum3A_449[15] : f32 from vector<16xf32>
        %broadcast_in_dim3A_451 = vector.broadcast %reduce_sum3A_450 : f32 to vector<16xf32>
        %select_n3A_452 = arith.select %eq3A_446, %broadcast_in_dim3A_451, %select_n3A : vector<16xi1>, vector<16xf32>
        %mul3A_453 = arith.constant 16 : i32
        %mul3A_454 = arith.muli %scan3A_90, %mul3A_453 : i32
        %add3A_455 = arith.constant 2 : i32
        %add3A_456 = arith.addi %mul3A_454, %add3A_455 : i32
        %broadcast_in_dim3A_457 = arith.constant 0.000000e+00 : f32
        %broadcast_in_dim3A_458 = vector.broadcast %broadcast_in_dim3A_457 : f32 to vector<16xf32>
        %get3A_459 = arith.index_cast %add3A_456 : i32 to index
        %get3A_460 = arith.constant 0 : index
        %get3A_461 = tpu.vector_load %arg12[%get3A_459, %get3A_460] {strides = array<i32>} : memref<128x100xf32, #tpu.memory_space<vmem>>, vector<16xf32>,
        %get3A_462 = arith.index_cast %add3A_456 : i32 to index
        %get3A_463 = arith.constant 0 : index
        %get3A_464 = tpu.vector_load %arg13[%get3A_462, %get3A_463] {strides = array<i32>} : memref<128x100xf32, #tpu.memory_space<vmem>>, vector<16xf32>,
        %sub3A_465 = arith.subf %get3A_461, %get3A_464 : vector<16xf32>
        %abs3A_466 = math.absf %sub3A_465 : vector<16xf32>
        %mul3A_467 = arith.mulf %abs3A_466, %get3A_3 : vector<16xf32>
        %add3A_468 = arith.addf %broadcast_in_dim3A_458, %mul3A_467 : vector<16xf32>
        %get3A_469 = arith.index_cast %add3A_456 : i32 to index
        %get3A_470 = arith.constant 0 : index
        %get3A_471 = tpu.vector_load %arg14[%get3A_469, %get3A_470] {strides = array<i32>} : memref<128x100xf32, #tpu.memory_space<vmem>>, vector<16xf32>,
        %sub3A_472 = arith.subf %get3A_461, %get3A_471 : vector<16xf32>
        %abs3A_473 = math.absf %sub3A_472 : vector<16xf32>
        %mul3A_474 = arith.mulf %abs3A_473, %get3A_17 : vector<16xf32>
        %add3A_475 = arith.addf %add3A_468, %mul3A_474 : vector<16xf32>
        %get3A_476 = arith.index_cast %add3A_456 : i32 to index
        %get3A_477 = arith.constant 0 : index
        %get3A_478 = tpu.vector_load %arg15[%get3A_476, %get3A_477] {strides = array<i32>} : memref<128x100xf32, #tpu.memory_space<vmem>>, vector<16xf32>,
        %sub3A_479 = arith.subf %get3A_461, %get3A_478 : vector<16xf32>
        %abs3A_480 = math.absf %sub3A_479 : vector<16xf32>
        %mul3A_481 = arith.mulf %abs3A_480, %get3A_31 : vector<16xf32>
        %add3A_482 = arith.addf %add3A_475, %mul3A_481 : vector<16xf32>
        %get3A_483 = arith.index_cast %add3A_456 : i32 to index
        %get3A_484 = arith.constant 16 : index
        %get3A_485 = tpu.vector_load %arg12[%get3A_483, %get3A_484] {strides = array<i32>} : memref<128x100xf32, #tpu.memory_space<vmem>>, vector<16xf32>,
        %get3A_486 = arith.index_cast %add3A_456 : i32 to index
        %get3A_487 = arith.constant 16 : index
        %get3A_488 = tpu.vector_load %arg13[%get3A_486, %get3A_487] {strides = array<i32>} : memref<128x100xf32, #tpu.memory_space<vmem>>, vector<16xf32>,
        %sub3A_489 = arith.subf %get3A_485, %get3A_488 : vector<16xf32>
        %abs3A_490 = math.absf %sub3A_489 : vector<16xf32>
        %mul3A_491 = arith.mulf %abs3A_490, %get3A_5 : vector<16xf32>
        %add3A_492 = arith.addf %add3A_482, %mul3A_491 : vector<16xf32>
        %get3A_493 = arith.index_cast %add3A_456 : i32 to index
        %get3A_494 = arith.constant 16 : index
        %get3A_495 = tpu.vector_load %arg14[%get3A_493, %get3A_494] {strides = array<i32>} : memref<128x100xf32, #tpu.memory_space<vmem>>, vector<16xf32>,
        %sub3A_496 = arith.subf %get3A_485, %get3A_495 : vector<16xf32>
        %abs3A_497 = math.absf %sub3A_496 : vector<16xf32>
        %mul3A_498 = arith.mulf %abs3A_497, %get3A_19 : vector<16xf32>
        %add3A_499 = arith.addf %add3A_492, %mul3A_498 : vector<16xf32>
        %get3A_500 = arith.index_cast %add3A_456 : i32 to index
        %get3A_501 = arith.constant 16 : index
        %get3A_502 = tpu.vector_load %arg15[%get3A_500, %get3A_501] {strides = array<i32>} : memref<128x100xf32, #tpu.memory_space<vmem>>, vector<16xf32>,
        %sub3A_503 = arith.subf %get3A_485, %get3A_502 : vector<16xf32>
        %abs3A_504 = math.absf %sub3A_503 : vector<16xf32>
        %mul3A_505 = arith.mulf %abs3A_504, %get3A_33 : vector<16xf32>
        %add3A_506 = arith.addf %add3A_499, %mul3A_505 : vector<16xf32>
        %get3A_507 = arith.index_cast %add3A_456 : i32 to index
        %get3A_508 = arith.constant 32 : index
        %get3A_509 = tpu.vector_load %arg12[%get3A_507, %get3A_508] {strides = array<i32>} : memref<128x100xf32, #tpu.memory_space<vmem>>, vector<16xf32>,
        %get3A_510 = arith.index_cast %add3A_456 : i32 to index
        %get3A_511 = arith.constant 32 : index
        %get3A_512 = tpu.vector_load %arg13[%get3A_510, %get3A_511] {strides = array<i32>} : memref<128x100xf32, #tpu.memory_space<vmem>>, vector<16xf32>,
        %sub3A_513 = arith.subf %get3A_509, %get3A_512 : vector<16xf32>
        %abs3A_514 = math.absf %sub3A_513 : vector<16xf32>
        %mul3A_515 = arith.mulf %abs3A_514, %get3A_7 : vector<16xf32>
        %add3A_516 = arith.addf %add3A_506, %mul3A_515 : vector<16xf32>
        %get3A_517 = arith.index_cast %add3A_456 : i32 to index
        %get3A_518 = arith.constant 32 : index
        %get3A_519 = tpu.vector_load %arg14[%get3A_517, %get3A_518] {strides = array<i32>} : memref<128x100xf32, #tpu.memory_space<vmem>>, vector<16xf32>,
        %sub3A_520 = arith.subf %get3A_509, %get3A_519 : vector<16xf32>
        %abs3A_521 = math.absf %sub3A_520 : vector<16xf32>
        %mul3A_522 = arith.mulf %abs3A_521, %get3A_21 : vector<16xf32>
        %add3A_523 = arith.addf %add3A_516, %mul3A_522 : vector<16xf32>
        %get3A_524 = arith.index_cast %add3A_456 : i32 to index
        %get3A_525 = arith.constant 32 : index
        %get3A_526 = tpu.vector_load %arg15[%get3A_524, %get3A_525] {strides = array<i32>} : memref<128x100xf32, #tpu.memory_space<vmem>>, vector<16xf32>,
        %sub3A_527 = arith.subf %get3A_509, %get3A_526 : vector<16xf32>
        %abs3A_528 = math.absf %sub3A_527 : vector<16xf32>
        %mul3A_529 = arith.mulf %abs3A_528, %get3A_35 : vector<16xf32>
        %add3A_530 = arith.addf %add3A_523, %mul3A_529 : vector<16xf32>
        %get3A_531 = arith.index_cast %add3A_456 : i32 to index
        %get3A_532 = arith.constant 48 : index
        %get3A_533 = tpu.vector_load %arg12[%get3A_531, %get3A_532] {strides = array<i32>} : memref<128x100xf32, #tpu.memory_space<vmem>>, vector<16xf32>,
        %get3A_534 = arith.index_cast %add3A_456 : i32 to index
        %get3A_535 = arith.constant 48 : index
        %get3A_536 = tpu.vector_load %arg13[%get3A_534, %get3A_535] {strides = array<i32>} : memref<128x100xf32, #tpu.memory_space<vmem>>, vector<16xf32>,
        %sub3A_537 = arith.subf %get3A_533, %get3A_536 : vector<16xf32>
        %abs3A_538 = math.absf %sub3A_537 : vector<16xf32>
        %mul3A_539 = arith.mulf %abs3A_538, %get3A_9 : vector<16xf32>
        %add3A_540 = arith.addf %add3A_530, %mul3A_539 : vector<16xf32>
        %get3A_541 = arith.index_cast %add3A_456 : i32 to index
        %get3A_542 = arith.constant 48 : index
        %get3A_543 = tpu.vector_load %arg14[%get3A_541, %get3A_542] {strides = array<i32>} : memref<128x100xf32, #tpu.memory_space<vmem>>, vector<16xf32>,
        %sub3A_544 = arith.subf %get3A_533, %get3A_543 : vector<16xf32>
        %abs3A_545 = math.absf %sub3A_544 : vector<16xf32>
        %mul3A_546 = arith.mulf %abs3A_545, %get3A_23 : vector<16xf32>
        %add3A_547 = arith.addf %add3A_540, %mul3A_546 : vector<16xf32>
        %get3A_548 = arith.index_cast %add3A_456 : i32 to index
        %get3A_549 = arith.constant 48 : index
        %get3A_550 = tpu.vector_load %arg15[%get3A_548, %get3A_549] {strides = array<i32>} : memref<128x100xf32, #tpu.memory_space<vmem>>, vector<16xf32>,
        %sub3A_551 = arith.subf %get3A_533, %get3A_550 : vector<16xf32>
        %abs3A_552 = math.absf %sub3A_551 : vector<16xf32>
        %mul3A_553 = arith.mulf %abs3A_552, %get3A_37 : vector<16xf32>
        %add3A_554 = arith.addf %add3A_547, %mul3A_553 : vector<16xf32>
        %get3A_555 = arith.index_cast %add3A_456 : i32 to index
        %get3A_556 = arith.constant 64 : index
        %get3A_557 = tpu.vector_load %arg12[%get3A_555, %get3A_556] {strides = array<i32>} : memref<128x100xf32, #tpu.memory_space<vmem>>, vector<16xf32>,
        %get3A_558 = arith.index_cast %add3A_456 : i32 to index
        %get3A_559 = arith.constant 64 : index
        %get3A_560 = tpu.vector_load %arg13[%get3A_558, %get3A_559] {strides = array<i32>} : memref<128x100xf32, #tpu.memory_space<vmem>>, vector<16xf32>,
        %sub3A_561 = arith.subf %get3A_557, %get3A_560 : vector<16xf32>
        %abs3A_562 = math.absf %sub3A_561 : vector<16xf32>
        %mul3A_563 = arith.mulf %abs3A_562, %get3A_11 : vector<16xf32>
        %add3A_564 = arith.addf %add3A_554, %mul3A_563 : vector<16xf32>
        %get3A_565 = arith.index_cast %add3A_456 : i32 to index
        %get3A_566 = arith.constant 64 : index
        %get3A_567 = tpu.vector_load %arg14[%get3A_565, %get3A_566] {strides = array<i32>} : memref<128x100xf32, #tpu.memory_space<vmem>>, vector<16xf32>,
        %sub3A_568 = arith.subf %get3A_557, %get3A_567 : vector<16xf32>
        %abs3A_569 = math.absf %sub3A_568 : vector<16xf32>
        %mul3A_570 = arith.mulf %abs3A_569, %get3A_25 : vector<16xf32>
        %add3A_571 = arith.addf %add3A_564, %mul3A_570 : vector<16xf32>
        %get3A_572 = arith.index_cast %add3A_456 : i32 to index
        %get3A_573 = arith.constant 64 : index
        %get3A_574 = tpu.vector_load %arg15[%get3A_572, %get3A_573] {strides = array<i32>} : memref<128x100xf32, #tpu.memory_space<vmem>>, vector<16xf32>,
        %sub3A_575 = arith.subf %get3A_557, %get3A_574 : vector<16xf32>
        %abs3A_576 = math.absf %sub3A_575 : vector<16xf32>
        %mul3A_577 = arith.mulf %abs3A_576, %get3A_39 : vector<16xf32>
        %add3A_578 = arith.addf %add3A_571, %mul3A_577 : vector<16xf32>
        %get3A_579 = arith.index_cast %add3A_456 : i32 to index
        %get3A_580 = arith.constant 80 : index
        %get3A_581 = tpu.vector_load %arg12[%get3A_579, %get3A_580] {strides = array<i32>} : memref<128x100xf32, #tpu.memory_space<vmem>>, vector<16xf32>,
        %get3A_582 = arith.index_cast %add3A_456 : i32 to index
        %get3A_583 = arith.constant 80 : index
        %get3A_584 = tpu.vector_load %arg13[%get3A_582, %get3A_583] {strides = array<i32>} : memref<128x100xf32, #tpu.memory_space<vmem>>, vector<16xf32>,
        %sub3A_585 = arith.subf %get3A_581, %get3A_584 : vector<16xf32>
        %abs3A_586 = math.absf %sub3A_585 : vector<16xf32>
        %mul3A_587 = arith.mulf %abs3A_586, %get3A_13 : vector<16xf32>
        %add3A_588 = arith.addf %add3A_578, %mul3A_587 : vector<16xf32>
        %get3A_589 = arith.index_cast %add3A_456 : i32 to index
        %get3A_590 = arith.constant 80 : index
        %get3A_591 = tpu.vector_load %arg14[%get3A_589, %get3A_590] {strides = array<i32>} : memref<128x100xf32, #tpu.memory_space<vmem>>, vector<16xf32>,
        %sub3A_592 = arith.subf %get3A_581, %get3A_591 : vector<16xf32>
        %abs3A_593 = math.absf %sub3A_592 : vector<16xf32>
        %mul3A_594 = arith.mulf %abs3A_593, %get3A_27 : vector<16xf32>
        %add3A_595 = arith.addf %add3A_588, %mul3A_594 : vector<16xf32>
        %get3A_596 = arith.index_cast %add3A_456 : i32 to index
        %get3A_597 = arith.constant 80 : index
        %get3A_598 = tpu.vector_load %arg15[%get3A_596, %get3A_597] {strides = array<i32>} : memref<128x100xf32, #tpu.memory_space<vmem>>, vector<16xf32>,
        %sub3A_599 = arith.subf %get3A_581, %get3A_598 : vector<16xf32>
        %abs3A_600 = math.absf %sub3A_599 : vector<16xf32>
        %mul3A_601 = arith.mulf %abs3A_600, %get3A_41 : vector<16xf32>
        %add3A_602 = arith.addf %add3A_595, %mul3A_601 : vector<16xf32>
        %get3A_603 = arith.index_cast %add3A_456 : i32 to index
        %get3A_604 = arith.constant 84 : index
        %get3A_605 = tpu.vector_load %arg12[%get3A_603, %get3A_604] {strides = array<i32>} : memref<128x100xf32, #tpu.memory_space<vmem>>, vector<16xf32>,
        %get3A_606 = arith.index_cast %add3A_456 : i32 to index
        %get3A_607 = arith.constant 84 : index
        %get3A_608 = tpu.vector_load %arg13[%get3A_606, %get3A_607] {strides = array<i32>} : memref<128x100xf32, #tpu.memory_space<vmem>>, vector<16xf32>,
        %sub3A_609 = arith.subf %get3A_605, %get3A_608 : vector<16xf32>
        %abs3A_610 = math.absf %sub3A_609 : vector<16xf32>
        %mul3A_611 = arith.mulf %abs3A_610, %get3A_15 : vector<16xf32>
        %add3A_612 = arith.addf %add3A_602, %mul3A_611 : vector<16xf32>
        %get3A_613 = arith.index_cast %add3A_456 : i32 to index
        %get3A_614 = arith.constant 84 : index
        %get3A_615 = tpu.vector_load %arg14[%get3A_613, %get3A_614] {strides = array<i32>} : memref<128x100xf32, #tpu.memory_space<vmem>>, vector<16xf32>,
        %sub3A_616 = arith.subf %get3A_605, %get3A_615 : vector<16xf32>
        %abs3A_617 = math.absf %sub3A_616 : vector<16xf32>
        %mul3A_618 = arith.mulf %abs3A_617, %get3A_29 : vector<16xf32>
        %add3A_619 = arith.addf %add3A_612, %mul3A_618 : vector<16xf32>
        %get3A_620 = arith.index_cast %add3A_456 : i32 to index
        %get3A_621 = arith.constant 84 : index
        %get3A_622 = tpu.vector_load %arg15[%get3A_620, %get3A_621] {strides = array<i32>} : memref<128x100xf32, #tpu.memory_space<vmem>>, vector<16xf32>,
        %sub3A_623 = arith.subf %get3A_605, %get3A_622 : vector<16xf32>
        %abs3A_624 = math.absf %sub3A_623 : vector<16xf32>
        %mul3A_625 = arith.mulf %abs3A_624, %get3A_43 : vector<16xf32>
        %add3A_626 = arith.addf %add3A_619, %mul3A_625 : vector<16xf32>
        %eq3A_627 = arith.constant 2 : i32
        %eq3A_628 = vector.broadcast %eq3A_627 : i32 to vector<16xi32>
        %eq3A_629 = arith.cmpi eq, %iota3A, %eq3A_628 : vector<16xi32>
        %reduce_sum3A_630 = arith.constant true
        %reduce_sum3A_631 = vector.broadcast %reduce_sum3A_630 : i1 to vector<16xi1>
        %reduce_sum3A_632 = tpu.scan <sum>, %add3A_626 masked %reduce_sum3A_631 : vector<16xf32>, vector<16xi1> -> vector<16xf32>
        %reduce_sum3A_633 = vector.extract %reduce_sum3A_632[15] : f32 from vector<16xf32>
        %broadcast_in_dim3A_634 = vector.broadcast %reduce_sum3A_633 : f32 to vector<16xf32>
        %select_n3A_635 = arith.select %eq3A_629, %broadcast_in_dim3A_634, %select_n3A_452 : vector<16xi1>, vector<16xf32>
        %mul3A_636 = arith.constant 16 : i32
        %mul3A_637 = arith.muli %scan3A_90, %mul3A_636 : i32
        %add3A_638 = arith.constant 3 : i32
        %add3A_639 = arith.addi %mul3A_637, %add3A_638 : i32
        %broadcast_in_dim3A_640 = arith.constant 0.000000e+00 : f32
        %broadcast_in_dim3A_641 = vector.broadcast %broadcast_in_dim3A_640 : f32 to vector<16xf32>
        %get3A_642 = arith.index_cast %add3A_639 : i32 to index
        %get3A_643 = arith.constant 0 : index
        %get3A_644 = tpu.vector_load %arg12[%get3A_642, %get3A_643] {strides = array<i32>} : memref<128x100xf32, #tpu.memory_space<vmem>>, vector<16xf32>,
        %get3A_645 = arith.index_cast %add3A_639 : i32 to index
        %get3A_646 = arith.constant 0 : index
        %get3A_647 = tpu.vector_load %arg13[%get3A_645, %get3A_646] {strides = array<i32>} : memref<128x100xf32, #tpu.memory_space<vmem>>, vector<16xf32>,
        %sub3A_648 = arith.subf %get3A_644, %get3A_647 : vector<16xf32>
        %abs3A_649 = math.absf %sub3A_648 : vector<16xf32>
        %mul3A_650 = arith.mulf %abs3A_649, %get3A_3 : vector<16xf32>
        %add3A_651 = arith.addf %broadcast_in_dim3A_641, %mul3A_650 : vector<16xf32>
        %get3A_652 = arith.index_cast %add3A_639 : i32 to index
        %get3A_653 = arith.constant 0 : index
        %get3A_654 = tpu.vector_load %arg14[%get3A_652, %get3A_653] {strides = array<i32>} : memref<128x100xf32, #tpu.memory_space<vmem>>, vector<16xf32>,
        %sub3A_655 = arith.subf %get3A_644, %get3A_654 : vector<16xf32>
        %abs3A_656 = math.absf %sub3A_655 : vector<16xf32>
        %mul3A_657 = arith.mulf %abs3A_656, %get3A_17 : vector<16xf32>
        %add3A_658 = arith.addf %add3A_651, %mul3A_657 : vector<16xf32>
        %get3A_659 = arith.index_cast %add3A_639 : i32 to index
        %get3A_660 = arith.constant 0 : index
        %get3A_661 = tpu.vector_load %arg15[%get3A_659, %get3A_660] {strides = array<i32>} : memref<128x100xf32, #tpu.memory_space<vmem>>, vector<16xf32>,
        %sub3A_662 = arith.subf %get3A_644, %get3A_661 : vector<16xf32>
        %abs3A_663 = math.absf %sub3A_662 : vector<16xf32>
        %mul3A_664 = arith.mulf %abs3A_663, %get3A_31 : vector<16xf32>
        %add3A_665 = arith.addf %add3A_658, %mul3A_664 : vector<16xf32>
        %get3A_666 = arith.index_cast %add3A_639 : i32 to index
        %get3A_667 = arith.constant 16 : index
        %get3A_668 = tpu.vector_load %arg12[%get3A_666, %get3A_667] {strides = array<i32>} : memref<128x100xf32, #tpu.memory_space<vmem>>, vector<16xf32>,
        %get3A_669 = arith.index_cast %add3A_639 : i32 to index
        %get3A_670 = arith.constant 16 : index
        %get3A_671 = tpu.vector_load %arg13[%get3A_669, %get3A_670] {strides = array<i32>} : memref<128x100xf32, #tpu.memory_space<vmem>>, vector<16xf32>,
        %sub3A_672 = arith.subf %get3A_668, %get3A_671 : vector<16xf32>
        %abs3A_673 = math.absf %sub3A_672 : vector<16xf32>
        %mul3A_674 = arith.mulf %abs3A_673, %get3A_5 : vector<16xf32>
        %add3A_675 = arith.addf %add3A_665, %mul3A_674 : vector<16xf32>
        %get3A_676 = arith.index_cast %add3A_639 : i32 to index
        %get3A_677 = arith.constant 16 : index
        %get3A_678 = tpu.vector_load %arg14[%get3A_676, %get3A_677] {strides = array<i32>} : memref<128x100xf32, #tpu.memory_space<vmem>>, vector<16xf32>,
        %sub3A_679 = arith.subf %get3A_668, %get3A_678 : vector<16xf32>
        %abs3A_680 = math.absf %sub3A_679 : vector<16xf32>
        %mul3A_681 = arith.mulf %abs3A_680, %get3A_19 : vector<16xf32>
        %add3A_682 = arith.addf %add3A_675, %mul3A_681 : vector<16xf32>
        %get3A_683 = arith.index_cast %add3A_639 : i32 to index
        %get3A_684 = arith.constant 16 : index
        %get3A_685 = tpu.vector_load %arg15[%get3A_683, %get3A_684] {strides = array<i32>} : memref<128x100xf32, #tpu.memory_space<vmem>>, vector<16xf32>,
        %sub3A_686 = arith.subf %get3A_668, %get3A_685 : vector<16xf32>
        %abs3A_687 = math.absf %sub3A_686 : vector<16xf32>
        %mul3A_688 = arith.mulf %abs3A_687, %get3A_33 : vector<16xf32>
        %add3A_689 = arith.addf %add3A_682, %mul3A_688 : vector<16xf32>
        %get3A_690 = arith.index_cast %add3A_639 : i32 to index
        %get3A_691 = arith.constant 32 : index
        %get3A_692 = tpu.vector_load %arg12[%get3A_690, %get3A_691] {strides = array<i32>} : memref<128x100xf32, #tpu.memory_space<vmem>>, vector<16xf32>,
        %get3A_693 = arith.index_cast %add3A_639 : i32 to index
        %get3A_694 = arith.constant 32 : index
        %get3A_695 = tpu.vector_load %arg13[%get3A_693, %get3A_694] {strides = array<i32>} : memref<128x100xf32, #tpu.memory_space<vmem>>, vector<16xf32>,
        %sub3A_696 = arith.subf %get3A_692, %get3A_695 : vector<16xf32>
        %abs3A_697 = math.absf %sub3A_696 : vector<16xf32>
        %mul3A_698 = arith.mulf %abs3A_697, %get3A_7 : vector<16xf32>
        %add3A_699 = arith.addf %add3A_689, %mul3A_698 : vector<16xf32>
        %get3A_700 = arith.index_cast %add3A_639 : i32 to index
        %get3A_701 = arith.constant 32 : index
        %get3A_702 = tpu.vector_load %arg14[%get3A_700, %get3A_701] {strides = array<i32>} : memref<128x100xf32, #tpu.memory_space<vmem>>, vector<16xf32>,
        %sub3A_703 = arith.subf %get3A_692, %get3A_702 : vector<16xf32>
        %abs3A_704 = math.absf %sub3A_703 : vector<16xf32>
        %mul3A_705 = arith.mulf %abs3A_704, %get3A_21 : vector<16xf32>
        %add3A_706 = arith.addf %add3A_699, %mul3A_705 : vector<16xf32>
        %get3A_707 = arith.index_cast %add3A_639 : i32 to index
        %get3A_708 = arith.constant 32 : index
        %get3A_709 = tpu.vector_load %arg15[%get3A_707, %get3A_708] {strides = array<i32>} : memref<128x100xf32, #tpu.memory_space<vmem>>, vector<16xf32>,
        %sub3A_710 = arith.subf %get3A_692, %get3A_709 : vector<16xf32>
        %abs3A_711 = math.absf %sub3A_710 : vector<16xf32>
        %mul3A_712 = arith.mulf %abs3A_711, %get3A_35 : vector<16xf32>
        %add3A_713 = arith.addf %add3A_706, %mul3A_712 : vector<16xf32>
        %get3A_714 = arith.index_cast %add3A_639 : i32 to index
        %get3A_715 = arith.constant 48 : index
        %get3A_716 = tpu.vector_load %arg12[%get3A_714, %get3A_715] {strides = array<i32>} : memref<128x100xf32, #tpu.memory_space<vmem>>, vector<16xf32>,
        %get3A_717 = arith.index_cast %add3A_639 : i32 to index
        %get3A_718 = arith.constant 48 : index
        %get3A_719 = tpu.vector_load %arg13[%get3A_717, %get3A_718] {strides = array<i32>} : memref<128x100xf32, #tpu.memory_space<vmem>>, vector<16xf32>,
        %sub3A_720 = arith.subf %get3A_716, %get3A_719 : vector<16xf32>
        %abs3A_721 = math.absf %sub3A_720 : vector<16xf32>
        %mul3A_722 = arith.mulf %abs3A_721, %get3A_9 : vector<16xf32>
        %add3A_723 = arith.addf %add3A_713, %mul3A_722 : vector<16xf32>
        %get3A_724 = arith.index_cast %add3A_639 : i32 to index
        %get3A_725 = arith.constant 48 : index
        %get3A_726 = tpu.vector_load %arg14[%get3A_724, %get3A_725] {strides = array<i32>} : memref<128x100xf32, #tpu.memory_space<vmem>>, vector<16xf32>,
        %sub3A_727 = arith.subf %get3A_716, %get3A_726 : vector<16xf32>
        %abs3A_728 = math.absf %sub3A_727 : vector<16xf32>
        %mul3A_729 = arith.mulf %abs3A_728, %get3A_23 : vector<16xf32>
        %add3A_730 = arith.addf %add3A_723, %mul3A_729 : vector<16xf32>
        %get3A_731 = arith.index_cast %add3A_639 : i32 to index
        %get3A_732 = arith.constant 48 : index
        %get3A_733 = tpu.vector_load %arg15[%get3A_731, %get3A_732] {strides = array<i32>} : memref<128x100xf32, #tpu.memory_space<vmem>>, vector<16xf32>,
        %sub3A_734 = arith.subf %get3A_716, %get3A_733 : vector<16xf32>
        %abs3A_735 = math.absf %sub3A_734 : vector<16xf32>
        %mul3A_736 = arith.mulf %abs3A_735, %get3A_37 : vector<16xf32>
        %add3A_737 = arith.addf %add3A_730, %mul3A_736 : vector<16xf32>
        %get3A_738 = arith.index_cast %add3A_639 : i32 to index
        %get3A_739 = arith.constant 64 : index
        %get3A_740 = tpu.vector_load %arg12[%get3A_738, %get3A_739] {strides = array<i32>} : memref<128x100xf32, #tpu.memory_space<vmem>>, vector<16xf32>,
        %get3A_741 = arith.index_cast %add3A_639 : i32 to index
        %get3A_742 = arith.constant 64 : index
        %get3A_743 = tpu.vector_load %arg13[%get3A_741, %get3A_742] {strides = array<i32>} : memref<128x100xf32, #tpu.memory_space<vmem>>, vector<16xf32>,
        %sub3A_744 = arith.subf %get3A_740, %get3A_743 : vector<16xf32>
        %abs3A_745 = math.absf %sub3A_744 : vector<16xf32>
        %mul3A_746 = arith.mulf %abs3A_745, %get3A_11 : vector<16xf32>
        %add3A_747 = arith.addf %add3A_737, %mul3A_746 : vector<16xf32>
        %get3A_748 = arith.index_cast %add3A_639 : i32 to index
        %get3A_749 = arith.constant 64 : index
        %get3A_750 = tpu.vector_load %arg14[%get3A_748, %get3A_749] {strides = array<i32>} : memref<128x100xf32, #tpu.memory_space<vmem>>, vector<16xf32>,
        %sub3A_751 = arith.subf %get3A_740, %get3A_750 : vector<16xf32>
        %abs3A_752 = math.absf %sub3A_751 : vector<16xf32>
        %mul3A_753 = arith.mulf %abs3A_752, %get3A_25 : vector<16xf32>
        %add3A_754 = arith.addf %add3A_747, %mul3A_753 : vector<16xf32>
        %get3A_755 = arith.index_cast %add3A_639 : i32 to index
        %get3A_756 = arith.constant 64 : index
        %get3A_757 = tpu.vector_load %arg15[%get3A_755, %get3A_756] {strides = array<i32>} : memref<128x100xf32, #tpu.memory_space<vmem>>, vector<16xf32>,
        %sub3A_758 = arith.subf %get3A_740, %get3A_757 : vector<16xf32>
        %abs3A_759 = math.absf %sub3A_758 : vector<16xf32>
        %mul3A_760 = arith.mulf %abs3A_759, %get3A_39 : vector<16xf32>
        %add3A_761 = arith.addf %add3A_754, %mul3A_760 : vector<16xf32>
        %get3A_762 = arith.index_cast %add3A_639 : i32 to index
        %get3A_763 = arith.constant 80 : index
        %get3A_764 = tpu.vector_load %arg12[%get3A_762, %get3A_763] {strides = array<i32>} : memref<128x100xf32, #tpu.memory_space<vmem>>, vector<16xf32>,
        %get3A_765 = arith.index_cast %add3A_639 : i32 to index
        %get3A_766 = arith.constant 80 : index
        %get3A_767 = tpu.vector_load %arg13[%get3A_765, %get3A_766] {strides = array<i32>} : memref<128x100xf32, #tpu.memory_space<vmem>>, vector<16xf32>,
        %sub3A_768 = arith.subf %get3A_764, %get3A_767 : vector<16xf32>
        %abs3A_769 = math.absf %sub3A_768 : vector<16xf32>
        %mul3A_770 = arith.mulf %abs3A_769, %get3A_13 : vector<16xf32>
        %add3A_771 = arith.addf %add3A_761, %mul3A_770 : vector<16xf32>
        %get3A_772 = arith.index_cast %add3A_639 : i32 to index
        %get3A_773 = arith.constant 80 : index
        %get3A_774 = tpu.vector_load %arg14[%get3A_772, %get3A_773] {strides = array<i32>} : memref<128x100xf32, #tpu.memory_space<vmem>>, vector<16xf32>,
        %sub3A_775 = arith.subf %get3A_764, %get3A_774 : vector<16xf32>
        %abs3A_776 = math.absf %sub3A_775 : vector<16xf32>
        %mul3A_777 = arith.mulf %abs3A_776, %get3A_27 : vector<16xf32>
        %add3A_778 = arith.addf %add3A_771, %mul3A_777 : vector<16xf32>
        %get3A_779 = arith.index_cast %add3A_639 : i32 to index
        %get3A_780 = arith.constant 80 : index
        %get3A_781 = tpu.vector_load %arg15[%get3A_779, %get3A_780] {strides = array<i32>} : memref<128x100xf32, #tpu.memory_space<vmem>>, vector<16xf32>,
        %sub3A_782 = arith.subf %get3A_764, %get3A_781 : vector<16xf32>
        %abs3A_783 = math.absf %sub3A_782 : vector<16xf32>
        %mul3A_784 = arith.mulf %abs3A_783, %get3A_41 : vector<16xf32>
        %add3A_785 = arith.addf %add3A_778, %mul3A_784 : vector<16xf32>
        %get3A_786 = arith.index_cast %add3A_639 : i32 to index
        %get3A_787 = arith.constant 84 : index
        %get3A_788 = tpu.vector_load %arg12[%get3A_786, %get3A_787] {strides = array<i32>} : memref<128x100xf32, #tpu.memory_space<vmem>>, vector<16xf32>,
        %get3A_789 = arith.index_cast %add3A_639 : i32 to index
        %get3A_790 = arith.constant 84 : index
        %get3A_791 = tpu.vector_load %arg13[%get3A_789, %get3A_790] {strides = array<i32>} : memref<128x100xf32, #tpu.memory_space<vmem>>, vector<16xf32>,
        %sub3A_792 = arith.subf %get3A_788, %get3A_791 : vector<16xf32>
        %abs3A_793 = math.absf %sub3A_792 : vector<16xf32>
        %mul3A_794 = arith.mulf %abs3A_793, %get3A_15 : vector<16xf32>
        %add3A_795 = arith.addf %add3A_785, %mul3A_794 : vector<16xf32>
        %get3A_796 = arith.index_cast %add3A_639 : i32 to index
        %get3A_797 = arith.constant 84 : index
        %get3A_798 = tpu.vector_load %arg14[%get3A_796, %get3A_797] {strides = array<i32>} : memref<128x100xf32, #tpu.memory_space<vmem>>, vector<16xf32>,
        %sub3A_799 = arith.subf %get3A_788, %get3A_798 : vector<16xf32>
        %abs3A_800 = math.absf %sub3A_799 : vector<16xf32>
        %mul3A_801 = arith.mulf %abs3A_800, %get3A_29 : vector<16xf32>
        %add3A_802 = arith.addf %add3A_795, %mul3A_801 : vector<16xf32>
        %get3A_803 = arith.index_cast %add3A_639 : i32 to index
        %get3A_804 = arith.constant 84 : index
        %get3A_805 = tpu.vector_load %arg15[%get3A_803, %get3A_804] {strides = array<i32>} : memref<128x100xf32, #tpu.memory_space<vmem>>, vector<16xf32>,
        %sub3A_806 = arith.subf %get3A_788, %get3A_805 : vector<16xf32>
        %abs3A_807 = math.absf %sub3A_806 : vector<16xf32>
        %mul3A_808 = arith.mulf %abs3A_807, %get3A_43 : vector<16xf32>
        %add3A_809 = arith.addf %add3A_802, %mul3A_808 : vector<16xf32>
        %eq3A_810 = arith.constant 3 : i32
        %eq3A_811 = vector.broadcast %eq3A_810 : i32 to vector<16xi32>
        %eq3A_812 = arith.cmpi eq, %iota3A, %eq3A_811 : vector<16xi32>
        %reduce_sum3A_813 = arith.constant true
        %reduce_sum3A_814 = vector.broadcast %reduce_sum3A_813 : i1 to vector<16xi1>
        %reduce_sum3A_815 = tpu.scan <sum>, %add3A_809 masked %reduce_sum3A_814 : vector<16xf32>, vector<16xi1> -> vector<16xf32>
        %reduce_sum3A_816 = vector.extract %reduce_sum3A_815[15] : f32 from vector<16xf32>
        %broadcast_in_dim3A_817 = vector.broadcast %reduce_sum3A_816 : f32 to vector<16xf32>
        %select_n3A_818 = arith.select %eq3A_812, %broadcast_in_dim3A_817, %select_n3A_635 : vector<16xi1>, vector<16xf32>
        %mul3A_819 = arith.constant 16 : i32
        %mul3A_820 = arith.muli %scan3A_90, %mul3A_819 : i32
        %add3A_821 = arith.constant 4 : i32
        %add3A_822 = arith.addi %mul3A_820, %add3A_821 : i32
        %broadcast_in_dim3A_823 = arith.constant 0.000000e+00 : f32
        %broadcast_in_dim3A_824 = vector.broadcast %broadcast_in_dim3A_823 : f32 to vector<16xf32>
        %get3A_825 = arith.index_cast %add3A_822 : i32 to index
        %get3A_826 = arith.constant 0 : index
        %get3A_827 = tpu.vector_load %arg12[%get3A_825, %get3A_826] {strides = array<i32>} : memref<128x100xf32, #tpu.memory_space<vmem>>, vector<16xf32>,
        %get3A_828 = arith.index_cast %add3A_822 : i32 to index
        %get3A_829 = arith.constant 0 : index
        %get3A_830 = tpu.vector_load %arg13[%get3A_828, %get3A_829] {strides = array<i32>} : memref<128x100xf32, #tpu.memory_space<vmem>>, vector<16xf32>,
        %sub3A_831 = arith.subf %get3A_827, %get3A_830 : vector<16xf32>
        %abs3A_832 = math.absf %sub3A_831 : vector<16xf32>
        %mul3A_833 = arith.mulf %abs3A_832, %get3A_3 : vector<16xf32>
        %add3A_834 = arith.addf %broadcast_in_dim3A_824, %mul3A_833 : vector<16xf32>
        %get3A_835 = arith.index_cast %add3A_822 : i32 to index
        %get3A_836 = arith.constant 0 : index
        %get3A_837 = tpu.vector_load %arg14[%get3A_835, %get3A_836] {strides = array<i32>} : memref<128x100xf32, #tpu.memory_space<vmem>>, vector<16xf32>,
        %sub3A_838 = arith.subf %get3A_827, %get3A_837 : vector<16xf32>
        %abs3A_839 = math.absf %sub3A_838 : vector<16xf32>
        %mul3A_840 = arith.mulf %abs3A_839, %get3A_17 : vector<16xf32>
        %add3A_841 = arith.addf %add3A_834, %mul3A_840 : vector<16xf32>
        %get3A_842 = arith.index_cast %add3A_822 : i32 to index
        %get3A_843 = arith.constant 0 : index
        %get3A_844 = tpu.vector_load %arg15[%get3A_842, %get3A_843] {strides = array<i32>} : memref<128x100xf32, #tpu.memory_space<vmem>>, vector<16xf32>,
        %sub3A_845 = arith.subf %get3A_827, %get3A_844 : vector<16xf32>
        %abs3A_846 = math.absf %sub3A_845 : vector<16xf32>
        %mul3A_847 = arith.mulf %abs3A_846, %get3A_31 : vector<16xf32>
        %add3A_848 = arith.addf %add3A_841, %mul3A_847 : vector<16xf32>
        %get3A_849 = arith.index_cast %add3A_822 : i32 to index
        %get3A_850 = arith.constant 16 : index
        %get3A_851 = tpu.vector_load %arg12[%get3A_849, %get3A_850] {strides = array<i32>} : memref<128x100xf32, #tpu.memory_space<vmem>>, vector<16xf32>,
        %get3A_852 = arith.index_cast %add3A_822 : i32 to index
        %get3A_853 = arith.constant 16 : index
        %get3A_854 = tpu.vector_load %arg13[%get3A_852, %get3A_853] {strides = array<i32>} : memref<128x100xf32, #tpu.memory_space<vmem>>, vector<16xf32>,
        %sub3A_855 = arith.subf %get3A_851, %get3A_854 : vector<16xf32>
        %abs3A_856 = math.absf %sub3A_855 : vector<16xf32>
        %mul3A_857 = arith.mulf %abs3A_856, %get3A_5 : vector<16xf32>
        %add3A_858 = arith.addf %add3A_848, %mul3A_857 : vector<16xf32>
        %get3A_859 = arith.index_cast %add3A_822 : i32 to index
        %get3A_860 = arith.constant 16 : index
        %get3A_861 = tpu.vector_load %arg14[%get3A_859, %get3A_860] {strides = array<i32>} : memref<128x100xf32, #tpu.memory_space<vmem>>, vector<16xf32>,
        %sub3A_862 = arith.subf %get3A_851, %get3A_861 : vector<16xf32>
        %abs3A_863 = math.absf %sub3A_862 : vector<16xf32>
        %mul3A_864 = arith.mulf %abs3A_863, %get3A_19 : vector<16xf32>
        %add3A_865 = arith.addf %add3A_858, %mul3A_864 : vector<16xf32>
        %get3A_866 = arith.index_cast %add3A_822 : i32 to index
        %get3A_867 = arith.constant 16 : index
        %get3A_868 = tpu.vector_load %arg15[%get3A_866, %get3A_867] {strides = array<i32>} : memref<128x100xf32, #tpu.memory_space<vmem>>, vector<16xf32>,
        %sub3A_869 = arith.subf %get3A_851, %get3A_868 : vector<16xf32>
        %abs3A_870 = math.absf %sub3A_869 : vector<16xf32>
        %mul3A_871 = arith.mulf %abs3A_870, %get3A_33 : vector<16xf32>
        %add3A_872 = arith.addf %add3A_865, %mul3A_871 : vector<16xf32>
        %get3A_873 = arith.index_cast %add3A_822 : i32 to index
        %get3A_874 = arith.constant 32 : index
        %get3A_875 = tpu.vector_load %arg12[%get3A_873, %get3A_874] {strides = array<i32>} : memref<128x100xf32, #tpu.memory_space<vmem>>, vector<16xf32>,
        %get3A_876 = arith.index_cast %add3A_822 : i32 to index
        %get3A_877 = arith.constant 32 : index
        %get3A_878 = tpu.vector_load %arg13[%get3A_876, %get3A_877] {strides = array<i32>} : memref<128x100xf32, #tpu.memory_space<vmem>>, vector<16xf32>,
        %sub3A_879 = arith.subf %get3A_875, %get3A_878 : vector<16xf32>
        %abs3A_880 = math.absf %sub3A_879 : vector<16xf32>
        %mul3A_881 = arith.mulf %abs3A_880, %get3A_7 : vector<16xf32>
        %add3A_882 = arith.addf %add3A_872, %mul3A_881 : vector<16xf32>
        %get3A_883 = arith.index_cast %add3A_822 : i32 to index
        %get3A_884 = arith.constant 32 : index
        %get3A_885 = tpu.vector_load %arg14[%get3A_883, %get3A_884] {strides = array<i32>} : memref<128x100xf32, #tpu.memory_space<vmem>>, vector<16xf32>,
        %sub3A_886 = arith.subf %get3A_875, %get3A_885 : vector<16xf32>
        %abs3A_887 = math.absf %sub3A_886 : vector<16xf32>
        %mul3A_888 = arith.mulf %abs3A_887, %get3A_21 : vector<16xf32>
        %add3A_889 = arith.addf %add3A_882, %mul3A_888 : vector<16xf32>
        %get3A_890 = arith.index_cast %add3A_822 : i32 to index
        %get3A_891 = arith.constant 32 : index
        %get3A_892 = tpu.vector_load %arg15[%get3A_890, %get3A_891] {strides = array<i32>} : memref<128x100xf32, #tpu.memory_space<vmem>>, vector<16xf32>,
        %sub3A_893 = arith.subf %get3A_875, %get3A_892 : vector<16xf32>
        %abs3A_894 = math.absf %sub3A_893 : vector<16xf32>
        %mul3A_895 = arith.mulf %abs3A_894, %get3A_35 : vector<16xf32>
        %add3A_896 = arith.addf %add3A_889, %mul3A_895 : vector<16xf32>
        %get3A_897 = arith.index_cast %add3A_822 : i32 to index
        %get3A_898 = arith.constant 48 : index
        %get3A_899 = tpu.vector_load %arg12[%get3A_897, %get3A_898] {strides = array<i32>} : memref<128x100xf32, #tpu.memory_space<vmem>>, vector<16xf32>,
        %get3A_900 = arith.index_cast %add3A_822 : i32 to index
        %get3A_901 = arith.constant 48 : index
        %get3A_902 = tpu.vector_load %arg13[%get3A_900, %get3A_901] {strides = array<i32>} : memref<128x100xf32, #tpu.memory_space<vmem>>, vector<16xf32>,
        %sub3A_903 = arith.subf %get3A_899, %get3A_902 : vector<16xf32>
        %abs3A_904 = math.absf %sub3A_903 : vector<16xf32>
        %mul3A_905 = arith.mulf %abs3A_904, %get3A_9 : vector<16xf32>
        %add3A_906 = arith.addf %add3A_896, %mul3A_905 : vector<16xf32>
        %get3A_907 = arith.index_cast %add3A_822 : i32 to index
        %get3A_908 = arith.constant 48 : index
        %get3A_909 = tpu.vector_load %arg14[%get3A_907, %get3A_908] {strides = array<i32>} : memref<128x100xf32, #tpu.memory_space<vmem>>, vector<16xf32>,
        %sub3A_910 = arith.subf %get3A_899, %get3A_909 : vector<16xf32>
        %abs3A_911 = math.absf %sub3A_910 : vector<16xf32>
        %mul3A_912 = arith.mulf %abs3A_911, %get3A_23 : vector<16xf32>
        %add3A_913 = arith.addf %add3A_906, %mul3A_912 : vector<16xf32>
        %get3A_914 = arith.index_cast %add3A_822 : i32 to index
        %get3A_915 = arith.constant 48 : index
        %get3A_916 = tpu.vector_load %arg15[%get3A_914, %get3A_915] {strides = array<i32>} : memref<128x100xf32, #tpu.memory_space<vmem>>, vector<16xf32>,
        %sub3A_917 = arith.subf %get3A_899, %get3A_916 : vector<16xf32>
        %abs3A_918 = math.absf %sub3A_917 : vector<16xf32>
        %mul3A_919 = arith.mulf %abs3A_918, %get3A_37 : vector<16xf32>
        %add3A_920 = arith.addf %add3A_913, %mul3A_919 : vector<16xf32>
        %get3A_921 = arith.index_cast %add3A_822 : i32 to index
        %get3A_922 = arith.constant 64 : index
        %get3A_923 = tpu.vector_load %arg12[%get3A_921, %get3A_922] {strides = array<i32>} : memref<128x100xf32, #tpu.memory_space<vmem>>, vector<16xf32>,
        %get3A_924 = arith.index_cast %add3A_822 : i32 to index
        %get3A_925 = arith.constant 64 : index
        %get3A_926 = tpu.vector_load %arg13[%get3A_924, %get3A_925] {strides = array<i32>} : memref<128x100xf32, #tpu.memory_space<vmem>>, vector<16xf32>,
        %sub3A_927 = arith.subf %get3A_923, %get3A_926 : vector<16xf32>
        %abs3A_928 = math.absf %sub3A_927 : vector<16xf32>
        %mul3A_929 = arith.mulf %abs3A_928, %get3A_11 : vector<16xf32>
        %add3A_930 = arith.addf %add3A_920, %mul3A_929 : vector<16xf32>
        %get3A_931 = arith.index_cast %add3A_822 : i32 to index
        %get3A_932 = arith.constant 64 : index
        %get3A_933 = tpu.vector_load %arg14[%get3A_931, %get3A_932] {strides = array<i32>} : memref<128x100xf32, #tpu.memory_space<vmem>>, vector<16xf32>,
        %sub3A_934 = arith.subf %get3A_923, %get3A_933 : vector<16xf32>
        %abs3A_935 = math.absf %sub3A_934 : vector<16xf32>
        %mul3A_936 = arith.mulf %abs3A_935, %get3A_25 : vector<16xf32>
        %add3A_937 = arith.addf %add3A_930, %mul3A_936 : vector<16xf32>
        %get3A_938 = arith.index_cast %add3A_822 : i32 to index
        %get3A_939 = arith.constant 64 : index
        %get3A_940 = tpu.vector_load %arg15[%get3A_938, %get3A_939] {strides = array<i32>} : memref<128x100xf32, #tpu.memory_space<vmem>>, vector<16xf32>,
        %sub3A_941 = arith.subf %get3A_923, %get3A_940 : vector<16xf32>
        %abs3A_942 = math.absf %sub3A_941 : vector<16xf32>
        %mul3A_943 = arith.mulf %abs3A_942, %get3A_39 : vector<16xf32>
        %add3A_944 = arith.addf %add3A_937, %mul3A_943 : vector<16xf32>
        %get3A_945 = arith.index_cast %add3A_822 : i32 to index
        %get3A_946 = arith.constant 80 : index
        %get3A_947 = tpu.vector_load %arg12[%get3A_945, %get3A_946] {strides = array<i32>} : memref<128x100xf32, #tpu.memory_space<vmem>>, vector<16xf32>,
        %get3A_948 = arith.index_cast %add3A_822 : i32 to index
        %get3A_949 = arith.constant 80 : index
        %get3A_950 = tpu.vector_load %arg13[%get3A_948, %get3A_949] {strides = array<i32>} : memref<128x100xf32, #tpu.memory_space<vmem>>, vector<16xf32>,
        %sub3A_951 = arith.subf %get3A_947, %get3A_950 : vector<16xf32>
        %abs3A_952 = math.absf %sub3A_951 : vector<16xf32>
        %mul3A_953 = arith.mulf %abs3A_952, %get3A_13 : vector<16xf32>
        %add3A_954 = arith.addf %add3A_944, %mul3A_953 : vector<16xf32>
        %get3A_955 = arith.index_cast %add3A_822 : i32 to index
        %get3A_956 = arith.constant 80 : index
        %get3A_957 = tpu.vector_load %arg14[%get3A_955, %get3A_956] {strides = array<i32>} : memref<128x100xf32, #tpu.memory_space<vmem>>, vector<16xf32>,
        %sub3A_958 = arith.subf %get3A_947, %get3A_957 : vector<16xf32>
        %abs3A_959 = math.absf %sub3A_958 : vector<16xf32>
        %mul3A_960 = arith.mulf %abs3A_959, %get3A_27 : vector<16xf32>
        %add3A_961 = arith.addf %add3A_954, %mul3A_960 : vector<16xf32>
        %get3A_962 = arith.index_cast %add3A_822 : i32 to index
        %get3A_963 = arith.constant 80 : index
        %get3A_964 = tpu.vector_load %arg15[%get3A_962, %get3A_963] {strides = array<i32>} : memref<128x100xf32, #tpu.memory_space<vmem>>, vector<16xf32>,
        %sub3A_965 = arith.subf %get3A_947, %get3A_964 : vector<16xf32>
        %abs3A_966 = math.absf %sub3A_965 : vector<16xf32>
        %mul3A_967 = arith.mulf %abs3A_966, %get3A_41 : vector<16xf32>
        %add3A_968 = arith.addf %add3A_961, %mul3A_967 : vector<16xf32>
        %get3A_969 = arith.index_cast %add3A_822 : i32 to index
        %get3A_970 = arith.constant 84 : index
        %get3A_971 = tpu.vector_load %arg12[%get3A_969, %get3A_970] {strides = array<i32>} : memref<128x100xf32, #tpu.memory_space<vmem>>, vector<16xf32>,
        %get3A_972 = arith.index_cast %add3A_822 : i32 to index
        %get3A_973 = arith.constant 84 : index
        %get3A_974 = tpu.vector_load %arg13[%get3A_972, %get3A_973] {strides = array<i32>} : memref<128x100xf32, #tpu.memory_space<vmem>>, vector<16xf32>,
        %sub3A_975 = arith.subf %get3A_971, %get3A_974 : vector<16xf32>
        %abs3A_976 = math.absf %sub3A_975 : vector<16xf32>
        %mul3A_977 = arith.mulf %abs3A_976, %get3A_15 : vector<16xf32>
        %add3A_978 = arith.addf %add3A_968, %mul3A_977 : vector<16xf32>
        %get3A_979 = arith.index_cast %add3A_822 : i32 to index
        %get3A_980 = arith.constant 84 : index
        %get3A_981 = tpu.vector_load %arg14[%get3A_979, %get3A_980] {strides = array<i32>} : memref<128x100xf32, #tpu.memory_space<vmem>>, vector<16xf32>,
        %sub3A_982 = arith.subf %get3A_971, %get3A_981 : vector<16xf32>
        %abs3A_983 = math.absf %sub3A_982 : vector<16xf32>
        %mul3A_984 = arith.mulf %abs3A_983, %get3A_29 : vector<16xf32>
        %add3A_985 = arith.addf %add3A_978, %mul3A_984 : vector<16xf32>
        %get3A_986 = arith.index_cast %add3A_822 : i32 to index
        %get3A_987 = arith.constant 84 : index
        %get3A_988 = tpu.vector_load %arg15[%get3A_986, %get3A_987] {strides = array<i32>} : memref<128x100xf32, #tpu.memory_space<vmem>>, vector<16xf32>,
        %sub3A_989 = arith.subf %get3A_971, %get3A_988 : vector<16xf32>
        %abs3A_990 = math.absf %sub3A_989 : vector<16xf32>
        %mul3A_991 = arith.mulf %abs3A_990, %get3A_43 : vector<16xf32>
        %add3A_992 = arith.addf %add3A_985, %mul3A_991 : vector<16xf32>
        %eq3A_993 = arith.constant 4 : i32
        %eq3A_994 = vector.broadcast %eq3A_993 : i32 to vector<16xi32>
        %eq3A_995 = arith.cmpi eq, %iota3A, %eq3A_994 : vector<16xi32>
        %reduce_sum3A_996 = arith.constant true
        %reduce_sum3A_997 = vector.broadcast %reduce_sum3A_996 : i1 to vector<16xi1>
        %reduce_sum3A_998 = tpu.scan <sum>, %add3A_992 masked %reduce_sum3A_997 : vector<16xf32>, vector<16xi1> -> vector<16xf32>
        %reduce_sum3A_999 = vector.extract %reduce_sum3A_998[15] : f32 from vector<16xf32>
        %broadcast_in_dim3A_1000 = vector.broadcast %reduce_sum3A_999 : f32 to vector<16xf32>
        %select_n3A_1001 = arith.select %eq3A_995, %broadcast_in_dim3A_1000, %select_n3A_818 : vector<16xi1>, vector<16xf32>
        %mul3A_1002 = arith.constant 16 : i32
        %mul3A_1003 = arith.muli %scan3A_90, %mul3A_1002 : i32
        %add3A_1004 = arith.constant 5 : i32
        %add3A_1005 = arith.addi %mul3A_1003, %add3A_1004 : i32
        %broadcast_in_dim3A_1006 = arith.constant 0.000000e+00 : f32
        %broadcast_in_dim3A_1007 = vector.broadcast %broadcast_in_dim3A_1006 : f32 to vector<16xf32>
        %get3A_1008 = arith.index_cast %add3A_1005 : i32 to index
        %get3A_1009 = arith.constant 0 : index
        %get3A_1010 = tpu.vector_load %arg12[%get3A_1008, %get3A_1009] {strides = array<i32>} : memref<128x100xf32, #tpu.memory_space<vmem>>, vector<16xf32>,
        %get3A_1011 = arith.index_cast %add3A_1005 : i32 to index
        %get3A_1012 = arith.constant 0 : index
        %get3A_1013 = tpu.vector_load %arg13[%get3A_1011, %get3A_1012] {strides = array<i32>} : memref<128x100xf32, #tpu.memory_space<vmem>>, vector<16xf32>,
        %sub3A_1014 = arith.subf %get3A_1010, %get3A_1013 : vector<16xf32>
        %abs3A_1015 = math.absf %sub3A_1014 : vector<16xf32>
        %mul3A_1016 = arith.mulf %abs3A_1015, %get3A_3 : vector<16xf32>
        %add3A_1017 = arith.addf %broadcast_in_dim3A_1007, %mul3A_1016 : vector<16xf32>
        %get3A_1018 = arith.index_cast %add3A_1005 : i32 to index
        %get3A_1019 = arith.constant 0 : index
        %get3A_1020 = tpu.vector_load %arg14[%get3A_1018, %get3A_1019] {strides = array<i32>} : memref<128x100xf32, #tpu.memory_space<vmem>>, vector<16xf32>,
        %sub3A_1021 = arith.subf %get3A_1010, %get3A_1020 : vector<16xf32>
        %abs3A_1022 = math.absf %sub3A_1021 : vector<16xf32>
        %mul3A_1023 = arith.mulf %abs3A_1022, %get3A_17 : vector<16xf32>
        %add3A_1024 = arith.addf %add3A_1017, %mul3A_1023 : vector<16xf32>
        %get3A_1025 = arith.index_cast %add3A_1005 : i32 to index
        %get3A_1026 = arith.constant 0 : index
        %get3A_1027 = tpu.vector_load %arg15[%get3A_1025, %get3A_1026] {strides = array<i32>} : memref<128x100xf32, #tpu.memory_space<vmem>>, vector<16xf32>,
        %sub3A_1028 = arith.subf %get3A_1010, %get3A_1027 : vector<16xf32>
        %abs3A_1029 = math.absf %sub3A_1028 : vector<16xf32>
        %mul3A_1030 = arith.mulf %abs3A_1029, %get3A_31 : vector<16xf32>
        %add3A_1031 = arith.addf %add3A_1024, %mul3A_1030 : vector<16xf32>
        %get3A_1032 = arith.index_cast %add3A_1005 : i32 to index
        %get3A_1033 = arith.constant 16 : index
        %get3A_1034 = tpu.vector_load %arg12[%get3A_1032, %get3A_1033] {strides = array<i32>} : memref<128x100xf32, #tpu.memory_space<vmem>>, vector<16xf32>,
        %get3A_1035 = arith.index_cast %add3A_1005 : i32 to index
        %get3A_1036 = arith.constant 16 : index
        %get3A_1037 = tpu.vector_load %arg13[%get3A_1035, %get3A_1036] {strides = array<i32>} : memref<128x100xf32, #tpu.memory_space<vmem>>, vector<16xf32>,
        %sub3A_1038 = arith.subf %get3A_1034, %get3A_1037 : vector<16xf32>
        %abs3A_1039 = math.absf %sub3A_1038 : vector<16xf32>
        %mul3A_1040 = arith.mulf %abs3A_1039, %get3A_5 : vector<16xf32>
        %add3A_1041 = arith.addf %add3A_1031, %mul3A_1040 : vector<16xf32>
        %get3A_1042 = arith.index_cast %add3A_1005 : i32 to index
        %get3A_1043 = arith.constant 16 : index
        %get3A_1044 = tpu.vector_load %arg14[%get3A_1042, %get3A_1043] {strides = array<i32>} : memref<128x100xf32, #tpu.memory_space<vmem>>, vector<16xf32>,
        %sub3A_1045 = arith.subf %get3A_1034, %get3A_1044 : vector<16xf32>
        %abs3A_1046 = math.absf %sub3A_1045 : vector<16xf32>
        %mul3A_1047 = arith.mulf %abs3A_1046, %get3A_19 : vector<16xf32>
        %add3A_1048 = arith.addf %add3A_1041, %mul3A_1047 : vector<16xf32>
        %get3A_1049 = arith.index_cast %add3A_1005 : i32 to index
        %get3A_1050 = arith.constant 16 : index
        %get3A_1051 = tpu.vector_load %arg15[%get3A_1049, %get3A_1050] {strides = array<i32>} : memref<128x100xf32, #tpu.memory_space<vmem>>, vector<16xf32>,
        %sub3A_1052 = arith.subf %get3A_1034, %get3A_1051 : vector<16xf32>
        %abs3A_1053 = math.absf %sub3A_1052 : vector<16xf32>
        %mul3A_1054 = arith.mulf %abs3A_1053, %get3A_33 : vector<16xf32>
        %add3A_1055 = arith.addf %add3A_1048, %mul3A_1054 : vector<16xf32>
        %get3A_1056 = arith.index_cast %add3A_1005 : i32 to index
        %get3A_1057 = arith.constant 32 : index
        %get3A_1058 = tpu.vector_load %arg12[%get3A_1056, %get3A_1057] {strides = array<i32>} : memref<128x100xf32, #tpu.memory_space<vmem>>, vector<16xf32>,
        %get3A_1059 = arith.index_cast %add3A_1005 : i32 to index
        %get3A_1060 = arith.constant 32 : index
        %get3A_1061 = tpu.vector_load %arg13[%get3A_1059, %get3A_1060] {strides = array<i32>} : memref<128x100xf32, #tpu.memory_space<vmem>>, vector<16xf32>,
        %sub3A_1062 = arith.subf %get3A_1058, %get3A_1061 : vector<16xf32>
        %abs3A_1063 = math.absf %sub3A_1062 : vector<16xf32>
        %mul3A_1064 = arith.mulf %abs3A_1063, %get3A_7 : vector<16xf32>
        %add3A_1065 = arith.addf %add3A_1055, %mul3A_1064 : vector<16xf32>
        %get3A_1066 = arith.index_cast %add3A_1005 : i32 to index
        %get3A_1067 = arith.constant 32 : index
        %get3A_1068 = tpu.vector_load %arg14[%get3A_1066, %get3A_1067] {strides = array<i32>} : memref<128x100xf32, #tpu.memory_space<vmem>>, vector<16xf32>,
        %sub3A_1069 = arith.subf %get3A_1058, %get3A_1068 : vector<16xf32>
        %abs3A_1070 = math.absf %sub3A_1069 : vector<16xf32>
        %mul3A_1071 = arith.mulf %abs3A_1070, %get3A_21 : vector<16xf32>
        %add3A_1072 = arith.addf %add3A_1065, %mul3A_1071 : vector<16xf32>
        %get3A_1073 = arith.index_cast %add3A_1005 : i32 to index
        %get3A_1074 = arith.constant 32 : index
        %get3A_1075 = tpu.vector_load %arg15[%get3A_1073, %get3A_1074] {strides = array<i32>} : memref<128x100xf32, #tpu.memory_space<vmem>>, vector<16xf32>,
        %sub3A_1076 = arith.subf %get3A_1058, %get3A_1075 : vector<16xf32>
        %abs3A_1077 = math.absf %sub3A_1076 : vector<16xf32>
        %mul3A_1078 = arith.mulf %abs3A_1077, %get3A_35 : vector<16xf32>
        %add3A_1079 = arith.addf %add3A_1072, %mul3A_1078 : vector<16xf32>
        %get3A_1080 = arith.index_cast %add3A_1005 : i32 to index
        %get3A_1081 = arith.constant 48 : index
        %get3A_1082 = tpu.vector_load %arg12[%get3A_1080, %get3A_1081] {strides = array<i32>} : memref<128x100xf32, #tpu.memory_space<vmem>>, vector<16xf32>,
        %get3A_1083 = arith.index_cast %add3A_1005 : i32 to index
        %get3A_1084 = arith.constant 48 : index
        %get3A_1085 = tpu.vector_load %arg13[%get3A_1083, %get3A_1084] {strides = array<i32>} : memref<128x100xf32, #tpu.memory_space<vmem>>, vector<16xf32>,
        %sub3A_1086 = arith.subf %get3A_1082, %get3A_1085 : vector<16xf32>
        %abs3A_1087 = math.absf %sub3A_1086 : vector<16xf32>
        %mul3A_1088 = arith.mulf %abs3A_1087, %get3A_9 : vector<16xf32>
        %add3A_1089 = arith.addf %add3A_1079, %mul3A_1088 : vector<16xf32>
        %get3A_1090 = arith.index_cast %add3A_1005 : i32 to index
        %get3A_1091 = arith.constant 48 : index
        %get3A_1092 = tpu.vector_load %arg14[%get3A_1090, %get3A_1091] {strides = array<i32>} : memref<128x100xf32, #tpu.memory_space<vmem>>, vector<16xf32>,
        %sub3A_1093 = arith.subf %get3A_1082, %get3A_1092 : vector<16xf32>
        %abs3A_1094 = math.absf %sub3A_1093 : vector<16xf32>
        %mul3A_1095 = arith.mulf %abs3A_1094, %get3A_23 : vector<16xf32>
        %add3A_1096 = arith.addf %add3A_1089, %mul3A_1095 : vector<16xf32>
        %get3A_1097 = arith.index_cast %add3A_1005 : i32 to index
        %get3A_1098 = arith.constant 48 : index
        %get3A_1099 = tpu.vector_load %arg15[%get3A_1097, %get3A_1098] {strides = array<i32>} : memref<128x100xf32, #tpu.memory_space<vmem>>, vector<16xf32>,
        %sub3A_1100 = arith.subf %get3A_1082, %get3A_1099 : vector<16xf32>
        %abs3A_1101 = math.absf %sub3A_1100 : vector<16xf32>
        %mul3A_1102 = arith.mulf %abs3A_1101, %get3A_37 : vector<16xf32>
        %add3A_1103 = arith.addf %add3A_1096, %mul3A_1102 : vector<16xf32>
        %get3A_1104 = arith.index_cast %add3A_1005 : i32 to index
        %get3A_1105 = arith.constant 64 : index
        %get3A_1106 = tpu.vector_load %arg12[%get3A_1104, %get3A_1105] {strides = array<i32>} : memref<128x100xf32, #tpu.memory_space<vmem>>, vector<16xf32>,
        %get3A_1107 = arith.index_cast %add3A_1005 : i32 to index
        %get3A_1108 = arith.constant 64 : index
        %get3A_1109 = tpu.vector_load %arg13[%get3A_1107, %get3A_1108] {strides = array<i32>} : memref<128x100xf32, #tpu.memory_space<vmem>>, vector<16xf32>,
        %sub3A_1110 = arith.subf %get3A_1106, %get3A_1109 : vector<16xf32>
        %abs3A_1111 = math.absf %sub3A_1110 : vector<16xf32>
        %mul3A_1112 = arith.mulf %abs3A_1111, %get3A_11 : vector<16xf32>
        %add3A_1113 = arith.addf %add3A_1103, %mul3A_1112 : vector<16xf32>
        %get3A_1114 = arith.index_cast %add3A_1005 : i32 to index
        %get3A_1115 = arith.constant 64 : index
        %get3A_1116 = tpu.vector_load %arg14[%get3A_1114, %get3A_1115] {strides = array<i32>} : memref<128x100xf32, #tpu.memory_space<vmem>>, vector<16xf32>,
        %sub3A_1117 = arith.subf %get3A_1106, %get3A_1116 : vector<16xf32>
        %abs3A_1118 = math.absf %sub3A_1117 : vector<16xf32>
        %mul3A_1119 = arith.mulf %abs3A_1118, %get3A_25 : vector<16xf32>
        %add3A_1120 = arith.addf %add3A_1113, %mul3A_1119 : vector<16xf32>
        %get3A_1121 = arith.index_cast %add3A_1005 : i32 to index
        %get3A_1122 = arith.constant 64 : index
        %get3A_1123 = tpu.vector_load %arg15[%get3A_1121, %get3A_1122] {strides = array<i32>} : memref<128x100xf32, #tpu.memory_space<vmem>>, vector<16xf32>,
        %sub3A_1124 = arith.subf %get3A_1106, %get3A_1123 : vector<16xf32>
        %abs3A_1125 = math.absf %sub3A_1124 : vector<16xf32>
        %mul3A_1126 = arith.mulf %abs3A_1125, %get3A_39 : vector<16xf32>
        %add3A_1127 = arith.addf %add3A_1120, %mul3A_1126 : vector<16xf32>
        %get3A_1128 = arith.index_cast %add3A_1005 : i32 to index
        %get3A_1129 = arith.constant 80 : index
        %get3A_1130 = tpu.vector_load %arg12[%get3A_1128, %get3A_1129] {strides = array<i32>} : memref<128x100xf32, #tpu.memory_space<vmem>>, vector<16xf32>,
        %get3A_1131 = arith.index_cast %add3A_1005 : i32 to index
        %get3A_1132 = arith.constant 80 : index
        %get3A_1133 = tpu.vector_load %arg13[%get3A_1131, %get3A_1132] {strides = array<i32>} : memref<128x100xf32, #tpu.memory_space<vmem>>, vector<16xf32>,
        %sub3A_1134 = arith.subf %get3A_1130, %get3A_1133 : vector<16xf32>
        %abs3A_1135 = math.absf %sub3A_1134 : vector<16xf32>
        %mul3A_1136 = arith.mulf %abs3A_1135, %get3A_13 : vector<16xf32>
        %add3A_1137 = arith.addf %add3A_1127, %mul3A_1136 : vector<16xf32>
        %get3A_1138 = arith.index_cast %add3A_1005 : i32 to index
        %get3A_1139 = arith.constant 80 : index
        %get3A_1140 = tpu.vector_load %arg14[%get3A_1138, %get3A_1139] {strides = array<i32>} : memref<128x100xf32, #tpu.memory_space<vmem>>, vector<16xf32>,
        %sub3A_1141 = arith.subf %get3A_1130, %get3A_1140 : vector<16xf32>
        %abs3A_1142 = math.absf %sub3A_1141 : vector<16xf32>
        %mul3A_1143 = arith.mulf %abs3A_1142, %get3A_27 : vector<16xf32>
        %add3A_1144 = arith.addf %add3A_1137, %mul3A_1143 : vector<16xf32>
        %get3A_1145 = arith.index_cast %add3A_1005 : i32 to index
        %get3A_1146 = arith.constant 80 : index
        %get3A_1147 = tpu.vector_load %arg15[%get3A_1145, %get3A_1146] {strides = array<i32>} : memref<128x100xf32, #tpu.memory_space<vmem>>, vector<16xf32>,
        %sub3A_1148 = arith.subf %get3A_1130, %get3A_1147 : vector<16xf32>
        %abs3A_1149 = math.absf %sub3A_1148 : vector<16xf32>
        %mul3A_1150 = arith.mulf %abs3A_1149, %get3A_41 : vector<16xf32>
        %add3A_1151 = arith.addf %add3A_1144, %mul3A_1150 : vector<16xf32>
        %get3A_1152 = arith.index_cast %add3A_1005 : i32 to index
        %get3A_1153 = arith.constant 84 : index
        %get3A_1154 = tpu.vector_load %arg12[%get3A_1152, %get3A_1153] {strides = array<i32>} : memref<128x100xf32, #tpu.memory_space<vmem>>, vector<16xf32>,
        %get3A_1155 = arith.index_cast %add3A_1005 : i32 to index
        %get3A_1156 = arith.constant 84 : index
        %get3A_1157 = tpu.vector_load %arg13[%get3A_1155, %get3A_1156] {strides = array<i32>} : memref<128x100xf32, #tpu.memory_space<vmem>>, vector<16xf32>,
        %sub3A_1158 = arith.subf %get3A_1154, %get3A_1157 : vector<16xf32>
        %abs3A_1159 = math.absf %sub3A_1158 : vector<16xf32>
        %mul3A_1160 = arith.mulf %abs3A_1159, %get3A_15 : vector<16xf32>
        %add3A_1161 = arith.addf %add3A_1151, %mul3A_1160 : vector<16xf32>
        %get3A_1162 = arith.index_cast %add3A_1005 : i32 to index
        %get3A_1163 = arith.constant 84 : index
        %get3A_1164 = tpu.vector_load %arg14[%get3A_1162, %get3A_1163] {strides = array<i32>} : memref<128x100xf32, #tpu.memory_space<vmem>>, vector<16xf32>,
        %sub3A_1165 = arith.subf %get3A_1154, %get3A_1164 : vector<16xf32>
        %abs3A_1166 = math.absf %sub3A_1165 : vector<16xf32>
        %mul3A_1167 = arith.mulf %abs3A_1166, %get3A_29 : vector<16xf32>
        %add3A_1168 = arith.addf %add3A_1161, %mul3A_1167 : vector<16xf32>
        %get3A_1169 = arith.index_cast %add3A_1005 : i32 to index
        %get3A_1170 = arith.constant 84 : index
        %get3A_1171 = tpu.vector_load %arg15[%get3A_1169, %get3A_1170] {strides = array<i32>} : memref<128x100xf32, #tpu.memory_space<vmem>>, vector<16xf32>,
        %sub3A_1172 = arith.subf %get3A_1154, %get3A_1171 : vector<16xf32>
        %abs3A_1173 = math.absf %sub3A_1172 : vector<16xf32>
        %mul3A_1174 = arith.mulf %abs3A_1173, %get3A_43 : vector<16xf32>
        %add3A_1175 = arith.addf %add3A_1168, %mul3A_1174 : vector<16xf32>
        %eq3A_1176 = arith.constant 5 : i32
        %eq3A_1177 = vector.broadcast %eq3A_1176 : i32 to vector<16xi32>
        %eq3A_1178 = arith.cmpi eq, %iota3A, %eq3A_1177 : vector<16xi32>
        %reduce_sum3A_1179 = arith.constant true
        %reduce_sum3A_1180 = vector.broadcast %reduce_sum3A_1179 : i1 to vector<16xi1>
        %reduce_sum3A_1181 = tpu.scan <sum>, %add3A_1175 masked %reduce_sum3A_1180 : vector<16xf32>, vector<16xi1> -> vector<16xf32>
        %reduce_sum3A_1182 = vector.extract %reduce_sum3A_1181[15] : f32 from vector<16xf32>
        %broadcast_in_dim3A_1183 = vector.broadcast %reduce_sum3A_1182 : f32 to vector<16xf32>
        %select_n3A_1184 = arith.select %eq3A_1178, %broadcast_in_dim3A_1183, %select_n3A_1001 : vector<16xi1>, vector<16xf32>
        %mul3A_1185 = arith.constant 16 : i32
        %mul3A_1186 = arith.muli %scan3A_90, %mul3A_1185 : i32
        %add3A_1187 = arith.constant 6 : i32
        %add3A_1188 = arith.addi %mul3A_1186, %add3A_1187 : i32
        %broadcast_in_dim3A_1189 = arith.constant 0.000000e+00 : f32
        %broadcast_in_dim3A_1190 = vector.broadcast %broadcast_in_dim3A_1189 : f32 to vector<16xf32>
        %get3A_1191 = arith.index_cast %add3A_1188 : i32 to index
        %get3A_1192 = arith.constant 0 : index
        %get3A_1193 = tpu.vector_load %arg12[%get3A_1191, %get3A_1192] {strides = array<i32>} : memref<128x100xf32, #tpu.memory_space<vmem>>, vector<16xf32>,
        %get3A_1194 = arith.index_cast %add3A_1188 : i32 to index
        %get3A_1195 = arith.constant 0 : index
        %get3A_1196 = tpu.vector_load %arg13[%get3A_1194, %get3A_1195] {strides = array<i32>} : memref<128x100xf32, #tpu.memory_space<vmem>>, vector<16xf32>,
        %sub3A_1197 = arith.subf %get3A_1193, %get3A_1196 : vector<16xf32>
        %abs3A_1198 = math.absf %sub3A_1197 : vector<16xf32>
        %mul3A_1199 = arith.mulf %abs3A_1198, %get3A_3 : vector<16xf32>
        %add3A_1200 = arith.addf %broadcast_in_dim3A_1190, %mul3A_1199 : vector<16xf32>
        %get3A_1201 = arith.index_cast %add3A_1188 : i32 to index
        %get3A_1202 = arith.constant 0 : index
        %get3A_1203 = tpu.vector_load %arg14[%get3A_1201, %get3A_1202] {strides = array<i32>} : memref<128x100xf32, #tpu.memory_space<vmem>>, vector<16xf32>,
        %sub3A_1204 = arith.subf %get3A_1193, %get3A_1203 : vector<16xf32>
        %abs3A_1205 = math.absf %sub3A_1204 : vector<16xf32>
        %mul3A_1206 = arith.mulf %abs3A_1205, %get3A_17 : vector<16xf32>
        %add3A_1207 = arith.addf %add3A_1200, %mul3A_1206 : vector<16xf32>
        %get3A_1208 = arith.index_cast %add3A_1188 : i32 to index
        %get3A_1209 = arith.constant 0 : index
        %get3A_1210 = tpu.vector_load %arg15[%get3A_1208, %get3A_1209] {strides = array<i32>} : memref<128x100xf32, #tpu.memory_space<vmem>>, vector<16xf32>,
        %sub3A_1211 = arith.subf %get3A_1193, %get3A_1210 : vector<16xf32>
        %abs3A_1212 = math.absf %sub3A_1211 : vector<16xf32>
        %mul3A_1213 = arith.mulf %abs3A_1212, %get3A_31 : vector<16xf32>
        %add3A_1214 = arith.addf %add3A_1207, %mul3A_1213 : vector<16xf32>
        %get3A_1215 = arith.index_cast %add3A_1188 : i32 to index
        %get3A_1216 = arith.constant 16 : index
        %get3A_1217 = tpu.vector_load %arg12[%get3A_1215, %get3A_1216] {strides = array<i32>} : memref<128x100xf32, #tpu.memory_space<vmem>>, vector<16xf32>,
        %get3A_1218 = arith.index_cast %add3A_1188 : i32 to index
        %get3A_1219 = arith.constant 16 : index
        %get3A_1220 = tpu.vector_load %arg13[%get3A_1218, %get3A_1219] {strides = array<i32>} : memref<128x100xf32, #tpu.memory_space<vmem>>, vector<16xf32>,
        %sub3A_1221 = arith.subf %get3A_1217, %get3A_1220 : vector<16xf32>
        %abs3A_1222 = math.absf %sub3A_1221 : vector<16xf32>
        %mul3A_1223 = arith.mulf %abs3A_1222, %get3A_5 : vector<16xf32>
        %add3A_1224 = arith.addf %add3A_1214, %mul3A_1223 : vector<16xf32>
        %get3A_1225 = arith.index_cast %add3A_1188 : i32 to index
        %get3A_1226 = arith.constant 16 : index
        %get3A_1227 = tpu.vector_load %arg14[%get3A_1225, %get3A_1226] {strides = array<i32>} : memref<128x100xf32, #tpu.memory_space<vmem>>, vector<16xf32>,
        %sub3A_1228 = arith.subf %get3A_1217, %get3A_1227 : vector<16xf32>
        %abs3A_1229 = math.absf %sub3A_1228 : vector<16xf32>
        %mul3A_1230 = arith.mulf %abs3A_1229, %get3A_19 : vector<16xf32>
        %add3A_1231 = arith.addf %add3A_1224, %mul3A_1230 : vector<16xf32>
        %get3A_1232 = arith.index_cast %add3A_1188 : i32 to index
        %get3A_1233 = arith.constant 16 : index
        %get3A_1234 = tpu.vector_load %arg15[%get3A_1232, %get3A_1233] {strides = array<i32>} : memref<128x100xf32, #tpu.memory_space<vmem>>, vector<16xf32>,
        %sub3A_1235 = arith.subf %get3A_1217, %get3A_1234 : vector<16xf32>
        %abs3A_1236 = math.absf %sub3A_1235 : vector<16xf32>
        %mul3A_1237 = arith.mulf %abs3A_1236, %get3A_33 : vector<16xf32>
        %add3A_1238 = arith.addf %add3A_1231, %mul3A_1237 : vector<16xf32>
        %get3A_1239 = arith.index_cast %add3A_1188 : i32 to index
        %get3A_1240 = arith.constant 32 : index
        %get3A_1241 = tpu.vector_load %arg12[%get3A_1239, %get3A_1240] {strides = array<i32>} : memref<128x100xf32, #tpu.memory_space<vmem>>, vector<16xf32>,
        %get3A_1242 = arith.index_cast %add3A_1188 : i32 to index
        %get3A_1243 = arith.constant 32 : index
        %get3A_1244 = tpu.vector_load %arg13[%get3A_1242, %get3A_1243] {strides = array<i32>} : memref<128x100xf32, #tpu.memory_space<vmem>>, vector<16xf32>,
        %sub3A_1245 = arith.subf %get3A_1241, %get3A_1244 : vector<16xf32>
        %abs3A_1246 = math.absf %sub3A_1245 : vector<16xf32>
        %mul3A_1247 = arith.mulf %abs3A_1246, %get3A_7 : vector<16xf32>
        %add3A_1248 = arith.addf %add3A_1238, %mul3A_1247 : vector<16xf32>
        %get3A_1249 = arith.index_cast %add3A_1188 : i32 to index
        %get3A_1250 = arith.constant 32 : index
        %get3A_1251 = tpu.vector_load %arg14[%get3A_1249, %get3A_1250] {strides = array<i32>} : memref<128x100xf32, #tpu.memory_space<vmem>>, vector<16xf32>,
        %sub3A_1252 = arith.subf %get3A_1241, %get3A_1251 : vector<16xf32>
        %abs3A_1253 = math.absf %sub3A_1252 : vector<16xf32>
        %mul3A_1254 = arith.mulf %abs3A_1253, %get3A_21 : vector<16xf32>
        %add3A_1255 = arith.addf %add3A_1248, %mul3A_1254 : vector<16xf32>
        %get3A_1256 = arith.index_cast %add3A_1188 : i32 to index
        %get3A_1257 = arith.constant 32 : index
        %get3A_1258 = tpu.vector_load %arg15[%get3A_1256, %get3A_1257] {strides = array<i32>} : memref<128x100xf32, #tpu.memory_space<vmem>>, vector<16xf32>,
        %sub3A_1259 = arith.subf %get3A_1241, %get3A_1258 : vector<16xf32>
        %abs3A_1260 = math.absf %sub3A_1259 : vector<16xf32>
        %mul3A_1261 = arith.mulf %abs3A_1260, %get3A_35 : vector<16xf32>
        %add3A_1262 = arith.addf %add3A_1255, %mul3A_1261 : vector<16xf32>
        %get3A_1263 = arith.index_cast %add3A_1188 : i32 to index
        %get3A_1264 = arith.constant 48 : index
        %get3A_1265 = tpu.vector_load %arg12[%get3A_1263, %get3A_1264] {strides = array<i32>} : memref<128x100xf32, #tpu.memory_space<vmem>>, vector<16xf32>,
        %get3A_1266 = arith.index_cast %add3A_1188 : i32 to index
        %get3A_1267 = arith.constant 48 : index
        %get3A_1268 = tpu.vector_load %arg13[%get3A_1266, %get3A_1267] {strides = array<i32>} : memref<128x100xf32, #tpu.memory_space<vmem>>, vector<16xf32>,
        %sub3A_1269 = arith.subf %get3A_1265, %get3A_1268 : vector<16xf32>
        %abs3A_1270 = math.absf %sub3A_1269 : vector<16xf32>
        %mul3A_1271 = arith.mulf %abs3A_1270, %get3A_9 : vector<16xf32>
        %add3A_1272 = arith.addf %add3A_1262, %mul3A_1271 : vector<16xf32>
        %get3A_1273 = arith.index_cast %add3A_1188 : i32 to index
        %get3A_1274 = arith.constant 48 : index
        %get3A_1275 = tpu.vector_load %arg14[%get3A_1273, %get3A_1274] {strides = array<i32>} : memref<128x100xf32, #tpu.memory_space<vmem>>, vector<16xf32>,
        %sub3A_1276 = arith.subf %get3A_1265, %get3A_1275 : vector<16xf32>
        %abs3A_1277 = math.absf %sub3A_1276 : vector<16xf32>
        %mul3A_1278 = arith.mulf %abs3A_1277, %get3A_23 : vector<16xf32>
        %add3A_1279 = arith.addf %add3A_1272, %mul3A_1278 : vector<16xf32>
        %get3A_1280 = arith.index_cast %add3A_1188 : i32 to index
        %get3A_1281 = arith.constant 48 : index
        %get3A_1282 = tpu.vector_load %arg15[%get3A_1280, %get3A_1281] {strides = array<i32>} : memref<128x100xf32, #tpu.memory_space<vmem>>, vector<16xf32>,
        %sub3A_1283 = arith.subf %get3A_1265, %get3A_1282 : vector<16xf32>
        %abs3A_1284 = math.absf %sub3A_1283 : vector<16xf32>
        %mul3A_1285 = arith.mulf %abs3A_1284, %get3A_37 : vector<16xf32>
        %add3A_1286 = arith.addf %add3A_1279, %mul3A_1285 : vector<16xf32>
        %get3A_1287 = arith.index_cast %add3A_1188 : i32 to index
        %get3A_1288 = arith.constant 64 : index
        %get3A_1289 = tpu.vector_load %arg12[%get3A_1287, %get3A_1288] {strides = array<i32>} : memref<128x100xf32, #tpu.memory_space<vmem>>, vector<16xf32>,
        %get3A_1290 = arith.index_cast %add3A_1188 : i32 to index
        %get3A_1291 = arith.constant 64 : index
        %get3A_1292 = tpu.vector_load %arg13[%get3A_1290, %get3A_1291] {strides = array<i32>} : memref<128x100xf32, #tpu.memory_space<vmem>>, vector<16xf32>,
        %sub3A_1293 = arith.subf %get3A_1289, %get3A_1292 : vector<16xf32>
        %abs3A_1294 = math.absf %sub3A_1293 : vector<16xf32>
        %mul3A_1295 = arith.mulf %abs3A_1294, %get3A_11 : vector<16xf32>
        %add3A_1296 = arith.addf %add3A_1286, %mul3A_1295 : vector<16xf32>
        %get3A_1297 = arith.index_cast %add3A_1188 : i32 to index
        %get3A_1298 = arith.constant 64 : index
        %get3A_1299 = tpu.vector_load %arg14[%get3A_1297, %get3A_1298] {strides = array<i32>} : memref<128x100xf32, #tpu.memory_space<vmem>>, vector<16xf32>,
        %sub3A_1300 = arith.subf %get3A_1289, %get3A_1299 : vector<16xf32>
        %abs3A_1301 = math.absf %sub3A_1300 : vector<16xf32>
        %mul3A_1302 = arith.mulf %abs3A_1301, %get3A_25 : vector<16xf32>
        %add3A_1303 = arith.addf %add3A_1296, %mul3A_1302 : vector<16xf32>
        %get3A_1304 = arith.index_cast %add3A_1188 : i32 to index
        %get3A_1305 = arith.constant 64 : index
        %get3A_1306 = tpu.vector_load %arg15[%get3A_1304, %get3A_1305] {strides = array<i32>} : memref<128x100xf32, #tpu.memory_space<vmem>>, vector<16xf32>,
        %sub3A_1307 = arith.subf %get3A_1289, %get3A_1306 : vector<16xf32>
        %abs3A_1308 = math.absf %sub3A_1307 : vector<16xf32>
        %mul3A_1309 = arith.mulf %abs3A_1308, %get3A_39 : vector<16xf32>
        %add3A_1310 = arith.addf %add3A_1303, %mul3A_1309 : vector<16xf32>
        %get3A_1311 = arith.index_cast %add3A_1188 : i32 to index
        %get3A_1312 = arith.constant 80 : index
        %get3A_1313 = tpu.vector_load %arg12[%get3A_1311, %get3A_1312] {strides = array<i32>} : memref<128x100xf32, #tpu.memory_space<vmem>>, vector<16xf32>,
        %get3A_1314 = arith.index_cast %add3A_1188 : i32 to index
        %get3A_1315 = arith.constant 80 : index
        %get3A_1316 = tpu.vector_load %arg13[%get3A_1314, %get3A_1315] {strides = array<i32>} : memref<128x100xf32, #tpu.memory_space<vmem>>, vector<16xf32>,
        %sub3A_1317 = arith.subf %get3A_1313, %get3A_1316 : vector<16xf32>
        %abs3A_1318 = math.absf %sub3A_1317 : vector<16xf32>
        %mul3A_1319 = arith.mulf %abs3A_1318, %get3A_13 : vector<16xf32>
        %add3A_1320 = arith.addf %add3A_1310, %mul3A_1319 : vector<16xf32>
        %get3A_1321 = arith.index_cast %add3A_1188 : i32 to index
        %get3A_1322 = arith.constant 80 : index
        %get3A_1323 = tpu.vector_load %arg14[%get3A_1321, %get3A_1322] {strides = array<i32>} : memref<128x100xf32, #tpu.memory_space<vmem>>, vector<16xf32>,
        %sub3A_1324 = arith.subf %get3A_1313, %get3A_1323 : vector<16xf32>
        %abs3A_1325 = math.absf %sub3A_1324 : vector<16xf32>
        %mul3A_1326 = arith.mulf %abs3A_1325, %get3A_27 : vector<16xf32>
        %add3A_1327 = arith.addf %add3A_1320, %mul3A_1326 : vector<16xf32>
        %get3A_1328 = arith.index_cast %add3A_1188 : i32 to index
        %get3A_1329 = arith.constant 80 : index
        %get3A_1330 = tpu.vector_load %arg15[%get3A_1328, %get3A_1329] {strides = array<i32>} : memref<128x100xf32, #tpu.memory_space<vmem>>, vector<16xf32>,
        %sub3A_1331 = arith.subf %get3A_1313, %get3A_1330 : vector<16xf32>
        %abs3A_1332 = math.absf %sub3A_1331 : vector<16xf32>
        %mul3A_1333 = arith.mulf %abs3A_1332, %get3A_41 : vector<16xf32>
        %add3A_1334 = arith.addf %add3A_1327, %mul3A_1333 : vector<16xf32>
        %get3A_1335 = arith.index_cast %add3A_1188 : i32 to index
        %get3A_1336 = arith.constant 84 : index
        %get3A_1337 = tpu.vector_load %arg12[%get3A_1335, %get3A_1336] {strides = array<i32>} : memref<128x100xf32, #tpu.memory_space<vmem>>, vector<16xf32>,
        %get3A_1338 = arith.index_cast %add3A_1188 : i32 to index
        %get3A_1339 = arith.constant 84 : index
        %get3A_1340 = tpu.vector_load %arg13[%get3A_1338, %get3A_1339] {strides = array<i32>} : memref<128x100xf32, #tpu.memory_space<vmem>>, vector<16xf32>,
        %sub3A_1341 = arith.subf %get3A_1337, %get3A_1340 : vector<16xf32>
        %abs3A_1342 = math.absf %sub3A_1341 : vector<16xf32>
        %mul3A_1343 = arith.mulf %abs3A_1342, %get3A_15 : vector<16xf32>
        %add3A_1344 = arith.addf %add3A_1334, %mul3A_1343 : vector<16xf32>
        %get3A_1345 = arith.index_cast %add3A_1188 : i32 to index
        %get3A_1346 = arith.constant 84 : index
        %get3A_1347 = tpu.vector_load %arg14[%get3A_1345, %get3A_1346] {strides = array<i32>} : memref<128x100xf32, #tpu.memory_space<vmem>>, vector<16xf32>,
        %sub3A_1348 = arith.subf %get3A_1337, %get3A_1347 : vector<16xf32>
        %abs3A_1349 = math.absf %sub3A_1348 : vector<16xf32>
        %mul3A_1350 = arith.mulf %abs3A_1349, %get3A_29 : vector<16xf32>
        %add3A_1351 = arith.addf %add3A_1344, %mul3A_1350 : vector<16xf32>
        %get3A_1352 = arith.index_cast %add3A_1188 : i32 to index
        %get3A_1353 = arith.constant 84 : index
        %get3A_1354 = tpu.vector_load %arg15[%get3A_1352, %get3A_1353] {strides = array<i32>} : memref<128x100xf32, #tpu.memory_space<vmem>>, vector<16xf32>,
        %sub3A_1355 = arith.subf %get3A_1337, %get3A_1354 : vector<16xf32>
        %abs3A_1356 = math.absf %sub3A_1355 : vector<16xf32>
        %mul3A_1357 = arith.mulf %abs3A_1356, %get3A_43 : vector<16xf32>
        %add3A_1358 = arith.addf %add3A_1351, %mul3A_1357 : vector<16xf32>
        %eq3A_1359 = arith.constant 6 : i32
        %eq3A_1360 = vector.broadcast %eq3A_1359 : i32 to vector<16xi32>
        %eq3A_1361 = arith.cmpi eq, %iota3A, %eq3A_1360 : vector<16xi32>
        %reduce_sum3A_1362 = arith.constant true
        %reduce_sum3A_1363 = vector.broadcast %reduce_sum3A_1362 : i1 to vector<16xi1>
        %reduce_sum3A_1364 = tpu.scan <sum>, %add3A_1358 masked %reduce_sum3A_1363 : vector<16xf32>, vector<16xi1> -> vector<16xf32>
        %reduce_sum3A_1365 = vector.extract %reduce_sum3A_1364[15] : f32 from vector<16xf32>
        %broadcast_in_dim3A_1366 = vector.broadcast %reduce_sum3A_1365 : f32 to vector<16xf32>
        %select_n3A_1367 = arith.select %eq3A_1361, %broadcast_in_dim3A_1366, %select_n3A_1184 : vector<16xi1>, vector<16xf32>
        %mul3A_1368 = arith.constant 16 : i32
        %mul3A_1369 = arith.muli %scan3A_90, %mul3A_1368 : i32
        %add3A_1370 = arith.constant 7 : i32
        %add3A_1371 = arith.addi %mul3A_1369, %add3A_1370 : i32
        %broadcast_in_dim3A_1372 = arith.constant 0.000000e+00 : f32
        %broadcast_in_dim3A_1373 = vector.broadcast %broadcast_in_dim3A_1372 : f32 to vector<16xf32>
        %get3A_1374 = arith.index_cast %add3A_1371 : i32 to index
        %get3A_1375 = arith.constant 0 : index
        %get3A_1376 = tpu.vector_load %arg12[%get3A_1374, %get3A_1375] {strides = array<i32>} : memref<128x100xf32, #tpu.memory_space<vmem>>, vector<16xf32>,
        %get3A_1377 = arith.index_cast %add3A_1371 : i32 to index
        %get3A_1378 = arith.constant 0 : index
        %get3A_1379 = tpu.vector_load %arg13[%get3A_1377, %get3A_1378] {strides = array<i32>} : memref<128x100xf32, #tpu.memory_space<vmem>>, vector<16xf32>,
        %sub3A_1380 = arith.subf %get3A_1376, %get3A_1379 : vector<16xf32>
        %abs3A_1381 = math.absf %sub3A_1380 : vector<16xf32>
        %mul3A_1382 = arith.mulf %abs3A_1381, %get3A_3 : vector<16xf32>
        %add3A_1383 = arith.addf %broadcast_in_dim3A_1373, %mul3A_1382 : vector<16xf32>
        %get3A_1384 = arith.index_cast %add3A_1371 : i32 to index
        %get3A_1385 = arith.constant 0 : index
        %get3A_1386 = tpu.vector_load %arg14[%get3A_1384, %get3A_1385] {strides = array<i32>} : memref<128x100xf32, #tpu.memory_space<vmem>>, vector<16xf32>,
        %sub3A_1387 = arith.subf %get3A_1376, %get3A_1386 : vector<16xf32>
        %abs3A_1388 = math.absf %sub3A_1387 : vector<16xf32>
        %mul3A_1389 = arith.mulf %abs3A_1388, %get3A_17 : vector<16xf32>
        %add3A_1390 = arith.addf %add3A_1383, %mul3A_1389 : vector<16xf32>
        %get3A_1391 = arith.index_cast %add3A_1371 : i32 to index
        %get3A_1392 = arith.constant 0 : index
        %get3A_1393 = tpu.vector_load %arg15[%get3A_1391, %get3A_1392] {strides = array<i32>} : memref<128x100xf32, #tpu.memory_space<vmem>>, vector<16xf32>,
        %sub3A_1394 = arith.subf %get3A_1376, %get3A_1393 : vector<16xf32>
        %abs3A_1395 = math.absf %sub3A_1394 : vector<16xf32>
        %mul3A_1396 = arith.mulf %abs3A_1395, %get3A_31 : vector<16xf32>
        %add3A_1397 = arith.addf %add3A_1390, %mul3A_1396 : vector<16xf32>
        %get3A_1398 = arith.index_cast %add3A_1371 : i32 to index
        %get3A_1399 = arith.constant 16 : index
        %get3A_1400 = tpu.vector_load %arg12[%get3A_1398, %get3A_1399] {strides = array<i32>} : memref<128x100xf32, #tpu.memory_space<vmem>>, vector<16xf32>,
        %get3A_1401 = arith.index_cast %add3A_1371 : i32 to index
        %get3A_1402 = arith.constant 16 : index
        %get3A_1403 = tpu.vector_load %arg13[%get3A_1401, %get3A_1402] {strides = array<i32>} : memref<128x100xf32, #tpu.memory_space<vmem>>, vector<16xf32>,
        %sub3A_1404 = arith.subf %get3A_1400, %get3A_1403 : vector<16xf32>
        %abs3A_1405 = math.absf %sub3A_1404 : vector<16xf32>
        %mul3A_1406 = arith.mulf %abs3A_1405, %get3A_5 : vector<16xf32>
        %add3A_1407 = arith.addf %add3A_1397, %mul3A_1406 : vector<16xf32>
        %get3A_1408 = arith.index_cast %add3A_1371 : i32 to index
        %get3A_1409 = arith.constant 16 : index
        %get3A_1410 = tpu.vector_load %arg14[%get3A_1408, %get3A_1409] {strides = array<i32>} : memref<128x100xf32, #tpu.memory_space<vmem>>, vector<16xf32>,
        %sub3A_1411 = arith.subf %get3A_1400, %get3A_1410 : vector<16xf32>
        %abs3A_1412 = math.absf %sub3A_1411 : vector<16xf32>
        %mul3A_1413 = arith.mulf %abs3A_1412, %get3A_19 : vector<16xf32>
        %add3A_1414 = arith.addf %add3A_1407, %mul3A_1413 : vector<16xf32>
        %get3A_1415 = arith.index_cast %add3A_1371 : i32 to index
        %get3A_1416 = arith.constant 16 : index
        %get3A_1417 = tpu.vector_load %arg15[%get3A_1415, %get3A_1416] {strides = array<i32>} : memref<128x100xf32, #tpu.memory_space<vmem>>, vector<16xf32>,
        %sub3A_1418 = arith.subf %get3A_1400, %get3A_1417 : vector<16xf32>
        %abs3A_1419 = math.absf %sub3A_1418 : vector<16xf32>
        %mul3A_1420 = arith.mulf %abs3A_1419, %get3A_33 : vector<16xf32>
        %add3A_1421 = arith.addf %add3A_1414, %mul3A_1420 : vector<16xf32>
        %get3A_1422 = arith.index_cast %add3A_1371 : i32 to index
        %get3A_1423 = arith.constant 32 : index
        %get3A_1424 = tpu.vector_load %arg12[%get3A_1422, %get3A_1423] {strides = array<i32>} : memref<128x100xf32, #tpu.memory_space<vmem>>, vector<16xf32>,
        %get3A_1425 = arith.index_cast %add3A_1371 : i32 to index
        %get3A_1426 = arith.constant 32 : index
        %get3A_1427 = tpu.vector_load %arg13[%get3A_1425, %get3A_1426] {strides = array<i32>} : memref<128x100xf32, #tpu.memory_space<vmem>>, vector<16xf32>,
        %sub3A_1428 = arith.subf %get3A_1424, %get3A_1427 : vector<16xf32>
        %abs3A_1429 = math.absf %sub3A_1428 : vector<16xf32>
        %mul3A_1430 = arith.mulf %abs3A_1429, %get3A_7 : vector<16xf32>
        %add3A_1431 = arith.addf %add3A_1421, %mul3A_1430 : vector<16xf32>
        %get3A_1432 = arith.index_cast %add3A_1371 : i32 to index
        %get3A_1433 = arith.constant 32 : index
        %get3A_1434 = tpu.vector_load %arg14[%get3A_1432, %get3A_1433] {strides = array<i32>} : memref<128x100xf32, #tpu.memory_space<vmem>>, vector<16xf32>,
        %sub3A_1435 = arith.subf %get3A_1424, %get3A_1434 : vector<16xf32>
        %abs3A_1436 = math.absf %sub3A_1435 : vector<16xf32>
        %mul3A_1437 = arith.mulf %abs3A_1436, %get3A_21 : vector<16xf32>
        %add3A_1438 = arith.addf %add3A_1431, %mul3A_1437 : vector<16xf32>
        %get3A_1439 = arith.index_cast %add3A_1371 : i32 to index
        %get3A_1440 = arith.constant 32 : index
        %get3A_1441 = tpu.vector_load %arg15[%get3A_1439, %get3A_1440] {strides = array<i32>} : memref<128x100xf32, #tpu.memory_space<vmem>>, vector<16xf32>,
        %sub3A_1442 = arith.subf %get3A_1424, %get3A_1441 : vector<16xf32>
        %abs3A_1443 = math.absf %sub3A_1442 : vector<16xf32>
        %mul3A_1444 = arith.mulf %abs3A_1443, %get3A_35 : vector<16xf32>
        %add3A_1445 = arith.addf %add3A_1438, %mul3A_1444 : vector<16xf32>
        %get3A_1446 = arith.index_cast %add3A_1371 : i32 to index
        %get3A_1447 = arith.constant 48 : index
        %get3A_1448 = tpu.vector_load %arg12[%get3A_1446, %get3A_1447] {strides = array<i32>} : memref<128x100xf32, #tpu.memory_space<vmem>>, vector<16xf32>,
        %get3A_1449 = arith.index_cast %add3A_1371 : i32 to index
        %get3A_1450 = arith.constant 48 : index
        %get3A_1451 = tpu.vector_load %arg13[%get3A_1449, %get3A_1450] {strides = array<i32>} : memref<128x100xf32, #tpu.memory_space<vmem>>, vector<16xf32>,
        %sub3A_1452 = arith.subf %get3A_1448, %get3A_1451 : vector<16xf32>
        %abs3A_1453 = math.absf %sub3A_1452 : vector<16xf32>
        %mul3A_1454 = arith.mulf %abs3A_1453, %get3A_9 : vector<16xf32>
        %add3A_1455 = arith.addf %add3A_1445, %mul3A_1454 : vector<16xf32>
        %get3A_1456 = arith.index_cast %add3A_1371 : i32 to index
        %get3A_1457 = arith.constant 48 : index
        %get3A_1458 = tpu.vector_load %arg14[%get3A_1456, %get3A_1457] {strides = array<i32>} : memref<128x100xf32, #tpu.memory_space<vmem>>, vector<16xf32>,
        %sub3A_1459 = arith.subf %get3A_1448, %get3A_1458 : vector<16xf32>
        %abs3A_1460 = math.absf %sub3A_1459 : vector<16xf32>
        %mul3A_1461 = arith.mulf %abs3A_1460, %get3A_23 : vector<16xf32>
        %add3A_1462 = arith.addf %add3A_1455, %mul3A_1461 : vector<16xf32>
        %get3A_1463 = arith.index_cast %add3A_1371 : i32 to index
        %get3A_1464 = arith.constant 48 : index
        %get3A_1465 = tpu.vector_load %arg15[%get3A_1463, %get3A_1464] {strides = array<i32>} : memref<128x100xf32, #tpu.memory_space<vmem>>, vector<16xf32>,
        %sub3A_1466 = arith.subf %get3A_1448, %get3A_1465 : vector<16xf32>
        %abs3A_1467 = math.absf %sub3A_1466 : vector<16xf32>
        %mul3A_1468 = arith.mulf %abs3A_1467, %get3A_37 : vector<16xf32>
        %add3A_1469 = arith.addf %add3A_1462, %mul3A_1468 : vector<16xf32>
        %get3A_1470 = arith.index_cast %add3A_1371 : i32 to index
        %get3A_1471 = arith.constant 64 : index
        %get3A_1472 = tpu.vector_load %arg12[%get3A_1470, %get3A_1471] {strides = array<i32>} : memref<128x100xf32, #tpu.memory_space<vmem>>, vector<16xf32>,
        %get3A_1473 = arith.index_cast %add3A_1371 : i32 to index
        %get3A_1474 = arith.constant 64 : index
        %get3A_1475 = tpu.vector_load %arg13[%get3A_1473, %get3A_1474] {strides = array<i32>} : memref<128x100xf32, #tpu.memory_space<vmem>>, vector<16xf32>,
        %sub3A_1476 = arith.subf %get3A_1472, %get3A_1475 : vector<16xf32>
        %abs3A_1477 = math.absf %sub3A_1476 : vector<16xf32>
        %mul3A_1478 = arith.mulf %abs3A_1477, %get3A_11 : vector<16xf32>
        %add3A_1479 = arith.addf %add3A_1469, %mul3A_1478 : vector<16xf32>
        %get3A_1480 = arith.index_cast %add3A_1371 : i32 to index
        %get3A_1481 = arith.constant 64 : index
        %get3A_1482 = tpu.vector_load %arg14[%get3A_1480, %get3A_1481] {strides = array<i32>} : memref<128x100xf32, #tpu.memory_space<vmem>>, vector<16xf32>,
        %sub3A_1483 = arith.subf %get3A_1472, %get3A_1482 : vector<16xf32>
        %abs3A_1484 = math.absf %sub3A_1483 : vector<16xf32>
        %mul3A_1485 = arith.mulf %abs3A_1484, %get3A_25 : vector<16xf32>
        %add3A_1486 = arith.addf %add3A_1479, %mul3A_1485 : vector<16xf32>
        %get3A_1487 = arith.index_cast %add3A_1371 : i32 to index
        %get3A_1488 = arith.constant 64 : index
        %get3A_1489 = tpu.vector_load %arg15[%get3A_1487, %get3A_1488] {strides = array<i32>} : memref<128x100xf32, #tpu.memory_space<vmem>>, vector<16xf32>,
        %sub3A_1490 = arith.subf %get3A_1472, %get3A_1489 : vector<16xf32>
        %abs3A_1491 = math.absf %sub3A_1490 : vector<16xf32>
        %mul3A_1492 = arith.mulf %abs3A_1491, %get3A_39 : vector<16xf32>
        %add3A_1493 = arith.addf %add3A_1486, %mul3A_1492 : vector<16xf32>
        %get3A_1494 = arith.index_cast %add3A_1371 : i32 to index
        %get3A_1495 = arith.constant 80 : index
        %get3A_1496 = tpu.vector_load %arg12[%get3A_1494, %get3A_1495] {strides = array<i32>} : memref<128x100xf32, #tpu.memory_space<vmem>>, vector<16xf32>,
        %get3A_1497 = arith.index_cast %add3A_1371 : i32 to index
        %get3A_1498 = arith.constant 80 : index
        %get3A_1499 = tpu.vector_load %arg13[%get3A_1497, %get3A_1498] {strides = array<i32>} : memref<128x100xf32, #tpu.memory_space<vmem>>, vector<16xf32>,
        %sub3A_1500 = arith.subf %get3A_1496, %get3A_1499 : vector<16xf32>
        %abs3A_1501 = math.absf %sub3A_1500 : vector<16xf32>
        %mul3A_1502 = arith.mulf %abs3A_1501, %get3A_13 : vector<16xf32>
        %add3A_1503 = arith.addf %add3A_1493, %mul3A_1502 : vector<16xf32>
        %get3A_1504 = arith.index_cast %add3A_1371 : i32 to index
        %get3A_1505 = arith.constant 80 : index
        %get3A_1506 = tpu.vector_load %arg14[%get3A_1504, %get3A_1505] {strides = array<i32>} : memref<128x100xf32, #tpu.memory_space<vmem>>, vector<16xf32>,
        %sub3A_1507 = arith.subf %get3A_1496, %get3A_1506 : vector<16xf32>
        %abs3A_1508 = math.absf %sub3A_1507 : vector<16xf32>
        %mul3A_1509 = arith.mulf %abs3A_1508, %get3A_27 : vector<16xf32>
        %add3A_1510 = arith.addf %add3A_1503, %mul3A_1509 : vector<16xf32>
        %get3A_1511 = arith.index_cast %add3A_1371 : i32 to index
        %get3A_1512 = arith.constant 80 : index
        %get3A_1513 = tpu.vector_load %arg15[%get3A_1511, %get3A_1512] {strides = array<i32>} : memref<128x100xf32, #tpu.memory_space<vmem>>, vector<16xf32>,
        %sub3A_1514 = arith.subf %get3A_1496, %get3A_1513 : vector<16xf32>
        %abs3A_1515 = math.absf %sub3A_1514 : vector<16xf32>
        %mul3A_1516 = arith.mulf %abs3A_1515, %get3A_41 : vector<16xf32>
        %add3A_1517 = arith.addf %add3A_1510, %mul3A_1516 : vector<16xf32>
        %get3A_1518 = arith.index_cast %add3A_1371 : i32 to index
        %get3A_1519 = arith.constant 84 : index
        %get3A_1520 = tpu.vector_load %arg12[%get3A_1518, %get3A_1519] {strides = array<i32>} : memref<128x100xf32, #tpu.memory_space<vmem>>, vector<16xf32>,
        %get3A_1521 = arith.index_cast %add3A_1371 : i32 to index
        %get3A_1522 = arith.constant 84 : index
        %get3A_1523 = tpu.vector_load %arg13[%get3A_1521, %get3A_1522] {strides = array<i32>} : memref<128x100xf32, #tpu.memory_space<vmem>>, vector<16xf32>,
        %sub3A_1524 = arith.subf %get3A_1520, %get3A_1523 : vector<16xf32>
        %abs3A_1525 = math.absf %sub3A_1524 : vector<16xf32>
        %mul3A_1526 = arith.mulf %abs3A_1525, %get3A_15 : vector<16xf32>
        %add3A_1527 = arith.addf %add3A_1517, %mul3A_1526 : vector<16xf32>
        %get3A_1528 = arith.index_cast %add3A_1371 : i32 to index
        %get3A_1529 = arith.constant 84 : index
        %get3A_1530 = tpu.vector_load %arg14[%get3A_1528, %get3A_1529] {strides = array<i32>} : memref<128x100xf32, #tpu.memory_space<vmem>>, vector<16xf32>,
        %sub3A_1531 = arith.subf %get3A_1520, %get3A_1530 : vector<16xf32>
        %abs3A_1532 = math.absf %sub3A_1531 : vector<16xf32>
        %mul3A_1533 = arith.mulf %abs3A_1532, %get3A_29 : vector<16xf32>
        %add3A_1534 = arith.addf %add3A_1527, %mul3A_1533 : vector<16xf32>
        %get3A_1535 = arith.index_cast %add3A_1371 : i32 to index
        %get3A_1536 = arith.constant 84 : index
        %get3A_1537 = tpu.vector_load %arg15[%get3A_1535, %get3A_1536] {strides = array<i32>} : memref<128x100xf32, #tpu.memory_space<vmem>>, vector<16xf32>,
        %sub3A_1538 = arith.subf %get3A_1520, %get3A_1537 : vector<16xf32>
        %abs3A_1539 = math.absf %sub3A_1538 : vector<16xf32>
        %mul3A_1540 = arith.mulf %abs3A_1539, %get3A_43 : vector<16xf32>
        %add3A_1541 = arith.addf %add3A_1534, %mul3A_1540 : vector<16xf32>
        %eq3A_1542 = arith.constant 7 : i32
        %eq3A_1543 = vector.broadcast %eq3A_1542 : i32 to vector<16xi32>
        %eq3A_1544 = arith.cmpi eq, %iota3A, %eq3A_1543 : vector<16xi32>
        %reduce_sum3A_1545 = arith.constant true
        %reduce_sum3A_1546 = vector.broadcast %reduce_sum3A_1545 : i1 to vector<16xi1>
        %reduce_sum3A_1547 = tpu.scan <sum>, %add3A_1541 masked %reduce_sum3A_1546 : vector<16xf32>, vector<16xi1> -> vector<16xf32>
        %reduce_sum3A_1548 = vector.extract %reduce_sum3A_1547[15] : f32 from vector<16xf32>
        %broadcast_in_dim3A_1549 = vector.broadcast %reduce_sum3A_1548 : f32 to vector<16xf32>
        %select_n3A_1550 = arith.select %eq3A_1544, %broadcast_in_dim3A_1549, %select_n3A_1367 : vector<16xi1>, vector<16xf32>
        %mul3A_1551 = arith.constant 16 : i32
        %mul3A_1552 = arith.muli %scan3A_90, %mul3A_1551 : i32
        %add3A_1553 = arith.constant 8 : i32
        %add3A_1554 = arith.addi %mul3A_1552, %add3A_1553 : i32
        %broadcast_in_dim3A_1555 = arith.constant 0.000000e+00 : f32
        %broadcast_in_dim3A_1556 = vector.broadcast %broadcast_in_dim3A_1555 : f32 to vector<16xf32>
        %get3A_1557 = arith.index_cast %add3A_1554 : i32 to index
        %get3A_1558 = arith.constant 0 : index
        %get3A_1559 = tpu.vector_load %arg12[%get3A_1557, %get3A_1558] {strides = array<i32>} : memref<128x100xf32, #tpu.memory_space<vmem>>, vector<16xf32>,
        %get3A_1560 = arith.index_cast %add3A_1554 : i32 to index
        %get3A_1561 = arith.constant 0 : index
        %get3A_1562 = tpu.vector_load %arg13[%get3A_1560, %get3A_1561] {strides = array<i32>} : memref<128x100xf32, #tpu.memory_space<vmem>>, vector<16xf32>,
        %sub3A_1563 = arith.subf %get3A_1559, %get3A_1562 : vector<16xf32>
        %abs3A_1564 = math.absf %sub3A_1563 : vector<16xf32>
        %mul3A_1565 = arith.mulf %abs3A_1564, %get3A_3 : vector<16xf32>
        %add3A_1566 = arith.addf %broadcast_in_dim3A_1556, %mul3A_1565 : vector<16xf32>
        %get3A_1567 = arith.index_cast %add3A_1554 : i32 to index
        %get3A_1568 = arith.constant 0 : index
        %get3A_1569 = tpu.vector_load %arg14[%get3A_1567, %get3A_1568] {strides = array<i32>} : memref<128x100xf32, #tpu.memory_space<vmem>>, vector<16xf32>,
        %sub3A_1570 = arith.subf %get3A_1559, %get3A_1569 : vector<16xf32>
        %abs3A_1571 = math.absf %sub3A_1570 : vector<16xf32>
        %mul3A_1572 = arith.mulf %abs3A_1571, %get3A_17 : vector<16xf32>
        %add3A_1573 = arith.addf %add3A_1566, %mul3A_1572 : vector<16xf32>
        %get3A_1574 = arith.index_cast %add3A_1554 : i32 to index
        %get3A_1575 = arith.constant 0 : index
        %get3A_1576 = tpu.vector_load %arg15[%get3A_1574, %get3A_1575] {strides = array<i32>} : memref<128x100xf32, #tpu.memory_space<vmem>>, vector<16xf32>,
        %sub3A_1577 = arith.subf %get3A_1559, %get3A_1576 : vector<16xf32>
        %abs3A_1578 = math.absf %sub3A_1577 : vector<16xf32>
        %mul3A_1579 = arith.mulf %abs3A_1578, %get3A_31 : vector<16xf32>
        %add3A_1580 = arith.addf %add3A_1573, %mul3A_1579 : vector<16xf32>
        %get3A_1581 = arith.index_cast %add3A_1554 : i32 to index
        %get3A_1582 = arith.constant 16 : index
        %get3A_1583 = tpu.vector_load %arg12[%get3A_1581, %get3A_1582] {strides = array<i32>} : memref<128x100xf32, #tpu.memory_space<vmem>>, vector<16xf32>,
        %get3A_1584 = arith.index_cast %add3A_1554 : i32 to index
        %get3A_1585 = arith.constant 16 : index
        %get3A_1586 = tpu.vector_load %arg13[%get3A_1584, %get3A_1585] {strides = array<i32>} : memref<128x100xf32, #tpu.memory_space<vmem>>, vector<16xf32>,
        %sub3A_1587 = arith.subf %get3A_1583, %get3A_1586 : vector<16xf32>
        %abs3A_1588 = math.absf %sub3A_1587 : vector<16xf32>
        %mul3A_1589 = arith.mulf %abs3A_1588, %get3A_5 : vector<16xf32>
        %add3A_1590 = arith.addf %add3A_1580, %mul3A_1589 : vector<16xf32>
        %get3A_1591 = arith.index_cast %add3A_1554 : i32 to index
        %get3A_1592 = arith.constant 16 : index
        %get3A_1593 = tpu.vector_load %arg14[%get3A_1591, %get3A_1592] {strides = array<i32>} : memref<128x100xf32, #tpu.memory_space<vmem>>, vector<16xf32>,
        %sub3A_1594 = arith.subf %get3A_1583, %get3A_1593 : vector<16xf32>
        %abs3A_1595 = math.absf %sub3A_1594 : vector<16xf32>
        %mul3A_1596 = arith.mulf %abs3A_1595, %get3A_19 : vector<16xf32>
        %add3A_1597 = arith.addf %add3A_1590, %mul3A_1596 : vector<16xf32>
        %get3A_1598 = arith.index_cast %add3A_1554 : i32 to index
        %get3A_1599 = arith.constant 16 : index
        %get3A_1600 = tpu.vector_load %arg15[%get3A_1598, %get3A_1599] {strides = array<i32>} : memref<128x100xf32, #tpu.memory_space<vmem>>, vector<16xf32>,
        %sub3A_1601 = arith.subf %get3A_1583, %get3A_1600 : vector<16xf32>
        %abs3A_1602 = math.absf %sub3A_1601 : vector<16xf32>
        %mul3A_1603 = arith.mulf %abs3A_1602, %get3A_33 : vector<16xf32>
        %add3A_1604 = arith.addf %add3A_1597, %mul3A_1603 : vector<16xf32>
        %get3A_1605 = arith.index_cast %add3A_1554 : i32 to index
        %get3A_1606 = arith.constant 32 : index
        %get3A_1607 = tpu.vector_load %arg12[%get3A_1605, %get3A_1606] {strides = array<i32>} : memref<128x100xf32, #tpu.memory_space<vmem>>, vector<16xf32>,
        %get3A_1608 = arith.index_cast %add3A_1554 : i32 to index
        %get3A_1609 = arith.constant 32 : index
        %get3A_1610 = tpu.vector_load %arg13[%get3A_1608, %get3A_1609] {strides = array<i32>} : memref<128x100xf32, #tpu.memory_space<vmem>>, vector<16xf32>,
        %sub3A_1611 = arith.subf %get3A_1607, %get3A_1610 : vector<16xf32>
        %abs3A_1612 = math.absf %sub3A_1611 : vector<16xf32>
        %mul3A_1613 = arith.mulf %abs3A_1612, %get3A_7 : vector<16xf32>
        %add3A_1614 = arith.addf %add3A_1604, %mul3A_1613 : vector<16xf32>
        %get3A_1615 = arith.index_cast %add3A_1554 : i32 to index
        %get3A_1616 = arith.constant 32 : index
        %get3A_1617 = tpu.vector_load %arg14[%get3A_1615, %get3A_1616] {strides = array<i32>} : memref<128x100xf32, #tpu.memory_space<vmem>>, vector<16xf32>,
        %sub3A_1618 = arith.subf %get3A_1607, %get3A_1617 : vector<16xf32>
        %abs3A_1619 = math.absf %sub3A_1618 : vector<16xf32>
        %mul3A_1620 = arith.mulf %abs3A_1619, %get3A_21 : vector<16xf32>
        %add3A_1621 = arith.addf %add3A_1614, %mul3A_1620 : vector<16xf32>
        %get3A_1622 = arith.index_cast %add3A_1554 : i32 to index
        %get3A_1623 = arith.constant 32 : index
        %get3A_1624 = tpu.vector_load %arg15[%get3A_1622, %get3A_1623] {strides = array<i32>} : memref<128x100xf32, #tpu.memory_space<vmem>>, vector<16xf32>,
        %sub3A_1625 = arith.subf %get3A_1607, %get3A_1624 : vector<16xf32>
        %abs3A_1626 = math.absf %sub3A_1625 : vector<16xf32>
        %mul3A_1627 = arith.mulf %abs3A_1626, %get3A_35 : vector<16xf32>
        %add3A_1628 = arith.addf %add3A_1621, %mul3A_1627 : vector<16xf32>
        %get3A_1629 = arith.index_cast %add3A_1554 : i32 to index
        %get3A_1630 = arith.constant 48 : index
        %get3A_1631 = tpu.vector_load %arg12[%get3A_1629, %get3A_1630] {strides = array<i32>} : memref<128x100xf32, #tpu.memory_space<vmem>>, vector<16xf32>,
        %get3A_1632 = arith.index_cast %add3A_1554 : i32 to index
        %get3A_1633 = arith.constant 48 : index
        %get3A_1634 = tpu.vector_load %arg13[%get3A_1632, %get3A_1633] {strides = array<i32>} : memref<128x100xf32, #tpu.memory_space<vmem>>, vector<16xf32>,
        %sub3A_1635 = arith.subf %get3A_1631, %get3A_1634 : vector<16xf32>
        %abs3A_1636 = math.absf %sub3A_1635 : vector<16xf32>
        %mul3A_1637 = arith.mulf %abs3A_1636, %get3A_9 : vector<16xf32>
        %add3A_1638 = arith.addf %add3A_1628, %mul3A_1637 : vector<16xf32>
        %get3A_1639 = arith.index_cast %add3A_1554 : i32 to index
        %get3A_1640 = arith.constant 48 : index
        %get3A_1641 = tpu.vector_load %arg14[%get3A_1639, %get3A_1640] {strides = array<i32>} : memref<128x100xf32, #tpu.memory_space<vmem>>, vector<16xf32>,
        %sub3A_1642 = arith.subf %get3A_1631, %get3A_1641 : vector<16xf32>
        %abs3A_1643 = math.absf %sub3A_1642 : vector<16xf32>
        %mul3A_1644 = arith.mulf %abs3A_1643, %get3A_23 : vector<16xf32>
        %add3A_1645 = arith.addf %add3A_1638, %mul3A_1644 : vector<16xf32>
        %get3A_1646 = arith.index_cast %add3A_1554 : i32 to index
        %get3A_1647 = arith.constant 48 : index
        %get3A_1648 = tpu.vector_load %arg15[%get3A_1646, %get3A_1647] {strides = array<i32>} : memref<128x100xf32, #tpu.memory_space<vmem>>, vector<16xf32>,
        %sub3A_1649 = arith.subf %get3A_1631, %get3A_1648 : vector<16xf32>
        %abs3A_1650 = math.absf %sub3A_1649 : vector<16xf32>
        %mul3A_1651 = arith.mulf %abs3A_1650, %get3A_37 : vector<16xf32>
        %add3A_1652 = arith.addf %add3A_1645, %mul3A_1651 : vector<16xf32>
        %get3A_1653 = arith.index_cast %add3A_1554 : i32 to index
        %get3A_1654 = arith.constant 64 : index
        %get3A_1655 = tpu.vector_load %arg12[%get3A_1653, %get3A_1654] {strides = array<i32>} : memref<128x100xf32, #tpu.memory_space<vmem>>, vector<16xf32>,
        %get3A_1656 = arith.index_cast %add3A_1554 : i32 to index
        %get3A_1657 = arith.constant 64 : index
        %get3A_1658 = tpu.vector_load %arg13[%get3A_1656, %get3A_1657] {strides = array<i32>} : memref<128x100xf32, #tpu.memory_space<vmem>>, vector<16xf32>,
        %sub3A_1659 = arith.subf %get3A_1655, %get3A_1658 : vector<16xf32>
        %abs3A_1660 = math.absf %sub3A_1659 : vector<16xf32>
        %mul3A_1661 = arith.mulf %abs3A_1660, %get3A_11 : vector<16xf32>
        %add3A_1662 = arith.addf %add3A_1652, %mul3A_1661 : vector<16xf32>
        %get3A_1663 = arith.index_cast %add3A_1554 : i32 to index
        %get3A_1664 = arith.constant 64 : index
        %get3A_1665 = tpu.vector_load %arg14[%get3A_1663, %get3A_1664] {strides = array<i32>} : memref<128x100xf32, #tpu.memory_space<vmem>>, vector<16xf32>,
        %sub3A_1666 = arith.subf %get3A_1655, %get3A_1665 : vector<16xf32>
        %abs3A_1667 = math.absf %sub3A_1666 : vector<16xf32>
        %mul3A_1668 = arith.mulf %abs3A_1667, %get3A_25 : vector<16xf32>
        %add3A_1669 = arith.addf %add3A_1662, %mul3A_1668 : vector<16xf32>
        %get3A_1670 = arith.index_cast %add3A_1554 : i32 to index
        %get3A_1671 = arith.constant 64 : index
        %get3A_1672 = tpu.vector_load %arg15[%get3A_1670, %get3A_1671] {strides = array<i32>} : memref<128x100xf32, #tpu.memory_space<vmem>>, vector<16xf32>,
        %sub3A_1673 = arith.subf %get3A_1655, %get3A_1672 : vector<16xf32>
        %abs3A_1674 = math.absf %sub3A_1673 : vector<16xf32>
        %mul3A_1675 = arith.mulf %abs3A_1674, %get3A_39 : vector<16xf32>
        %add3A_1676 = arith.addf %add3A_1669, %mul3A_1675 : vector<16xf32>
        %get3A_1677 = arith.index_cast %add3A_1554 : i32 to index
        %get3A_1678 = arith.constant 80 : index
        %get3A_1679 = tpu.vector_load %arg12[%get3A_1677, %get3A_1678] {strides = array<i32>} : memref<128x100xf32, #tpu.memory_space<vmem>>, vector<16xf32>,
        %get3A_1680 = arith.index_cast %add3A_1554 : i32 to index
        %get3A_1681 = arith.constant 80 : index
        %get3A_1682 = tpu.vector_load %arg13[%get3A_1680, %get3A_1681] {strides = array<i32>} : memref<128x100xf32, #tpu.memory_space<vmem>>, vector<16xf32>,
        %sub3A_1683 = arith.subf %get3A_1679, %get3A_1682 : vector<16xf32>
        %abs3A_1684 = math.absf %sub3A_1683 : vector<16xf32>
        %mul3A_1685 = arith.mulf %abs3A_1684, %get3A_13 : vector<16xf32>
        %add3A_1686 = arith.addf %add3A_1676, %mul3A_1685 : vector<16xf32>
        %get3A_1687 = arith.index_cast %add3A_1554 : i32 to index
        %get3A_1688 = arith.constant 80 : index
        %get3A_1689 = tpu.vector_load %arg14[%get3A_1687, %get3A_1688] {strides = array<i32>} : memref<128x100xf32, #tpu.memory_space<vmem>>, vector<16xf32>,
        %sub3A_1690 = arith.subf %get3A_1679, %get3A_1689 : vector<16xf32>
        %abs3A_1691 = math.absf %sub3A_1690 : vector<16xf32>
        %mul3A_1692 = arith.mulf %abs3A_1691, %get3A_27 : vector<16xf32>
        %add3A_1693 = arith.addf %add3A_1686, %mul3A_1692 : vector<16xf32>
        %get3A_1694 = arith.index_cast %add3A_1554 : i32 to index
        %get3A_1695 = arith.constant 80 : index
        %get3A_1696 = tpu.vector_load %arg15[%get3A_1694, %get3A_1695] {strides = array<i32>} : memref<128x100xf32, #tpu.memory_space<vmem>>, vector<16xf32>,
        %sub3A_1697 = arith.subf %get3A_1679, %get3A_1696 : vector<16xf32>
        %abs3A_1698 = math.absf %sub3A_1697 : vector<16xf32>
        %mul3A_1699 = arith.mulf %abs3A_1698, %get3A_41 : vector<16xf32>
        %add3A_1700 = arith.addf %add3A_1693, %mul3A_1699 : vector<16xf32>
        %get3A_1701 = arith.index_cast %add3A_1554 : i32 to index
        %get3A_1702 = arith.constant 84 : index
        %get3A_1703 = tpu.vector_load %arg12[%get3A_1701, %get3A_1702] {strides = array<i32>} : memref<128x100xf32, #tpu.memory_space<vmem>>, vector<16xf32>,
        %get3A_1704 = arith.index_cast %add3A_1554 : i32 to index
        %get3A_1705 = arith.constant 84 : index
        %get3A_1706 = tpu.vector_load %arg13[%get3A_1704, %get3A_1705] {strides = array<i32>} : memref<128x100xf32, #tpu.memory_space<vmem>>, vector<16xf32>,
        %sub3A_1707 = arith.subf %get3A_1703, %get3A_1706 : vector<16xf32>
        %abs3A_1708 = math.absf %sub3A_1707 : vector<16xf32>
        %mul3A_1709 = arith.mulf %abs3A_1708, %get3A_15 : vector<16xf32>
        %add3A_1710 = arith.addf %add3A_1700, %mul3A_1709 : vector<16xf32>
        %get3A_1711 = arith.index_cast %add3A_1554 : i32 to index
        %get3A_1712 = arith.constant 84 : index
        %get3A_1713 = tpu.vector_load %arg14[%get3A_1711, %get3A_1712] {strides = array<i32>} : memref<128x100xf32, #tpu.memory_space<vmem>>, vector<16xf32>,
        %sub3A_1714 = arith.subf %get3A_1703, %get3A_1713 : vector<16xf32>
        %abs3A_1715 = math.absf %sub3A_1714 : vector<16xf32>
        %mul3A_1716 = arith.mulf %abs3A_1715, %get3A_29 : vector<16xf32>
        %add3A_1717 = arith.addf %add3A_1710, %mul3A_1716 : vector<16xf32>
        %get3A_1718 = arith.index_cast %add3A_1554 : i32 to index
        %get3A_1719 = arith.constant 84 : index
        %get3A_1720 = tpu.vector_load %arg15[%get3A_1718, %get3A_1719] {strides = array<i32>} : memref<128x100xf32, #tpu.memory_space<vmem>>, vector<16xf32>,
        %sub3A_1721 = arith.subf %get3A_1703, %get3A_1720 : vector<16xf32>
        %abs3A_1722 = math.absf %sub3A_1721 : vector<16xf32>
        %mul3A_1723 = arith.mulf %abs3A_1722, %get3A_43 : vector<16xf32>
        %add3A_1724 = arith.addf %add3A_1717, %mul3A_1723 : vector<16xf32>
        %eq3A_1725 = arith.constant 8 : i32
        %eq3A_1726 = vector.broadcast %eq3A_1725 : i32 to vector<16xi32>
        %eq3A_1727 = arith.cmpi eq, %iota3A, %eq3A_1726 : vector<16xi32>
        %reduce_sum3A_1728 = arith.constant true
        %reduce_sum3A_1729 = vector.broadcast %reduce_sum3A_1728 : i1 to vector<16xi1>
        %reduce_sum3A_1730 = tpu.scan <sum>, %add3A_1724 masked %reduce_sum3A_1729 : vector<16xf32>, vector<16xi1> -> vector<16xf32>
        %reduce_sum3A_1731 = vector.extract %reduce_sum3A_1730[15] : f32 from vector<16xf32>
        %broadcast_in_dim3A_1732 = vector.broadcast %reduce_sum3A_1731 : f32 to vector<16xf32>
        %select_n3A_1733 = arith.select %eq3A_1727, %broadcast_in_dim3A_1732, %select_n3A_1550 : vector<16xi1>, vector<16xf32>
        %mul3A_1734 = arith.constant 16 : i32
        %mul3A_1735 = arith.muli %scan3A_90, %mul3A_1734 : i32
        %add3A_1736 = arith.constant 9 : i32
        %add3A_1737 = arith.addi %mul3A_1735, %add3A_1736 : i32
        %broadcast_in_dim3A_1738 = arith.constant 0.000000e+00 : f32
        %broadcast_in_dim3A_1739 = vector.broadcast %broadcast_in_dim3A_1738 : f32 to vector<16xf32>
        %get3A_1740 = arith.index_cast %add3A_1737 : i32 to index
        %get3A_1741 = arith.constant 0 : index
        %get3A_1742 = tpu.vector_load %arg12[%get3A_1740, %get3A_1741] {strides = array<i32>} : memref<128x100xf32, #tpu.memory_space<vmem>>, vector<16xf32>,
        %get3A_1743 = arith.index_cast %add3A_1737 : i32 to index
        %get3A_1744 = arith.constant 0 : index
        %get3A_1745 = tpu.vector_load %arg13[%get3A_1743, %get3A_1744] {strides = array<i32>} : memref<128x100xf32, #tpu.memory_space<vmem>>, vector<16xf32>,
        %sub3A_1746 = arith.subf %get3A_1742, %get3A_1745 : vector<16xf32>
        %abs3A_1747 = math.absf %sub3A_1746 : vector<16xf32>
        %mul3A_1748 = arith.mulf %abs3A_1747, %get3A_3 : vector<16xf32>
        %add3A_1749 = arith.addf %broadcast_in_dim3A_1739, %mul3A_1748 : vector<16xf32>
        %get3A_1750 = arith.index_cast %add3A_1737 : i32 to index
        %get3A_1751 = arith.constant 0 : index
        %get3A_1752 = tpu.vector_load %arg14[%get3A_1750, %get3A_1751] {strides = array<i32>} : memref<128x100xf32, #tpu.memory_space<vmem>>, vector<16xf32>,
        %sub3A_1753 = arith.subf %get3A_1742, %get3A_1752 : vector<16xf32>
        %abs3A_1754 = math.absf %sub3A_1753 : vector<16xf32>
        %mul3A_1755 = arith.mulf %abs3A_1754, %get3A_17 : vector<16xf32>
        %add3A_1756 = arith.addf %add3A_1749, %mul3A_1755 : vector<16xf32>
        %get3A_1757 = arith.index_cast %add3A_1737 : i32 to index
        %get3A_1758 = arith.constant 0 : index
        %get3A_1759 = tpu.vector_load %arg15[%get3A_1757, %get3A_1758] {strides = array<i32>} : memref<128x100xf32, #tpu.memory_space<vmem>>, vector<16xf32>,
        %sub3A_1760 = arith.subf %get3A_1742, %get3A_1759 : vector<16xf32>
        %abs3A_1761 = math.absf %sub3A_1760 : vector<16xf32>
        %mul3A_1762 = arith.mulf %abs3A_1761, %get3A_31 : vector<16xf32>
        %add3A_1763 = arith.addf %add3A_1756, %mul3A_1762 : vector<16xf32>
        %get3A_1764 = arith.index_cast %add3A_1737 : i32 to index
        %get3A_1765 = arith.constant 16 : index
        %get3A_1766 = tpu.vector_load %arg12[%get3A_1764, %get3A_1765] {strides = array<i32>} : memref<128x100xf32, #tpu.memory_space<vmem>>, vector<16xf32>,
        %get3A_1767 = arith.index_cast %add3A_1737 : i32 to index
        %get3A_1768 = arith.constant 16 : index
        %get3A_1769 = tpu.vector_load %arg13[%get3A_1767, %get3A_1768] {strides = array<i32>} : memref<128x100xf32, #tpu.memory_space<vmem>>, vector<16xf32>,
        %sub3A_1770 = arith.subf %get3A_1766, %get3A_1769 : vector<16xf32>
        %abs3A_1771 = math.absf %sub3A_1770 : vector<16xf32>
        %mul3A_1772 = arith.mulf %abs3A_1771, %get3A_5 : vector<16xf32>
        %add3A_1773 = arith.addf %add3A_1763, %mul3A_1772 : vector<16xf32>
        %get3A_1774 = arith.index_cast %add3A_1737 : i32 to index
        %get3A_1775 = arith.constant 16 : index
        %get3A_1776 = tpu.vector_load %arg14[%get3A_1774, %get3A_1775] {strides = array<i32>} : memref<128x100xf32, #tpu.memory_space<vmem>>, vector<16xf32>,
        %sub3A_1777 = arith.subf %get3A_1766, %get3A_1776 : vector<16xf32>
        %abs3A_1778 = math.absf %sub3A_1777 : vector<16xf32>
        %mul3A_1779 = arith.mulf %abs3A_1778, %get3A_19 : vector<16xf32>
        %add3A_1780 = arith.addf %add3A_1773, %mul3A_1779 : vector<16xf32>
        %get3A_1781 = arith.index_cast %add3A_1737 : i32 to index
        %get3A_1782 = arith.constant 16 : index
        %get3A_1783 = tpu.vector_load %arg15[%get3A_1781, %get3A_1782] {strides = array<i32>} : memref<128x100xf32, #tpu.memory_space<vmem>>, vector<16xf32>,
        %sub3A_1784 = arith.subf %get3A_1766, %get3A_1783 : vector<16xf32>
        %abs3A_1785 = math.absf %sub3A_1784 : vector<16xf32>
        %mul3A_1786 = arith.mulf %abs3A_1785, %get3A_33 : vector<16xf32>
        %add3A_1787 = arith.addf %add3A_1780, %mul3A_1786 : vector<16xf32>
        %get3A_1788 = arith.index_cast %add3A_1737 : i32 to index
        %get3A_1789 = arith.constant 32 : index
        %get3A_1790 = tpu.vector_load %arg12[%get3A_1788, %get3A_1789] {strides = array<i32>} : memref<128x100xf32, #tpu.memory_space<vmem>>, vector<16xf32>,
        %get3A_1791 = arith.index_cast %add3A_1737 : i32 to index
        %get3A_1792 = arith.constant 32 : index
        %get3A_1793 = tpu.vector_load %arg13[%get3A_1791, %get3A_1792] {strides = array<i32>} : memref<128x100xf32, #tpu.memory_space<vmem>>, vector<16xf32>,
        %sub3A_1794 = arith.subf %get3A_1790, %get3A_1793 : vector<16xf32>
        %abs3A_1795 = math.absf %sub3A_1794 : vector<16xf32>
        %mul3A_1796 = arith.mulf %abs3A_1795, %get3A_7 : vector<16xf32>
        %add3A_1797 = arith.addf %add3A_1787, %mul3A_1796 : vector<16xf32>
        %get3A_1798 = arith.index_cast %add3A_1737 : i32 to index
        %get3A_1799 = arith.constant 32 : index
        %get3A_1800 = tpu.vector_load %arg14[%get3A_1798, %get3A_1799] {strides = array<i32>} : memref<128x100xf32, #tpu.memory_space<vmem>>, vector<16xf32>,
        %sub3A_1801 = arith.subf %get3A_1790, %get3A_1800 : vector<16xf32>
        %abs3A_1802 = math.absf %sub3A_1801 : vector<16xf32>
        %mul3A_1803 = arith.mulf %abs3A_1802, %get3A_21 : vector<16xf32>
        %add3A_1804 = arith.addf %add3A_1797, %mul3A_1803 : vector<16xf32>
        %get3A_1805 = arith.index_cast %add3A_1737 : i32 to index
        %get3A_1806 = arith.constant 32 : index
        %get3A_1807 = tpu.vector_load %arg15[%get3A_1805, %get3A_1806] {strides = array<i32>} : memref<128x100xf32, #tpu.memory_space<vmem>>, vector<16xf32>,
        %sub3A_1808 = arith.subf %get3A_1790, %get3A_1807 : vector<16xf32>
        %abs3A_1809 = math.absf %sub3A_1808 : vector<16xf32>
        %mul3A_1810 = arith.mulf %abs3A_1809, %get3A_35 : vector<16xf32>
        %add3A_1811 = arith.addf %add3A_1804, %mul3A_1810 : vector<16xf32>
        %get3A_1812 = arith.index_cast %add3A_1737 : i32 to index
        %get3A_1813 = arith.constant 48 : index
        %get3A_1814 = tpu.vector_load %arg12[%get3A_1812, %get3A_1813] {strides = array<i32>} : memref<128x100xf32, #tpu.memory_space<vmem>>, vector<16xf32>,
        %get3A_1815 = arith.index_cast %add3A_1737 : i32 to index
        %get3A_1816 = arith.constant 48 : index
        %get3A_1817 = tpu.vector_load %arg13[%get3A_1815, %get3A_1816] {strides = array<i32>} : memref<128x100xf32, #tpu.memory_space<vmem>>, vector<16xf32>,
        %sub3A_1818 = arith.subf %get3A_1814, %get3A_1817 : vector<16xf32>
        %abs3A_1819 = math.absf %sub3A_1818 : vector<16xf32>
        %mul3A_1820 = arith.mulf %abs3A_1819, %get3A_9 : vector<16xf32>
        %add3A_1821 = arith.addf %add3A_1811, %mul3A_1820 : vector<16xf32>
        %get3A_1822 = arith.index_cast %add3A_1737 : i32 to index
        %get3A_1823 = arith.constant 48 : index
        %get3A_1824 = tpu.vector_load %arg14[%get3A_1822, %get3A_1823] {strides = array<i32>} : memref<128x100xf32, #tpu.memory_space<vmem>>, vector<16xf32>,
        %sub3A_1825 = arith.subf %get3A_1814, %get3A_1824 : vector<16xf32>
        %abs3A_1826 = math.absf %sub3A_1825 : vector<16xf32>
        %mul3A_1827 = arith.mulf %abs3A_1826, %get3A_23 : vector<16xf32>
        %add3A_1828 = arith.addf %add3A_1821, %mul3A_1827 : vector<16xf32>
        %get3A_1829 = arith.index_cast %add3A_1737 : i32 to index
        %get3A_1830 = arith.constant 48 : index
        %get3A_1831 = tpu.vector_load %arg15[%get3A_1829, %get3A_1830] {strides = array<i32>} : memref<128x100xf32, #tpu.memory_space<vmem>>, vector<16xf32>,
        %sub3A_1832 = arith.subf %get3A_1814, %get3A_1831 : vector<16xf32>
        %abs3A_1833 = math.absf %sub3A_1832 : vector<16xf32>
        %mul3A_1834 = arith.mulf %abs3A_1833, %get3A_37 : vector<16xf32>
        %add3A_1835 = arith.addf %add3A_1828, %mul3A_1834 : vector<16xf32>
        %get3A_1836 = arith.index_cast %add3A_1737 : i32 to index
        %get3A_1837 = arith.constant 64 : index
        %get3A_1838 = tpu.vector_load %arg12[%get3A_1836, %get3A_1837] {strides = array<i32>} : memref<128x100xf32, #tpu.memory_space<vmem>>, vector<16xf32>,
        %get3A_1839 = arith.index_cast %add3A_1737 : i32 to index
        %get3A_1840 = arith.constant 64 : index
        %get3A_1841 = tpu.vector_load %arg13[%get3A_1839, %get3A_1840] {strides = array<i32>} : memref<128x100xf32, #tpu.memory_space<vmem>>, vector<16xf32>,
        %sub3A_1842 = arith.subf %get3A_1838, %get3A_1841 : vector<16xf32>
        %abs3A_1843 = math.absf %sub3A_1842 : vector<16xf32>
        %mul3A_1844 = arith.mulf %abs3A_1843, %get3A_11 : vector<16xf32>
        %add3A_1845 = arith.addf %add3A_1835, %mul3A_1844 : vector<16xf32>
        %get3A_1846 = arith.index_cast %add3A_1737 : i32 to index
        %get3A_1847 = arith.constant 64 : index
        %get3A_1848 = tpu.vector_load %arg14[%get3A_1846, %get3A_1847] {strides = array<i32>} : memref<128x100xf32, #tpu.memory_space<vmem>>, vector<16xf32>,
        %sub3A_1849 = arith.subf %get3A_1838, %get3A_1848 : vector<16xf32>
        %abs3A_1850 = math.absf %sub3A_1849 : vector<16xf32>
        %mul3A_1851 = arith.mulf %abs3A_1850, %get3A_25 : vector<16xf32>
        %add3A_1852 = arith.addf %add3A_1845, %mul3A_1851 : vector<16xf32>
        %get3A_1853 = arith.index_cast %add3A_1737 : i32 to index
        %get3A_1854 = arith.constant 64 : index
        %get3A_1855 = tpu.vector_load %arg15[%get3A_1853, %get3A_1854] {strides = array<i32>} : memref<128x100xf32, #tpu.memory_space<vmem>>, vector<16xf32>,
        %sub3A_1856 = arith.subf %get3A_1838, %get3A_1855 : vector<16xf32>
        %abs3A_1857 = math.absf %sub3A_1856 : vector<16xf32>
        %mul3A_1858 = arith.mulf %abs3A_1857, %get3A_39 : vector<16xf32>
        %add3A_1859 = arith.addf %add3A_1852, %mul3A_1858 : vector<16xf32>
        %get3A_1860 = arith.index_cast %add3A_1737 : i32 to index
        %get3A_1861 = arith.constant 80 : index
        %get3A_1862 = tpu.vector_load %arg12[%get3A_1860, %get3A_1861] {strides = array<i32>} : memref<128x100xf32, #tpu.memory_space<vmem>>, vector<16xf32>,
        %get3A_1863 = arith.index_cast %add3A_1737 : i32 to index
        %get3A_1864 = arith.constant 80 : index
        %get3A_1865 = tpu.vector_load %arg13[%get3A_1863, %get3A_1864] {strides = array<i32>} : memref<128x100xf32, #tpu.memory_space<vmem>>, vector<16xf32>,
        %sub3A_1866 = arith.subf %get3A_1862, %get3A_1865 : vector<16xf32>
        %abs3A_1867 = math.absf %sub3A_1866 : vector<16xf32>
        %mul3A_1868 = arith.mulf %abs3A_1867, %get3A_13 : vector<16xf32>
        %add3A_1869 = arith.addf %add3A_1859, %mul3A_1868 : vector<16xf32>
        %get3A_1870 = arith.index_cast %add3A_1737 : i32 to index
        %get3A_1871 = arith.constant 80 : index
        %get3A_1872 = tpu.vector_load %arg14[%get3A_1870, %get3A_1871] {strides = array<i32>} : memref<128x100xf32, #tpu.memory_space<vmem>>, vector<16xf32>,
        %sub3A_1873 = arith.subf %get3A_1862, %get3A_1872 : vector<16xf32>
        %abs3A_1874 = math.absf %sub3A_1873 : vector<16xf32>
        %mul3A_1875 = arith.mulf %abs3A_1874, %get3A_27 : vector<16xf32>
        %add3A_1876 = arith.addf %add3A_1869, %mul3A_1875 : vector<16xf32>
        %get3A_1877 = arith.index_cast %add3A_1737 : i32 to index
        %get3A_1878 = arith.constant 80 : index
        %get3A_1879 = tpu.vector_load %arg15[%get3A_1877, %get3A_1878] {strides = array<i32>} : memref<128x100xf32, #tpu.memory_space<vmem>>, vector<16xf32>,
        %sub3A_1880 = arith.subf %get3A_1862, %get3A_1879 : vector<16xf32>
        %abs3A_1881 = math.absf %sub3A_1880 : vector<16xf32>
        %mul3A_1882 = arith.mulf %abs3A_1881, %get3A_41 : vector<16xf32>
        %add3A_1883 = arith.addf %add3A_1876, %mul3A_1882 : vector<16xf32>
        %get3A_1884 = arith.index_cast %add3A_1737 : i32 to index
        %get3A_1885 = arith.constant 84 : index
        %get3A_1886 = tpu.vector_load %arg12[%get3A_1884, %get3A_1885] {strides = array<i32>} : memref<128x100xf32, #tpu.memory_space<vmem>>, vector<16xf32>,
        %get3A_1887 = arith.index_cast %add3A_1737 : i32 to index
        %get3A_1888 = arith.constant 84 : index
        %get3A_1889 = tpu.vector_load %arg13[%get3A_1887, %get3A_1888] {strides = array<i32>} : memref<128x100xf32, #tpu.memory_space<vmem>>, vector<16xf32>,
        %sub3A_1890 = arith.subf %get3A_1886, %get3A_1889 : vector<16xf32>
        %abs3A_1891 = math.absf %sub3A_1890 : vector<16xf32>
        %mul3A_1892 = arith.mulf %abs3A_1891, %get3A_15 : vector<16xf32>
        %add3A_1893 = arith.addf %add3A_1883, %mul3A_1892 : vector<16xf32>
        %get3A_1894 = arith.index_cast %add3A_1737 : i32 to index
        %get3A_1895 = arith.constant 84 : index
        %get3A_1896 = tpu.vector_load %arg14[%get3A_1894, %get3A_1895] {strides = array<i32>} : memref<128x100xf32, #tpu.memory_space<vmem>>, vector<16xf32>,
        %sub3A_1897 = arith.subf %get3A_1886, %get3A_1896 : vector<16xf32>
        %abs3A_1898 = math.absf %sub3A_1897 : vector<16xf32>
        %mul3A_1899 = arith.mulf %abs3A_1898, %get3A_29 : vector<16xf32>
        %add3A_1900 = arith.addf %add3A_1893, %mul3A_1899 : vector<16xf32>
        %get3A_1901 = arith.index_cast %add3A_1737 : i32 to index
        %get3A_1902 = arith.constant 84 : index
        %get3A_1903 = tpu.vector_load %arg15[%get3A_1901, %get3A_1902] {strides = array<i32>} : memref<128x100xf32, #tpu.memory_space<vmem>>, vector<16xf32>,
        %sub3A_1904 = arith.subf %get3A_1886, %get3A_1903 : vector<16xf32>
        %abs3A_1905 = math.absf %sub3A_1904 : vector<16xf32>
        %mul3A_1906 = arith.mulf %abs3A_1905, %get3A_43 : vector<16xf32>
        %add3A_1907 = arith.addf %add3A_1900, %mul3A_1906 : vector<16xf32>
        %eq3A_1908 = arith.constant 9 : i32
        %eq3A_1909 = vector.broadcast %eq3A_1908 : i32 to vector<16xi32>
        %eq3A_1910 = arith.cmpi eq, %iota3A, %eq3A_1909 : vector<16xi32>
        %reduce_sum3A_1911 = arith.constant true
        %reduce_sum3A_1912 = vector.broadcast %reduce_sum3A_1911 : i1 to vector<16xi1>
        %reduce_sum3A_1913 = tpu.scan <sum>, %add3A_1907 masked %reduce_sum3A_1912 : vector<16xf32>, vector<16xi1> -> vector<16xf32>
        %reduce_sum3A_1914 = vector.extract %reduce_sum3A_1913[15] : f32 from vector<16xf32>
        %broadcast_in_dim3A_1915 = vector.broadcast %reduce_sum3A_1914 : f32 to vector<16xf32>
        %select_n3A_1916 = arith.select %eq3A_1910, %broadcast_in_dim3A_1915, %select_n3A_1733 : vector<16xi1>, vector<16xf32>
        %mul3A_1917 = arith.constant 16 : i32
        %mul3A_1918 = arith.muli %scan3A_90, %mul3A_1917 : i32
        %add3A_1919 = arith.constant 10 : i32
        %add3A_1920 = arith.addi %mul3A_1918, %add3A_1919 : i32
        %broadcast_in_dim3A_1921 = arith.constant 0.000000e+00 : f32
        %broadcast_in_dim3A_1922 = vector.broadcast %broadcast_in_dim3A_1921 : f32 to vector<16xf32>
        %get3A_1923 = arith.index_cast %add3A_1920 : i32 to index
        %get3A_1924 = arith.constant 0 : index
        %get3A_1925 = tpu.vector_load %arg12[%get3A_1923, %get3A_1924] {strides = array<i32>} : memref<128x100xf32, #tpu.memory_space<vmem>>, vector<16xf32>,
        %get3A_1926 = arith.index_cast %add3A_1920 : i32 to index
        %get3A_1927 = arith.constant 0 : index
        %get3A_1928 = tpu.vector_load %arg13[%get3A_1926, %get3A_1927] {strides = array<i32>} : memref<128x100xf32, #tpu.memory_space<vmem>>, vector<16xf32>,
        %sub3A_1929 = arith.subf %get3A_1925, %get3A_1928 : vector<16xf32>
        %abs3A_1930 = math.absf %sub3A_1929 : vector<16xf32>
        %mul3A_1931 = arith.mulf %abs3A_1930, %get3A_3 : vector<16xf32>
        %add3A_1932 = arith.addf %broadcast_in_dim3A_1922, %mul3A_1931 : vector<16xf32>
        %get3A_1933 = arith.index_cast %add3A_1920 : i32 to index
        %get3A_1934 = arith.constant 0 : index
        %get3A_1935 = tpu.vector_load %arg14[%get3A_1933, %get3A_1934] {strides = array<i32>} : memref<128x100xf32, #tpu.memory_space<vmem>>, vector<16xf32>,
        %sub3A_1936 = arith.subf %get3A_1925, %get3A_1935 : vector<16xf32>
        %abs3A_1937 = math.absf %sub3A_1936 : vector<16xf32>
        %mul3A_1938 = arith.mulf %abs3A_1937, %get3A_17 : vector<16xf32>
        %add3A_1939 = arith.addf %add3A_1932, %mul3A_1938 : vector<16xf32>
        %get3A_1940 = arith.index_cast %add3A_1920 : i32 to index
        %get3A_1941 = arith.constant 0 : index
        %get3A_1942 = tpu.vector_load %arg15[%get3A_1940, %get3A_1941] {strides = array<i32>} : memref<128x100xf32, #tpu.memory_space<vmem>>, vector<16xf32>,
        %sub3A_1943 = arith.subf %get3A_1925, %get3A_1942 : vector<16xf32>
        %abs3A_1944 = math.absf %sub3A_1943 : vector<16xf32>
        %mul3A_1945 = arith.mulf %abs3A_1944, %get3A_31 : vector<16xf32>
        %add3A_1946 = arith.addf %add3A_1939, %mul3A_1945 : vector<16xf32>
        %get3A_1947 = arith.index_cast %add3A_1920 : i32 to index
        %get3A_1948 = arith.constant 16 : index
        %get3A_1949 = tpu.vector_load %arg12[%get3A_1947, %get3A_1948] {strides = array<i32>} : memref<128x100xf32, #tpu.memory_space<vmem>>, vector<16xf32>,
        %get3A_1950 = arith.index_cast %add3A_1920 : i32 to index
        %get3A_1951 = arith.constant 16 : index
        %get3A_1952 = tpu.vector_load %arg13[%get3A_1950, %get3A_1951] {strides = array<i32>} : memref<128x100xf32, #tpu.memory_space<vmem>>, vector<16xf32>,
        %sub3A_1953 = arith.subf %get3A_1949, %get3A_1952 : vector<16xf32>
        %abs3A_1954 = math.absf %sub3A_1953 : vector<16xf32>
        %mul3A_1955 = arith.mulf %abs3A_1954, %get3A_5 : vector<16xf32>
        %add3A_1956 = arith.addf %add3A_1946, %mul3A_1955 : vector<16xf32>
        %get3A_1957 = arith.index_cast %add3A_1920 : i32 to index
        %get3A_1958 = arith.constant 16 : index
        %get3A_1959 = tpu.vector_load %arg14[%get3A_1957, %get3A_1958] {strides = array<i32>} : memref<128x100xf32, #tpu.memory_space<vmem>>, vector<16xf32>,
        %sub3A_1960 = arith.subf %get3A_1949, %get3A_1959 : vector<16xf32>
        %abs3A_1961 = math.absf %sub3A_1960 : vector<16xf32>
        %mul3A_1962 = arith.mulf %abs3A_1961, %get3A_19 : vector<16xf32>
        %add3A_1963 = arith.addf %add3A_1956, %mul3A_1962 : vector<16xf32>
        %get3A_1964 = arith.index_cast %add3A_1920 : i32 to index
        %get3A_1965 = arith.constant 16 : index
        %get3A_1966 = tpu.vector_load %arg15[%get3A_1964, %get3A_1965] {strides = array<i32>} : memref<128x100xf32, #tpu.memory_space<vmem>>, vector<16xf32>,
        %sub3A_1967 = arith.subf %get3A_1949, %get3A_1966 : vector<16xf32>
        %abs3A_1968 = math.absf %sub3A_1967 : vector<16xf32>
        %mul3A_1969 = arith.mulf %abs3A_1968, %get3A_33 : vector<16xf32>
        %add3A_1970 = arith.addf %add3A_1963, %mul3A_1969 : vector<16xf32>
        %get3A_1971 = arith.index_cast %add3A_1920 : i32 to index
        %get3A_1972 = arith.constant 32 : index
        %get3A_1973 = tpu.vector_load %arg12[%get3A_1971, %get3A_1972] {strides = array<i32>} : memref<128x100xf32, #tpu.memory_space<vmem>>, vector<16xf32>,
        %get3A_1974 = arith.index_cast %add3A_1920 : i32 to index
        %get3A_1975 = arith.constant 32 : index
        %get3A_1976 = tpu.vector_load %arg13[%get3A_1974, %get3A_1975] {strides = array<i32>} : memref<128x100xf32, #tpu.memory_space<vmem>>, vector<16xf32>,
        %sub3A_1977 = arith.subf %get3A_1973, %get3A_1976 : vector<16xf32>
        %abs3A_1978 = math.absf %sub3A_1977 : vector<16xf32>
        %mul3A_1979 = arith.mulf %abs3A_1978, %get3A_7 : vector<16xf32>
        %add3A_1980 = arith.addf %add3A_1970, %mul3A_1979 : vector<16xf32>
        %get3A_1981 = arith.index_cast %add3A_1920 : i32 to index
        %get3A_1982 = arith.constant 32 : index
        %get3A_1983 = tpu.vector_load %arg14[%get3A_1981, %get3A_1982] {strides = array<i32>} : memref<128x100xf32, #tpu.memory_space<vmem>>, vector<16xf32>,
        %sub3A_1984 = arith.subf %get3A_1973, %get3A_1983 : vector<16xf32>
        %abs3A_1985 = math.absf %sub3A_1984 : vector<16xf32>
        %mul3A_1986 = arith.mulf %abs3A_1985, %get3A_21 : vector<16xf32>
        %add3A_1987 = arith.addf %add3A_1980, %mul3A_1986 : vector<16xf32>
        %get3A_1988 = arith.index_cast %add3A_1920 : i32 to index
        %get3A_1989 = arith.constant 32 : index
        %get3A_1990 = tpu.vector_load %arg15[%get3A_1988, %get3A_1989] {strides = array<i32>} : memref<128x100xf32, #tpu.memory_space<vmem>>, vector<16xf32>,
        %sub3A_1991 = arith.subf %get3A_1973, %get3A_1990 : vector<16xf32>
        %abs3A_1992 = math.absf %sub3A_1991 : vector<16xf32>
        %mul3A_1993 = arith.mulf %abs3A_1992, %get3A_35 : vector<16xf32>
        %add3A_1994 = arith.addf %add3A_1987, %mul3A_1993 : vector<16xf32>
        %get3A_1995 = arith.index_cast %add3A_1920 : i32 to index
        %get3A_1996 = arith.constant 48 : index
        %get3A_1997 = tpu.vector_load %arg12[%get3A_1995, %get3A_1996] {strides = array<i32>} : memref<128x100xf32, #tpu.memory_space<vmem>>, vector<16xf32>,
        %get3A_1998 = arith.index_cast %add3A_1920 : i32 to index
        %get3A_1999 = arith.constant 48 : index
        %get3A_2000 = tpu.vector_load %arg13[%get3A_1998, %get3A_1999] {strides = array<i32>} : memref<128x100xf32, #tpu.memory_space<vmem>>, vector<16xf32>,
        %sub3A_2001 = arith.subf %get3A_1997, %get3A_2000 : vector<16xf32>
        %abs3A_2002 = math.absf %sub3A_2001 : vector<16xf32>
        %mul3A_2003 = arith.mulf %abs3A_2002, %get3A_9 : vector<16xf32>
        %add3A_2004 = arith.addf %add3A_1994, %mul3A_2003 : vector<16xf32>
        %get3A_2005 = arith.index_cast %add3A_1920 : i32 to index
        %get3A_2006 = arith.constant 48 : index
        %get3A_2007 = tpu.vector_load %arg14[%get3A_2005, %get3A_2006] {strides = array<i32>} : memref<128x100xf32, #tpu.memory_space<vmem>>, vector<16xf32>,
        %sub3A_2008 = arith.subf %get3A_1997, %get3A_2007 : vector<16xf32>
        %abs3A_2009 = math.absf %sub3A_2008 : vector<16xf32>
        %mul3A_2010 = arith.mulf %abs3A_2009, %get3A_23 : vector<16xf32>
        %add3A_2011 = arith.addf %add3A_2004, %mul3A_2010 : vector<16xf32>
        %get3A_2012 = arith.index_cast %add3A_1920 : i32 to index
        %get3A_2013 = arith.constant 48 : index
        %get3A_2014 = tpu.vector_load %arg15[%get3A_2012, %get3A_2013] {strides = array<i32>} : memref<128x100xf32, #tpu.memory_space<vmem>>, vector<16xf32>,
        %sub3A_2015 = arith.subf %get3A_1997, %get3A_2014 : vector<16xf32>
        %abs3A_2016 = math.absf %sub3A_2015 : vector<16xf32>
        %mul3A_2017 = arith.mulf %abs3A_2016, %get3A_37 : vector<16xf32>
        %add3A_2018 = arith.addf %add3A_2011, %mul3A_2017 : vector<16xf32>
        %get3A_2019 = arith.index_cast %add3A_1920 : i32 to index
        %get3A_2020 = arith.constant 64 : index
        %get3A_2021 = tpu.vector_load %arg12[%get3A_2019, %get3A_2020] {strides = array<i32>} : memref<128x100xf32, #tpu.memory_space<vmem>>, vector<16xf32>,
        %get3A_2022 = arith.index_cast %add3A_1920 : i32 to index
        %get3A_2023 = arith.constant 64 : index
        %get3A_2024 = tpu.vector_load %arg13[%get3A_2022, %get3A_2023] {strides = array<i32>} : memref<128x100xf32, #tpu.memory_space<vmem>>, vector<16xf32>,
        %sub3A_2025 = arith.subf %get3A_2021, %get3A_2024 : vector<16xf32>
        %abs3A_2026 = math.absf %sub3A_2025 : vector<16xf32>
        %mul3A_2027 = arith.mulf %abs3A_2026, %get3A_11 : vector<16xf32>
        %add3A_2028 = arith.addf %add3A_2018, %mul3A_2027 : vector<16xf32>
        %get3A_2029 = arith.index_cast %add3A_1920 : i32 to index
        %get3A_2030 = arith.constant 64 : index
        %get3A_2031 = tpu.vector_load %arg14[%get3A_2029, %get3A_2030] {strides = array<i32>} : memref<128x100xf32, #tpu.memory_space<vmem>>, vector<16xf32>,
        %sub3A_2032 = arith.subf %get3A_2021, %get3A_2031 : vector<16xf32>
        %abs3A_2033 = math.absf %sub3A_2032 : vector<16xf32>
        %mul3A_2034 = arith.mulf %abs3A_2033, %get3A_25 : vector<16xf32>
        %add3A_2035 = arith.addf %add3A_2028, %mul3A_2034 : vector<16xf32>
        %get3A_2036 = arith.index_cast %add3A_1920 : i32 to index
        %get3A_2037 = arith.constant 64 : index
        %get3A_2038 = tpu.vector_load %arg15[%get3A_2036, %get3A_2037] {strides = array<i32>} : memref<128x100xf32, #tpu.memory_space<vmem>>, vector<16xf32>,
        %sub3A_2039 = arith.subf %get3A_2021, %get3A_2038 : vector<16xf32>
        %abs3A_2040 = math.absf %sub3A_2039 : vector<16xf32>
        %mul3A_2041 = arith.mulf %abs3A_2040, %get3A_39 : vector<16xf32>
        %add3A_2042 = arith.addf %add3A_2035, %mul3A_2041 : vector<16xf32>
        %get3A_2043 = arith.index_cast %add3A_1920 : i32 to index
        %get3A_2044 = arith.constant 80 : index
        %get3A_2045 = tpu.vector_load %arg12[%get3A_2043, %get3A_2044] {strides = array<i32>} : memref<128x100xf32, #tpu.memory_space<vmem>>, vector<16xf32>,
        %get3A_2046 = arith.index_cast %add3A_1920 : i32 to index
        %get3A_2047 = arith.constant 80 : index
        %get3A_2048 = tpu.vector_load %arg13[%get3A_2046, %get3A_2047] {strides = array<i32>} : memref<128x100xf32, #tpu.memory_space<vmem>>, vector<16xf32>,
        %sub3A_2049 = arith.subf %get3A_2045, %get3A_2048 : vector<16xf32>
        %abs3A_2050 = math.absf %sub3A_2049 : vector<16xf32>
        %mul3A_2051 = arith.mulf %abs3A_2050, %get3A_13 : vector<16xf32>
        %add3A_2052 = arith.addf %add3A_2042, %mul3A_2051 : vector<16xf32>
        %get3A_2053 = arith.index_cast %add3A_1920 : i32 to index
        %get3A_2054 = arith.constant 80 : index
        %get3A_2055 = tpu.vector_load %arg14[%get3A_2053, %get3A_2054] {strides = array<i32>} : memref<128x100xf32, #tpu.memory_space<vmem>>, vector<16xf32>,
        %sub3A_2056 = arith.subf %get3A_2045, %get3A_2055 : vector<16xf32>
        %abs3A_2057 = math.absf %sub3A_2056 : vector<16xf32>
        %mul3A_2058 = arith.mulf %abs3A_2057, %get3A_27 : vector<16xf32>
        %add3A_2059 = arith.addf %add3A_2052, %mul3A_2058 : vector<16xf32>
        %get3A_2060 = arith.index_cast %add3A_1920 : i32 to index
        %get3A_2061 = arith.constant 80 : index
        %get3A_2062 = tpu.vector_load %arg15[%get3A_2060, %get3A_2061] {strides = array<i32>} : memref<128x100xf32, #tpu.memory_space<vmem>>, vector<16xf32>,
        %sub3A_2063 = arith.subf %get3A_2045, %get3A_2062 : vector<16xf32>
        %abs3A_2064 = math.absf %sub3A_2063 : vector<16xf32>
        %mul3A_2065 = arith.mulf %abs3A_2064, %get3A_41 : vector<16xf32>
        %add3A_2066 = arith.addf %add3A_2059, %mul3A_2065 : vector<16xf32>
        %get3A_2067 = arith.index_cast %add3A_1920 : i32 to index
        %get3A_2068 = arith.constant 84 : index
        %get3A_2069 = tpu.vector_load %arg12[%get3A_2067, %get3A_2068] {strides = array<i32>} : memref<128x100xf32, #tpu.memory_space<vmem>>, vector<16xf32>,
        %get3A_2070 = arith.index_cast %add3A_1920 : i32 to index
        %get3A_2071 = arith.constant 84 : index
        %get3A_2072 = tpu.vector_load %arg13[%get3A_2070, %get3A_2071] {strides = array<i32>} : memref<128x100xf32, #tpu.memory_space<vmem>>, vector<16xf32>,
        %sub3A_2073 = arith.subf %get3A_2069, %get3A_2072 : vector<16xf32>
        %abs3A_2074 = math.absf %sub3A_2073 : vector<16xf32>
        %mul3A_2075 = arith.mulf %abs3A_2074, %get3A_15 : vector<16xf32>
        %add3A_2076 = arith.addf %add3A_2066, %mul3A_2075 : vector<16xf32>
        %get3A_2077 = arith.index_cast %add3A_1920 : i32 to index
        %get3A_2078 = arith.constant 84 : index
        %get3A_2079 = tpu.vector_load %arg14[%get3A_2077, %get3A_2078] {strides = array<i32>} : memref<128x100xf32, #tpu.memory_space<vmem>>, vector<16xf32>,
        %sub3A_2080 = arith.subf %get3A_2069, %get3A_2079 : vector<16xf32>
        %abs3A_2081 = math.absf %sub3A_2080 : vector<16xf32>
        %mul3A_2082 = arith.mulf %abs3A_2081, %get3A_29 : vector<16xf32>
        %add3A_2083 = arith.addf %add3A_2076, %mul3A_2082 : vector<16xf32>
        %get3A_2084 = arith.index_cast %add3A_1920 : i32 to index
        %get3A_2085 = arith.constant 84 : index
        %get3A_2086 = tpu.vector_load %arg15[%get3A_2084, %get3A_2085] {strides = array<i32>} : memref<128x100xf32, #tpu.memory_space<vmem>>, vector<16xf32>,
        %sub3A_2087 = arith.subf %get3A_2069, %get3A_2086 : vector<16xf32>
        %abs3A_2088 = math.absf %sub3A_2087 : vector<16xf32>
        %mul3A_2089 = arith.mulf %abs3A_2088, %get3A_43 : vector<16xf32>
        %add3A_2090 = arith.addf %add3A_2083, %mul3A_2089 : vector<16xf32>
        %eq3A_2091 = arith.constant 10 : i32
        %eq3A_2092 = vector.broadcast %eq3A_2091 : i32 to vector<16xi32>
        %eq3A_2093 = arith.cmpi eq, %iota3A, %eq3A_2092 : vector<16xi32>
        %reduce_sum3A_2094 = arith.constant true
        %reduce_sum3A_2095 = vector.broadcast %reduce_sum3A_2094 : i1 to vector<16xi1>
        %reduce_sum3A_2096 = tpu.scan <sum>, %add3A_2090 masked %reduce_sum3A_2095 : vector<16xf32>, vector<16xi1> -> vector<16xf32>
        %reduce_sum3A_2097 = vector.extract %reduce_sum3A_2096[15] : f32 from vector<16xf32>
        %broadcast_in_dim3A_2098 = vector.broadcast %reduce_sum3A_2097 : f32 to vector<16xf32>
        %select_n3A_2099 = arith.select %eq3A_2093, %broadcast_in_dim3A_2098, %select_n3A_1916 : vector<16xi1>, vector<16xf32>
        %mul3A_2100 = arith.constant 16 : i32
        %mul3A_2101 = arith.muli %scan3A_90, %mul3A_2100 : i32
        %add3A_2102 = arith.constant 11 : i32
        %add3A_2103 = arith.addi %mul3A_2101, %add3A_2102 : i32
        %broadcast_in_dim3A_2104 = arith.constant 0.000000e+00 : f32
        %broadcast_in_dim3A_2105 = vector.broadcast %broadcast_in_dim3A_2104 : f32 to vector<16xf32>
        %get3A_2106 = arith.index_cast %add3A_2103 : i32 to index
        %get3A_2107 = arith.constant 0 : index
        %get3A_2108 = tpu.vector_load %arg12[%get3A_2106, %get3A_2107] {strides = array<i32>} : memref<128x100xf32, #tpu.memory_space<vmem>>, vector<16xf32>,
        %get3A_2109 = arith.index_cast %add3A_2103 : i32 to index
        %get3A_2110 = arith.constant 0 : index
        %get3A_2111 = tpu.vector_load %arg13[%get3A_2109, %get3A_2110] {strides = array<i32>} : memref<128x100xf32, #tpu.memory_space<vmem>>, vector<16xf32>,
        %sub3A_2112 = arith.subf %get3A_2108, %get3A_2111 : vector<16xf32>
        %abs3A_2113 = math.absf %sub3A_2112 : vector<16xf32>
        %mul3A_2114 = arith.mulf %abs3A_2113, %get3A_3 : vector<16xf32>
        %add3A_2115 = arith.addf %broadcast_in_dim3A_2105, %mul3A_2114 : vector<16xf32>
        %get3A_2116 = arith.index_cast %add3A_2103 : i32 to index
        %get3A_2117 = arith.constant 0 : index
        %get3A_2118 = tpu.vector_load %arg14[%get3A_2116, %get3A_2117] {strides = array<i32>} : memref<128x100xf32, #tpu.memory_space<vmem>>, vector<16xf32>,
        %sub3A_2119 = arith.subf %get3A_2108, %get3A_2118 : vector<16xf32>
        %abs3A_2120 = math.absf %sub3A_2119 : vector<16xf32>
        %mul3A_2121 = arith.mulf %abs3A_2120, %get3A_17 : vector<16xf32>
        %add3A_2122 = arith.addf %add3A_2115, %mul3A_2121 : vector<16xf32>
        %get3A_2123 = arith.index_cast %add3A_2103 : i32 to index
        %get3A_2124 = arith.constant 0 : index
        %get3A_2125 = tpu.vector_load %arg15[%get3A_2123, %get3A_2124] {strides = array<i32>} : memref<128x100xf32, #tpu.memory_space<vmem>>, vector<16xf32>,
        %sub3A_2126 = arith.subf %get3A_2108, %get3A_2125 : vector<16xf32>
        %abs3A_2127 = math.absf %sub3A_2126 : vector<16xf32>
        %mul3A_2128 = arith.mulf %abs3A_2127, %get3A_31 : vector<16xf32>
        %add3A_2129 = arith.addf %add3A_2122, %mul3A_2128 : vector<16xf32>
        %get3A_2130 = arith.index_cast %add3A_2103 : i32 to index
        %get3A_2131 = arith.constant 16 : index
        %get3A_2132 = tpu.vector_load %arg12[%get3A_2130, %get3A_2131] {strides = array<i32>} : memref<128x100xf32, #tpu.memory_space<vmem>>, vector<16xf32>,
        %get3A_2133 = arith.index_cast %add3A_2103 : i32 to index
        %get3A_2134 = arith.constant 16 : index
        %get3A_2135 = tpu.vector_load %arg13[%get3A_2133, %get3A_2134] {strides = array<i32>} : memref<128x100xf32, #tpu.memory_space<vmem>>, vector<16xf32>,
        %sub3A_2136 = arith.subf %get3A_2132, %get3A_2135 : vector<16xf32>
        %abs3A_2137 = math.absf %sub3A_2136 : vector<16xf32>
        %mul3A_2138 = arith.mulf %abs3A_2137, %get3A_5 : vector<16xf32>
        %add3A_2139 = arith.addf %add3A_2129, %mul3A_2138 : vector<16xf32>
        %get3A_2140 = arith.index_cast %add3A_2103 : i32 to index
        %get3A_2141 = arith.constant 16 : index
        %get3A_2142 = tpu.vector_load %arg14[%get3A_2140, %get3A_2141] {strides = array<i32>} : memref<128x100xf32, #tpu.memory_space<vmem>>, vector<16xf32>,
        %sub3A_2143 = arith.subf %get3A_2132, %get3A_2142 : vector<16xf32>
        %abs3A_2144 = math.absf %sub3A_2143 : vector<16xf32>
        %mul3A_2145 = arith.mulf %abs3A_2144, %get3A_19 : vector<16xf32>
        %add3A_2146 = arith.addf %add3A_2139, %mul3A_2145 : vector<16xf32>
        %get3A_2147 = arith.index_cast %add3A_2103 : i32 to index
        %get3A_2148 = arith.constant 16 : index
        %get3A_2149 = tpu.vector_load %arg15[%get3A_2147, %get3A_2148] {strides = array<i32>} : memref<128x100xf32, #tpu.memory_space<vmem>>, vector<16xf32>,
        %sub3A_2150 = arith.subf %get3A_2132, %get3A_2149 : vector<16xf32>
        %abs3A_2151 = math.absf %sub3A_2150 : vector<16xf32>
        %mul3A_2152 = arith.mulf %abs3A_2151, %get3A_33 : vector<16xf32>
        %add3A_2153 = arith.addf %add3A_2146, %mul3A_2152 : vector<16xf32>
        %get3A_2154 = arith.index_cast %add3A_2103 : i32 to index
        %get3A_2155 = arith.constant 32 : index
        %get3A_2156 = tpu.vector_load %arg12[%get3A_2154, %get3A_2155] {strides = array<i32>} : memref<128x100xf32, #tpu.memory_space<vmem>>, vector<16xf32>,
        %get3A_2157 = arith.index_cast %add3A_2103 : i32 to index
        %get3A_2158 = arith.constant 32 : index
        %get3A_2159 = tpu.vector_load %arg13[%get3A_2157, %get3A_2158] {strides = array<i32>} : memref<128x100xf32, #tpu.memory_space<vmem>>, vector<16xf32>,
        %sub3A_2160 = arith.subf %get3A_2156, %get3A_2159 : vector<16xf32>
        %abs3A_2161 = math.absf %sub3A_2160 : vector<16xf32>
        %mul3A_2162 = arith.mulf %abs3A_2161, %get3A_7 : vector<16xf32>
        %add3A_2163 = arith.addf %add3A_2153, %mul3A_2162 : vector<16xf32>
        %get3A_2164 = arith.index_cast %add3A_2103 : i32 to index
        %get3A_2165 = arith.constant 32 : index
        %get3A_2166 = tpu.vector_load %arg14[%get3A_2164, %get3A_2165] {strides = array<i32>} : memref<128x100xf32, #tpu.memory_space<vmem>>, vector<16xf32>,
        %sub3A_2167 = arith.subf %get3A_2156, %get3A_2166 : vector<16xf32>
        %abs3A_2168 = math.absf %sub3A_2167 : vector<16xf32>
        %mul3A_2169 = arith.mulf %abs3A_2168, %get3A_21 : vector<16xf32>
        %add3A_2170 = arith.addf %add3A_2163, %mul3A_2169 : vector<16xf32>
        %get3A_2171 = arith.index_cast %add3A_2103 : i32 to index
        %get3A_2172 = arith.constant 32 : index
        %get3A_2173 = tpu.vector_load %arg15[%get3A_2171, %get3A_2172] {strides = array<i32>} : memref<128x100xf32, #tpu.memory_space<vmem>>, vector<16xf32>,
        %sub3A_2174 = arith.subf %get3A_2156, %get3A_2173 : vector<16xf32>
        %abs3A_2175 = math.absf %sub3A_2174 : vector<16xf32>
        %mul3A_2176 = arith.mulf %abs3A_2175, %get3A_35 : vector<16xf32>
        %add3A_2177 = arith.addf %add3A_2170, %mul3A_2176 : vector<16xf32>
        %get3A_2178 = arith.index_cast %add3A_2103 : i32 to index
        %get3A_2179 = arith.constant 48 : index
        %get3A_2180 = tpu.vector_load %arg12[%get3A_2178, %get3A_2179] {strides = array<i32>} : memref<128x100xf32, #tpu.memory_space<vmem>>, vector<16xf32>,
        %get3A_2181 = arith.index_cast %add3A_2103 : i32 to index
        %get3A_2182 = arith.constant 48 : index
        %get3A_2183 = tpu.vector_load %arg13[%get3A_2181, %get3A_2182] {strides = array<i32>} : memref<128x100xf32, #tpu.memory_space<vmem>>, vector<16xf32>,
        %sub3A_2184 = arith.subf %get3A_2180, %get3A_2183 : vector<16xf32>
        %abs3A_2185 = math.absf %sub3A_2184 : vector<16xf32>
        %mul3A_2186 = arith.mulf %abs3A_2185, %get3A_9 : vector<16xf32>
        %add3A_2187 = arith.addf %add3A_2177, %mul3A_2186 : vector<16xf32>
        %get3A_2188 = arith.index_cast %add3A_2103 : i32 to index
        %get3A_2189 = arith.constant 48 : index
        %get3A_2190 = tpu.vector_load %arg14[%get3A_2188, %get3A_2189] {strides = array<i32>} : memref<128x100xf32, #tpu.memory_space<vmem>>, vector<16xf32>,
        %sub3A_2191 = arith.subf %get3A_2180, %get3A_2190 : vector<16xf32>
        %abs3A_2192 = math.absf %sub3A_2191 : vector<16xf32>
        %mul3A_2193 = arith.mulf %abs3A_2192, %get3A_23 : vector<16xf32>
        %add3A_2194 = arith.addf %add3A_2187, %mul3A_2193 : vector<16xf32>
        %get3A_2195 = arith.index_cast %add3A_2103 : i32 to index
        %get3A_2196 = arith.constant 48 : index
        %get3A_2197 = tpu.vector_load %arg15[%get3A_2195, %get3A_2196] {strides = array<i32>} : memref<128x100xf32, #tpu.memory_space<vmem>>, vector<16xf32>,
        %sub3A_2198 = arith.subf %get3A_2180, %get3A_2197 : vector<16xf32>
        %abs3A_2199 = math.absf %sub3A_2198 : vector<16xf32>
        %mul3A_2200 = arith.mulf %abs3A_2199, %get3A_37 : vector<16xf32>
        %add3A_2201 = arith.addf %add3A_2194, %mul3A_2200 : vector<16xf32>
        %get3A_2202 = arith.index_cast %add3A_2103 : i32 to index
        %get3A_2203 = arith.constant 64 : index
        %get3A_2204 = tpu.vector_load %arg12[%get3A_2202, %get3A_2203] {strides = array<i32>} : memref<128x100xf32, #tpu.memory_space<vmem>>, vector<16xf32>,
        %get3A_2205 = arith.index_cast %add3A_2103 : i32 to index
        %get3A_2206 = arith.constant 64 : index
        %get3A_2207 = tpu.vector_load %arg13[%get3A_2205, %get3A_2206] {strides = array<i32>} : memref<128x100xf32, #tpu.memory_space<vmem>>, vector<16xf32>,
        %sub3A_2208 = arith.subf %get3A_2204, %get3A_2207 : vector<16xf32>
        %abs3A_2209 = math.absf %sub3A_2208 : vector<16xf32>
        %mul3A_2210 = arith.mulf %abs3A_2209, %get3A_11 : vector<16xf32>
        %add3A_2211 = arith.addf %add3A_2201, %mul3A_2210 : vector<16xf32>
        %get3A_2212 = arith.index_cast %add3A_2103 : i32 to index
        %get3A_2213 = arith.constant 64 : index
        %get3A_2214 = tpu.vector_load %arg14[%get3A_2212, %get3A_2213] {strides = array<i32>} : memref<128x100xf32, #tpu.memory_space<vmem>>, vector<16xf32>,
        %sub3A_2215 = arith.subf %get3A_2204, %get3A_2214 : vector<16xf32>
        %abs3A_2216 = math.absf %sub3A_2215 : vector<16xf32>
        %mul3A_2217 = arith.mulf %abs3A_2216, %get3A_25 : vector<16xf32>
        %add3A_2218 = arith.addf %add3A_2211, %mul3A_2217 : vector<16xf32>
        %get3A_2219 = arith.index_cast %add3A_2103 : i32 to index
        %get3A_2220 = arith.constant 64 : index
        %get3A_2221 = tpu.vector_load %arg15[%get3A_2219, %get3A_2220] {strides = array<i32>} : memref<128x100xf32, #tpu.memory_space<vmem>>, vector<16xf32>,
        %sub3A_2222 = arith.subf %get3A_2204, %get3A_2221 : vector<16xf32>
        %abs3A_2223 = math.absf %sub3A_2222 : vector<16xf32>
        %mul3A_2224 = arith.mulf %abs3A_2223, %get3A_39 : vector<16xf32>
        %add3A_2225 = arith.addf %add3A_2218, %mul3A_2224 : vector<16xf32>
        %get3A_2226 = arith.index_cast %add3A_2103 : i32 to index
        %get3A_2227 = arith.constant 80 : index
        %get3A_2228 = tpu.vector_load %arg12[%get3A_2226, %get3A_2227] {strides = array<i32>} : memref<128x100xf32, #tpu.memory_space<vmem>>, vector<16xf32>,
        %get3A_2229 = arith.index_cast %add3A_2103 : i32 to index
        %get3A_2230 = arith.constant 80 : index
        %get3A_2231 = tpu.vector_load %arg13[%get3A_2229, %get3A_2230] {strides = array<i32>} : memref<128x100xf32, #tpu.memory_space<vmem>>, vector<16xf32>,
        %sub3A_2232 = arith.subf %get3A_2228, %get3A_2231 : vector<16xf32>
        %abs3A_2233 = math.absf %sub3A_2232 : vector<16xf32>
        %mul3A_2234 = arith.mulf %abs3A_2233, %get3A_13 : vector<16xf32>
        %add3A_2235 = arith.addf %add3A_2225, %mul3A_2234 : vector<16xf32>
        %get3A_2236 = arith.index_cast %add3A_2103 : i32 to index
        %get3A_2237 = arith.constant 80 : index
        %get3A_2238 = tpu.vector_load %arg14[%get3A_2236, %get3A_2237] {strides = array<i32>} : memref<128x100xf32, #tpu.memory_space<vmem>>, vector<16xf32>,
        %sub3A_2239 = arith.subf %get3A_2228, %get3A_2238 : vector<16xf32>
        %abs3A_2240 = math.absf %sub3A_2239 : vector<16xf32>
        %mul3A_2241 = arith.mulf %abs3A_2240, %get3A_27 : vector<16xf32>
        %add3A_2242 = arith.addf %add3A_2235, %mul3A_2241 : vector<16xf32>
        %get3A_2243 = arith.index_cast %add3A_2103 : i32 to index
        %get3A_2244 = arith.constant 80 : index
        %get3A_2245 = tpu.vector_load %arg15[%get3A_2243, %get3A_2244] {strides = array<i32>} : memref<128x100xf32, #tpu.memory_space<vmem>>, vector<16xf32>,
        %sub3A_2246 = arith.subf %get3A_2228, %get3A_2245 : vector<16xf32>
        %abs3A_2247 = math.absf %sub3A_2246 : vector<16xf32>
        %mul3A_2248 = arith.mulf %abs3A_2247, %get3A_41 : vector<16xf32>
        %add3A_2249 = arith.addf %add3A_2242, %mul3A_2248 : vector<16xf32>
        %get3A_2250 = arith.index_cast %add3A_2103 : i32 to index
        %get3A_2251 = arith.constant 84 : index
        %get3A_2252 = tpu.vector_load %arg12[%get3A_2250, %get3A_2251] {strides = array<i32>} : memref<128x100xf32, #tpu.memory_space<vmem>>, vector<16xf32>,
        %get3A_2253 = arith.index_cast %add3A_2103 : i32 to index
        %get3A_2254 = arith.constant 84 : index
        %get3A_2255 = tpu.vector_load %arg13[%get3A_2253, %get3A_2254] {strides = array<i32>} : memref<128x100xf32, #tpu.memory_space<vmem>>, vector<16xf32>,
        %sub3A_2256 = arith.subf %get3A_2252, %get3A_2255 : vector<16xf32>
        %abs3A_2257 = math.absf %sub3A_2256 : vector<16xf32>
        %mul3A_2258 = arith.mulf %abs3A_2257, %get3A_15 : vector<16xf32>
        %add3A_2259 = arith.addf %add3A_2249, %mul3A_2258 : vector<16xf32>
        %get3A_2260 = arith.index_cast %add3A_2103 : i32 to index
        %get3A_2261 = arith.constant 84 : index
        %get3A_2262 = tpu.vector_load %arg14[%get3A_2260, %get3A_2261] {strides = array<i32>} : memref<128x100xf32, #tpu.memory_space<vmem>>, vector<16xf32>,
        %sub3A_2263 = arith.subf %get3A_2252, %get3A_2262 : vector<16xf32>
        %abs3A_2264 = math.absf %sub3A_2263 : vector<16xf32>
        %mul3A_2265 = arith.mulf %abs3A_2264, %get3A_29 : vector<16xf32>
        %add3A_2266 = arith.addf %add3A_2259, %mul3A_2265 : vector<16xf32>
        %get3A_2267 = arith.index_cast %add3A_2103 : i32 to index
        %get3A_2268 = arith.constant 84 : index
        %get3A_2269 = tpu.vector_load %arg15[%get3A_2267, %get3A_2268] {strides = array<i32>} : memref<128x100xf32, #tpu.memory_space<vmem>>, vector<16xf32>,
        %sub3A_2270 = arith.subf %get3A_2252, %get3A_2269 : vector<16xf32>
        %abs3A_2271 = math.absf %sub3A_2270 : vector<16xf32>
        %mul3A_2272 = arith.mulf %abs3A_2271, %get3A_43 : vector<16xf32>
        %add3A_2273 = arith.addf %add3A_2266, %mul3A_2272 : vector<16xf32>
        %eq3A_2274 = arith.constant 11 : i32
        %eq3A_2275 = vector.broadcast %eq3A_2274 : i32 to vector<16xi32>
        %eq3A_2276 = arith.cmpi eq, %iota3A, %eq3A_2275 : vector<16xi32>
        %reduce_sum3A_2277 = arith.constant true
        %reduce_sum3A_2278 = vector.broadcast %reduce_sum3A_2277 : i1 to vector<16xi1>
        %reduce_sum3A_2279 = tpu.scan <sum>, %add3A_2273 masked %reduce_sum3A_2278 : vector<16xf32>, vector<16xi1> -> vector<16xf32>
        %reduce_sum3A_2280 = vector.extract %reduce_sum3A_2279[15] : f32 from vector<16xf32>
        %broadcast_in_dim3A_2281 = vector.broadcast %reduce_sum3A_2280 : f32 to vector<16xf32>
        %select_n3A_2282 = arith.select %eq3A_2276, %broadcast_in_dim3A_2281, %select_n3A_2099 : vector<16xi1>, vector<16xf32>
        %mul3A_2283 = arith.constant 16 : i32
        %mul3A_2284 = arith.muli %scan3A_90, %mul3A_2283 : i32
        %add3A_2285 = arith.constant 12 : i32
        %add3A_2286 = arith.addi %mul3A_2284, %add3A_2285 : i32
        %broadcast_in_dim3A_2287 = arith.constant 0.000000e+00 : f32
        %broadcast_in_dim3A_2288 = vector.broadcast %broadcast_in_dim3A_2287 : f32 to vector<16xf32>
        %get3A_2289 = arith.index_cast %add3A_2286 : i32 to index
        %get3A_2290 = arith.constant 0 : index
        %get3A_2291 = tpu.vector_load %arg12[%get3A_2289, %get3A_2290] {strides = array<i32>} : memref<128x100xf32, #tpu.memory_space<vmem>>, vector<16xf32>,
        %get3A_2292 = arith.index_cast %add3A_2286 : i32 to index
        %get3A_2293 = arith.constant 0 : index
        %get3A_2294 = tpu.vector_load %arg13[%get3A_2292, %get3A_2293] {strides = array<i32>} : memref<128x100xf32, #tpu.memory_space<vmem>>, vector<16xf32>,
        %sub3A_2295 = arith.subf %get3A_2291, %get3A_2294 : vector<16xf32>
        %abs3A_2296 = math.absf %sub3A_2295 : vector<16xf32>
        %mul3A_2297 = arith.mulf %abs3A_2296, %get3A_3 : vector<16xf32>
        %add3A_2298 = arith.addf %broadcast_in_dim3A_2288, %mul3A_2297 : vector<16xf32>
        %get3A_2299 = arith.index_cast %add3A_2286 : i32 to index
        %get3A_2300 = arith.constant 0 : index
        %get3A_2301 = tpu.vector_load %arg14[%get3A_2299, %get3A_2300] {strides = array<i32>} : memref<128x100xf32, #tpu.memory_space<vmem>>, vector<16xf32>,
        %sub3A_2302 = arith.subf %get3A_2291, %get3A_2301 : vector<16xf32>
        %abs3A_2303 = math.absf %sub3A_2302 : vector<16xf32>
        %mul3A_2304 = arith.mulf %abs3A_2303, %get3A_17 : vector<16xf32>
        %add3A_2305 = arith.addf %add3A_2298, %mul3A_2304 : vector<16xf32>
        %get3A_2306 = arith.index_cast %add3A_2286 : i32 to index
        %get3A_2307 = arith.constant 0 : index
        %get3A_2308 = tpu.vector_load %arg15[%get3A_2306, %get3A_2307] {strides = array<i32>} : memref<128x100xf32, #tpu.memory_space<vmem>>, vector<16xf32>,
        %sub3A_2309 = arith.subf %get3A_2291, %get3A_2308 : vector<16xf32>
        %abs3A_2310 = math.absf %sub3A_2309 : vector<16xf32>
        %mul3A_2311 = arith.mulf %abs3A_2310, %get3A_31 : vector<16xf32>
        %add3A_2312 = arith.addf %add3A_2305, %mul3A_2311 : vector<16xf32>
        %get3A_2313 = arith.index_cast %add3A_2286 : i32 to index
        %get3A_2314 = arith.constant 16 : index
        %get3A_2315 = tpu.vector_load %arg12[%get3A_2313, %get3A_2314] {strides = array<i32>} : memref<128x100xf32, #tpu.memory_space<vmem>>, vector<16xf32>,
        %get3A_2316 = arith.index_cast %add3A_2286 : i32 to index
        %get3A_2317 = arith.constant 16 : index
        %get3A_2318 = tpu.vector_load %arg13[%get3A_2316, %get3A_2317] {strides = array<i32>} : memref<128x100xf32, #tpu.memory_space<vmem>>, vector<16xf32>,
        %sub3A_2319 = arith.subf %get3A_2315, %get3A_2318 : vector<16xf32>
        %abs3A_2320 = math.absf %sub3A_2319 : vector<16xf32>
        %mul3A_2321 = arith.mulf %abs3A_2320, %get3A_5 : vector<16xf32>
        %add3A_2322 = arith.addf %add3A_2312, %mul3A_2321 : vector<16xf32>
        %get3A_2323 = arith.index_cast %add3A_2286 : i32 to index
        %get3A_2324 = arith.constant 16 : index
        %get3A_2325 = tpu.vector_load %arg14[%get3A_2323, %get3A_2324] {strides = array<i32>} : memref<128x100xf32, #tpu.memory_space<vmem>>, vector<16xf32>,
        %sub3A_2326 = arith.subf %get3A_2315, %get3A_2325 : vector<16xf32>
        %abs3A_2327 = math.absf %sub3A_2326 : vector<16xf32>
        %mul3A_2328 = arith.mulf %abs3A_2327, %get3A_19 : vector<16xf32>
        %add3A_2329 = arith.addf %add3A_2322, %mul3A_2328 : vector<16xf32>
        %get3A_2330 = arith.index_cast %add3A_2286 : i32 to index
        %get3A_2331 = arith.constant 16 : index
        %get3A_2332 = tpu.vector_load %arg15[%get3A_2330, %get3A_2331] {strides = array<i32>} : memref<128x100xf32, #tpu.memory_space<vmem>>, vector<16xf32>,
        %sub3A_2333 = arith.subf %get3A_2315, %get3A_2332 : vector<16xf32>
        %abs3A_2334 = math.absf %sub3A_2333 : vector<16xf32>
        %mul3A_2335 = arith.mulf %abs3A_2334, %get3A_33 : vector<16xf32>
        %add3A_2336 = arith.addf %add3A_2329, %mul3A_2335 : vector<16xf32>
        %get3A_2337 = arith.index_cast %add3A_2286 : i32 to index
        %get3A_2338 = arith.constant 32 : index
        %get3A_2339 = tpu.vector_load %arg12[%get3A_2337, %get3A_2338] {strides = array<i32>} : memref<128x100xf32, #tpu.memory_space<vmem>>, vector<16xf32>,
        %get3A_2340 = arith.index_cast %add3A_2286 : i32 to index
        %get3A_2341 = arith.constant 32 : index
        %get3A_2342 = tpu.vector_load %arg13[%get3A_2340, %get3A_2341] {strides = array<i32>} : memref<128x100xf32, #tpu.memory_space<vmem>>, vector<16xf32>,
        %sub3A_2343 = arith.subf %get3A_2339, %get3A_2342 : vector<16xf32>
        %abs3A_2344 = math.absf %sub3A_2343 : vector<16xf32>
        %mul3A_2345 = arith.mulf %abs3A_2344, %get3A_7 : vector<16xf32>
        %add3A_2346 = arith.addf %add3A_2336, %mul3A_2345 : vector<16xf32>
        %get3A_2347 = arith.index_cast %add3A_2286 : i32 to index
        %get3A_2348 = arith.constant 32 : index
        %get3A_2349 = tpu.vector_load %arg14[%get3A_2347, %get3A_2348] {strides = array<i32>} : memref<128x100xf32, #tpu.memory_space<vmem>>, vector<16xf32>,
        %sub3A_2350 = arith.subf %get3A_2339, %get3A_2349 : vector<16xf32>
        %abs3A_2351 = math.absf %sub3A_2350 : vector<16xf32>
        %mul3A_2352 = arith.mulf %abs3A_2351, %get3A_21 : vector<16xf32>
        %add3A_2353 = arith.addf %add3A_2346, %mul3A_2352 : vector<16xf32>
        %get3A_2354 = arith.index_cast %add3A_2286 : i32 to index
        %get3A_2355 = arith.constant 32 : index
        %get3A_2356 = tpu.vector_load %arg15[%get3A_2354, %get3A_2355] {strides = array<i32>} : memref<128x100xf32, #tpu.memory_space<vmem>>, vector<16xf32>,
        %sub3A_2357 = arith.subf %get3A_2339, %get3A_2356 : vector<16xf32>
        %abs3A_2358 = math.absf %sub3A_2357 : vector<16xf32>
        %mul3A_2359 = arith.mulf %abs3A_2358, %get3A_35 : vector<16xf32>
        %add3A_2360 = arith.addf %add3A_2353, %mul3A_2359 : vector<16xf32>
        %get3A_2361 = arith.index_cast %add3A_2286 : i32 to index
        %get3A_2362 = arith.constant 48 : index
        %get3A_2363 = tpu.vector_load %arg12[%get3A_2361, %get3A_2362] {strides = array<i32>} : memref<128x100xf32, #tpu.memory_space<vmem>>, vector<16xf32>,
        %get3A_2364 = arith.index_cast %add3A_2286 : i32 to index
        %get3A_2365 = arith.constant 48 : index
        %get3A_2366 = tpu.vector_load %arg13[%get3A_2364, %get3A_2365] {strides = array<i32>} : memref<128x100xf32, #tpu.memory_space<vmem>>, vector<16xf32>,
        %sub3A_2367 = arith.subf %get3A_2363, %get3A_2366 : vector<16xf32>
        %abs3A_2368 = math.absf %sub3A_2367 : vector<16xf32>
        %mul3A_2369 = arith.mulf %abs3A_2368, %get3A_9 : vector<16xf32>
        %add3A_2370 = arith.addf %add3A_2360, %mul3A_2369 : vector<16xf32>
        %get3A_2371 = arith.index_cast %add3A_2286 : i32 to index
        %get3A_2372 = arith.constant 48 : index
        %get3A_2373 = tpu.vector_load %arg14[%get3A_2371, %get3A_2372] {strides = array<i32>} : memref<128x100xf32, #tpu.memory_space<vmem>>, vector<16xf32>,
        %sub3A_2374 = arith.subf %get3A_2363, %get3A_2373 : vector<16xf32>
        %abs3A_2375 = math.absf %sub3A_2374 : vector<16xf32>
        %mul3A_2376 = arith.mulf %abs3A_2375, %get3A_23 : vector<16xf32>
        %add3A_2377 = arith.addf %add3A_2370, %mul3A_2376 : vector<16xf32>
        %get3A_2378 = arith.index_cast %add3A_2286 : i32 to index
        %get3A_2379 = arith.constant 48 : index
        %get3A_2380 = tpu.vector_load %arg15[%get3A_2378, %get3A_2379] {strides = array<i32>} : memref<128x100xf32, #tpu.memory_space<vmem>>, vector<16xf32>,
        %sub3A_2381 = arith.subf %get3A_2363, %get3A_2380 : vector<16xf32>
        %abs3A_2382 = math.absf %sub3A_2381 : vector<16xf32>
        %mul3A_2383 = arith.mulf %abs3A_2382, %get3A_37 : vector<16xf32>
        %add3A_2384 = arith.addf %add3A_2377, %mul3A_2383 : vector<16xf32>
        %get3A_2385 = arith.index_cast %add3A_2286 : i32 to index
        %get3A_2386 = arith.constant 64 : index
        %get3A_2387 = tpu.vector_load %arg12[%get3A_2385, %get3A_2386] {strides = array<i32>} : memref<128x100xf32, #tpu.memory_space<vmem>>, vector<16xf32>,
        %get3A_2388 = arith.index_cast %add3A_2286 : i32 to index
        %get3A_2389 = arith.constant 64 : index
        %get3A_2390 = tpu.vector_load %arg13[%get3A_2388, %get3A_2389] {strides = array<i32>} : memref<128x100xf32, #tpu.memory_space<vmem>>, vector<16xf32>,
        %sub3A_2391 = arith.subf %get3A_2387, %get3A_2390 : vector<16xf32>
        %abs3A_2392 = math.absf %sub3A_2391 : vector<16xf32>
        %mul3A_2393 = arith.mulf %abs3A_2392, %get3A_11 : vector<16xf32>
        %add3A_2394 = arith.addf %add3A_2384, %mul3A_2393 : vector<16xf32>
        %get3A_2395 = arith.index_cast %add3A_2286 : i32 to index
        %get3A_2396 = arith.constant 64 : index
        %get3A_2397 = tpu.vector_load %arg14[%get3A_2395, %get3A_2396] {strides = array<i32>} : memref<128x100xf32, #tpu.memory_space<vmem>>, vector<16xf32>,
        %sub3A_2398 = arith.subf %get3A_2387, %get3A_2397 : vector<16xf32>
        %abs3A_2399 = math.absf %sub3A_2398 : vector<16xf32>
        %mul3A_2400 = arith.mulf %abs3A_2399, %get3A_25 : vector<16xf32>
        %add3A_2401 = arith.addf %add3A_2394, %mul3A_2400 : vector<16xf32>
        %get3A_2402 = arith.index_cast %add3A_2286 : i32 to index
        %get3A_2403 = arith.constant 64 : index
        %get3A_2404 = tpu.vector_load %arg15[%get3A_2402, %get3A_2403] {strides = array<i32>} : memref<128x100xf32, #tpu.memory_space<vmem>>, vector<16xf32>,
        %sub3A_2405 = arith.subf %get3A_2387, %get3A_2404 : vector<16xf32>
        %abs3A_2406 = math.absf %sub3A_2405 : vector<16xf32>
        %mul3A_2407 = arith.mulf %abs3A_2406, %get3A_39 : vector<16xf32>
        %add3A_2408 = arith.addf %add3A_2401, %mul3A_2407 : vector<16xf32>
        %get3A_2409 = arith.index_cast %add3A_2286 : i32 to index
        %get3A_2410 = arith.constant 80 : index
        %get3A_2411 = tpu.vector_load %arg12[%get3A_2409, %get3A_2410] {strides = array<i32>} : memref<128x100xf32, #tpu.memory_space<vmem>>, vector<16xf32>,
        %get3A_2412 = arith.index_cast %add3A_2286 : i32 to index
        %get3A_2413 = arith.constant 80 : index
        %get3A_2414 = tpu.vector_load %arg13[%get3A_2412, %get3A_2413] {strides = array<i32>} : memref<128x100xf32, #tpu.memory_space<vmem>>, vector<16xf32>,
        %sub3A_2415 = arith.subf %get3A_2411, %get3A_2414 : vector<16xf32>
        %abs3A_2416 = math.absf %sub3A_2415 : vector<16xf32>
        %mul3A_2417 = arith.mulf %abs3A_2416, %get3A_13 : vector<16xf32>
        %add3A_2418 = arith.addf %add3A_2408, %mul3A_2417 : vector<16xf32>
        %get3A_2419 = arith.index_cast %add3A_2286 : i32 to index
        %get3A_2420 = arith.constant 80 : index
        %get3A_2421 = tpu.vector_load %arg14[%get3A_2419, %get3A_2420] {strides = array<i32>} : memref<128x100xf32, #tpu.memory_space<vmem>>, vector<16xf32>,
        %sub3A_2422 = arith.subf %get3A_2411, %get3A_2421 : vector<16xf32>
        %abs3A_2423 = math.absf %sub3A_2422 : vector<16xf32>
        %mul3A_2424 = arith.mulf %abs3A_2423, %get3A_27 : vector<16xf32>
        %add3A_2425 = arith.addf %add3A_2418, %mul3A_2424 : vector<16xf32>
        %get3A_2426 = arith.index_cast %add3A_2286 : i32 to index
        %get3A_2427 = arith.constant 80 : index
        %get3A_2428 = tpu.vector_load %arg15[%get3A_2426, %get3A_2427] {strides = array<i32>} : memref<128x100xf32, #tpu.memory_space<vmem>>, vector<16xf32>,
        %sub3A_2429 = arith.subf %get3A_2411, %get3A_2428 : vector<16xf32>
        %abs3A_2430 = math.absf %sub3A_2429 : vector<16xf32>
        %mul3A_2431 = arith.mulf %abs3A_2430, %get3A_41 : vector<16xf32>
        %add3A_2432 = arith.addf %add3A_2425, %mul3A_2431 : vector<16xf32>
        %get3A_2433 = arith.index_cast %add3A_2286 : i32 to index
        %get3A_2434 = arith.constant 84 : index
        %get3A_2435 = tpu.vector_load %arg12[%get3A_2433, %get3A_2434] {strides = array<i32>} : memref<128x100xf32, #tpu.memory_space<vmem>>, vector<16xf32>,
        %get3A_2436 = arith.index_cast %add3A_2286 : i32 to index
        %get3A_2437 = arith.constant 84 : index
        %get3A_2438 = tpu.vector_load %arg13[%get3A_2436, %get3A_2437] {strides = array<i32>} : memref<128x100xf32, #tpu.memory_space<vmem>>, vector<16xf32>,
        %sub3A_2439 = arith.subf %get3A_2435, %get3A_2438 : vector<16xf32>
        %abs3A_2440 = math.absf %sub3A_2439 : vector<16xf32>
        %mul3A_2441 = arith.mulf %abs3A_2440, %get3A_15 : vector<16xf32>
        %add3A_2442 = arith.addf %add3A_2432, %mul3A_2441 : vector<16xf32>
        %get3A_2443 = arith.index_cast %add3A_2286 : i32 to index
        %get3A_2444 = arith.constant 84 : index
        %get3A_2445 = tpu.vector_load %arg14[%get3A_2443, %get3A_2444] {strides = array<i32>} : memref<128x100xf32, #tpu.memory_space<vmem>>, vector<16xf32>,
        %sub3A_2446 = arith.subf %get3A_2435, %get3A_2445 : vector<16xf32>
        %abs3A_2447 = math.absf %sub3A_2446 : vector<16xf32>
        %mul3A_2448 = arith.mulf %abs3A_2447, %get3A_29 : vector<16xf32>
        %add3A_2449 = arith.addf %add3A_2442, %mul3A_2448 : vector<16xf32>
        %get3A_2450 = arith.index_cast %add3A_2286 : i32 to index
        %get3A_2451 = arith.constant 84 : index
        %get3A_2452 = tpu.vector_load %arg15[%get3A_2450, %get3A_2451] {strides = array<i32>} : memref<128x100xf32, #tpu.memory_space<vmem>>, vector<16xf32>,
        %sub3A_2453 = arith.subf %get3A_2435, %get3A_2452 : vector<16xf32>
        %abs3A_2454 = math.absf %sub3A_2453 : vector<16xf32>
        %mul3A_2455 = arith.mulf %abs3A_2454, %get3A_43 : vector<16xf32>
        %add3A_2456 = arith.addf %add3A_2449, %mul3A_2455 : vector<16xf32>
        %eq3A_2457 = arith.constant 12 : i32
        %eq3A_2458 = vector.broadcast %eq3A_2457 : i32 to vector<16xi32>
        %eq3A_2459 = arith.cmpi eq, %iota3A, %eq3A_2458 : vector<16xi32>
        %reduce_sum3A_2460 = arith.constant true
        %reduce_sum3A_2461 = vector.broadcast %reduce_sum3A_2460 : i1 to vector<16xi1>
        %reduce_sum3A_2462 = tpu.scan <sum>, %add3A_2456 masked %reduce_sum3A_2461 : vector<16xf32>, vector<16xi1> -> vector<16xf32>
        %reduce_sum3A_2463 = vector.extract %reduce_sum3A_2462[15] : f32 from vector<16xf32>
        %broadcast_in_dim3A_2464 = vector.broadcast %reduce_sum3A_2463 : f32 to vector<16xf32>
        %select_n3A_2465 = arith.select %eq3A_2459, %broadcast_in_dim3A_2464, %select_n3A_2282 : vector<16xi1>, vector<16xf32>
        %mul3A_2466 = arith.constant 16 : i32
        %mul3A_2467 = arith.muli %scan3A_90, %mul3A_2466 : i32
        %add3A_2468 = arith.constant 13 : i32
        %add3A_2469 = arith.addi %mul3A_2467, %add3A_2468 : i32
        %broadcast_in_dim3A_2470 = arith.constant 0.000000e+00 : f32
        %broadcast_in_dim3A_2471 = vector.broadcast %broadcast_in_dim3A_2470 : f32 to vector<16xf32>
        %get3A_2472 = arith.index_cast %add3A_2469 : i32 to index
        %get3A_2473 = arith.constant 0 : index
        %get3A_2474 = tpu.vector_load %arg12[%get3A_2472, %get3A_2473] {strides = array<i32>} : memref<128x100xf32, #tpu.memory_space<vmem>>, vector<16xf32>,
        %get3A_2475 = arith.index_cast %add3A_2469 : i32 to index
        %get3A_2476 = arith.constant 0 : index
        %get3A_2477 = tpu.vector_load %arg13[%get3A_2475, %get3A_2476] {strides = array<i32>} : memref<128x100xf32, #tpu.memory_space<vmem>>, vector<16xf32>,
        %sub3A_2478 = arith.subf %get3A_2474, %get3A_2477 : vector<16xf32>
        %abs3A_2479 = math.absf %sub3A_2478 : vector<16xf32>
        %mul3A_2480 = arith.mulf %abs3A_2479, %get3A_3 : vector<16xf32>
        %add3A_2481 = arith.addf %broadcast_in_dim3A_2471, %mul3A_2480 : vector<16xf32>
        %get3A_2482 = arith.index_cast %add3A_2469 : i32 to index
        %get3A_2483 = arith.constant 0 : index
        %get3A_2484 = tpu.vector_load %arg14[%get3A_2482, %get3A_2483] {strides = array<i32>} : memref<128x100xf32, #tpu.memory_space<vmem>>, vector<16xf32>,
        %sub3A_2485 = arith.subf %get3A_2474, %get3A_2484 : vector<16xf32>
        %abs3A_2486 = math.absf %sub3A_2485 : vector<16xf32>
        %mul3A_2487 = arith.mulf %abs3A_2486, %get3A_17 : vector<16xf32>
        %add3A_2488 = arith.addf %add3A_2481, %mul3A_2487 : vector<16xf32>
        %get3A_2489 = arith.index_cast %add3A_2469 : i32 to index
        %get3A_2490 = arith.constant 0 : index
        %get3A_2491 = tpu.vector_load %arg15[%get3A_2489, %get3A_2490] {strides = array<i32>} : memref<128x100xf32, #tpu.memory_space<vmem>>, vector<16xf32>,
        %sub3A_2492 = arith.subf %get3A_2474, %get3A_2491 : vector<16xf32>
        %abs3A_2493 = math.absf %sub3A_2492 : vector<16xf32>
        %mul3A_2494 = arith.mulf %abs3A_2493, %get3A_31 : vector<16xf32>
        %add3A_2495 = arith.addf %add3A_2488, %mul3A_2494 : vector<16xf32>
        %get3A_2496 = arith.index_cast %add3A_2469 : i32 to index
        %get3A_2497 = arith.constant 16 : index
        %get3A_2498 = tpu.vector_load %arg12[%get3A_2496, %get3A_2497] {strides = array<i32>} : memref<128x100xf32, #tpu.memory_space<vmem>>, vector<16xf32>,
        %get3A_2499 = arith.index_cast %add3A_2469 : i32 to index
        %get3A_2500 = arith.constant 16 : index
        %get3A_2501 = tpu.vector_load %arg13[%get3A_2499, %get3A_2500] {strides = array<i32>} : memref<128x100xf32, #tpu.memory_space<vmem>>, vector<16xf32>,
        %sub3A_2502 = arith.subf %get3A_2498, %get3A_2501 : vector<16xf32>
        %abs3A_2503 = math.absf %sub3A_2502 : vector<16xf32>
        %mul3A_2504 = arith.mulf %abs3A_2503, %get3A_5 : vector<16xf32>
        %add3A_2505 = arith.addf %add3A_2495, %mul3A_2504 : vector<16xf32>
        %get3A_2506 = arith.index_cast %add3A_2469 : i32 to index
        %get3A_2507 = arith.constant 16 : index
        %get3A_2508 = tpu.vector_load %arg14[%get3A_2506, %get3A_2507] {strides = array<i32>} : memref<128x100xf32, #tpu.memory_space<vmem>>, vector<16xf32>,
        %sub3A_2509 = arith.subf %get3A_2498, %get3A_2508 : vector<16xf32>
        %abs3A_2510 = math.absf %sub3A_2509 : vector<16xf32>
        %mul3A_2511 = arith.mulf %abs3A_2510, %get3A_19 : vector<16xf32>
        %add3A_2512 = arith.addf %add3A_2505, %mul3A_2511 : vector<16xf32>
        %get3A_2513 = arith.index_cast %add3A_2469 : i32 to index
        %get3A_2514 = arith.constant 16 : index
        %get3A_2515 = tpu.vector_load %arg15[%get3A_2513, %get3A_2514] {strides = array<i32>} : memref<128x100xf32, #tpu.memory_space<vmem>>, vector<16xf32>,
        %sub3A_2516 = arith.subf %get3A_2498, %get3A_2515 : vector<16xf32>
        %abs3A_2517 = math.absf %sub3A_2516 : vector<16xf32>
        %mul3A_2518 = arith.mulf %abs3A_2517, %get3A_33 : vector<16xf32>
        %add3A_2519 = arith.addf %add3A_2512, %mul3A_2518 : vector<16xf32>
        %get3A_2520 = arith.index_cast %add3A_2469 : i32 to index
        %get3A_2521 = arith.constant 32 : index
        %get3A_2522 = tpu.vector_load %arg12[%get3A_2520, %get3A_2521] {strides = array<i32>} : memref<128x100xf32, #tpu.memory_space<vmem>>, vector<16xf32>,
        %get3A_2523 = arith.index_cast %add3A_2469 : i32 to index
        %get3A_2524 = arith.constant 32 : index
        %get3A_2525 = tpu.vector_load %arg13[%get3A_2523, %get3A_2524] {strides = array<i32>} : memref<128x100xf32, #tpu.memory_space<vmem>>, vector<16xf32>,
        %sub3A_2526 = arith.subf %get3A_2522, %get3A_2525 : vector<16xf32>
        %abs3A_2527 = math.absf %sub3A_2526 : vector<16xf32>
        %mul3A_2528 = arith.mulf %abs3A_2527, %get3A_7 : vector<16xf32>
        %add3A_2529 = arith.addf %add3A_2519, %mul3A_2528 : vector<16xf32>
        %get3A_2530 = arith.index_cast %add3A_2469 : i32 to index
        %get3A_2531 = arith.constant 32 : index
        %get3A_2532 = tpu.vector_load %arg14[%get3A_2530, %get3A_2531] {strides = array<i32>} : memref<128x100xf32, #tpu.memory_space<vmem>>, vector<16xf32>,
        %sub3A_2533 = arith.subf %get3A_2522, %get3A_2532 : vector<16xf32>
        %abs3A_2534 = math.absf %sub3A_2533 : vector<16xf32>
        %mul3A_2535 = arith.mulf %abs3A_2534, %get3A_21 : vector<16xf32>
        %add3A_2536 = arith.addf %add3A_2529, %mul3A_2535 : vector<16xf32>
        %get3A_2537 = arith.index_cast %add3A_2469 : i32 to index
        %get3A_2538 = arith.constant 32 : index
        %get3A_2539 = tpu.vector_load %arg15[%get3A_2537, %get3A_2538] {strides = array<i32>} : memref<128x100xf32, #tpu.memory_space<vmem>>, vector<16xf32>,
        %sub3A_2540 = arith.subf %get3A_2522, %get3A_2539 : vector<16xf32>
        %abs3A_2541 = math.absf %sub3A_2540 : vector<16xf32>
        %mul3A_2542 = arith.mulf %abs3A_2541, %get3A_35 : vector<16xf32>
        %add3A_2543 = arith.addf %add3A_2536, %mul3A_2542 : vector<16xf32>
        %get3A_2544 = arith.index_cast %add3A_2469 : i32 to index
        %get3A_2545 = arith.constant 48 : index
        %get3A_2546 = tpu.vector_load %arg12[%get3A_2544, %get3A_2545] {strides = array<i32>} : memref<128x100xf32, #tpu.memory_space<vmem>>, vector<16xf32>,
        %get3A_2547 = arith.index_cast %add3A_2469 : i32 to index
        %get3A_2548 = arith.constant 48 : index
        %get3A_2549 = tpu.vector_load %arg13[%get3A_2547, %get3A_2548] {strides = array<i32>} : memref<128x100xf32, #tpu.memory_space<vmem>>, vector<16xf32>,
        %sub3A_2550 = arith.subf %get3A_2546, %get3A_2549 : vector<16xf32>
        %abs3A_2551 = math.absf %sub3A_2550 : vector<16xf32>
        %mul3A_2552 = arith.mulf %abs3A_2551, %get3A_9 : vector<16xf32>
        %add3A_2553 = arith.addf %add3A_2543, %mul3A_2552 : vector<16xf32>
        %get3A_2554 = arith.index_cast %add3A_2469 : i32 to index
        %get3A_2555 = arith.constant 48 : index
        %get3A_2556 = tpu.vector_load %arg14[%get3A_2554, %get3A_2555] {strides = array<i32>} : memref<128x100xf32, #tpu.memory_space<vmem>>, vector<16xf32>,
        %sub3A_2557 = arith.subf %get3A_2546, %get3A_2556 : vector<16xf32>
        %abs3A_2558 = math.absf %sub3A_2557 : vector<16xf32>
        %mul3A_2559 = arith.mulf %abs3A_2558, %get3A_23 : vector<16xf32>
        %add3A_2560 = arith.addf %add3A_2553, %mul3A_2559 : vector<16xf32>
        %get3A_2561 = arith.index_cast %add3A_2469 : i32 to index
        %get3A_2562 = arith.constant 48 : index
        %get3A_2563 = tpu.vector_load %arg15[%get3A_2561, %get3A_2562] {strides = array<i32>} : memref<128x100xf32, #tpu.memory_space<vmem>>, vector<16xf32>,
        %sub3A_2564 = arith.subf %get3A_2546, %get3A_2563 : vector<16xf32>
        %abs3A_2565 = math.absf %sub3A_2564 : vector<16xf32>
        %mul3A_2566 = arith.mulf %abs3A_2565, %get3A_37 : vector<16xf32>
        %add3A_2567 = arith.addf %add3A_2560, %mul3A_2566 : vector<16xf32>
        %get3A_2568 = arith.index_cast %add3A_2469 : i32 to index
        %get3A_2569 = arith.constant 64 : index
        %get3A_2570 = tpu.vector_load %arg12[%get3A_2568, %get3A_2569] {strides = array<i32>} : memref<128x100xf32, #tpu.memory_space<vmem>>, vector<16xf32>,
        %get3A_2571 = arith.index_cast %add3A_2469 : i32 to index
        %get3A_2572 = arith.constant 64 : index
        %get3A_2573 = tpu.vector_load %arg13[%get3A_2571, %get3A_2572] {strides = array<i32>} : memref<128x100xf32, #tpu.memory_space<vmem>>, vector<16xf32>,
        %sub3A_2574 = arith.subf %get3A_2570, %get3A_2573 : vector<16xf32>
        %abs3A_2575 = math.absf %sub3A_2574 : vector<16xf32>
        %mul3A_2576 = arith.mulf %abs3A_2575, %get3A_11 : vector<16xf32>
        %add3A_2577 = arith.addf %add3A_2567, %mul3A_2576 : vector<16xf32>
        %get3A_2578 = arith.index_cast %add3A_2469 : i32 to index
        %get3A_2579 = arith.constant 64 : index
        %get3A_2580 = tpu.vector_load %arg14[%get3A_2578, %get3A_2579] {strides = array<i32>} : memref<128x100xf32, #tpu.memory_space<vmem>>, vector<16xf32>,
        %sub3A_2581 = arith.subf %get3A_2570, %get3A_2580 : vector<16xf32>
        %abs3A_2582 = math.absf %sub3A_2581 : vector<16xf32>
        %mul3A_2583 = arith.mulf %abs3A_2582, %get3A_25 : vector<16xf32>
        %add3A_2584 = arith.addf %add3A_2577, %mul3A_2583 : vector<16xf32>
        %get3A_2585 = arith.index_cast %add3A_2469 : i32 to index
        %get3A_2586 = arith.constant 64 : index
        %get3A_2587 = tpu.vector_load %arg15[%get3A_2585, %get3A_2586] {strides = array<i32>} : memref<128x100xf32, #tpu.memory_space<vmem>>, vector<16xf32>,
        %sub3A_2588 = arith.subf %get3A_2570, %get3A_2587 : vector<16xf32>
        %abs3A_2589 = math.absf %sub3A_2588 : vector<16xf32>
        %mul3A_2590 = arith.mulf %abs3A_2589, %get3A_39 : vector<16xf32>
        %add3A_2591 = arith.addf %add3A_2584, %mul3A_2590 : vector<16xf32>
        %get3A_2592 = arith.index_cast %add3A_2469 : i32 to index
        %get3A_2593 = arith.constant 80 : index
        %get3A_2594 = tpu.vector_load %arg12[%get3A_2592, %get3A_2593] {strides = array<i32>} : memref<128x100xf32, #tpu.memory_space<vmem>>, vector<16xf32>,
        %get3A_2595 = arith.index_cast %add3A_2469 : i32 to index
        %get3A_2596 = arith.constant 80 : index
        %get3A_2597 = tpu.vector_load %arg13[%get3A_2595, %get3A_2596] {strides = array<i32>} : memref<128x100xf32, #tpu.memory_space<vmem>>, vector<16xf32>,
        %sub3A_2598 = arith.subf %get3A_2594, %get3A_2597 : vector<16xf32>
        %abs3A_2599 = math.absf %sub3A_2598 : vector<16xf32>
        %mul3A_2600 = arith.mulf %abs3A_2599, %get3A_13 : vector<16xf32>
        %add3A_2601 = arith.addf %add3A_2591, %mul3A_2600 : vector<16xf32>
        %get3A_2602 = arith.index_cast %add3A_2469 : i32 to index
        %get3A_2603 = arith.constant 80 : index
        %get3A_2604 = tpu.vector_load %arg14[%get3A_2602, %get3A_2603] {strides = array<i32>} : memref<128x100xf32, #tpu.memory_space<vmem>>, vector<16xf32>,
        %sub3A_2605 = arith.subf %get3A_2594, %get3A_2604 : vector<16xf32>
        %abs3A_2606 = math.absf %sub3A_2605 : vector<16xf32>
        %mul3A_2607 = arith.mulf %abs3A_2606, %get3A_27 : vector<16xf32>
        %add3A_2608 = arith.addf %add3A_2601, %mul3A_2607 : vector<16xf32>
        %get3A_2609 = arith.index_cast %add3A_2469 : i32 to index
        %get3A_2610 = arith.constant 80 : index
        %get3A_2611 = tpu.vector_load %arg15[%get3A_2609, %get3A_2610] {strides = array<i32>} : memref<128x100xf32, #tpu.memory_space<vmem>>, vector<16xf32>,
        %sub3A_2612 = arith.subf %get3A_2594, %get3A_2611 : vector<16xf32>
        %abs3A_2613 = math.absf %sub3A_2612 : vector<16xf32>
        %mul3A_2614 = arith.mulf %abs3A_2613, %get3A_41 : vector<16xf32>
        %add3A_2615 = arith.addf %add3A_2608, %mul3A_2614 : vector<16xf32>
        %get3A_2616 = arith.index_cast %add3A_2469 : i32 to index
        %get3A_2617 = arith.constant 84 : index
        %get3A_2618 = tpu.vector_load %arg12[%get3A_2616, %get3A_2617] {strides = array<i32>} : memref<128x100xf32, #tpu.memory_space<vmem>>, vector<16xf32>,
        %get3A_2619 = arith.index_cast %add3A_2469 : i32 to index
        %get3A_2620 = arith.constant 84 : index
        %get3A_2621 = tpu.vector_load %arg13[%get3A_2619, %get3A_2620] {strides = array<i32>} : memref<128x100xf32, #tpu.memory_space<vmem>>, vector<16xf32>,
        %sub3A_2622 = arith.subf %get3A_2618, %get3A_2621 : vector<16xf32>
        %abs3A_2623 = math.absf %sub3A_2622 : vector<16xf32>
        %mul3A_2624 = arith.mulf %abs3A_2623, %get3A_15 : vector<16xf32>
        %add3A_2625 = arith.addf %add3A_2615, %mul3A_2624 : vector<16xf32>
        %get3A_2626 = arith.index_cast %add3A_2469 : i32 to index
        %get3A_2627 = arith.constant 84 : index
        %get3A_2628 = tpu.vector_load %arg14[%get3A_2626, %get3A_2627] {strides = array<i32>} : memref<128x100xf32, #tpu.memory_space<vmem>>, vector<16xf32>,
        %sub3A_2629 = arith.subf %get3A_2618, %get3A_2628 : vector<16xf32>
        %abs3A_2630 = math.absf %sub3A_2629 : vector<16xf32>
        %mul3A_2631 = arith.mulf %abs3A_2630, %get3A_29 : vector<16xf32>
        %add3A_2632 = arith.addf %add3A_2625, %mul3A_2631 : vector<16xf32>
        %get3A_2633 = arith.index_cast %add3A_2469 : i32 to index
        %get3A_2634 = arith.constant 84 : index
        %get3A_2635 = tpu.vector_load %arg15[%get3A_2633, %get3A_2634] {strides = array<i32>} : memref<128x100xf32, #tpu.memory_space<vmem>>, vector<16xf32>,
        %sub3A_2636 = arith.subf %get3A_2618, %get3A_2635 : vector<16xf32>
        %abs3A_2637 = math.absf %sub3A_2636 : vector<16xf32>
        %mul3A_2638 = arith.mulf %abs3A_2637, %get3A_43 : vector<16xf32>
        %add3A_2639 = arith.addf %add3A_2632, %mul3A_2638 : vector<16xf32>
        %eq3A_2640 = arith.constant 13 : i32
        %eq3A_2641 = vector.broadcast %eq3A_2640 : i32 to vector<16xi32>
        %eq3A_2642 = arith.cmpi eq, %iota3A, %eq3A_2641 : vector<16xi32>
        %reduce_sum3A_2643 = arith.constant true
        %reduce_sum3A_2644 = vector.broadcast %reduce_sum3A_2643 : i1 to vector<16xi1>
        %reduce_sum3A_2645 = tpu.scan <sum>, %add3A_2639 masked %reduce_sum3A_2644 : vector<16xf32>, vector<16xi1> -> vector<16xf32>
        %reduce_sum3A_2646 = vector.extract %reduce_sum3A_2645[15] : f32 from vector<16xf32>
        %broadcast_in_dim3A_2647 = vector.broadcast %reduce_sum3A_2646 : f32 to vector<16xf32>
        %select_n3A_2648 = arith.select %eq3A_2642, %broadcast_in_dim3A_2647, %select_n3A_2465 : vector<16xi1>, vector<16xf32>
        %mul3A_2649 = arith.constant 16 : i32
        %mul3A_2650 = arith.muli %scan3A_90, %mul3A_2649 : i32
        %add3A_2651 = arith.constant 14 : i32
        %add3A_2652 = arith.addi %mul3A_2650, %add3A_2651 : i32
        %broadcast_in_dim3A_2653 = arith.constant 0.000000e+00 : f32
        %broadcast_in_dim3A_2654 = vector.broadcast %broadcast_in_dim3A_2653 : f32 to vector<16xf32>
        %get3A_2655 = arith.index_cast %add3A_2652 : i32 to index
        %get3A_2656 = arith.constant 0 : index
        %get3A_2657 = tpu.vector_load %arg12[%get3A_2655, %get3A_2656] {strides = array<i32>} : memref<128x100xf32, #tpu.memory_space<vmem>>, vector<16xf32>,
        %get3A_2658 = arith.index_cast %add3A_2652 : i32 to index
        %get3A_2659 = arith.constant 0 : index
        %get3A_2660 = tpu.vector_load %arg13[%get3A_2658, %get3A_2659] {strides = array<i32>} : memref<128x100xf32, #tpu.memory_space<vmem>>, vector<16xf32>,
        %sub3A_2661 = arith.subf %get3A_2657, %get3A_2660 : vector<16xf32>
        %abs3A_2662 = math.absf %sub3A_2661 : vector<16xf32>
        %mul3A_2663 = arith.mulf %abs3A_2662, %get3A_3 : vector<16xf32>
        %add3A_2664 = arith.addf %broadcast_in_dim3A_2654, %mul3A_2663 : vector<16xf32>
        %get3A_2665 = arith.index_cast %add3A_2652 : i32 to index
        %get3A_2666 = arith.constant 0 : index
        %get3A_2667 = tpu.vector_load %arg14[%get3A_2665, %get3A_2666] {strides = array<i32>} : memref<128x100xf32, #tpu.memory_space<vmem>>, vector<16xf32>,
        %sub3A_2668 = arith.subf %get3A_2657, %get3A_2667 : vector<16xf32>
        %abs3A_2669 = math.absf %sub3A_2668 : vector<16xf32>
        %mul3A_2670 = arith.mulf %abs3A_2669, %get3A_17 : vector<16xf32>
        %add3A_2671 = arith.addf %add3A_2664, %mul3A_2670 : vector<16xf32>
        %get3A_2672 = arith.index_cast %add3A_2652 : i32 to index
        %get3A_2673 = arith.constant 0 : index
        %get3A_2674 = tpu.vector_load %arg15[%get3A_2672, %get3A_2673] {strides = array<i32>} : memref<128x100xf32, #tpu.memory_space<vmem>>, vector<16xf32>,
        %sub3A_2675 = arith.subf %get3A_2657, %get3A_2674 : vector<16xf32>
        %abs3A_2676 = math.absf %sub3A_2675 : vector<16xf32>
        %mul3A_2677 = arith.mulf %abs3A_2676, %get3A_31 : vector<16xf32>
        %add3A_2678 = arith.addf %add3A_2671, %mul3A_2677 : vector<16xf32>
        %get3A_2679 = arith.index_cast %add3A_2652 : i32 to index
        %get3A_2680 = arith.constant 16 : index
        %get3A_2681 = tpu.vector_load %arg12[%get3A_2679, %get3A_2680] {strides = array<i32>} : memref<128x100xf32, #tpu.memory_space<vmem>>, vector<16xf32>,
        %get3A_2682 = arith.index_cast %add3A_2652 : i32 to index
        %get3A_2683 = arith.constant 16 : index
        %get3A_2684 = tpu.vector_load %arg13[%get3A_2682, %get3A_2683] {strides = array<i32>} : memref<128x100xf32, #tpu.memory_space<vmem>>, vector<16xf32>,
        %sub3A_2685 = arith.subf %get3A_2681, %get3A_2684 : vector<16xf32>
        %abs3A_2686 = math.absf %sub3A_2685 : vector<16xf32>
        %mul3A_2687 = arith.mulf %abs3A_2686, %get3A_5 : vector<16xf32>
        %add3A_2688 = arith.addf %add3A_2678, %mul3A_2687 : vector<16xf32>
        %get3A_2689 = arith.index_cast %add3A_2652 : i32 to index
        %get3A_2690 = arith.constant 16 : index
        %get3A_2691 = tpu.vector_load %arg14[%get3A_2689, %get3A_2690] {strides = array<i32>} : memref<128x100xf32, #tpu.memory_space<vmem>>, vector<16xf32>,
        %sub3A_2692 = arith.subf %get3A_2681, %get3A_2691 : vector<16xf32>
        %abs3A_2693 = math.absf %sub3A_2692 : vector<16xf32>
        %mul3A_2694 = arith.mulf %abs3A_2693, %get3A_19 : vector<16xf32>
        %add3A_2695 = arith.addf %add3A_2688, %mul3A_2694 : vector<16xf32>
        %get3A_2696 = arith.index_cast %add3A_2652 : i32 to index
        %get3A_2697 = arith.constant 16 : index
        %get3A_2698 = tpu.vector_load %arg15[%get3A_2696, %get3A_2697] {strides = array<i32>} : memref<128x100xf32, #tpu.memory_space<vmem>>, vector<16xf32>,
        %sub3A_2699 = arith.subf %get3A_2681, %get3A_2698 : vector<16xf32>
        %abs3A_2700 = math.absf %sub3A_2699 : vector<16xf32>
        %mul3A_2701 = arith.mulf %abs3A_2700, %get3A_33 : vector<16xf32>
        %add3A_2702 = arith.addf %add3A_2695, %mul3A_2701 : vector<16xf32>
        %get3A_2703 = arith.index_cast %add3A_2652 : i32 to index
        %get3A_2704 = arith.constant 32 : index
        %get3A_2705 = tpu.vector_load %arg12[%get3A_2703, %get3A_2704] {strides = array<i32>} : memref<128x100xf32, #tpu.memory_space<vmem>>, vector<16xf32>,
        %get3A_2706 = arith.index_cast %add3A_2652 : i32 to index
        %get3A_2707 = arith.constant 32 : index
        %get3A_2708 = tpu.vector_load %arg13[%get3A_2706, %get3A_2707] {strides = array<i32>} : memref<128x100xf32, #tpu.memory_space<vmem>>, vector<16xf32>,
        %sub3A_2709 = arith.subf %get3A_2705, %get3A_2708 : vector<16xf32>
        %abs3A_2710 = math.absf %sub3A_2709 : vector<16xf32>
        %mul3A_2711 = arith.mulf %abs3A_2710, %get3A_7 : vector<16xf32>
        %add3A_2712 = arith.addf %add3A_2702, %mul3A_2711 : vector<16xf32>
        %get3A_2713 = arith.index_cast %add3A_2652 : i32 to index
        %get3A_2714 = arith.constant 32 : index
        %get3A_2715 = tpu.vector_load %arg14[%get3A_2713, %get3A_2714] {strides = array<i32>} : memref<128x100xf32, #tpu.memory_space<vmem>>, vector<16xf32>,
        %sub3A_2716 = arith.subf %get3A_2705, %get3A_2715 : vector<16xf32>
        %abs3A_2717 = math.absf %sub3A_2716 : vector<16xf32>
        %mul3A_2718 = arith.mulf %abs3A_2717, %get3A_21 : vector<16xf32>
        %add3A_2719 = arith.addf %add3A_2712, %mul3A_2718 : vector<16xf32>
        %get3A_2720 = arith.index_cast %add3A_2652 : i32 to index
        %get3A_2721 = arith.constant 32 : index
        %get3A_2722 = tpu.vector_load %arg15[%get3A_2720, %get3A_2721] {strides = array<i32>} : memref<128x100xf32, #tpu.memory_space<vmem>>, vector<16xf32>,
        %sub3A_2723 = arith.subf %get3A_2705, %get3A_2722 : vector<16xf32>
        %abs3A_2724 = math.absf %sub3A_2723 : vector<16xf32>
        %mul3A_2725 = arith.mulf %abs3A_2724, %get3A_35 : vector<16xf32>
        %add3A_2726 = arith.addf %add3A_2719, %mul3A_2725 : vector<16xf32>
        %get3A_2727 = arith.index_cast %add3A_2652 : i32 to index
        %get3A_2728 = arith.constant 48 : index
        %get3A_2729 = tpu.vector_load %arg12[%get3A_2727, %get3A_2728] {strides = array<i32>} : memref<128x100xf32, #tpu.memory_space<vmem>>, vector<16xf32>,
        %get3A_2730 = arith.index_cast %add3A_2652 : i32 to index
        %get3A_2731 = arith.constant 48 : index
        %get3A_2732 = tpu.vector_load %arg13[%get3A_2730, %get3A_2731] {strides = array<i32>} : memref<128x100xf32, #tpu.memory_space<vmem>>, vector<16xf32>,
        %sub3A_2733 = arith.subf %get3A_2729, %get3A_2732 : vector<16xf32>
        %abs3A_2734 = math.absf %sub3A_2733 : vector<16xf32>
        %mul3A_2735 = arith.mulf %abs3A_2734, %get3A_9 : vector<16xf32>
        %add3A_2736 = arith.addf %add3A_2726, %mul3A_2735 : vector<16xf32>
        %get3A_2737 = arith.index_cast %add3A_2652 : i32 to index
        %get3A_2738 = arith.constant 48 : index
        %get3A_2739 = tpu.vector_load %arg14[%get3A_2737, %get3A_2738] {strides = array<i32>} : memref<128x100xf32, #tpu.memory_space<vmem>>, vector<16xf32>,
        %sub3A_2740 = arith.subf %get3A_2729, %get3A_2739 : vector<16xf32>
        %abs3A_2741 = math.absf %sub3A_2740 : vector<16xf32>
        %mul3A_2742 = arith.mulf %abs3A_2741, %get3A_23 : vector<16xf32>
        %add3A_2743 = arith.addf %add3A_2736, %mul3A_2742 : vector<16xf32>
        %get3A_2744 = arith.index_cast %add3A_2652 : i32 to index
        %get3A_2745 = arith.constant 48 : index
        %get3A_2746 = tpu.vector_load %arg15[%get3A_2744, %get3A_2745] {strides = array<i32>} : memref<128x100xf32, #tpu.memory_space<vmem>>, vector<16xf32>,
        %sub3A_2747 = arith.subf %get3A_2729, %get3A_2746 : vector<16xf32>
        %abs3A_2748 = math.absf %sub3A_2747 : vector<16xf32>
        %mul3A_2749 = arith.mulf %abs3A_2748, %get3A_37 : vector<16xf32>
        %add3A_2750 = arith.addf %add3A_2743, %mul3A_2749 : vector<16xf32>
        %get3A_2751 = arith.index_cast %add3A_2652 : i32 to index
        %get3A_2752 = arith.constant 64 : index
        %get3A_2753 = tpu.vector_load %arg12[%get3A_2751, %get3A_2752] {strides = array<i32>} : memref<128x100xf32, #tpu.memory_space<vmem>>, vector<16xf32>,
        %get3A_2754 = arith.index_cast %add3A_2652 : i32 to index
        %get3A_2755 = arith.constant 64 : index
        %get3A_2756 = tpu.vector_load %arg13[%get3A_2754, %get3A_2755] {strides = array<i32>} : memref<128x100xf32, #tpu.memory_space<vmem>>, vector<16xf32>,
        %sub3A_2757 = arith.subf %get3A_2753, %get3A_2756 : vector<16xf32>
        %abs3A_2758 = math.absf %sub3A_2757 : vector<16xf32>
        %mul3A_2759 = arith.mulf %abs3A_2758, %get3A_11 : vector<16xf32>
        %add3A_2760 = arith.addf %add3A_2750, %mul3A_2759 : vector<16xf32>
        %get3A_2761 = arith.index_cast %add3A_2652 : i32 to index
        %get3A_2762 = arith.constant 64 : index
        %get3A_2763 = tpu.vector_load %arg14[%get3A_2761, %get3A_2762] {strides = array<i32>} : memref<128x100xf32, #tpu.memory_space<vmem>>, vector<16xf32>,
        %sub3A_2764 = arith.subf %get3A_2753, %get3A_2763 : vector<16xf32>
        %abs3A_2765 = math.absf %sub3A_2764 : vector<16xf32>
        %mul3A_2766 = arith.mulf %abs3A_2765, %get3A_25 : vector<16xf32>
        %add3A_2767 = arith.addf %add3A_2760, %mul3A_2766 : vector<16xf32>
        %get3A_2768 = arith.index_cast %add3A_2652 : i32 to index
        %get3A_2769 = arith.constant 64 : index
        %get3A_2770 = tpu.vector_load %arg15[%get3A_2768, %get3A_2769] {strides = array<i32>} : memref<128x100xf32, #tpu.memory_space<vmem>>, vector<16xf32>,
        %sub3A_2771 = arith.subf %get3A_2753, %get3A_2770 : vector<16xf32>
        %abs3A_2772 = math.absf %sub3A_2771 : vector<16xf32>
        %mul3A_2773 = arith.mulf %abs3A_2772, %get3A_39 : vector<16xf32>
        %add3A_2774 = arith.addf %add3A_2767, %mul3A_2773 : vector<16xf32>
        %get3A_2775 = arith.index_cast %add3A_2652 : i32 to index
        %get3A_2776 = arith.constant 80 : index
        %get3A_2777 = tpu.vector_load %arg12[%get3A_2775, %get3A_2776] {strides = array<i32>} : memref<128x100xf32, #tpu.memory_space<vmem>>, vector<16xf32>,
        %get3A_2778 = arith.index_cast %add3A_2652 : i32 to index
        %get3A_2779 = arith.constant 80 : index
        %get3A_2780 = tpu.vector_load %arg13[%get3A_2778, %get3A_2779] {strides = array<i32>} : memref<128x100xf32, #tpu.memory_space<vmem>>, vector<16xf32>,
        %sub3A_2781 = arith.subf %get3A_2777, %get3A_2780 : vector<16xf32>
        %abs3A_2782 = math.absf %sub3A_2781 : vector<16xf32>
        %mul3A_2783 = arith.mulf %abs3A_2782, %get3A_13 : vector<16xf32>
        %add3A_2784 = arith.addf %add3A_2774, %mul3A_2783 : vector<16xf32>
        %get3A_2785 = arith.index_cast %add3A_2652 : i32 to index
        %get3A_2786 = arith.constant 80 : index
        %get3A_2787 = tpu.vector_load %arg14[%get3A_2785, %get3A_2786] {strides = array<i32>} : memref<128x100xf32, #tpu.memory_space<vmem>>, vector<16xf32>,
        %sub3A_2788 = arith.subf %get3A_2777, %get3A_2787 : vector<16xf32>
        %abs3A_2789 = math.absf %sub3A_2788 : vector<16xf32>
        %mul3A_2790 = arith.mulf %abs3A_2789, %get3A_27 : vector<16xf32>
        %add3A_2791 = arith.addf %add3A_2784, %mul3A_2790 : vector<16xf32>
        %get3A_2792 = arith.index_cast %add3A_2652 : i32 to index
        %get3A_2793 = arith.constant 80 : index
        %get3A_2794 = tpu.vector_load %arg15[%get3A_2792, %get3A_2793] {strides = array<i32>} : memref<128x100xf32, #tpu.memory_space<vmem>>, vector<16xf32>,
        %sub3A_2795 = arith.subf %get3A_2777, %get3A_2794 : vector<16xf32>
        %abs3A_2796 = math.absf %sub3A_2795 : vector<16xf32>
        %mul3A_2797 = arith.mulf %abs3A_2796, %get3A_41 : vector<16xf32>
        %add3A_2798 = arith.addf %add3A_2791, %mul3A_2797 : vector<16xf32>
        %get3A_2799 = arith.index_cast %add3A_2652 : i32 to index
        %get3A_2800 = arith.constant 84 : index
        %get3A_2801 = tpu.vector_load %arg12[%get3A_2799, %get3A_2800] {strides = array<i32>} : memref<128x100xf32, #tpu.memory_space<vmem>>, vector<16xf32>,
        %get3A_2802 = arith.index_cast %add3A_2652 : i32 to index
        %get3A_2803 = arith.constant 84 : index
        %get3A_2804 = tpu.vector_load %arg13[%get3A_2802, %get3A_2803] {strides = array<i32>} : memref<128x100xf32, #tpu.memory_space<vmem>>, vector<16xf32>,
        %sub3A_2805 = arith.subf %get3A_2801, %get3A_2804 : vector<16xf32>
        %abs3A_2806 = math.absf %sub3A_2805 : vector<16xf32>
        %mul3A_2807 = arith.mulf %abs3A_2806, %get3A_15 : vector<16xf32>
        %add3A_2808 = arith.addf %add3A_2798, %mul3A_2807 : vector<16xf32>
        %get3A_2809 = arith.index_cast %add3A_2652 : i32 to index
        %get3A_2810 = arith.constant 84 : index
        %get3A_2811 = tpu.vector_load %arg14[%get3A_2809, %get3A_2810] {strides = array<i32>} : memref<128x100xf32, #tpu.memory_space<vmem>>, vector<16xf32>,
        %sub3A_2812 = arith.subf %get3A_2801, %get3A_2811 : vector<16xf32>
        %abs3A_2813 = math.absf %sub3A_2812 : vector<16xf32>
        %mul3A_2814 = arith.mulf %abs3A_2813, %get3A_29 : vector<16xf32>
        %add3A_2815 = arith.addf %add3A_2808, %mul3A_2814 : vector<16xf32>
        %get3A_2816 = arith.index_cast %add3A_2652 : i32 to index
        %get3A_2817 = arith.constant 84 : index
        %get3A_2818 = tpu.vector_load %arg15[%get3A_2816, %get3A_2817] {strides = array<i32>} : memref<128x100xf32, #tpu.memory_space<vmem>>, vector<16xf32>,
        %sub3A_2819 = arith.subf %get3A_2801, %get3A_2818 : vector<16xf32>
        %abs3A_2820 = math.absf %sub3A_2819 : vector<16xf32>
        %mul3A_2821 = arith.mulf %abs3A_2820, %get3A_43 : vector<16xf32>
        %add3A_2822 = arith.addf %add3A_2815, %mul3A_2821 : vector<16xf32>
        %eq3A_2823 = arith.constant 14 : i32
        %eq3A_2824 = vector.broadcast %eq3A_2823 : i32 to vector<16xi32>
        %eq3A_2825 = arith.cmpi eq, %iota3A, %eq3A_2824 : vector<16xi32>
        %reduce_sum3A_2826 = arith.constant true
        %reduce_sum3A_2827 = vector.broadcast %reduce_sum3A_2826 : i1 to vector<16xi1>
        %reduce_sum3A_2828 = tpu.scan <sum>, %add3A_2822 masked %reduce_sum3A_2827 : vector<16xf32>, vector<16xi1> -> vector<16xf32>
        %reduce_sum3A_2829 = vector.extract %reduce_sum3A_2828[15] : f32 from vector<16xf32>
        %broadcast_in_dim3A_2830 = vector.broadcast %reduce_sum3A_2829 : f32 to vector<16xf32>
        %select_n3A_2831 = arith.select %eq3A_2825, %broadcast_in_dim3A_2830, %select_n3A_2648 : vector<16xi1>, vector<16xf32>
        %mul3A_2832 = arith.constant 16 : i32
        %mul3A_2833 = arith.muli %scan3A_90, %mul3A_2832 : i32
        %add3A_2834 = arith.constant 15 : i32
        %add3A_2835 = arith.addi %mul3A_2833, %add3A_2834 : i32
        %broadcast_in_dim3A_2836 = arith.constant 0.000000e+00 : f32
        %broadcast_in_dim3A_2837 = vector.broadcast %broadcast_in_dim3A_2836 : f32 to vector<16xf32>
        %get3A_2838 = arith.index_cast %add3A_2835 : i32 to index
        %get3A_2839 = arith.constant 0 : index
        %get3A_2840 = tpu.vector_load %arg12[%get3A_2838, %get3A_2839] {strides = array<i32>} : memref<128x100xf32, #tpu.memory_space<vmem>>, vector<16xf32>,
        %get3A_2841 = arith.index_cast %add3A_2835 : i32 to index
        %get3A_2842 = arith.constant 0 : index
        %get3A_2843 = tpu.vector_load %arg13[%get3A_2841, %get3A_2842] {strides = array<i32>} : memref<128x100xf32, #tpu.memory_space<vmem>>, vector<16xf32>,
        %sub3A_2844 = arith.subf %get3A_2840, %get3A_2843 : vector<16xf32>
        %abs3A_2845 = math.absf %sub3A_2844 : vector<16xf32>
        %mul3A_2846 = arith.mulf %abs3A_2845, %get3A_3 : vector<16xf32>
        %add3A_2847 = arith.addf %broadcast_in_dim3A_2837, %mul3A_2846 : vector<16xf32>
        %get3A_2848 = arith.index_cast %add3A_2835 : i32 to index
        %get3A_2849 = arith.constant 0 : index
        %get3A_2850 = tpu.vector_load %arg14[%get3A_2848, %get3A_2849] {strides = array<i32>} : memref<128x100xf32, #tpu.memory_space<vmem>>, vector<16xf32>,
        %sub3A_2851 = arith.subf %get3A_2840, %get3A_2850 : vector<16xf32>
        %abs3A_2852 = math.absf %sub3A_2851 : vector<16xf32>
        %mul3A_2853 = arith.mulf %abs3A_2852, %get3A_17 : vector<16xf32>
        %add3A_2854 = arith.addf %add3A_2847, %mul3A_2853 : vector<16xf32>
        %get3A_2855 = arith.index_cast %add3A_2835 : i32 to index
        %get3A_2856 = arith.constant 0 : index
        %get3A_2857 = tpu.vector_load %arg15[%get3A_2855, %get3A_2856] {strides = array<i32>} : memref<128x100xf32, #tpu.memory_space<vmem>>, vector<16xf32>,
        %sub3A_2858 = arith.subf %get3A_2840, %get3A_2857 : vector<16xf32>
        %abs3A_2859 = math.absf %sub3A_2858 : vector<16xf32>
        %mul3A_2860 = arith.mulf %abs3A_2859, %get3A_31 : vector<16xf32>
        %add3A_2861 = arith.addf %add3A_2854, %mul3A_2860 : vector<16xf32>
        %get3A_2862 = arith.index_cast %add3A_2835 : i32 to index
        %get3A_2863 = arith.constant 16 : index
        %get3A_2864 = tpu.vector_load %arg12[%get3A_2862, %get3A_2863] {strides = array<i32>} : memref<128x100xf32, #tpu.memory_space<vmem>>, vector<16xf32>,
        %get3A_2865 = arith.index_cast %add3A_2835 : i32 to index
        %get3A_2866 = arith.constant 16 : index
        %get3A_2867 = tpu.vector_load %arg13[%get3A_2865, %get3A_2866] {strides = array<i32>} : memref<128x100xf32, #tpu.memory_space<vmem>>, vector<16xf32>,
        %sub3A_2868 = arith.subf %get3A_2864, %get3A_2867 : vector<16xf32>
        %abs3A_2869 = math.absf %sub3A_2868 : vector<16xf32>
        %mul3A_2870 = arith.mulf %abs3A_2869, %get3A_5 : vector<16xf32>
        %add3A_2871 = arith.addf %add3A_2861, %mul3A_2870 : vector<16xf32>
        %get3A_2872 = arith.index_cast %add3A_2835 : i32 to index
        %get3A_2873 = arith.constant 16 : index
        %get3A_2874 = tpu.vector_load %arg14[%get3A_2872, %get3A_2873] {strides = array<i32>} : memref<128x100xf32, #tpu.memory_space<vmem>>, vector<16xf32>,
        %sub3A_2875 = arith.subf %get3A_2864, %get3A_2874 : vector<16xf32>
        %abs3A_2876 = math.absf %sub3A_2875 : vector<16xf32>
        %mul3A_2877 = arith.mulf %abs3A_2876, %get3A_19 : vector<16xf32>
        %add3A_2878 = arith.addf %add3A_2871, %mul3A_2877 : vector<16xf32>
        %get3A_2879 = arith.index_cast %add3A_2835 : i32 to index
        %get3A_2880 = arith.constant 16 : index
        %get3A_2881 = tpu.vector_load %arg15[%get3A_2879, %get3A_2880] {strides = array<i32>} : memref<128x100xf32, #tpu.memory_space<vmem>>, vector<16xf32>,
        %sub3A_2882 = arith.subf %get3A_2864, %get3A_2881 : vector<16xf32>
        %abs3A_2883 = math.absf %sub3A_2882 : vector<16xf32>
        %mul3A_2884 = arith.mulf %abs3A_2883, %get3A_33 : vector<16xf32>
        %add3A_2885 = arith.addf %add3A_2878, %mul3A_2884 : vector<16xf32>
        %get3A_2886 = arith.index_cast %add3A_2835 : i32 to index
        %get3A_2887 = arith.constant 32 : index
        %get3A_2888 = tpu.vector_load %arg12[%get3A_2886, %get3A_2887] {strides = array<i32>} : memref<128x100xf32, #tpu.memory_space<vmem>>, vector<16xf32>,
        %get3A_2889 = arith.index_cast %add3A_2835 : i32 to index
        %get3A_2890 = arith.constant 32 : index
        %get3A_2891 = tpu.vector_load %arg13[%get3A_2889, %get3A_2890] {strides = array<i32>} : memref<128x100xf32, #tpu.memory_space<vmem>>, vector<16xf32>,
        %sub3A_2892 = arith.subf %get3A_2888, %get3A_2891 : vector<16xf32>
        %abs3A_2893 = math.absf %sub3A_2892 : vector<16xf32>
        %mul3A_2894 = arith.mulf %abs3A_2893, %get3A_7 : vector<16xf32>
        %add3A_2895 = arith.addf %add3A_2885, %mul3A_2894 : vector<16xf32>
        %get3A_2896 = arith.index_cast %add3A_2835 : i32 to index
        %get3A_2897 = arith.constant 32 : index
        %get3A_2898 = tpu.vector_load %arg14[%get3A_2896, %get3A_2897] {strides = array<i32>} : memref<128x100xf32, #tpu.memory_space<vmem>>, vector<16xf32>,
        %sub3A_2899 = arith.subf %get3A_2888, %get3A_2898 : vector<16xf32>
        %abs3A_2900 = math.absf %sub3A_2899 : vector<16xf32>
        %mul3A_2901 = arith.mulf %abs3A_2900, %get3A_21 : vector<16xf32>
        %add3A_2902 = arith.addf %add3A_2895, %mul3A_2901 : vector<16xf32>
        %get3A_2903 = arith.index_cast %add3A_2835 : i32 to index
        %get3A_2904 = arith.constant 32 : index
        %get3A_2905 = tpu.vector_load %arg15[%get3A_2903, %get3A_2904] {strides = array<i32>} : memref<128x100xf32, #tpu.memory_space<vmem>>, vector<16xf32>,
        %sub3A_2906 = arith.subf %get3A_2888, %get3A_2905 : vector<16xf32>
        %abs3A_2907 = math.absf %sub3A_2906 : vector<16xf32>
        %mul3A_2908 = arith.mulf %abs3A_2907, %get3A_35 : vector<16xf32>
        %add3A_2909 = arith.addf %add3A_2902, %mul3A_2908 : vector<16xf32>
        %get3A_2910 = arith.index_cast %add3A_2835 : i32 to index
        %get3A_2911 = arith.constant 48 : index
        %get3A_2912 = tpu.vector_load %arg12[%get3A_2910, %get3A_2911] {strides = array<i32>} : memref<128x100xf32, #tpu.memory_space<vmem>>, vector<16xf32>,
        %get3A_2913 = arith.index_cast %add3A_2835 : i32 to index
        %get3A_2914 = arith.constant 48 : index
        %get3A_2915 = tpu.vector_load %arg13[%get3A_2913, %get3A_2914] {strides = array<i32>} : memref<128x100xf32, #tpu.memory_space<vmem>>, vector<16xf32>,
        %sub3A_2916 = arith.subf %get3A_2912, %get3A_2915 : vector<16xf32>
        %abs3A_2917 = math.absf %sub3A_2916 : vector<16xf32>
        %mul3A_2918 = arith.mulf %abs3A_2917, %get3A_9 : vector<16xf32>
        %add3A_2919 = arith.addf %add3A_2909, %mul3A_2918 : vector<16xf32>
        %get3A_2920 = arith.index_cast %add3A_2835 : i32 to index
        %get3A_2921 = arith.constant 48 : index
        %get3A_2922 = tpu.vector_load %arg14[%get3A_2920, %get3A_2921] {strides = array<i32>} : memref<128x100xf32, #tpu.memory_space<vmem>>, vector<16xf32>,
        %sub3A_2923 = arith.subf %get3A_2912, %get3A_2922 : vector<16xf32>
        %abs3A_2924 = math.absf %sub3A_2923 : vector<16xf32>
        %mul3A_2925 = arith.mulf %abs3A_2924, %get3A_23 : vector<16xf32>
        %add3A_2926 = arith.addf %add3A_2919, %mul3A_2925 : vector<16xf32>
        %get3A_2927 = arith.index_cast %add3A_2835 : i32 to index
        %get3A_2928 = arith.constant 48 : index
        %get3A_2929 = tpu.vector_load %arg15[%get3A_2927, %get3A_2928] {strides = array<i32>} : memref<128x100xf32, #tpu.memory_space<vmem>>, vector<16xf32>,
        %sub3A_2930 = arith.subf %get3A_2912, %get3A_2929 : vector<16xf32>
        %abs3A_2931 = math.absf %sub3A_2930 : vector<16xf32>
        %mul3A_2932 = arith.mulf %abs3A_2931, %get3A_37 : vector<16xf32>
        %add3A_2933 = arith.addf %add3A_2926, %mul3A_2932 : vector<16xf32>
        %get3A_2934 = arith.index_cast %add3A_2835 : i32 to index
        %get3A_2935 = arith.constant 64 : index
        %get3A_2936 = tpu.vector_load %arg12[%get3A_2934, %get3A_2935] {strides = array<i32>} : memref<128x100xf32, #tpu.memory_space<vmem>>, vector<16xf32>,
        %get3A_2937 = arith.index_cast %add3A_2835 : i32 to index
        %get3A_2938 = arith.constant 64 : index
        %get3A_2939 = tpu.vector_load %arg13[%get3A_2937, %get3A_2938] {strides = array<i32>} : memref<128x100xf32, #tpu.memory_space<vmem>>, vector<16xf32>,
        %sub3A_2940 = arith.subf %get3A_2936, %get3A_2939 : vector<16xf32>
        %abs3A_2941 = math.absf %sub3A_2940 : vector<16xf32>
        %mul3A_2942 = arith.mulf %abs3A_2941, %get3A_11 : vector<16xf32>
        %add3A_2943 = arith.addf %add3A_2933, %mul3A_2942 : vector<16xf32>
        %get3A_2944 = arith.index_cast %add3A_2835 : i32 to index
        %get3A_2945 = arith.constant 64 : index
        %get3A_2946 = tpu.vector_load %arg14[%get3A_2944, %get3A_2945] {strides = array<i32>} : memref<128x100xf32, #tpu.memory_space<vmem>>, vector<16xf32>,
        %sub3A_2947 = arith.subf %get3A_2936, %get3A_2946 : vector<16xf32>
        %abs3A_2948 = math.absf %sub3A_2947 : vector<16xf32>
        %mul3A_2949 = arith.mulf %abs3A_2948, %get3A_25 : vector<16xf32>
        %add3A_2950 = arith.addf %add3A_2943, %mul3A_2949 : vector<16xf32>
        %get3A_2951 = arith.index_cast %add3A_2835 : i32 to index
        %get3A_2952 = arith.constant 64 : index
        %get3A_2953 = tpu.vector_load %arg15[%get3A_2951, %get3A_2952] {strides = array<i32>} : memref<128x100xf32, #tpu.memory_space<vmem>>, vector<16xf32>,
        %sub3A_2954 = arith.subf %get3A_2936, %get3A_2953 : vector<16xf32>
        %abs3A_2955 = math.absf %sub3A_2954 : vector<16xf32>
        %mul3A_2956 = arith.mulf %abs3A_2955, %get3A_39 : vector<16xf32>
        %add3A_2957 = arith.addf %add3A_2950, %mul3A_2956 : vector<16xf32>
        %get3A_2958 = arith.index_cast %add3A_2835 : i32 to index
        %get3A_2959 = arith.constant 80 : index
        %get3A_2960 = tpu.vector_load %arg12[%get3A_2958, %get3A_2959] {strides = array<i32>} : memref<128x100xf32, #tpu.memory_space<vmem>>, vector<16xf32>,
        %get3A_2961 = arith.index_cast %add3A_2835 : i32 to index
        %get3A_2962 = arith.constant 80 : index
        %get3A_2963 = tpu.vector_load %arg13[%get3A_2961, %get3A_2962] {strides = array<i32>} : memref<128x100xf32, #tpu.memory_space<vmem>>, vector<16xf32>,
        %sub3A_2964 = arith.subf %get3A_2960, %get3A_2963 : vector<16xf32>
        %abs3A_2965 = math.absf %sub3A_2964 : vector<16xf32>
        %mul3A_2966 = arith.mulf %abs3A_2965, %get3A_13 : vector<16xf32>
        %add3A_2967 = arith.addf %add3A_2957, %mul3A_2966 : vector<16xf32>
        %get3A_2968 = arith.index_cast %add3A_2835 : i32 to index
        %get3A_2969 = arith.constant 80 : index
        %get3A_2970 = tpu.vector_load %arg14[%get3A_2968, %get3A_2969] {strides = array<i32>} : memref<128x100xf32, #tpu.memory_space<vmem>>, vector<16xf32>,
        %sub3A_2971 = arith.subf %get3A_2960, %get3A_2970 : vector<16xf32>
        %abs3A_2972 = math.absf %sub3A_2971 : vector<16xf32>
        %mul3A_2973 = arith.mulf %abs3A_2972, %get3A_27 : vector<16xf32>
        %add3A_2974 = arith.addf %add3A_2967, %mul3A_2973 : vector<16xf32>
        %get3A_2975 = arith.index_cast %add3A_2835 : i32 to index
        %get3A_2976 = arith.constant 80 : index
        %get3A_2977 = tpu.vector_load %arg15[%get3A_2975, %get3A_2976] {strides = array<i32>} : memref<128x100xf32, #tpu.memory_space<vmem>>, vector<16xf32>,
        %sub3A_2978 = arith.subf %get3A_2960, %get3A_2977 : vector<16xf32>
        %abs3A_2979 = math.absf %sub3A_2978 : vector<16xf32>
        %mul3A_2980 = arith.mulf %abs3A_2979, %get3A_41 : vector<16xf32>
        %add3A_2981 = arith.addf %add3A_2974, %mul3A_2980 : vector<16xf32>
        %get3A_2982 = arith.index_cast %add3A_2835 : i32 to index
        %get3A_2983 = arith.constant 84 : index
        %get3A_2984 = tpu.vector_load %arg12[%get3A_2982, %get3A_2983] {strides = array<i32>} : memref<128x100xf32, #tpu.memory_space<vmem>>, vector<16xf32>,
        %get3A_2985 = arith.index_cast %add3A_2835 : i32 to index
        %get3A_2986 = arith.constant 84 : index
        %get3A_2987 = tpu.vector_load %arg13[%get3A_2985, %get3A_2986] {strides = array<i32>} : memref<128x100xf32, #tpu.memory_space<vmem>>, vector<16xf32>,
        %sub3A_2988 = arith.subf %get3A_2984, %get3A_2987 : vector<16xf32>
        %abs3A_2989 = math.absf %sub3A_2988 : vector<16xf32>
        %mul3A_2990 = arith.mulf %abs3A_2989, %get3A_15 : vector<16xf32>
        %add3A_2991 = arith.addf %add3A_2981, %mul3A_2990 : vector<16xf32>
        %get3A_2992 = arith.index_cast %add3A_2835 : i32 to index
        %get3A_2993 = arith.constant 84 : index
        %get3A_2994 = tpu.vector_load %arg14[%get3A_2992, %get3A_2993] {strides = array<i32>} : memref<128x100xf32, #tpu.memory_space<vmem>>, vector<16xf32>,
        %sub3A_2995 = arith.subf %get3A_2984, %get3A_2994 : vector<16xf32>
        %abs3A_2996 = math.absf %sub3A_2995 : vector<16xf32>
        %mul3A_2997 = arith.mulf %abs3A_2996, %get3A_29 : vector<16xf32>
        %add3A_2998 = arith.addf %add3A_2991, %mul3A_2997 : vector<16xf32>
        %get3A_2999 = arith.index_cast %add3A_2835 : i32 to index
        %get3A_3000 = arith.constant 84 : index
        %get3A_3001 = tpu.vector_load %arg15[%get3A_2999, %get3A_3000] {strides = array<i32>} : memref<128x100xf32, #tpu.memory_space<vmem>>, vector<16xf32>,
        %sub3A_3002 = arith.subf %get3A_2984, %get3A_3001 : vector<16xf32>
        %abs3A_3003 = math.absf %sub3A_3002 : vector<16xf32>
        %mul3A_3004 = arith.mulf %abs3A_3003, %get3A_43 : vector<16xf32>
        %add3A_3005 = arith.addf %add3A_2998, %mul3A_3004 : vector<16xf32>
        %eq3A_3006 = arith.constant 15 : i32
        %eq3A_3007 = vector.broadcast %eq3A_3006 : i32 to vector<16xi32>
        %eq3A_3008 = arith.cmpi eq, %iota3A, %eq3A_3007 : vector<16xi32>
        %reduce_sum3A_3009 = arith.constant true
        %reduce_sum3A_3010 = vector.broadcast %reduce_sum3A_3009 : i1 to vector<16xi1>
        %reduce_sum3A_3011 = tpu.scan <sum>, %add3A_3005 masked %reduce_sum3A_3010 : vector<16xf32>, vector<16xi1> -> vector<16xf32>
        %reduce_sum3A_3012 = vector.extract %reduce_sum3A_3011[15] : f32 from vector<16xf32>
        %broadcast_in_dim3A_3013 = vector.broadcast %reduce_sum3A_3012 : f32 to vector<16xf32>
        %select_n3A_3014 = arith.select %eq3A_3008, %broadcast_in_dim3A_3013, %select_n3A_2831 : vector<16xi1>, vector<16xf32>
        %add3A_3015 = arith.addf %select_n3A_3014, %get3A_1 : vector<16xf32>
        %neg3A = arith.constant 0.000000e+00 : f32
        %neg3A_3016 = vector.broadcast %neg3A : f32 to vector<16xf32>
        %neg3A_3017 = arith.subf %neg3A_3016, %add3A_3015 : vector<16xf32>
        %exp3A = math.exp %neg3A_3017 : vector<16xf32>
        %add3A_3018 = arith.constant 1.000000e+00 : f32
        %add3A_3019 = vector.broadcast %add3A_3018 : f32 to vector<16xf32>
        %add3A_3020 = arith.addf %add3A_3019, %exp3A : vector<16xf32>
        %div3A = arith.constant 1.000000e+00 : f32
        %div3A_3021 = vector.broadcast %div3A : f32 to vector<16xf32>
        %div3A_3022 = arith.divf %div3A_3021, %add3A_3020 : vector<16xf32>
        %mul3A_3023 = arith.constant 16 : i32
        %mul3A_3024 = arith.muli %scan3A_90, %mul3A_3023 : i32
        %swap3A = arith.index_cast %mul3A_3024 : i32 to index
        %swap3A_3025 = tpu.vector_load %arg17[%swap3A] {strides = array<i32>} : memref<128xf32, #tpu.memory_space<vmem>>, vector<16xf32>,
        tpu.vector_store %arg17[%swap3A], %div3A_3022 {strides = array<i32>} : memref<128xf32, #tpu.memory_space<vmem>>, vector<16xf32>,
      }
      %scan3A_89 = arith.constant 8 : i32
      "tpu.region"() ({
        %run_scoped3A = tpu.sem_alloc : memref<!tpu.dma_semaphore, #tpu.memory_space<semaphore_mem>>
        %dma_start3A = tpu.memref_slice %arg9[%add3A_54] : memref<16384xf32, #tpu.memory_space<hbm>> -> memref<128xf32, #tpu.memory_space<hbm>>
        %dma_start3A_90 = tpu.memref_slice %arg9[%add3A_54] : memref<16384xf32, #tpu.memory_space<hbm>> -> memref<128xf32, #tpu.memory_space<hbm>>
        tpu.enqueue_dma source(%arg17 : memref<128xf32, #tpu.memory_space<vmem>>) target(%dma_start3A_90 : memref<128xf32, #tpu.memory_space<hbm>>) target_semaphore(%run_scoped3A : memref<!tpu.dma_semaphore, #tpu.memory_space<semaphore_mem>>)
        %dma_wait3A_91 = tpu.memref_slice %arg9[%add3A_54] : memref<16384xf32, #tpu.memory_space<hbm>> -> memref<128xf32, #tpu.memory_space<hbm>>
        %dma_wait3A_92 = tpu.memref_slice %arg9[%add3A_54] : memref<16384xf32, #tpu.memory_space<hbm>> -> memref<128xf32, #tpu.memory_space<hbm>>
        tpu.wait_dma2 semaphore(%run_scoped3A : memref<!tpu.dma_semaphore, #tpu.memory_space<semaphore_mem>>) src(%arg17 : memref<128xf32, #tpu.memory_space<vmem>>) dst(%dma_wait3A_92 : memref<128xf32, #tpu.memory_space<hbm>>)
        tpu.yield
      }) : () -> ()
    }
    %scan3A_48 = arith.constant 4 : i32
    return
  }
}

</mosaic_0001>

<sc_bundles>
// kernel: kernel.3.cloned.1.call-start
scs
__scs_entry_jumppad:
0x0: {  	(pc) =	sbr.rel $0x88, $3  }
0x1: {  	(tag) =	ssettag $0x0;
	lr =	simm.s32 $0x1  }
0x2: {  	[smem:$0x3F99] =	sst lr;
	_ =	strace $0xD0000000  }
0x3: {  	_ = 	snop  }
0x4: {  	_ = 	snop  }
0x5: {  	_ = 	snop  }
0x6: {  	_ = 	snop  }
0x7: {  	_ = 	snop  }
__scs_overlays_trampoline_lowered:
0x8: {  	[smem:$0x3FA8] =	sst s0  }
0x9: {  	[smem:$0x3FA9] =	sst s1  }
0xa: {  	[smem:$0x3FAA] =	sst s2  }
0xb: {  	[smem:$0x3FAB] =	sst s3  }
0xc: {  	[smem:$0x3FAC] =	sst s4  }
0xd: {  	[smem:$0x3FAD] =	sst s5  }
0xe: {  	[smem:$0x3FAE] =	sst s6  }
0xf: {  	[smem:$0x3FAF] =	sst s7  }
0x10: {  	[smem:$0x3FB0] =	sst s8  }
0x11: {  	[smem:$0x3FB1] =	sst s9;
	s0 =	simm.s32 @!p0 $0x0  }
0x12: {  	s1 =	sld [smem:$0x3F97];
	s0 =	simm.s32 @p0 $0x1  }
0x13: {  	[smem:$0x3FB2] =	sst s0;
	s0 =	simm.s32 @!p1 $0x0  }
0x14: {  	s2 =	sld [smem:$0x3F96];
	s0 =	simm.s32 @p1 $0x1  }
0x15: {  	[smem:$0x3FB3] =	sst s0;
	s0 =	simm.s32 @!p2 $0x0  }
0x16: {  	s3 =	sld [smem:$0x3FDB];
	s0 =	simm.s32 @p2 $0x1  }
0x17: {  	s4 =	simm.s32 $0x1BF5;
	[smem:$0x3FB5] =	sst s0  }
0x18: {  	s0 =	sld [smem:$0x3F98];
	_ =	swait.ge [sflag:s4], $0x0  }
0x19: {  	s7 =	sld [smem:$0x3F99]  }
0x1a: {  	s8 =	sadd.s32 $0xFFFFE003, lr  }
0x1b: {  	s9 =	sadd.s32 $0xFFFFFEF7, lr;
	s5 =	simm.s32 $0xFFFFFFFF;
	p2 =	slt.u32 s8, $0xFFFFF086  }
0x1c: {  	p1 =	slt.u32 s9, $0xF7A;
	s5 =	simm.s32 @!p2 $0x0  }
0x1d: {  	s5 =	simm.s32 @p1 $0x1;
	p0 =	seq.s32 s7, s2  }
0x1e: {  	s7 =	smul.u32 @!p0 $0xF7A, s2;
	p2 =	seq.s32 @!p0 s5, $0x0  }
0x1f: {  	s9 =	smul.u32 $0xF7A, s1;
	s8 =	simm.s32 @!p0 $0x1BF5;
	p2 =	por !p2, p0  }
0x20: {  	[sflag:s8] =	ssyncset.s32 @!p0 $0xFFFFF086;
	s6 =	sadd.s32 @!p0 s3, s7;
	s7 =	simm.s32 @!p0 $0x108  }
0x21: {  	s3 =	sadd.s32 s3, s9;
	s6 =	sadd.s32 @!p0 $0x88, s6;
	s7 =	simm.s32 @p2 $0x1082  }
0x22: {  	[simem:s7], [sflag:s8] =	dma.local @!p0 [hbm:s6], $0xF7A  }
0x23: {  	s9 =	sor.u32 $0xD0000000, s2;
	s6 =	simm.s32 $0x108;
	_ =	swait.ge @!p0 [sflag:s8], $0x0  }
0x24: {  	s3 =	sadd.s32 $0x88, s3;
	s6 =	simm.s32 @!p1 $0x1082;
	[sflag:s4] =	ssyncset.s32 $0xFFFFF086  }
0x25: {  	[simem:s6], [sflag:s4] =	dma.local [hbm:s3], $0xF7A  }
0x26: {  	[smem:$0x3F99] =	sst s1;
	(tag) =	ssettag s2;
	_ =	strace s9  }
0x27: {  	s1 =	sld [smem:$0x3FA9]  }
0x28: {  	s2 =	sld [smem:$0x3FAA]  }
0x29: {  	s4 =	sld [smem:$0x3FAC]  }
0x2a: {  	p0 =	seq.s32 s5, $0x0;
	s5 =	sld [smem:$0x3FAD]  }
0x2b: {  	s6 =	sld [smem:$0x3FAE]  }
0x2c: {  	s7 =	sld [smem:$0x3FAF]  }
0x2d: {  	s3 =	simm.s32 $0x108;
	s8 =	sld [smem:$0x3FB0]  }
0x2e: {  	s3 =	simm.s32 @!p0 $0x1082;
	s9 =	sld [smem:$0x3FB1]  }
0x2f: {  	lr =	sadd.s32 s0, s3;
	s0 =	sld [smem:$0x3FA8]  }
0x30: {  	s3 =	sld [smem:$0x3FAB]  }
0x31: {  	[smem:$0x3FB4] =	sst s10  }
0x32: {  	s10 =	sld [smem:$0x3FB2];
	_ =	sdelay $0x3  }
0x33: {  	p0 =	seq.s32 s10, $0x1;
	s10 =	sld [smem:$0x3FB4];
	_ =	sdelay $0x3  }
0x34: {  	[smem:$0x3FB4] =	sst s10  }
0x35: {  	s10 =	sld [smem:$0x3FB3];
	_ =	sdelay $0x3  }
0x36: {  	p1 =	seq.s32 s10, $0x1;
	s10 =	sld [smem:$0x3FB4];
	_ =	sdelay $0x3  }
0x37: {  	[smem:$0x3FB4] =	sst s10  }
0x38: {  	s10 =	sld [smem:$0x3FB5]  }
0x39: {  	_ = 	snop;
	(pc) =	sbr.ind lr, $3  }
0x3a: {  	_ = 	snop  }
0x3b: {  	_ = 	snop  }
0x3c: {  	p2 =	seq.s32 s10, $0x1;
	s10 =	sld [smem:$0x3FB4]  }
0x3d: {  	_ =	shalt  }
0x3e: {  	_ =	shalt  }
0x3f: {  	_ =	shalt  }
0x40: {  	_ =	shalt  }
0x41: {  	_ =	shalt  }
0x42: {  	_ =	shalt  }
0x43: {  	_ =	shalt  }
0x44: {  	_ =	shalt  }
0x45: {  	_ =	shalt  }
0x46: {  	_ =	shalt  }
0x47: {  	_ =	shalt  }
0x48: {  	_ =	shalt  }
0x49: {  	_ =	shalt  }
0x4a: {  	_ =	shalt  }
0x4b: {  	_ =	shalt  }
0x4c: {  	_ =	shalt  }
0x4d: {  	_ =	shalt  }
0x4e: {  	_ =	shalt  }
0x4f: {  	_ =	shalt  }
0x50: {  	_ =	shalt  }
0x51: {  	_ =	shalt  }
0x52: {  	_ =	shalt  }
0x53: {  	_ =	shalt  }
0x54: {  	_ =	shalt  }
0x55: {  	_ =	shalt  }
0x56: {  	_ =	shalt  }
0x57: {  	_ =	shalt  }
0x58: {  	_ =	shalt  }
0x59: {  	_ =	shalt  }
0x5a: {  	_ =	shalt  }
0x5b: {  	_ =	shalt  }
0x5c: {  	_ =	shalt  }
0x5d: {  	_ =	shalt  }
0x5e: {  	_ =	shalt  }
0x5f: {  	_ =	shalt  }
0x60: {  	_ =	shalt  }
0x61: {  	_ =	shalt  }
0x62: {  	_ =	shalt  }
0x63: {  	_ =	shalt  }
0x64: {  	_ =	shalt  }
0x65: {  	_ =	shalt  }
0x66: {  	_ =	shalt  }
0x67: {  	_ =	shalt  }
0x68: {  	_ =	shalt  }
0x69: {  	_ =	shalt  }
0x6a: {  	_ =	shalt  }
0x6b: {  	_ =	shalt  }
0x6c: {  	_ =	shalt  }
0x6d: {  	_ =	shalt  }
0x6e: {  	_ =	shalt  }
0x6f: {  	_ =	shalt  }
0x70: {  	_ =	shalt  }
0x71: {  	_ =	shalt  }
0x72: {  	_ =	shalt  }
0x73: {  	_ =	shalt  }
0x74: {  	_ =	shalt  }
0x75: {  	_ =	shalt  }
0x76: {  	_ =	shalt  }
0x77: {  	_ =	shalt  }
0x78: {  	_ =	shalt  }
0x79: {  	_ =	shalt  }
0x7a: {  	_ =	shalt  }
0x7b: {  	_ =	shalt  }
0x7c: {  	_ =	shalt  }
0x7d: {  	_ =	shalt  }
0x7e: {  	_ =	shalt  }
0x7f: {  	_ =	shalt  }
0x80: {  	_ =	shalt  }
0x81: {  	_ =	shalt  }
0x82: {  	_ =	shalt  }
0x83: {  	_ =	shalt  }
0x84: {  	_ =	shalt  }
0x85: {  	_ =	shalt  }
0x86: {  	_ =	shalt  }
0x87: {  	_ =	shalt  }
.Lfunc_end0:
.L_simem_size_0:
called_computation_lowered:
.L_overlay_start_0:
0x88: {  	s2 =	sld [smem:$0x3FD9]  }
0x89: {  	s3 =	sld [smem:$0x3FFE];
	_ =	sdelay $0x1  }
0x8a: {  	s1 =	srdreg.scid  }
0x8b: {  	s0 =	sand.u32 $0x1, s1  }
0x8c: {  	s17 =	sshll.u32 s0, $0xA;
	s2 =	sadd.s32 s3, s2  }
0x8d: {  	s2 =	sadd.s32 s2, s17  }
0x8e: {  	[smem:$0x3FC0] =	sst s2  }
0x8f: {  	_ = 	snop  }
0x90: {  	s2 =	sld [smem:$0x3FC9]  }
0x91: {  	s18 =	sld [smem:$0x3FC8]  }
0x92: {  	s4 =	sld [smem:$0x3FD0];
	(tm) =	ssettm $0x1  }
0x93: {  	s5 =	sld [smem:$0x3FFB];
	_ =	sdelay $0x3  }
0x94: {  	_ =	strace s5  }
0x95: {  	s5 =	sld [smem:$0x3FFC];
	_ =	sdelay $0x3  }
0x96: {  	_ =	strace s5  }
0x97: {  	s5 =	sld [smem:$0x3FFD];
	_ =	sdelay $0x3  }
0x98: {  	_ =	strace s5  }
0x99: {  	_ =	strace $0x8FFFFFFF  }
0x9a: {  	s19 =	sld [smem:$0x3FDB];
	_ =	sdelay $0x1  }
0x9b: {  	s6 =	simm.s32 $_scs_section_size  }
0x9c: {  	s7 =	simm.s32 $_size__tile_overlayer_lowered;
	s8 =	simm.s32 $_tile_overlayer_lowered  }
0x9d: {  	s22 =	simm.s32 $0x1BFF;
	s21 =	sshll.u32 s8, $0x1;
	s5 =	sadd.s32 s6, s19  }
0x9e: {  	s9 =	simm.s32 $0x0;
	s20 =	sshll.u32 s7, $0x1;
	s7 =	sadd.s32 s21, s5  }
0x9f: {  	[timem:s9], [sflag:s22] =	dma.local [hbm:s7], s20  }
0xa0: {  	_ =	swait.ge [sflag:s22], s20  }
0xa1: {  	s6 =	ssub.s32 $0x0, s20;
	[sflag:s22] =	ssyncset.done $0x0  }
0xa2: {  	[sflag:s22] =	ssyncadd.s32 s6;
	_ =	sdelay $0x1  }
0xa3: {  	s23 =	simm.s32 $0x1B8B  }
0xa4: {  	_ =	swait.ge [sflag:s23], $0x1  }
0xa5: {  	[sflag:s23] =	ssyncset.done $0x0  }
0xa6: {  	s25 =	simm.s32 $0x1B8E;
	s24 =	sld [smem:$0x3FFE];
	[sflag:s23] =	ssyncadd.s32 $0xFFFFFFFF  }
0xa7: {  	s26 =	simm.s32 $execute0_lowered;
	[smem:$0x3FD2] =	sst s25  }
0xa8: {  	s7 =	sshll.u32 s26, $0x1;
	_ =	strace $0x80000046;
	[dreg:$0x1] =	wrdreg $0xFFFFFFFF  }
0xa9: {  	s28 =	simm.s32 $_size_execute0_lowered;
	s5 =	sadd.s32 s5, s7;
	[dreg:$0x0] =	wrdreg $0x0  }
0xaa: {  	s7 =	sshll.u32 s28, $0x1;
	[dreg:$0x2] =	wrdreg s5  }
0xab: {  	[dreg:$0x3] =	wrdreg s7  }
0xac: {  	[dreg:$0x4] =	wrdreg $0xC0  }
0xad: {  	_ =	task [dreg:s9], $0x5FFFF  }
0xae: {  	[dreg:$0x1] =	wrdreg $0xFFFFFFFF  }
0xaf: {  	[dreg:$0x0] =	wrdreg $0x60  }
0xb0: {  	[dreg:$0x2] =	wrdreg s2  }
0xb1: {  	[dreg:$0x3] =	wrdreg s18  }
0xb2: {  	[dreg:$0x4] =	wrdreg s24  }
0xb3: {  	[dreg:$0x5] =	wrdreg s4  }
0xb4: {  	[dreg:$0x6] =	wrdreg $0x9  }
0xb5: {  	_ =	task.clear_ibuf [dreg:s9], $0x7FFFF;
	_ =	strace $0x90000046  }
0xb6: {  	s29 =	simm.s32 $0x9;
	_ =	strace $0x80000048  }
0xb7: {  	_ =	swait.ge [sflag:s29], $0x1  }
0xb8: {  	[sflag:s29] =	ssyncadd.s32 $0xFFFFFFFF  }
0xb9: {  	_ =	strace $0x90000048  }
0xba: {  	_ =	sfence  }
0xbb: {  	s30 =	sld [smem:$0x0];
	_ =	sdelay $0x2  }
0xbc: {  	s31 =	sshll.u32 s1, $0xD;
	s1 =	sshrl.u32 s1, $0x2  }
0xbd: {  	s3 =	sand.u32 $0x4000, s31;
	s1 =	sadd.s32 s1, s30  }
0xbe: {  	s0 =	sor.u32 s3, s0;
	s1 =	sshll.u32 s1, $0x11  }
0xbf: {  	s0 =	sor.u32 s1, s0  }
0xc0: {  	s0 =	sadd.s32 $0x8F2B, s0  }
0xc1: {  	[sflag:s0] =	ssyncadd.remote.s32 $0x1  }
0xc2: {  	_ =	sfence.sel $0xFFFF  }
0xc3: {  	[dreg:$0x0] =	wrdreg $0xFFFFFFFF;
	(pc) =	sbr.abs _section_cstart, $3  }
0xc4: {  	[dreg:$0x1] =	wrdreg $0xFFFFFFFF  }
0xc5: {  	_ =	task.clear_ibuf [dreg:s9], $0x2FFFF;
	_ =	strace $0x9FFFFFFF  }
0xc6: {  	(tm) =	ssettm $0x7FFFFFFF  }
0xc7: {  	_ =	shalt  }
tec
execute0_lowered:
.L_overlay_start_1:
0x0: {  	(tag) =	ssettag $0x1  }
0x1: {  	s1 =	rddreg [dreg:$0x0]  }
0x2: {  	s2 =	rddreg [dreg:$0x1]  }
0x3: {  	s10 =	rddreg [dreg:$0x2]  }
0x4: {  	s3 =	rddreg [dreg:$0x3];
	s4 =	simm.s32 $0x0;
	s6 =	srdreg.scid  }
0x5: {  	s0 =	stileid.u32;
	s15 =	simm.s32 $0x1;
	s16 =	simm.s32 $0x2  }
0x6: {  	s17 =	simm.s32 $0x3;
	s18 =	simm.s32 $0x4;
	s19 =	simm.s32 $0x10280  }
0x7: {  	s20 =	simm.s32 $0x0;
	[smem:$0x7FF] =	sst s4;
	s5 =	sadd.s32 $0x494000, s10  }
0x8: {  	vm0 =	vmmov $0x1;
	vm1 =	vmmov $0x3;
	vm2 =	vmmov $0x7;
	s7 =	sadd.s32 $0x200, s10;
	s8 =	sadd.s32 $0x186C00, s10;
	s11 =	sand.u32 $0x1, s6  }
0x9: {  	vm3 =	vmmov $0xf;
	vm4 =	vmmov $0x1f;
	vm5 =	vmmov $0x3f;
	s9 =	sadd.s32 $0x30D600, s10;
	s14 =	sshll.u32 s0, $0x7;
	s12 =	ssub.s32 $0x2, s11  }
0xa: {  	vm6 =	vmmov $0x7f;
	vm7 =	vmmov $0xff;
	vm8 =	vmmov $0x1ff;
	s31 =	sadd.s32 $0x13D6400, s10;
	_ =	strace $0x80000047;
	s13 =	sshrl.u32 s12, $0x1  }
0xb: {  	vm9 =	vmmov $0x3ff;
	vm10 =	vmmov $0x7ff;
	vm11 =	vmmov $0xfff;
	s11 =	sshll.u32 s11, $0x6;
	[dreg:$0x5] =	wrdreg s31;
	s12 =	ssub.s32 s12, s13  }
0xc: {  	vm12 =	vmmov $0x1fff;
	vm13 =	vmmov $0x3fff;
	vm14 =	vmmov $0x7fff;
	s11 =	sor.u32 s11, s14;
	s14 =	simm.s32 $0x5;
	s12 =	smax.u32 s12, $0x1  }
.LBB2_1:
0xd: {  	s0 =	rddreg [dreg:$0x5];
	s6 =	simm.s32 $0x10100  }
0xe: {  	[tilespmem:s6], [sflag:$0x5] =	stream.linear.gather [hbm4b:s0+s4], $0x180, $0x38;
	[tilespmem:$0x10300] =	vst v63  }
0xf: {  	_ =	swait.ge [sflag:s14], $0x180  }
0x10: {  	[sflag:s14] =	ssyncset.done $0x0  }
0x11: {  	[sflag:s14] =	ssyncadd.s32 $0xFFFFFE80  }
0x12: {  	v0 =	vld [tilespmem:$0x10250]  }
0x13: {  	v1 =	vld [tilespmem:$0x10100]  }
0x14: {  	v2 =	vld [tilespmem:$0x10110]  }
0x15: {  	v3 =	vld [tilespmem:$0x10120]  }
0x16: {  	v4 =	vld [tilespmem:$0x10130]  }
0x17: {  	v5 =	vld [tilespmem:$0x10140]  }
0x18: {  	v6 =	vld [tilespmem:$0x10150]  }
0x19: {  	v7 =	vld [tilespmem:$0x10160]  }
0x1a: {  	v8 =	vld [tilespmem:$0x10170]  }
0x1b: {  	v9 =	vld [tilespmem:$0x10180]  }
0x1c: {  	v10 =	vld [tilespmem:$0x10190]  }
0x1d: {  	v11 =	vld [tilespmem:$0x101A0]  }
0x1e: {  	v12 =	vld [tilespmem:$0x101B0]  }
0x1f: {  	v13 =	vld [tilespmem:$0x101C0]  }
0x20: {  	v14 =	vld [tilespmem:$0x101D0]  }
0x21: {  	v15 =	vld [tilespmem:$0x101E0]  }
0x22: {  	v16 =	vld [tilespmem:$0x101F0]  }
0x23: {  	v17 =	vld [tilespmem:$0x10200]  }
0x24: {  	v18 =	vld [tilespmem:$0x10210]  }
0x25: {  	v19 =	vld [tilespmem:$0x10220]  }
0x26: {  	v20 =	vld [tilespmem:$0x10230]  }
0x27: {  	s21 =	simm.s32 $0x0;
	v21 =	vld [tilespmem:$0x10240]  }
.LBB2_2:
0x28: {  	s22 =	sshll.u32 s21, $0x4  }
0x29: {  	s22 =	sadd.s32 s11, s22  }
0x2a: {  	s23 =	simm.s32 $0x0;
	s24 =	sadd.s32 s1, s22  }
0x2b: {  	[tilespmem:s23], [sflag:$0x5] =	stream.linear.gather [hbm4b:s24+s23], $0x80, $0x38;
	[tilespmem:$0x10300] =	vst v63  }
0x2c: {  	_ =	swait.ge [sflag:s14], $0x80  }
0x2d: {  	[sflag:s14] =	ssyncset.done $0x0  }
0x2e: {  	s25 =	sadd.s32 s2, s22;
	s24 =	simm.s32 $0x80;
	[sflag:s14] =	ssyncadd.s32 $0xFFFFFF80  }
0x2f: {  	[tilespmem:s24], [sflag:$0x5] =	stream.linear.gather [hbm4b:s25+s23], $0x80, $0x38;
	[tilespmem:$0x10300] =	vst v63  }
0x30: {  	_ =	swait.ge [sflag:s14], $0x80  }
0x31: {  	[sflag:s14] =	ssyncset.done $0x0  }
0x32: {  	[sflag:s14] =	ssyncadd.s32 $0xFFFFFF80  }
0x33: {  	v22 =	vld [tilespmem:s23+$0x0]  }
0x34: {  	v23 =	vld [tilespmem:s24+$0x0];
	_ =	sdelay $0x3  }
0x35: {  	v22 =	vshll.u32 v22, $0x4  }
0x36: {  	v23 =	vshll.u32 v23, $0x4;
	(v2sf) =	vpush v22, $0x0  }
0x37: {  	(v2sf) =	vpush v23, $0x0;
	_ =	sdelay $0x3  }
0x38: {  	(v2sf) =	vpush v23, $0x1;
	_ =	sdelay $0x3  }
0x39: {  	(v2sf) =	vpush v22, $0x1;
	_ =	sdelay $0x3  }
0x3a: {  	(v2sf) =	vpush v23, $0x2;
	_ =	sdelay $0x1  }
0x3b: {  	s6 =	spop (v2sf)  }
0x3c: {  	s26 =	spop (v2sf)  }
0x3d: {  	(v2sf) =	vpush v22, $0x2;
	s26 =	sand.u32 $0x1FFFFFF0, s26  }
0x3e: {  	s28 =	simm.s32 $0x100;
	s25 =	sand.u32 $0x1FFFFFF0, s6;
	s26 =	sadd.s32 s5, s26  }
0x3f: {  	[tilespmem:s28], [sflag:$0x1] =	stream.linear.gather [hbm4b:s26+s4], $0x80, $0x38;
	[tilespmem:$0x10300] =	vst v63  }
0x40: {  	s10 =	spop (v2sf);
	s29 =	sadd.s32 s7, s25;
	s28 =	simm.s32 $0x4100  }
0x41: {  	(v2sf) =	vpush v23, $0x3;
	[tilespmem:s28], [sflag:$0x2] =	stream.linear.gather [hbm4b:s29+s4], $0x80, $0x38;
	[tilespmem:$0x10300] =	vst v63  }
0x42: {  	s26 =	sand.u32 $0x1FFFFFF0, s10;
	s28 =	simm.s32 $0x8100;
	s29 =	sadd.s32 s8, s25  }
0x43: {  	[tilespmem:s28], [sflag:$0x3] =	stream.linear.gather [hbm4b:s29+s4], $0x80, $0x38;
	[tilespmem:$0x10300] =	vst v63  }
0x44: {  	s25 =	sadd.s32 s9, s25;
	s28 =	spop (v2sf);
	s29 =	simm.s32 $0xC100  }
0x45: {  	(v2sf) =	vpush v22, $0x3;
	[tilespmem:s29], [sflag:$0x4] =	stream.linear.gather [hbm4b:s25+s4], $0x80, $0x38;
	[tilespmem:$0x10300] =	vst v63  }
0x46: {  	s26 =	sadd.s32 s5, s26;
	s13 =	sand.u32 $0x1FFFFFF0, s28;
	s28 =	simm.s32 $0x180  }
0x47: {  	[tilespmem:s28], [sflag:$0x1] =	stream.linear.gather [hbm4b:s26+s4], $0x80, $0x38;
	[tilespmem:$0x10300] =	vst v63  }
0x48: {  	s31 =	spop (v2sf);
	s29 =	sadd.s32 s7, s13;
	s28 =	simm.s32 $0x4180  }
0x49: {  	(v2sf) =	vpush v23, $0x4;
	[tilespmem:s28], [sflag:$0x2] =	stream.linear.gather [hbm4b:s29+s4], $0x80, $0x38;
	[tilespmem:$0x10300] =	vst v63  }
0x4a: {  	s25 =	sadd.s32 s9, s13;
	s28 =	simm.s32 $0x8180;
	s29 =	sadd.s32 s8, s13  }
0x4b: {  	[tilespmem:s28], [sflag:$0x3] =	stream.linear.gather [hbm4b:s29+s4], $0x80, $0x38;
	[tilespmem:$0x10300] =	vst v63  }
0x4c: {  	s26 =	sand.u32 $0x1FFFFFF0, s31;
	s28 =	spop (v2sf);
	s29 =	simm.s32 $0xC180  }
0x4d: {  	(v2sf) =	vpush v22, $0x4;
	[tilespmem:s29], [sflag:$0x4] =	stream.linear.gather [hbm4b:s25+s4], $0x80, $0x38;
	[tilespmem:$0x10300] =	vst v63  }
0x4e: {  	s26 =	sadd.s32 s5, s26;
	s0 =	sand.u32 $0x1FFFFFF0, s28;
	s28 =	simm.s32 $0x200  }
0x4f: {  	[tilespmem:s28], [sflag:$0x1] =	stream.linear.gather [hbm4b:s26+s4], $0x80, $0x38;
	[tilespmem:$0x10300] =	vst v63  }
0x50: {  	s6 =	spop (v2sf);
	s29 =	sadd.s32 s7, s0;
	s28 =	simm.s32 $0x4200  }
0x51: {  	(v2sf) =	vpush v23, $0x5;
	[tilespmem:s28], [sflag:$0x2] =	stream.linear.gather [hbm4b:s29+s4], $0x80, $0x38;
	[tilespmem:$0x10300] =	vst v63  }
0x52: {  	s25 =	sadd.s32 s9, s0;
	s28 =	simm.s32 $0x8200;
	s29 =	sadd.s32 s8, s0  }
0x53: {  	[tilespmem:s28], [sflag:$0x3] =	stream.linear.gather [hbm4b:s29+s4], $0x80, $0x38;
	[tilespmem:$0x10300] =	vst v63  }
0x54: {  	s26 =	sand.u32 $0x1FFFFFF0, s6;
	s28 =	spop (v2sf);
	s29 =	simm.s32 $0xC200  }
0x55: {  	(v2sf) =	vpush v22, $0x5;
	[tilespmem:s29], [sflag:$0x4] =	stream.linear.gather [hbm4b:s25+s4], $0x80, $0x38;
	[tilespmem:$0x10300] =	vst v63  }
0x56: {  	s26 =	sadd.s32 s5, s26;
	s10 =	sand.u32 $0x1FFFFFF0, s28;
	s28 =	simm.s32 $0x280  }
0x57: {  	[tilespmem:s28], [sflag:$0x1] =	stream.linear.gather [hbm4b:s26+s4], $0x80, $0x38;
	[tilespmem:$0x10300] =	vst v63  }
0x58: {  	s13 =	spop (v2sf);
	s29 =	sadd.s32 s7, s10;
	s28 =	simm.s32 $0x4280  }
0x59: {  	(v2sf) =	vpush v23, $0x6;
	[tilespmem:s28], [sflag:$0x2] =	stream.linear.gather [hbm4b:s29+s4], $0x80, $0x38;
	[tilespmem:$0x10300] =	vst v63  }
0x5a: {  	s25 =	sadd.s32 s9, s10;
	s28 =	simm.s32 $0x8280;
	s29 =	sadd.s32 s8, s10  }
0x5b: {  	[tilespmem:s28], [sflag:$0x3] =	stream.linear.gather [hbm4b:s29+s4], $0x80, $0x38;
	[tilespmem:$0x10300] =	vst v63  }
0x5c: {  	s26 =	sand.u32 $0x1FFFFFF0, s13;
	s28 =	spop (v2sf);
	s29 =	simm.s32 $0xC280  }
0x5d: {  	(v2sf) =	vpush v22, $0x6;
	[tilespmem:s29], [sflag:$0x4] =	stream.linear.gather [hbm4b:s25+s4], $0x80, $0x38;
	[tilespmem:$0x10300] =	vst v63  }
0x5e: {  	s26 =	sadd.s32 s5, s26;
	s31 =	sand.u32 $0x1FFFFFF0, s28;
	s28 =	simm.s32 $0x300  }
0x5f: {  	[tilespmem:s28], [sflag:$0x1] =	stream.linear.gather [hbm4b:s26+s4], $0x80, $0x38;
	[tilespmem:$0x10300] =	vst v63  }
0x60: {  	s0 =	spop (v2sf);
	s29 =	sadd.s32 s7, s31;
	s28 =	simm.s32 $0x4300  }
0x61: {  	(v2sf) =	vpush v23, $0x7;
	[tilespmem:s28], [sflag:$0x2] =	stream.linear.gather [hbm4b:s29+s4], $0x80, $0x38;
	[tilespmem:$0x10300] =	vst v63  }
0x62: {  	s25 =	sadd.s32 s9, s31;
	s28 =	simm.s32 $0x8300;
	s29 =	sadd.s32 s8, s31  }
0x63: {  	[tilespmem:s28], [sflag:$0x3] =	stream.linear.gather [hbm4b:s29+s4], $0x80, $0x38;
	[tilespmem:$0x10300] =	vst v63  }
0x64: {  	s26 =	sand.u32 $0x1FFFFFF0, s0;
	s28 =	spop (v2sf);
	s29 =	simm.s32 $0xC300  }
0x65: {  	(v2sf) =	vpush v22, $0x7;
	[tilespmem:s29], [sflag:$0x4] =	stream.linear.gather [hbm4b:s25+s4], $0x80, $0x38;
	[tilespmem:$0x10300] =	vst v63  }
0x66: {  	s26 =	sadd.s32 s5, s26;
	s6 =	sand.u32 $0x1FFFFFF0, s28;
	s28 =	simm.s32 $0x380  }
0x67: {  	[tilespmem:s28], [sflag:$0x1] =	stream.linear.gather [hbm4b:s26+s4], $0x80, $0x38;
	[tilespmem:$0x10300] =	vst v63  }
0x68: {  	s10 =	spop (v2sf);
	s29 =	sadd.s32 s7, s6;
	s28 =	simm.s32 $0x4380  }
0x69: {  	(v2sf) =	vpush v23, $0x8;
	[tilespmem:s28], [sflag:$0x2] =	stream.linear.gather [hbm4b:s29+s4], $0x80, $0x38;
	[tilespmem:$0x10300] =	vst v63  }
0x6a: {  	s25 =	sadd.s32 s9, s6;
	s28 =	simm.s32 $0x8380;
	s29 =	sadd.s32 s8, s6  }
0x6b: {  	[tilespmem:s28], [sflag:$0x3] =	stream.linear.gather [hbm4b:s29+s4], $0x80, $0x38;
	[tilespmem:$0x10300] =	vst v63  }
0x6c: {  	s26 =	sand.u32 $0x1FFFFFF0, s10;
	s28 =	spop (v2sf);
	s29 =	simm.s32 $0xC380  }
0x6d: {  	(v2sf) =	vpush v22, $0x8;
	[tilespmem:s29], [sflag:$0x4] =	stream.linear.gather [hbm4b:s25+s4], $0x80, $0x38;
	[tilespmem:$0x10300] =	vst v63  }
0x6e: {  	s26 =	sadd.s32 s5, s26;
	s13 =	sand.u32 $0x1FFFFFF0, s28;
	s28 =	simm.s32 $0x400  }
0x6f: {  	[tilespmem:s28], [sflag:$0x1] =	stream.linear.gather [hbm4b:s26+s4], $0x80, $0x38;
	[tilespmem:$0x10300] =	vst v63  }
0x70: {  	s31 =	spop (v2sf);
	s29 =	sadd.s32 s7, s13;
	s28 =	simm.s32 $0x4400  }
0x71: {  	(v2sf) =	vpush v23, $0x9;
	[tilespmem:s28], [sflag:$0x2] =	stream.linear.gather [hbm4b:s29+s4], $0x80, $0x38;
	[tilespmem:$0x10300] =	vst v63  }
0x72: {  	s25 =	sadd.s32 s9, s13;
	s28 =	simm.s32 $0x8400;
	s29 =	sadd.s32 s8, s13  }
0x73: {  	[tilespmem:s28], [sflag:$0x3] =	stream.linear.gather [hbm4b:s29+s4], $0x80, $0x38;
	[tilespmem:$0x10300] =	vst v63  }
0x74: {  	s26 =	sand.u32 $0x1FFFFFF0, s31;
	s28 =	spop (v2sf);
	s29 =	simm.s32 $0xC400  }
0x75: {  	(v2sf) =	vpush v22, $0x9;
	[tilespmem:s29], [sflag:$0x4] =	stream.linear.gather [hbm4b:s25+s4], $0x80, $0x38;
	[tilespmem:$0x10300] =	vst v63  }
0x76: {  	s26 =	sadd.s32 s5, s26;
	s0 =	sand.u32 $0x1FFFFFF0, s28;
	s28 =	simm.s32 $0x480  }
0x77: {  	[tilespmem:s28], [sflag:$0x1] =	stream.linear.gather [hbm4b:s26+s4], $0x80, $0x38;
	[tilespmem:$0x10300] =	vst v63  }
0x78: {  	s6 =	spop (v2sf);
	s29 =	sadd.s32 s7, s0;
	s28 =	simm.s32 $0x4480  }
0x79: {  	(v2sf) =	vpush v23, $0xA;
	[tilespmem:s28], [sflag:$0x2] =	stream.linear.gather [hbm4b:s29+s4], $0x80, $0x38;
	[tilespmem:$0x10300] =	vst v63  }
0x7a: {  	s25 =	sadd.s32 s9, s0;
	s28 =	simm.s32 $0x8480;
	s29 =	sadd.s32 s8, s0  }
0x7b: {  	[tilespmem:s28], [sflag:$0x3] =	stream.linear.gather [hbm4b:s29+s4], $0x80, $0x38;
	[tilespmem:$0x10300] =	vst v63  }
0x7c: {  	s26 =	sand.u32 $0x1FFFFFF0, s6;
	s28 =	spop (v2sf);
	s29 =	simm.s32 $0xC480  }
0x7d: {  	(v2sf) =	vpush v22, $0xA;
	[tilespmem:s29], [sflag:$0x4] =	stream.linear.gather [hbm4b:s25+s4], $0x80, $0x38;
	[tilespmem:$0x10300] =	vst v63  }
0x7e: {  	s26 =	sadd.s32 s5, s26;
	s10 =	sand.u32 $0x1FFFFFF0, s28;
	s28 =	simm.s32 $0x500  }
0x7f: {  	[tilespmem:s28], [sflag:$0x1] =	stream.linear.gather [hbm4b:s26+s4], $0x80, $0x38;
	[tilespmem:$0x10300] =	vst v63  }
0x80: {  	s13 =	spop (v2sf);
	s29 =	sadd.s32 s7, s10;
	s28 =	simm.s32 $0x4500  }
0x81: {  	(v2sf) =	vpush v23, $0xB;
	[tilespmem:s28], [sflag:$0x2] =	stream.linear.gather [hbm4b:s29+s4], $0x80, $0x38;
	[tilespmem:$0x10300] =	vst v63  }
0x82: {  	s25 =	sadd.s32 s9, s10;
	s28 =	simm.s32 $0x8500;
	s29 =	sadd.s32 s8, s10  }
0x83: {  	[tilespmem:s28], [sflag:$0x3] =	stream.linear.gather [hbm4b:s29+s4], $0x80, $0x38;
	[tilespmem:$0x10300] =	vst v63  }
0x84: {  	s26 =	sand.u32 $0x1FFFFFF0, s13;
	s28 =	spop (v2sf);
	s29 =	simm.s32 $0xC500  }
0x85: {  	(v2sf) =	vpush v22, $0xB;
	[tilespmem:s29], [sflag:$0x4] =	stream.linear.gather [hbm4b:s25+s4], $0x80, $0x38;
	[tilespmem:$0x10300] =	vst v63  }
0x86: {  	s31 =	simm.s32 $0x580;
	s26 =	sadd.s32 s5, s26;
	s28 =	sand.u32 $0x1FFFFFF0, s28  }
0x87: {  	[tilespmem:s31], [sflag:$0x1] =	stream.linear.gather [hbm4b:s26+s4], $0x80, $0x38;
	[tilespmem:$0x10300] =	vst v63  }
0x88: {  	s6 =	simm.s32 $0x4580;
	s0 =	spop (v2sf);
	s29 =	sadd.s32 s7, s28  }
0x89: {  	(v2sf) =	vpush v23, $0xC;
	[tilespmem:s6], [sflag:$0x2] =	stream.linear.gather [hbm4b:s29+s4], $0x80, $0x38;
	[tilespmem:$0x10300] =	vst v63  }
0x8a: {  	s10 =	simm.s32 $0x8580;
	s25 =	sand.u32 $0x1FFFFFF0, s0;
	s29 =	sadd.s32 s8, s28  }
0x8b: {  	[tilespmem:s10], [sflag:$0x3] =	stream.linear.gather [hbm4b:s29+s4], $0x80, $0x38;
	[tilespmem:$0x10300] =	vst v63  }
0x8c: {  	s28 =	sadd.s32 s9, s28;
	s13 =	spop (v2sf);
	s29 =	simm.s32 $0xC580  }
0x8d: {  	(v2sf) =	vpush v22, $0xC;
	[tilespmem:s29], [sflag:$0x4] =	stream.linear.gather [hbm4b:s28+s4], $0x80, $0x38;
	[tilespmem:$0x10300] =	vst v63  }
0x8e: {  	s25 =	sadd.s32 s5, s25;
	s26 =	sand.u32 $0x1FFFFFF0, s13;
	s28 =	simm.s32 $0x600  }
0x8f: {  	[tilespmem:s28], [sflag:$0x1] =	stream.linear.gather [hbm4b:s25+s4], $0x80, $0x38;
	[tilespmem:$0x10300] =	vst v63  }
0x90: {  	s31 =	spop (v2sf);
	s29 =	sadd.s32 s7, s26;
	s28 =	simm.s32 $0x4600  }
0x91: {  	(v2sf) =	vpush v23, $0xD;
	[tilespmem:s28], [sflag:$0x2] =	stream.linear.gather [hbm4b:s29+s4], $0x80, $0x38;
	[tilespmem:$0x10300] =	vst v63  }
0x92: {  	s25 =	sand.u32 $0x1FFFFFF0, s31;
	s28 =	simm.s32 $0x8600;
	s29 =	sadd.s32 s8, s26  }
0x93: {  	[tilespmem:s28], [sflag:$0x3] =	stream.linear.gather [hbm4b:s29+s4], $0x80, $0x38;
	[tilespmem:$0x10300] =	vst v63  }
0x94: {  	s26 =	sadd.s32 s9, s26;
	s28 =	spop (v2sf);
	s29 =	simm.s32 $0xC600  }
0x95: {  	(v2sf) =	vpush v22, $0xD;
	[tilespmem:s29], [sflag:$0x4] =	stream.linear.gather [hbm4b:s26+s4], $0x80, $0x38;
	[tilespmem:$0x10300] =	vst v63  }
0x96: {  	s25 =	sadd.s32 s5, s25;
	s0 =	sand.u32 $0x1FFFFFF0, s28;
	s28 =	simm.s32 $0x680  }
0x97: {  	[tilespmem:s28], [sflag:$0x1] =	stream.linear.gather [hbm4b:s25+s4], $0x80, $0x38;
	[tilespmem:$0x10300] =	vst v63  }
0x98: {  	s6 =	spop (v2sf);
	s29 =	sadd.s32 s7, s0;
	s28 =	simm.s32 $0x4680  }
0x99: {  	(v2sf) =	vpush v23, $0xE;
	[tilespmem:s28], [sflag:$0x2] =	stream.linear.gather [hbm4b:s29+s4], $0x80, $0x38;
	[tilespmem:$0x10300] =	vst v63  }
0x9a: {  	s26 =	sadd.s32 s9, s0;
	s28 =	simm.s32 $0x8680;
	s29 =	sadd.s32 s8, s0  }
0x9b: {  	[tilespmem:s28], [sflag:$0x3] =	stream.linear.gather [hbm4b:s29+s4], $0x80, $0x38;
	[tilespmem:$0x10300] =	vst v63  }
0x9c: {  	s25 =	sand.u32 $0x1FFFFFF0, s6;
	s28 =	spop (v2sf);
	s29 =	simm.s32 $0xC680  }
0x9d: {  	(v2sf) =	vpush v22, $0xE;
	[tilespmem:s29], [sflag:$0x4] =	stream.linear.gather [hbm4b:s26+s4], $0x80, $0x38;
	[tilespmem:$0x10300] =	vst v63  }
0x9e: {  	s25 =	sadd.s32 s5, s25;
	s10 =	sand.u32 $0x1FFFFFF0, s28;
	s28 =	simm.s32 $0x700  }
0x9f: {  	[tilespmem:s28], [sflag:$0x1] =	stream.linear.gather [hbm4b:s25+s4], $0x80, $0x38;
	[tilespmem:$0x10300] =	vst v63  }
0xa0: {  	s13 =	spop (v2sf);
	s29 =	sadd.s32 s7, s10;
	s28 =	simm.s32 $0x4700  }
0xa1: {  	(v2sf) =	vpush v23, $0xF;
	[tilespmem:s28], [sflag:$0x2] =	stream.linear.gather [hbm4b:s29+s4], $0x80, $0x38;
	[tilespmem:$0x10300] =	vst v63  }
0xa2: {  	s26 =	sadd.s32 s9, s10;
	s28 =	simm.s32 $0x8700;
	s29 =	sadd.s32 s8, s10  }
0xa3: {  	[tilespmem:s28], [sflag:$0x3] =	stream.linear.gather [hbm4b:s29+s4], $0x80, $0x38;
	[tilespmem:$0x10300] =	vst v63  }
0xa4: {  	s25 =	sand.u32 $0x1FFFFFF0, s13;
	s28 =	spop (v2sf);
	s29 =	simm.s32 $0xC700  }
0xa5: {  	(v2sf) =	vpush v22, $0xF;
	[tilespmem:s29], [sflag:$0x4] =	stream.linear.gather [hbm4b:s26+s4], $0x80, $0x38;
	[tilespmem:$0x10300] =	vst v63  }
0xa6: {  	s25 =	sadd.s32 s5, s25;
	s31 =	sand.u32 $0x1FFFFFF0, s28;
	s28 =	simm.s32 $0x780  }
0xa7: {  	[tilespmem:s28], [sflag:$0x1] =	stream.linear.gather [hbm4b:s25+s4], $0x80, $0x38;
	[tilespmem:$0x10300] =	vst v63  }
0xa8: {  	s0 =	spop (v2sf);
	s29 =	sadd.s32 s7, s31;
	s28 =	simm.s32 $0x4780  }
0xa9: {  	[tilespmem:s28], [sflag:$0x2] =	stream.linear.gather [hbm4b:s29+s4], $0x80, $0x38;
	[tilespmem:$0x10300] =	vst v63  }
0xaa: {  	s26 =	sadd.s32 s9, s31;
	s28 =	simm.s32 $0x8780;
	s29 =	sadd.s32 s8, s31  }
0xab: {  	[tilespmem:s28], [sflag:$0x3] =	stream.linear.gather [hbm4b:s29+s4], $0x80, $0x38;
	[tilespmem:$0x10300] =	vst v63  }
0xac: {  	s25 =	sand.u32 $0x1FFFFFF0, s0;
	s28 =	spop (v2sf);
	s29 =	simm.s32 $0xC780  }
0xad: {  	[tilespmem:s29], [sflag:$0x4] =	stream.linear.gather [hbm4b:s26+s4], $0x80, $0x38;
	[tilespmem:$0x10300] =	vst v63  }
0xae: {  	s25 =	sadd.s32 s5, s25;
	s6 =	sand.u32 $0x1FFFFFF0, s28;
	s28 =	simm.s32 $0x800  }
0xaf: {  	[tilespmem:s28], [sflag:$0x1] =	stream.linear.gather [hbm4b:s25+s4], $0x80, $0x38;
	[tilespmem:$0x10300] =	vst v63  }
0xb0: {  	s10 =	spop (v2sf);
	s29 =	sadd.s32 s7, s6;
	s28 =	simm.s32 $0x4800  }
0xb1: {  	[tilespmem:s28], [sflag:$0x2] =	stream.linear.gather [hbm4b:s29+s4], $0x80, $0x38;
	[tilespmem:$0x10300] =	vst v63  }
0xb2: {  	s26 =	sadd.s32 s9, s6;
	s28 =	simm.s32 $0x8800;
	s29 =	sadd.s32 s8, s6  }
0xb3: {  	[tilespmem:s28], [sflag:$0x3] =	stream.linear.gather [hbm4b:s29+s4], $0x80, $0x38;
	[tilespmem:$0x10300] =	vst v63  }
0xb4: {  	s25 =	sand.u32 $0x1FFFFFF0, s10;
	s28 =	spop (v2sf);
	s29 =	simm.s32 $0xC800  }
0xb5: {  	[tilespmem:s29], [sflag:$0x4] =	stream.linear.gather [hbm4b:s26+s4], $0x80, $0x38;
	[tilespmem:$0x10300] =	vst v63  }
0xb6: {  	s13 =	simm.s32 $0x880;
	s25 =	sadd.s32 s5, s25;
	s29 =	sand.u32 $0x1FFFFFF0, s28  }
0xb7: {  	[tilespmem:s13], [sflag:$0x1] =	stream.linear.gather [hbm4b:s25+s4], $0x80, $0x38;
	[tilespmem:$0x10300] =	vst v63  }
0xb8: {  	s26 =	simm.s32 $0x4880;
	s28 =	simm.s32 $0x8880;
	s31 =	sadd.s32 s7, s29  }
0xb9: {  	[tilespmem:s26], [sflag:$0x2] =	stream.linear.gather [hbm4b:s31+s4], $0x80, $0x38;
	[tilespmem:$0x10300] =	vst v63  }
0xba: {  	s30 =	sadd.s32 s8, s29;
	s25 =	simm.s32 $0x2000;
	s26 =	simm.s32 $0x0  }
.LBB2_3:
0xbb: {  	p0 =	sne.s32 s25, $0xE000  }
0xbc: {  	s23 =	sadd.s32 $0x10, s23;
	s24 =	sadd.s32 $0x10, s24;
	s31 =	smov.u32 s25  }
0xbd: {  	[tilespmem:s28], [sflag:$0x3] =	stream.linear.gather [hbm4b:s30+s4], $0x80, $0x38;
	[tilespmem:$0x10300] =	vst v63  }
0xbe: {  	s25 =	sadd.s32 $0x2000, s25;
	s26 =	sadd.s32 $0xC880, s26;
	s28 =	sadd.s32 s9, s29  }
0xbf: {  	[tilespmem:s26], [sflag:$0x4] =	stream.linear.gather [hbm4b:s28+s4], $0x80, $0x38;
	[tilespmem:$0x10300] =	vst v63  }
0xc0: {  	v22 =	vld [tilespmem:s23+$0x0]  }
0xc1: {  	v23 =	vld [tilespmem:s24+$0x0];
	_ =	sdelay $0x3  }
0xc2: {  	v22 =	vshll.u32 v22, $0x4  }
0xc3: {  	v23 =	vshll.u32 v23, $0x4;
	(v2sf) =	vpush v22, $0x0  }
0xc4: {  	(v2sf) =	vpush v23, $0x0  }
0xc5: {  	(v2sf) =	vpush v23, $0x1;
	_ =	sdelay $0x2  }
0xc6: {  	(v2sf) =	vpush v22, $0x1;
	_ =	sdelay $0x1  }
0xc7: {  	(v2sf) =	vpush v23, $0x2;
	_ =	sdelay $0x3  }
0xc8: {  	(v2sf) =	vpush v22, $0x2;
	_ =	sdelay $0x2  }
0xc9: {  	s26 =	sshra.s32 s31, $0x2  }
0xca: {  	s28 =	sadd.s32 $0x8880, s26;
	s29 =	spop (v2sf);
	(v2sf) =	vpush v23, $0x3  }
0xcb: {  	s30 =	sadd.s32 $0x100, s26;
	s29 =	sand.u32 $0x1FFFFFF0, s29;
	s31 =	spop (v2sf)  }
0xcc: {  	s31 =	sand.u32 $0x1FFFFFF0, s31;
	s0 =	spop (v2sf)  }
0xcd: {  	s6 =	sadd.s32 $0x4100, s26;
	s31 =	sadd.s32 s5, s31;
	s0 =	sand.u32 $0x1FFFFFF0, s0  }
0xce: {  	[tilespmem:s30], [sflag:$0x1] =	stream.linear.gather [hbm4b:s31+s4], $0x80, $0x38;
	(v2sf) =	vpush v22, $0x3;
	[tilespmem:$0x10300] =	vst v63  }
0xcf: {  	s30 =	sadd.s32 s7, s29;
	s31 =	sadd.s32 $0x8100, s26;
	s13 =	spop (v2sf)  }
0xd0: {  	[tilespmem:s6], [sflag:$0x2] =	stream.linear.gather [hbm4b:s30+s4], $0x80, $0x38;
	[tilespmem:$0x10300] =	vst v63  }
0xd1: {  	s6 =	sadd.s32 s8, s29;
	s13 =	sand.u32 $0x1FFFFFF0, s13;
	s30 =	spop (v2sf)  }
0xd2: {  	[tilespmem:s31], [sflag:$0x3] =	stream.linear.gather [hbm4b:s6+s4], $0x80, $0x38;
	(v2sf) =	vpush v23, $0x4;
	[tilespmem:$0x10300] =	vst v63  }
0xd3: {  	s29 =	sadd.s32 s9, s29;
	s6 =	sadd.s32 $0xC100, s26;
	s30 =	sand.u32 $0x1FFFFFF0, s30  }
0xd4: {  	[tilespmem:s6], [sflag:$0x4] =	stream.linear.gather [hbm4b:s29+s4], $0x80, $0x38;
	[tilespmem:$0x10300] =	vst v63  }
0xd5: {  	s0 =	sadd.s32 s5, s0;
	s6 =	sadd.s32 $0x180, s26;
	s29 =	spop (v2sf)  }
0xd6: {  	[tilespmem:s6], [sflag:$0x1] =	stream.linear.gather [hbm4b:s0+s4], $0x80, $0x38;
	(v2sf) =	vpush v22, $0x4;
	[tilespmem:$0x10300] =	vst v63  }
0xd7: {  	s0 =	sadd.s32 $0x4180, s26;
	s6 =	sadd.s32 s7, s13;
	s29 =	sand.u32 $0x1FFFFFF0, s29  }
0xd8: {  	[tilespmem:s0], [sflag:$0x2] =	stream.linear.gather [hbm4b:s6+s4], $0x80, $0x38;
	[tilespmem:$0x10300] =	vst v63  }
0xd9: {  	s0 =	sadd.s32 $0x8180, s26;
	s6 =	sadd.s32 s8, s13;
	s31 =	spop (v2sf)  }
0xda: {  	[tilespmem:s0], [sflag:$0x3] =	stream.linear.gather [hbm4b:s6+s4], $0x80, $0x38;
	(v2sf) =	vpush v23, $0x5;
	[tilespmem:$0x10300] =	vst v63  }
0xdb: {  	s0 =	sadd.s32 $0xC180, s26;
	s6 =	sadd.s32 s9, s13;
	s13 =	sand.u32 $0x1FFFFFF0, s31  }
0xdc: {  	[tilespmem:s0], [sflag:$0x4] =	stream.linear.gather [hbm4b:s6+s4], $0x80, $0x38;
	[tilespmem:$0x10300] =	vst v63  }
0xdd: {  	s0 =	sadd.s32 $0x200, s26;
	s6 =	sadd.s32 s5, s30;
	s30 =	spop (v2sf)  }
0xde: {  	[tilespmem:s0], [sflag:$0x1] =	stream.linear.gather [hbm4b:s6+s4], $0x80, $0x38;
	(v2sf) =	vpush v22, $0x5;
	[tilespmem:$0x10300] =	vst v63  }
0xdf: {  	s0 =	sadd.s32 $0x4200, s26;
	s6 =	sadd.s32 s7, s29;
	s30 =	sand.u32 $0x1FFFFFF0, s30  }
0xe0: {  	[tilespmem:s0], [sflag:$0x2] =	stream.linear.gather [hbm4b:s6+s4], $0x80, $0x38;
	[tilespmem:$0x10300] =	vst v63  }
0xe1: {  	s0 =	sadd.s32 $0x8200, s26;
	s6 =	sadd.s32 s8, s29;
	s31 =	spop (v2sf)  }
0xe2: {  	[tilespmem:s0], [sflag:$0x3] =	stream.linear.gather [hbm4b:s6+s4], $0x80, $0x38;
	(v2sf) =	vpush v23, $0x6;
	[tilespmem:$0x10300] =	vst v63  }
0xe3: {  	s0 =	sadd.s32 $0xC200, s26;
	s6 =	sadd.s32 s9, s29;
	s29 =	sand.u32 $0x1FFFFFF0, s31  }
0xe4: {  	[tilespmem:s0], [sflag:$0x4] =	stream.linear.gather [hbm4b:s6+s4], $0x80, $0x38;
	[tilespmem:$0x10300] =	vst v63  }
0xe5: {  	s0 =	sadd.s32 $0x280, s26;
	s6 =	sadd.s32 s5, s13;
	s13 =	spop (v2sf)  }
0xe6: {  	[tilespmem:s0], [sflag:$0x1] =	stream.linear.gather [hbm4b:s6+s4], $0x80, $0x38;
	(v2sf) =	vpush v22, $0x6;
	[tilespmem:$0x10300] =	vst v63  }
0xe7: {  	s0 =	sadd.s32 $0x4280, s26;
	s6 =	sadd.s32 s7, s30;
	s13 =	sand.u32 $0x1FFFFFF0, s13  }
0xe8: {  	[tilespmem:s0], [sflag:$0x2] =	stream.linear.gather [hbm4b:s6+s4], $0x80, $0x38;
	[tilespmem:$0x10300] =	vst v63  }
0xe9: {  	s0 =	sadd.s32 $0x8280, s26;
	s6 =	sadd.s32 s8, s30;
	s31 =	spop (v2sf)  }
0xea: {  	[tilespmem:s0], [sflag:$0x3] =	stream.linear.gather [hbm4b:s6+s4], $0x80, $0x38;
	(v2sf) =	vpush v23, $0x7;
	[tilespmem:$0x10300] =	vst v63  }
0xeb: {  	s0 =	sadd.s32 $0xC280, s26;
	s6 =	sadd.s32 s9, s30;
	s30 =	sand.u32 $0x1FFFFFF0, s31  }
0xec: {  	[tilespmem:s0], [sflag:$0x4] =	stream.linear.gather [hbm4b:s6+s4], $0x80, $0x38;
	[tilespmem:$0x10300] =	vst v63  }
0xed: {  	s0 =	sadd.s32 $0x300, s26;
	s6 =	sadd.s32 s5, s29;
	s29 =	spop (v2sf)  }
0xee: {  	[tilespmem:s0], [sflag:$0x1] =	stream.linear.gather [hbm4b:s6+s4], $0x80, $0x38;
	(v2sf) =	vpush v22, $0x7;
	[tilespmem:$0x10300] =	vst v63  }
0xef: {  	s0 =	sadd.s32 $0x4300, s26;
	s6 =	sadd.s32 s7, s13;
	s29 =	sand.u32 $0x1FFFFFF0, s29  }
0xf0: {  	[tilespmem:s0], [sflag:$0x2] =	stream.linear.gather [hbm4b:s6+s4], $0x80, $0x38;
	[tilespmem:$0x10300] =	vst v63  }
0xf1: {  	s0 =	sadd.s32 $0x8300, s26;
	s6 =	sadd.s32 s8, s13;
	s31 =	spop (v2sf)  }
0xf2: {  	[tilespmem:s0], [sflag:$0x3] =	stream.linear.gather [hbm4b:s6+s4], $0x80, $0x38;
	(v2sf) =	vpush v23, $0x8;
	[tilespmem:$0x10300] =	vst v63  }
0xf3: {  	s0 =	sadd.s32 $0xC300, s26;
	s6 =	sadd.s32 s9, s13;
	s13 =	sand.u32 $0x1FFFFFF0, s31  }
0xf4: {  	[tilespmem:s0], [sflag:$0x4] =	stream.linear.gather [hbm4b:s6+s4], $0x80, $0x38;
	[tilespmem:$0x10300] =	vst v63  }
0xf5: {  	s0 =	sadd.s32 $0x380, s26;
	s6 =	sadd.s32 s5, s30;
	s30 =	spop (v2sf)  }
0xf6: {  	[tilespmem:s0], [sflag:$0x1] =	stream.linear.gather [hbm4b:s6+s4], $0x80, $0x38;
	(v2sf) =	vpush v22, $0x8;
	[tilespmem:$0x10300] =	vst v63  }
0xf7: {  	s0 =	sadd.s32 $0x4380, s26;
	s6 =	sadd.s32 s7, s29;
	s30 =	sand.u32 $0x1FFFFFF0, s30  }
0xf8: {  	[tilespmem:s0], [sflag:$0x2] =	stream.linear.gather [hbm4b:s6+s4], $0x80, $0x38;
	[tilespmem:$0x10300] =	vst v63  }
0xf9: {  	s0 =	sadd.s32 $0x8380, s26;
	s6 =	sadd.s32 s8, s29;
	s31 =	spop (v2sf)  }
0xfa: {  	[tilespmem:s0], [sflag:$0x3] =	stream.linear.gather [hbm4b:s6+s4], $0x80, $0x38;
	(v2sf) =	vpush v23, $0x9;
	[tilespmem:$0x10300] =	vst v63  }
0xfb: {  	s0 =	sadd.s32 $0xC380, s26;
	s6 =	sadd.s32 s9, s29;
	s29 =	sand.u32 $0x1FFFFFF0, s31  }
0xfc: {  	[tilespmem:s0], [sflag:$0x4] =	stream.linear.gather [hbm4b:s6+s4], $0x80, $0x38;
	[tilespmem:$0x10300] =	vst v63  }
0xfd: {  	s0 =	sadd.s32 $0x400, s26;
	s6 =	sadd.s32 s5, s13;
	s13 =	spop (v2sf)  }
0xfe: {  	[tilespmem:s0], [sflag:$0x1] =	stream.linear.gather [hbm4b:s6+s4], $0x80, $0x38;
	(v2sf) =	vpush v22, $0x9;
	[tilespmem:$0x10300] =	vst v63  }
0xff: {  	s0 =	sadd.s32 $0x4400, s26;
	s6 =	sadd.s32 s7, s30;
	s13 =	sand.u32 $0x1FFFFFF0, s13  }
0x100: {  	[tilespmem:s0], [sflag:$0x2] =	stream.linear.gather [hbm4b:s6+s4], $0x80, $0x38;
	(v2sf) =	vpush v23, $0xA;
	[tilespmem:$0x10300] =	vst v63  }
0x101: {  	s0 =	sadd.s32 $0x8400, s26;
	s6 =	sadd.s32 s8, s30;
	s31 =	spop (v2sf)  }
0x102: {  	[tilespmem:s0], [sflag:$0x3] =	stream.linear.gather [hbm4b:s6+s4], $0x80, $0x38;
	[tilespmem:$0x10300] =	vst v63  }
0x103: {  	s0 =	sadd.s32 $0xC400, s26;
	s6 =	sadd.s32 s9, s30;
	s30 =	sand.u32 $0x1FFFFFF0, s31  }
0x104: {  	[tilespmem:s0], [sflag:$0x4] =	stream.linear.gather [hbm4b:s6+s4], $0x80, $0x38;
	(v2sf) =	vpush v22, $0xA;
	[tilespmem:$0x10300] =	vst v63  }
0x105: {  	s0 =	sadd.s32 $0x480, s26;
	s6 =	sadd.s32 s5, s29;
	s29 =	spop (v2sf)  }
0x106: {  	[tilespmem:s0], [sflag:$0x1] =	stream.linear.gather [hbm4b:s6+s4], $0x80, $0x38;
	[tilespmem:$0x10300] =	vst v63  }
0x107: {  	s0 =	sadd.s32 $0x4480, s26;
	s6 =	sadd.s32 s7, s13;
	s29 =	sand.u32 $0x1FFFFFF0, s29  }
0x108: {  	[tilespmem:s0], [sflag:$0x2] =	stream.linear.gather [hbm4b:s6+s4], $0x80, $0x38;
	[tilespmem:$0x10300] =	vst v63  }
0x109: {  	s0 =	sadd.s32 $0x8480, s26;
	s6 =	sadd.s32 s8, s13;
	s31 =	spop (v2sf)  }
0x10a: {  	[tilespmem:s0], [sflag:$0x3] =	stream.linear.gather [hbm4b:s6+s4], $0x80, $0x38;
	(v2sf) =	vpush v23, $0xB;
	[tilespmem:$0x10300] =	vst v63  }
0x10b: {  	s0 =	sadd.s32 $0xC480, s26;
	s6 =	sadd.s32 s9, s13;
	s13 =	sand.u32 $0x1FFFFFF0, s31  }
0x10c: {  	[tilespmem:s0], [sflag:$0x4] =	stream.linear.gather [hbm4b:s6+s4], $0x80, $0x38;
	[tilespmem:$0x10300] =	vst v63  }
0x10d: {  	s0 =	sadd.s32 $0x500, s26;
	s6 =	sadd.s32 s5, s30;
	s30 =	spop (v2sf)  }
0x10e: {  	[tilespmem:s0], [sflag:$0x1] =	stream.linear.gather [hbm4b:s6+s4], $0x80, $0x38;
	(v2sf) =	vpush v22, $0xB;
	[tilespmem:$0x10300] =	vst v63  }
0x10f: {  	s0 =	sadd.s32 $0x4500, s26;
	s6 =	sadd.s32 s7, s29;
	s31 =	spop (v2sf)  }
0x110: {  	[tilespmem:s0], [sflag:$0x2] =	stream.linear.gather [hbm4b:s6+s4], $0x80, $0x38;
	[tilespmem:$0x10300] =	vst v63  }
0x111: {  	s0 =	sadd.s32 $0x8500, s26;
	s6 =	sadd.s32 s8, s29;
	s31 =	sand.u32 $0x1FFFFFF0, s31  }
0x112: {  	[tilespmem:s0], [sflag:$0x3] =	stream.linear.gather [hbm4b:s6+s4], $0x80, $0x38;
	(v2sf) =	vpush v23, $0xC;
	[tilespmem:$0x10300] =	vst v63  }
0x113: {  	s0 =	sadd.s32 $0xC500, s26;
	s6 =	sadd.s32 s9, s29;
	s29 =	spop (v2sf)  }
0x114: {  	[tilespmem:s0], [sflag:$0x4] =	stream.linear.gather [hbm4b:s6+s4], $0x80, $0x38;
	[tilespmem:$0x10300] =	vst v63  }
0x115: {  	s0 =	sadd.s32 $0x580, s26;
	s6 =	sadd.s32 s5, s13;
	s13 =	sand.u32 $0x1FFFFFF0, s30  }
0x116: {  	[tilespmem:s0], [sflag:$0x1] =	stream.linear.gather [hbm4b:s6+s4], $0x80, $0x38;
	(v2sf) =	vpush v22, $0xC;
	[tilespmem:$0x10300] =	vst v63  }
0x117: {  	s29 =	sand.u32 $0x1FFFFFF0, s29;
	s0 =	sadd.s32 $0x4580, s26;
	s6 =	sadd.s32 s7, s13  }
0x118: {  	[tilespmem:s0], [sflag:$0x2] =	stream.linear.gather [hbm4b:s6+s4], $0x80, $0x38;
	[tilespmem:$0x10300] =	vst v63  }
0x119: {  	s0 =	sadd.s32 $0x8580, s26;
	s6 =	sadd.s32 s8, s13;
	s30 =	spop (v2sf)  }
0x11a: {  	[tilespmem:s0], [sflag:$0x3] =	stream.linear.gather [hbm4b:s6+s4], $0x80, $0x38;
	(v2sf) =	vpush v23, $0xD;
	[tilespmem:$0x10300] =	vst v63  }
0x11b: {  	s0 =	sadd.s32 $0xC580, s26;
	s6 =	sadd.s32 s9, s13;
	s13 =	sand.u32 $0x1FFFFFF0, s30  }
0x11c: {  	[tilespmem:s0], [sflag:$0x4] =	stream.linear.gather [hbm4b:s6+s4], $0x80, $0x38;
	[tilespmem:$0x10300] =	vst v63  }
0x11d: {  	s0 =	sadd.s32 $0x600, s26;
	s6 =	sadd.s32 s5, s31;
	s30 =	spop (v2sf)  }
0x11e: {  	[tilespmem:s0], [sflag:$0x1] =	stream.linear.gather [hbm4b:s6+s4], $0x80, $0x38;
	(v2sf) =	vpush v22, $0xD;
	[tilespmem:$0x10300] =	vst v63  }
0x11f: {  	s0 =	sadd.s32 $0x4600, s26;
	s6 =	sadd.s32 s7, s29;
	s30 =	sand.u32 $0x1FFFFFF0, s30  }
0x120: {  	[tilespmem:s0], [sflag:$0x2] =	stream.linear.gather [hbm4b:s6+s4], $0x80, $0x38;
	[tilespmem:$0x10300] =	vst v63  }
0x121: {  	s0 =	sadd.s32 $0x8600, s26;
	s6 =	sadd.s32 s8, s29;
	s31 =	spop (v2sf)  }
0x122: {  	[tilespmem:s0], [sflag:$0x3] =	stream.linear.gather [hbm4b:s6+s4], $0x80, $0x38;
	(v2sf) =	vpush v23, $0xE;
	[tilespmem:$0x10300] =	vst v63  }
0x123: {  	s0 =	sadd.s32 $0xC600, s26;
	s6 =	sadd.s32 s9, s29;
	s29 =	sand.u32 $0x1FFFFFF0, s31  }
0x124: {  	[tilespmem:s0], [sflag:$0x4] =	stream.linear.gather [hbm4b:s6+s4], $0x80, $0x38;
	[tilespmem:$0x10300] =	vst v63  }
0x125: {  	s0 =	sadd.s32 $0x680, s26;
	s6 =	sadd.s32 s5, s13;
	s13 =	spop (v2sf)  }
0x126: {  	[tilespmem:s0], [sflag:$0x1] =	stream.linear.gather [hbm4b:s6+s4], $0x80, $0x38;
	(v2sf) =	vpush v22, $0xE;
	[tilespmem:$0x10300] =	vst v63  }
0x127: {  	s0 =	sadd.s32 $0x4680, s26;
	s6 =	sadd.s32 s7, s30;
	s13 =	sand.u32 $0x1FFFFFF0, s13  }
0x128: {  	[tilespmem:s0], [sflag:$0x2] =	stream.linear.gather [hbm4b:s6+s4], $0x80, $0x38;
	[tilespmem:$0x10300] =	vst v63  }
0x129: {  	s0 =	sadd.s32 $0x8680, s26;
	s6 =	sadd.s32 s8, s30;
	s31 =	spop (v2sf)  }
0x12a: {  	[tilespmem:s0], [sflag:$0x3] =	stream.linear.gather [hbm4b:s6+s4], $0x80, $0x38;
	(v2sf) =	vpush v23, $0xF;
	[tilespmem:$0x10300] =	vst v63  }
0x12b: {  	s0 =	sadd.s32 $0xC680, s26;
	s6 =	sadd.s32 s9, s30;
	s30 =	sand.u32 $0x1FFFFFF0, s31  }
0x12c: {  	[tilespmem:s0], [sflag:$0x4] =	stream.linear.gather [hbm4b:s6+s4], $0x80, $0x38;
	[tilespmem:$0x10300] =	vst v63  }
0x12d: {  	s0 =	sadd.s32 $0x700, s26;
	s6 =	sadd.s32 s5, s29;
	s29 =	spop (v2sf)  }
0x12e: {  	[tilespmem:s0], [sflag:$0x1] =	stream.linear.gather [hbm4b:s6+s4], $0x80, $0x38;
	(v2sf) =	vpush v22, $0xF;
	[tilespmem:$0x10300] =	vst v63  }
0x12f: {  	s0 =	sadd.s32 $0x4700, s26;
	s6 =	sadd.s32 s7, s13;
	s29 =	sand.u32 $0x1FFFFFF0, s29  }
0x130: {  	[tilespmem:s0], [sflag:$0x2] =	stream.linear.gather [hbm4b:s6+s4], $0x80, $0x38;
	[tilespmem:$0x10300] =	vst v63  }
0x131: {  	s0 =	sadd.s32 $0x8700, s26;
	s6 =	sadd.s32 s8, s13;
	s31 =	spop (v2sf)  }
0x132: {  	[tilespmem:s0], [sflag:$0x3] =	stream.linear.gather [hbm4b:s6+s4], $0x80, $0x38;
	[tilespmem:$0x10300] =	vst v63  }
0x133: {  	s0 =	sadd.s32 $0xC700, s26;
	s6 =	sadd.s32 s9, s13;
	s13 =	sand.u32 $0x1FFFFFF0, s31  }
0x134: {  	[tilespmem:s0], [sflag:$0x4] =	stream.linear.gather [hbm4b:s6+s4], $0x80, $0x38;
	[tilespmem:$0x10300] =	vst v63  }
0x135: {  	s0 =	sadd.s32 $0x780, s26;
	s6 =	sadd.s32 s5, s30;
	s30 =	spop (v2sf)  }
0x136: {  	[tilespmem:s0], [sflag:$0x1] =	stream.linear.gather [hbm4b:s6+s4], $0x80, $0x38;
	[tilespmem:$0x10300] =	vst v63  }
0x137: {  	s0 =	sadd.s32 $0x4780, s26;
	s6 =	sadd.s32 s7, s29;
	s31 =	sand.u32 $0x1FFFFFF0, s30  }
0x138: {  	[tilespmem:s0], [sflag:$0x2] =	stream.linear.gather [hbm4b:s6+s4], $0x80, $0x38;
	[tilespmem:$0x10300] =	vst v63  }
0x139: {  	s0 =	sadd.s32 $0x8780, s26;
	s6 =	sadd.s32 s8, s29;
	s30 =	spop (v2sf)  }
0x13a: {  	[tilespmem:s0], [sflag:$0x3] =	stream.linear.gather [hbm4b:s6+s4], $0x80, $0x38;
	[tilespmem:$0x10300] =	vst v63  }
0x13b: {  	s0 =	sadd.s32 $0xC780, s26;
	s6 =	sadd.s32 s9, s29;
	s10 =	sand.u32 $0x1FFFFFF0, s30  }
0x13c: {  	[tilespmem:s0], [sflag:$0x4] =	stream.linear.gather [hbm4b:s6+s4], $0x80, $0x38;
	[tilespmem:$0x10300] =	vst v63  }
0x13d: {  	s0 =	sadd.s32 $0x800, s26;
	s6 =	sadd.s32 s5, s13;
	s13 =	spop (v2sf)  }
0x13e: {  	[tilespmem:s0], [sflag:$0x1] =	stream.linear.gather [hbm4b:s6+s4], $0x80, $0x38;
	[tilespmem:$0x10300] =	vst v63  }
0x13f: {  	s0 =	sadd.s32 $0x4800, s26;
	s6 =	sadd.s32 s7, s31;
	s29 =	sand.u32 $0x1FFFFFF0, s13  }
0x140: {  	[tilespmem:s0], [sflag:$0x2] =	stream.linear.gather [hbm4b:s6+s4], $0x80, $0x38;
	[tilespmem:$0x10300] =	vst v63  }
0x141: {  	s30 =	sadd.s32 s8, s29;
	s0 =	sadd.s32 $0x8800, s26;
	s6 =	sadd.s32 s8, s31  }
0x142: {  	[tilespmem:s0], [sflag:$0x3] =	stream.linear.gather [hbm4b:s6+s4], $0x80, $0x38;
	[tilespmem:$0x10300] =	vst v63  }
0x143: {  	s0 =	sadd.s32 $0xC800, s26;
	s6 =	sadd.s32 s9, s31  }
0x144: {  	[tilespmem:s0], [sflag:$0x4] =	stream.linear.gather [hbm4b:s6+s4], $0x80, $0x38;
	[tilespmem:$0x10300] =	vst v63  }
.Ltmp0:
0x145: {  	_ = 	snop;
	(pc) =	sbr.rel @p0 .LBB2_3-.Ltmp0, $4  }
0x146: {  	s0 =	sadd.s32 $0x880, s26;
	s6 =	sadd.s32 s5, s10  }
0x147: {  	[tilespmem:s0], [sflag:$0x1] =	stream.linear.gather [hbm4b:s6+s4], $0x80, $0x38;
	[tilespmem:$0x10300] =	vst v63  }
0x148: {  	s0 =	sadd.s32 $0x4880, s26;
	s6 =	sadd.s32 s7, s29  }
0x149: {  	[tilespmem:s0], [sflag:$0x2] =	stream.linear.gather [hbm4b:s6+s4], $0x80, $0x38;
	[tilespmem:$0x10300] =	vst v63  }
0x14a: {  	[tilespmem:s28], [sflag:$0x3] =	stream.linear.gather [hbm4b:s30+s4], $0x80, $0x38;
	[tilespmem:$0x10300] =	vst v63  }
0x14b: {  	s0 =	sadd.s32 $0xC880, s26;
	s6 =	sadd.s32 s9, s29  }
0x14c: {  	[tilespmem:s0], [sflag:$0x4] =	stream.linear.gather [hbm4b:s6+s4], $0x80, $0x38;
	[tilespmem:$0x10300] =	vst v63  }
0x14d: {  	_ =	swait.ge [sflag:s15], $0x4000  }
0x14e: {  	[sflag:s15] =	ssyncset.done $0x0  }
0x14f: {  	[sflag:s15] =	ssyncadd.s32 $0xFFFFC000  }
0x150: {  	_ =	swait.ge [sflag:s16], $0x4000  }
0x151: {  	[sflag:s16] =	ssyncset.done $0x0  }
0x152: {  	[sflag:s16] =	ssyncadd.s32 $0xFFFFC000  }
0x153: {  	_ =	swait.ge [sflag:s17], $0x4000  }
0x154: {  	[sflag:s17] =	ssyncset.done $0x0  }
0x155: {  	[sflag:s17] =	ssyncadd.s32 $0xFFFFC000  }
0x156: {  	_ =	swait.ge [sflag:s18], $0x4000  }
0x157: {  	[sflag:s18] =	ssyncset.done $0x0  }
0x158: {  	s23 =	simm.s32 $0x0;
	[sflag:s18] =	ssyncadd.s32 $0xFFFFC000  }
.LBB2_5:
0x159: {  	s24 =	sshll.u32 s23, $0xB  }
0x15a: {  	v22 =	vld [tilespmem:s24+$0x100]  }
0x15b: {  	v23 =	vld [tilespmem:s24+$0x4100]  }
0x15c: {  	v24 =	vld [tilespmem:s24+$0x8100]  }
0x15d: {  	v25 =	vld [tilespmem:s24+$0xC100]  }
0x15e: {  	v26 =	vld [tilespmem:s24+$0x110]  }
0x15f: {  	v27 =	vld [tilespmem:s24+$0x4110]  }
0x160: {  	v28 =	vld [tilespmem:s24+$0x8110]  }
0x161: {  	v50 =	vld [tilespmem:s24+$0xC110]  }
0x162: {  	v29 =	vld [tilespmem:s24+$0x120]  }
0x163: {  	v51 =	vld [tilespmem:s24+$0x4120]  }
0x164: {  	v52 =	vld [tilespmem:s24+$0x8120]  }
0x165: {  	v53 =	vld [tilespmem:s24+$0xC120];
	v23 =	vsub.f32 v22, v23  }
0x166: {  	v54 =	vld [tilespmem:s24+$0x130]  }
0x167: {  	v55 =	vld [tilespmem:s24+$0x4130];
	v24 =	vsub.f32 v22, v24;
	v23 =	vand.u32 $0x7FFFFFFF, v23  }
0x168: {  	v56 =	vld [tilespmem:s24+$0x8130];
	v23 =	vmul.f32 v23, v1  }
0x169: {  	v57 =	vld [tilespmem:s24+$0xC130];
	v22 =	vsub.f32 v22, v25;
	v24 =	vand.u32 $0x7FFFFFFF, v24  }
0x16a: {  	v58 =	vld [tilespmem:s24+$0x140];
	v24 =	vmul.f32 v24, v8;
	v23 =	vadd.f32 $0.0e+00, v23  }
0x16b: {  	v59 =	vld [tilespmem:s24+$0x4140];
	v27 =	vsub.f32 v26, v27;
	v22 =	vand.u32 $0x7FFFFFFF, v22  }
0x16c: {  	v30 =	vld [tilespmem:s24+$0x8140];
	v22 =	vmul.f32 v22, v15;
	v23 =	vadd.f32 v24, v23  }
0x16d: {  	v60 =	vld [tilespmem:s24+$0xC140];
	v28 =	vsub.f32 v26, v28;
	v27 =	vand.u32 $0x7FFFFFFF, v27  }
0x16e: {  	v61 =	vld [tilespmem:s24+$0x180];
	v22 =	vadd.f32 v22, v23;
	v23 =	vmul.f32 v27, v2  }
0x16f: {  	v31 =	vld [tilespmem:s24+$0x150];
	v25 =	vsub.f32 v26, v50;
	v28 =	vand.u32 $0x7FFFFFFF, v28  }
0x170: {  	v32 =	vld [tilespmem:s24+$0x4150];
	v22 =	vadd.f32 v23, v22;
	v23 =	vmul.f32 v28, v9  }
0x171: {  	v33 =	vld [tilespmem:s24+$0x190];
	v25 =	vand.u32 $0x7FFFFFFF, v25;
	v24 =	vsub.f32 v29, v51  }
0x172: {  	v37 =	vld [tilespmem:s24+$0x4190];
	v22 =	vadd.f32 v23, v22;
	v23 =	vmul.f32 v25, v16  }
0x173: {  	v41 =	vld [tilespmem:s24+$0xC190];
	v24 =	vand.u32 $0x7FFFFFFF, v24;
	v27 =	vsub.f32 v29, v52  }
0x174: {  	v62 =	vld [tilespmem:s24+$0x4180];
	v22 =	vadd.f32 v23, v22;
	v23 =	vmul.f32 v24, v3  }
0x175: {  	v63 =	vld [tilespmem:s24+$0x8180];
	v26 =	vsub.f32 v29, v53;
	v30 =	vsub.f32 v58, v30;
	v27 =	vand.u32 $0x7FFFFFFF, v27  }
0x176: {  	v36 =	vld [tilespmem:s24+$0xC180];
	v40 =	vsub.f32 v31, v32;
	v22 =	vadd.f32 v23, v22;
	v23 =	vmul.f32 v27, v10  }
0x177: {  	v38 =	vld [tilespmem:s24+$0x8150];
	v42 =	vsub.f32 v33, v37;
	v26 =	vand.u32 $0x7FFFFFFF, v26;
	v25 =	vsub.f32 v54, v55  }
0x178: {  	v32 =	vsub.f32 v33, v41;
	v50 =	vld [tilespmem:s24+$0x1B0];
	v22 =	vadd.f32 v23, v22;
	v23 =	vmul.f32 v26, v17  }
0x179: {  	v30 =	vand.u32 $0x7FFFFFFF, v30;
	v52 =	vld [tilespmem:s24+$0x41B0];
	v25 =	vand.u32 $0x7FFFFFFF, v25;
	v24 =	vsub.f32 v54, v56  }
0x17a: {  	v34 =	vld [tilespmem:s24+$0xC150];
	v32 =	vand.u32 $0x7FFFFFFF, v32;
	v22 =	vadd.f32 v23, v22;
	v23 =	vmul.f32 v25, v4  }
0x17b: {  	v43 =	vld [tilespmem:s24+$0x1A0];
	v51 =	vmul.f32 v32, v16;
	v24 =	vand.u32 $0x7FFFFFFF, v24;
	v27 =	vsub.f32 v54, v57  }
0x17c: {  	v37 =	vld [tilespmem:s24+$0xC1C0];
	v26 =	vsub.f32 v58, v59;
	v22 =	vadd.f32 v23, v22;
	v23 =	vmul.f32 v24, v11  }
0x17d: {  	v28 =	vand.u32 $0x7FFFFFFF, v40;
	v25 =	vsub.f32 v58, v60;
	v60 =	vld [tilespmem:s24+$0x1C0];
	v24 =	vsub.f32 v61, v62  }
0x17e: {  	v44 =	vld [tilespmem:s24+$0x41A0];
	v27 =	vand.u32 $0x7FFFFFFF, v27;
	v59 =	vsub.f32 v50, v52;
	v22 =	vadd.f32 v23, v22  }
0x17f: {  	v35 =	vld [tilespmem:s24+$0x154];
	v23 =	vmul.f32 v27, v18;
	v24 =	vand.u32 $0x7FFFFFFF, v24;
	v27 =	vsub.f32 v61, v63  }
0x180: {  	v56 =	vld [tilespmem:s24+$0xC154];
	v26 =	vand.u32 $0x7FFFFFFF, v26;
	v29 =	vand.u32 $0x7FFFFFFF, v59;
	v24 =	vmul.f32 v24, v1  }
0x181: {  	v63 =	vld [tilespmem:s24+$0x81C0];
	v22 =	vadd.f32 v23, v22;
	v23 =	vmul.f32 v26, v5;
	v27 =	vand.u32 $0x7FFFFFFF, v27  }
0x182: {  	v39 =	vld [tilespmem:s24+$0x8190];
	v26 =	vsub.f32 v61, v36;
	v36 =	vmul.f32 v29, v4;
	v29 =	vsub.f32 v60, v37  }
0x183: {  	v24 =	vadd.f32 $0.0e+00, v24;
	v27 =	vmul.f32 v27, v8;
	v22 =	vadd.f32 v23, v22  }
0x184: {  	v46 =	vld [tilespmem:s24+$0x81A0];
	v23 =	vmul.f32 v30, v12;
	v30 =	vsub.f32 v31, v38;
	v31 =	vsub.f32 v31, v34  }
0x185: {  	v47 =	vld [tilespmem:s24+$0x4154];
	v28 =	vmul.f32 v28, v6;
	v34 =	vsub.f32 v35, v56;
	v24 =	vadd.f32 v27, v24  }
0x186: {  	v55 =	vld [tilespmem:s24+$0x81B0];
	v52 =	vand.u32 $0x7FFFFFFF, v29;
	v27 =	vsub.f32 v43, v44;
	v44 =	vsub.f32 v60, v63  }
0x187: {  	v49 =	vld [tilespmem:s24+$0xC1A0];
	v22 =	vadd.f32 v23, v22;
	v23 =	vand.u32 $0x7FFFFFFF, v25;
	v25 =	vsub.f32 v33, v39  }
0x188: {  	v53 =	vld [tilespmem:s24+$0x8154];
	v30 =	vand.u32 $0x7FFFFFFF, v30;
	v31 =	vand.u32 $0x7FFFFFFF, v31;
	v34 =	vand.u32 $0x7FFFFFFF, v34  }
0x189: {  	v41 =	vld [tilespmem:s24+$0x1D0];
	v23 =	vmul.f32 v23, v19;
	v30 =	vmul.f32 v30, v13;
	v27 =	vand.u32 $0x7FFFFFFF, v27  }
0x18a: {  	v40 =	vld [tilespmem:s24+$0x4200];
	v31 =	vmul.f32 v31, v20;
	v34 =	vmul.f32 v34, v21;
	v25 =	vand.u32 $0x7FFFFFFF, v25  }
0x18b: {  	v38 =	vld [tilespmem:s24+$0x200];
	v54 =	vmul.f32 v27, v3;
	v27 =	vsub.f32 v50, v55;
	v22 =	vadd.f32 v23, v22  }
0x18c: {  	v62 =	vld [tilespmem:s24+$0x41C0];
	v23 =	vand.u32 $0x7FFFFFFF, v26;
	v26 =	vand.u32 $0x7FFFFFFF, v42;
	v48 =	vmul.f32 v25, v9  }
0x18d: {  	v58 =	vld [tilespmem:s24+$0xC1B0];
	v25 =	vsub.f32 v43, v49;
	v23 =	vmul.f32 v23, v15;
	v45 =	vmul.f32 v26, v2  }
0x18e: {  	v59 =	vld [tilespmem:s24+$0x220];
	v26 =	vsub.f32 v43, v46;
	v27 =	vand.u32 $0x7FFFFFFF, v27;
	v22 =	vadd.f32 v28, v22  }
0x18f: {  	v37 =	vld [tilespmem:s24+$0xC220];
	v28 =	vsub.f32 v35, v47;
	v25 =	vand.u32 $0x7FFFFFFF, v25;
	v39 =	vmul.f32 v27, v11  }
0x190: {  	v56 =	vld [tilespmem:s24+$0xC210];
	v27 =	vsub.f32 v38, v40;
	v23 =	vadd.f32 v23, v24;
	v26 =	vand.u32 $0x7FFFFFFF, v26  }
0x191: {  	v43 =	vld [tilespmem:s24+$0x8200];
	v61 =	vmul.f32 v25, v17;
	v25 =	vsub.f32 v60, v62;
	v22 =	vadd.f32 v30, v22  }
0x192: {  	v47 =	vld [tilespmem:s24+$0xC200];
	v57 =	vmul.f32 v26, v10;
	v28 =	vand.u32 $0x7FFFFFFF, v28;
	v30 =	vsub.f32 v35, v53  }
0x193: {  	v40 =	vld [tilespmem:s24+$0x4230];
	v26 =	vsub.f32 v50, v58;
	v27 =	vand.u32 $0x7FFFFFFF, v27;
	v23 =	vadd.f32 v45, v23  }
0x194: {  	v50 =	vld [tilespmem:s24+$0x4210];
	v28 =	vmul.f32 v28, v7;
	v25 =	vand.u32 $0x7FFFFFFF, v25;
	v22 =	vadd.f32 v31, v22  }
0x195: {  	v45 =	vld [tilespmem:s24+$0x41D0];
	v27 =	vmul.f32 v27, v1;
	v30 =	vand.u32 $0x7FFFFFFF, v30;
	v23 =	vadd.f32 v48, v23  }
0x196: {  	v26 =	vand.u32 $0x7FFFFFFF, v26;
	v30 =	vmul.f32 v30, v14;
	v48 =	vld [tilespmem:s24+$0x210];
	v22 =	vadd.f32 v28, v22  }
0x197: {  	v53 =	vld [tilespmem:s24+$0x8210];
	v42 =	vmul.f32 v26, v18;
	v26 =	vsub.f32 v38, v43;
	v23 =	vadd.f32 v51, v23  }
0x198: {  	v60 =	vld [tilespmem:s24+$0x4220];
	v46 =	vmul.f32 v25, v5;
	v25 =	vsub.f32 v38, v47;
	v22 =	vadd.f32 v30, v22  }
0x199: {  	v27 =	vadd.f32 $0.0e+00, v27;
	v38 =	vld [tilespmem:s24+$0x230];
	v26 =	vand.u32 $0x7FFFFFFF, v26;
	v23 =	vadd.f32 v54, v23  }
0x19a: {  	v62 =	vld [tilespmem:s24+$0x41D4];
	v55 =	vsub.f32 v41, v45;
	v26 =	vmul.f32 v26, v8;
	v22 =	vadd.f32 v34, v22  }
0x19b: {  	v24 =	vmul.f32 v52, v19;
	v51 =	vld [tilespmem:s24+$0x81D0];
	v58 =	vsub.f32 v48, v50;
	v23 =	vadd.f32 v57, v23  }
0x19c: {  	v35 =	vld [tilespmem:s24+$0x250];
	v30 =	vand.u32 $0x7FFFFFFF, v44;
	v26 =	vadd.f32 v26, v27;
	v29 =	vsub.f32 v48, v53  }
0x19d: {  	v43 =	vld [tilespmem:s24+$0x8230];
	v49 =	vmul.f32 v30, v12;
	v32 =	vsub.f32 v48, v56;
	v23 =	vadd.f32 v61, v23  }
0x19e: {  	v54 =	vld [tilespmem:s24+$0xC1D0];
	v28 =	vand.u32 $0x7FFFFFFF, v55;
	v27 =	vsub.f32 v59, v60;
	v47 =	vsub.f32 v38, v40  }
0x19f: {  	v44 =	vld [tilespmem:s24+$0xC1D4];
	v57 =	vand.u32 $0x7FFFFFFF, v25;
	v28 =	vmul.f32 v28, v6;
	v23 =	vadd.f32 v36, v23  }
0x1a0: {  	v48 =	vld [tilespmem:s24+$0x240];
	v25 =	vand.u32 $0x7FFFFFFF, v58;
	v31 =	vsub.f32 v41, v51;
	v29 =	vand.u32 $0x7FFFFFFF, v29  }
0x1a1: {  	v53 =	vld [tilespmem:s24+$0xC240];
	v32 =	vand.u32 $0x7FFFFFFF, v32;
	v27 =	vand.u32 $0x7FFFFFFF, v27;
	v23 =	vadd.f32 v39, v23  }
0x1a2: {  	v56 =	vld [tilespmem:s24+$0x4280];
	v30 =	vand.u32 $0x7FFFFFFF, v47;
	v25 =	vmul.f32 v25, v2;
	v63 =	vmul.f32 v29, v9  }
0x1a3: {  	v31 =	vand.u32 $0x7FFFFFFF, v31;
	v33 =	vsub.f32 v41, v54;
	v54 =	vld [tilespmem:s24+$0x280];
	v23 =	vadd.f32 v42, v23  }
0x1a4: {  	v29 =	vsub.f32 v59, v37;
	v52 =	vmul.f32 v30, v4;
	v36 =	vld [tilespmem:s24+$0x1D4];
	v31 =	vmul.f32 v31, v13  }
0x1a5: {  	v50 =	vld [tilespmem:s24+$0x4240];
	v42 =	vmul.f32 v27, v3;
	v27 =	vsub.f32 v38, v43;
	v23 =	vadd.f32 v46, v23  }
0x1a6: {  	v60 =	vld [tilespmem:s24+$0x4250];
	v29 =	vand.u32 $0x7FFFFFFF, v29;
	v30 =	vsub.f32 v48, v53;
	v33 =	vand.u32 $0x7FFFFFFF, v33  }
0x1a7: {  	v61 =	vld [tilespmem:s24+$0x8220];
	v39 =	vmul.f32 v32, v16;
	v27 =	vand.u32 $0x7FFFFFFF, v27;
	v23 =	vadd.f32 v49, v23  }
0x1a8: {  	v51 =	vld [tilespmem:s24+$0x8240];
	v33 =	vmul.f32 v33, v20;
	v55 =	vmul.f32 v27, v11;
	v27 =	vsub.f32 v54, v56  }
0x1a9: {  	v40 =	vld [tilespmem:s24+$0x4290];
	v34 =	vsub.f32 v36, v44;
	v23 =	vadd.f32 v24, v23;
	v24 =	vmul.f32 v57, v15  }
0x1aa: {  	v41 =	vld [tilespmem:s24+$0x81D4];
	v49 =	vmul.f32 v29, v17;
	v29 =	vsub.f32 v48, v50;
	v27 =	vand.u32 $0x7FFFFFFF, v27  }
0x1ab: {  	v46 =	vld [tilespmem:s24+$0xC230];
	v27 =	vmul.f32 v27, v1;
	v24 =	vadd.f32 v24, v26;
	v23 =	vadd.f32 v28, v23  }
0x1ac: {  	v58 =	vld [tilespmem:s24+$0x8280];
	v34 =	vand.u32 $0x7FFFFFFF, v34;
	v26 =	vsub.f32 v59, v61;
	v28 =	vsub.f32 v36, v62  }
0x1ad: {  	v37 =	vld [tilespmem:s24+$0x254];
	v34 =	vmul.f32 v34, v21;
	v59 =	vsub.f32 v48, v51;
	v27 =	vadd.f32 $0.0e+00, v27  }
0x1ae: {  	v29 =	vand.u32 $0x7FFFFFFF, v29;
	v62 =	vld [tilespmem:s24+$0xC280];
	v24 =	vadd.f32 v25, v24;
	v23 =	vadd.f32 v31, v23  }
0x1af: {  	v26 =	vand.u32 $0x7FFFFFFF, v26;
	v28 =	vand.u32 $0x7FFFFFFF, v28;
	v31 =	vsub.f32 v36, v41;
	v41 =	vld [tilespmem:s24+$0x8250]  }
0x1b0: {  	v43 =	vld [tilespmem:s24+$0x8290];
	v45 =	vmul.f32 v26, v10;
	v26 =	vsub.f32 v38, v46;
	v24 =	vadd.f32 v63, v24  }
0x1b1: {  	v44 =	vld [tilespmem:s24+$0xC250];
	v28 =	vmul.f32 v28, v7;
	v23 =	vadd.f32 v33, v23;
	v31 =	vand.u32 $0x7FFFFFFF, v31  }
0x1b2: {  	v63 =	vld [tilespmem:s24+$0x290];
	v31 =	vmul.f32 v31, v14;
	v26 =	vand.u32 $0x7FFFFFFF, v26;
	v24 =	vadd.f32 v39, v24  }
0x1b3: {  	v46 =	vld [tilespmem:s24+$0xC290];
	v23 =	vadd.f32 v28, v23;
	v57 =	vmul.f32 v26, v18;
	v26 =	vsub.f32 v54, v58  }
0x1b4: {  	v56 =	vld [tilespmem:s24+$0x2B0];
	v61 =	vmul.f32 v29, v5;
	v28 =	vsub.f32 v54, v62;
	v32 =	vsub.f32 v35, v41  }
0x1b5: {  	v50 =	vld [tilespmem:s24+$0x42A0];
	v24 =	vadd.f32 v42, v24;
	v23 =	vadd.f32 v31, v23;
	v31 =	vand.u32 $0x7FFFFFFF, v59  }
0x1b6: {  	v36 =	vld [tilespmem:s24+$0x2D0];
	v42 =	vand.u32 $0x7FFFFFFF, v30;
	v26 =	vand.u32 $0x7FFFFFFF, v26;
	v47 =	vand.u32 $0x7FFFFFFF, v28  }
0x1b7: {  	v38 =	vld [tilespmem:s24+$0xC2B0];
	v39 =	vmul.f32 v31, v12;
	v48 =	vsub.f32 v63, v40;
	v24 =	vadd.f32 v45, v24  }
0x1b8: {  	v62 =	vld [tilespmem:s24+$0xC254];
	v25 =	vmul.f32 v42, v19;
	v30 =	vsub.f32 v63, v43;
	v33 =	vsub.f32 v63, v46  }
0x1b9: {  	v58 =	vld [tilespmem:s24+$0x42B0];
	v26 =	vmul.f32 v26, v8;
	v23 =	vadd.f32 v34, v23;
	v24 =	vadd.f32 v49, v24  }
0x1ba: {  	v32 =	vand.u32 $0x7FFFFFFF, v32;
	v45 =	vsub.f32 v35, v60;
	v34 =	vsub.f32 v35, v44;
	v49 =	vld [tilespmem:s24+$0x2A0]  }
0x1bb: {  	v32 =	vmul.f32 v32, v13;
	v26 =	vadd.f32 v26, v27;
	v24 =	vadd.f32 v52, v24;
	v52 =	vld [tilespmem:s24+$0x82A0]  }
0x1bc: {  	v40 =	vld [tilespmem:s24+$0x2C0];
	v28 =	vand.u32 $0x7FFFFFFF, v48;
	v30 =	vand.u32 $0x7FFFFFFF, v30;
	v33 =	vand.u32 $0x7FFFFFFF, v33  }
0x1bd: {  	v35 =	vsub.f32 v37, v62;
	v29 =	vand.u32 $0x7FFFFFFF, v45;
	v24 =	vadd.f32 v55, v24;
	v55 =	vld [tilespmem:s24+$0xC2A0]  }
0x1be: {  	v42 =	vld [tilespmem:s24+$0x42C0];
	v51 =	vmul.f32 v28, v2;
	v54 =	vmul.f32 v30, v9;
	v34 =	vand.u32 $0x7FFFFFFF, v34  }
0x1bf: {  	v46 =	vld [tilespmem:s24+$0x300];
	v29 =	vmul.f32 v29, v6;
	v34 =	vmul.f32 v34, v20;
	v24 =	vadd.f32 v57, v24  }
0x1c0: {  	v45 =	vld [tilespmem:s24+$0xC2C0];
	v35 =	vand.u32 $0x7FFFFFFF, v35;
	v27 =	vsub.f32 v49, v50;
	v28 =	vsub.f32 v49, v52  }
0x1c1: {  	v35 =	vmul.f32 v35, v21;
	v57 =	vmul.f32 v33, v16;
	v52 =	vld [tilespmem:s24+$0x42D0];
	v24 =	vadd.f32 v61, v24  }
0x1c2: {  	v27 =	vand.u32 $0x7FFFFFFF, v27;
	v61 =	vld [tilespmem:s24+$0x82B0];
	v28 =	vand.u32 $0x7FFFFFFF, v28;
	v30 =	vsub.f32 v49, v55  }
0x1c3: {  	v50 =	vld [tilespmem:s24+$0x8300];
	v60 =	vmul.f32 v27, v3;
	v24 =	vadd.f32 v39, v24;
	v63 =	vmul.f32 v28, v10  }
0x1c4: {  	v39 =	vsub.f32 v56, v58;
	v28 =	vsub.f32 v56, v38;
	v30 =	vand.u32 $0x7FFFFFFF, v30  }
0x1c5: {  	v53 =	vld [tilespmem:s24+$0x4254];
	v24 =	vadd.f32 v25, v24;
	v25 =	vmul.f32 v47, v15;
	v41 =	vmul.f32 v30, v17  }
0x1c6: {  	v31 =	vand.u32 $0x7FFFFFFF, v39;
	v28 =	vand.u32 $0x7FFFFFFF, v28;
	v30 =	vsub.f32 v40, v42  }
0x1c7: {  	v58 =	vld [tilespmem:s24+$0x82D0];
	v62 =	vsub.f32 v36, v52;
	v27 =	vsub.f32 v56, v61;
	v44 =	vmul.f32 v31, v4  }
0x1c8: {  	v59 =	vld [tilespmem:s24+$0x8254];
	v49 =	vmul.f32 v28, v18;
	v31 =	vsub.f32 v40, v45;
	v28 =	vsub.f32 v46, v50  }
0x1c9: {  	v48 =	vld [tilespmem:s24+$0x4300];
	v25 =	vadd.f32 v25, v26;
	v24 =	vadd.f32 v29, v24;
	v30 =	vand.u32 $0x7FFFFFFF, v30  }
0x1ca: {  	v43 =	vld [tilespmem:s24+$0x82C0];
	v29 =	vsub.f32 v37, v53;
	v27 =	vand.u32 $0x7FFFFFFF, v27;
	v53 =	vmul.f32 v30, v5  }
0x1cb: {  	v55 =	vld [tilespmem:s24+$0x310];
	v28 =	vand.u32 $0x7FFFFFFF, v28;
	v30 =	vand.u32 $0x7FFFFFFF, v62;
	v25 =	vadd.f32 v51, v25  }
0x1cc: {  	v38 =	vld [tilespmem:s24+$0x2D4];
	v33 =	vsub.f32 v36, v58;
	v24 =	vadd.f32 v32, v24;
	v29 =	vand.u32 $0x7FFFFFFF, v29  }
0x1cd: {  	v42 =	vld [tilespmem:s24+$0x4320];
	v32 =	vsub.f32 v37, v59;
	v47 =	vmul.f32 v27, v11;
	v25 =	vadd.f32 v54, v25  }
0x1ce: {  	v61 =	vld [tilespmem:s24+$0xC2D0];
	v27 =	vsub.f32 v46, v48;
	v59 =	vand.u32 $0x7FFFFFFF, v31;
	v28 =	vmul.f32 v28, v8  }
0x1cf: {  	v29 =	vmul.f32 v29, v7;
	v24 =	vadd.f32 v34, v24;
	v54 =	vld [tilespmem:s24+$0xC300];
	v25 =	vadd.f32 v57, v25  }
0x1d0: {  	v45 =	vld [tilespmem:s24+$0x42D4];
	v30 =	vmul.f32 v30, v6;
	v32 =	vand.u32 $0x7FFFFFFF, v32;
	v27 =	vand.u32 $0x7FFFFFFF, v27  }
0x1d1: {  	v32 =	vmul.f32 v32, v14;
	v24 =	vadd.f32 v29, v24;
	v57 =	vld [tilespmem:s24+$0x4310];
	v25 =	vadd.f32 v60, v25  }
0x1d2: {  	v50 =	vld [tilespmem:s24+$0x4330];
	v51 =	vsub.f32 v40, v43;
	v26 =	vmul.f32 v59, v19;
	v27 =	vmul.f32 v27, v1  }
0x1d3: {  	v48 =	vld [tilespmem:s24+$0x330];
	v33 =	vand.u32 $0x7FFFFFFF, v33;
	v24 =	vadd.f32 v32, v24;
	v25 =	vadd.f32 v63, v25  }
0x1d4: {  	v33 =	vmul.f32 v33, v13;
	v27 =	vadd.f32 $0.0e+00, v27;
	v60 =	vld [tilespmem:s24+$0x8310];
	v29 =	vsub.f32 v46, v54  }
0x1d5: {  	v32 =	vand.u32 $0x7FFFFFFF, v51;
	v54 =	vld [tilespmem:s24+$0xC2D4];
	v24 =	vadd.f32 v35, v24;
	v25 =	vadd.f32 v41, v25  }
0x1d6: {  	v56 =	vmul.f32 v32, v12;
	v63 =	vld [tilespmem:s24+$0xC310];
	v35 =	vsub.f32 v36, v61;
	v40 =	vsub.f32 v55, v57  }
0x1d7: {  	v58 =	vld [tilespmem:s24+$0x340];
	v27 =	vadd.f32 v28, v27;
	v39 =	vand.u32 $0x7FFFFFFF, v29;
	v25 =	vadd.f32 v44, v25  }
0x1d8: {  	v57 =	vsub.f32 v48, v50;
	v41 =	vld [tilespmem:s24+$0x320];
	v35 =	vand.u32 $0x7FFFFFFF, v35;
	v29 =	vand.u32 $0x7FFFFFFF, v40  }
0x1d9: {  	v31 =	vsub.f32 v55, v60;
	v35 =	vmul.f32 v35, v20;
	v44 =	vld [tilespmem:s24+$0x8320];
	v25 =	vadd.f32 v47, v25  }
0x1da: {  	v32 =	vand.u32 $0x7FFFFFFF, v57;
	v43 =	vmul.f32 v29, v2;
	v36 =	vsub.f32 v38, v54;
	v47 =	vld [tilespmem:s24+$0xC320]  }
0x1db: {  	v31 =	vand.u32 $0x7FFFFFFF, v31;
	v34 =	vsub.f32 v55, v63;
	v63 =	vld [tilespmem:s24+$0xC340];
	v25 =	vadd.f32 v49, v25  }
0x1dc: {  	v37 =	vld [tilespmem:s24+$0x350];
	v62 =	vmul.f32 v32, v4;
	v46 =	vmul.f32 v31, v9;
	v36 =	vand.u32 $0x7FFFFFFF, v36  }
0x1dd: {  	v60 =	vld [tilespmem:s24+$0x4340];
	v34 =	vand.u32 $0x7FFFFFFF, v34;
	v28 =	vsub.f32 v41, v42;
	v25 =	vadd.f32 v53, v25  }
0x1de: {  	v36 =	vmul.f32 v36, v21;
	v49 =	vmul.f32 v34, v16;
	v29 =	vsub.f32 v41, v44;
	v53 =	vld [tilespmem:s24+$0x8330]  }
0x1df: {  	v61 =	vld [tilespmem:s24+$0x8340];
	v28 =	vand.u32 $0x7FFFFFFF, v28;
	v31 =	vsub.f32 v41, v47;
	v25 =	vadd.f32 v56, v25  }
0x1e0: {  	v52 =	vmul.f32 v28, v3;
	v32 =	vsub.f32 v58, v63;
	v29 =	vand.u32 $0x7FFFFFFF, v29;
	v56 =	vld [tilespmem:s24+$0xC330]  }
0x1e1: {  	v51 =	vld [tilespmem:s24+$0x82D4];
	v31 =	vand.u32 $0x7FFFFFFF, v31;
	v25 =	vadd.f32 v26, v25;
	v26 =	vmul.f32 v39, v15  }
0x1e2: {  	v40 =	vld [tilespmem:s24+$0x380];
	v55 =	vmul.f32 v29, v10;
	v59 =	vmul.f32 v31, v17;
	v31 =	vsub.f32 v58, v60  }
0x1e3: {  	v42 =	vld [tilespmem:s24+$0x4380];
	v28 =	vsub.f32 v48, v53;
	v53 =	vand.u32 $0x7FFFFFFF, v32;
	v26 =	vadd.f32 v26, v27  }
0x1e4: {  	v57 =	vld [tilespmem:s24+$0xC390];
	v25 =	vadd.f32 v30, v25;
	v30 =	vsub.f32 v38, v45;
	v31 =	vand.u32 $0x7FFFFFFF, v31  }
0x1e5: {  	v44 =	vld [tilespmem:s24+$0x8380];
	v45 =	vsub.f32 v58, v61;
	v27 =	vmul.f32 v53, v19;
	v29 =	vsub.f32 v48, v56  }
0x1e6: {  	v54 =	vld [tilespmem:s24+$0x8390];
	v28 =	vand.u32 $0x7FFFFFFF, v28;
	v26 =	vadd.f32 v43, v26;
	v25 =	vadd.f32 v33, v25  }
0x1e7: {  	v48 =	vld [tilespmem:s24+$0xC380];
	v30 =	vand.u32 $0x7FFFFFFF, v30;
	v33 =	vsub.f32 v38, v51;
	v41 =	vmul.f32 v28, v11  }
0x1e8: {  	v60 =	vld [tilespmem:s24+$0x3A0];
	v28 =	vsub.f32 v40, v42;
	v30 =	vmul.f32 v30, v7;
	v29 =	vand.u32 $0x7FFFFFFF, v29  }
0x1e9: {  	v26 =	vadd.f32 v46, v26;
	v25 =	vadd.f32 v35, v25;
	v33 =	vand.u32 $0x7FFFFFFF, v33;
	v46 =	vld [tilespmem:s24+$0x4350]  }
0x1ea: {  	v61 =	vld [tilespmem:s24+$0x43A0];
	v43 =	vmul.f32 v29, v18;
	v28 =	vand.u32 $0x7FFFFFFF, v28;
	v29 =	vsub.f32 v40, v44  }
0x1eb: {  	v63 =	vld [tilespmem:s24+$0x83A0];
	v33 =	vmul.f32 v33, v14;
	v28 =	vmul.f32 v28, v1;
	v26 =	vadd.f32 v49, v26  }
0x1ec: {  	v25 =	vadd.f32 v30, v25;
	v49 =	vld [tilespmem:s24+$0x390];
	v29 =	vand.u32 $0x7FFFFFFF, v29;
	v30 =	vsub.f32 v40, v48  }
0x1ed: {  	v51 =	vld [tilespmem:s24+$0x4390];
	v28 =	vadd.f32 $0.0e+00, v28;
	v29 =	vmul.f32 v29, v8;
	v26 =	vadd.f32 v52, v26  }
0x1ee: {  	v47 =	vmul.f32 v31, v5;
	v25 =	vadd.f32 v33, v25;
	v52 =	vld [tilespmem:s24+$0x8350];
	v56 =	vsub.f32 v37, v46  }
0x1ef: {  	v39 =	vld [tilespmem:s24+$0x354];
	v33 =	vand.u32 $0x7FFFFFFF, v45;
	v28 =	vadd.f32 v29, v28;
	v29 =	vsub.f32 v60, v61  }
0x1f0: {  	v53 =	vld [tilespmem:s24+$0x3C0];
	v58 =	vand.u32 $0x7FFFFFFF, v30;
	v26 =	vadd.f32 v55, v26;
	v25 =	vadd.f32 v36, v25  }
0x1f1: {  	v50 =	vmul.f32 v33, v12;
	v55 =	vld [tilespmem:s24+$0xC350];
	v32 =	vsub.f32 v49, v54;
	v35 =	vsub.f32 v49, v57  }
0x1f2: {  	v42 =	vld [tilespmem:s24+$0xC3A0];
	v31 =	vand.u32 $0x7FFFFFFF, v56;
	v26 =	vadd.f32 v59, v26;
	v59 =	vsub.f32 v49, v51  }
0x1f3: {  	v38 =	vld [tilespmem:s24+$0x3D0];
	v29 =	vand.u32 $0x7FFFFFFF, v29;
	v31 =	vmul.f32 v31, v6;
	v34 =	vsub.f32 v37, v52  }
0x1f4: {  	v49 =	vld [tilespmem:s24+$0xC354];
	v35 =	vand.u32 $0x7FFFFFFF, v35;
	v26 =	vadd.f32 v62, v26;
	v30 =	vand.u32 $0x7FFFFFFF, v59  }
0x1f5: {  	v48 =	vld [tilespmem:s24+$0x83B0];
	v32 =	vand.u32 $0x7FFFFFFF, v32;
	v44 =	vmul.f32 v35, v16;
	v62 =	vmul.f32 v30, v2  }
0x1f6: {  	v34 =	vand.u32 $0x7FFFFFFF, v34;
	v36 =	vsub.f32 v37, v55;
	v55 =	vld [tilespmem:s24+$0x43C0];
	v26 =	vadd.f32 v41, v26  }
0x1f7: {  	v45 =	vld [tilespmem:s24+$0x43B0];
	v30 =	vsub.f32 v60, v63;
	v41 =	vmul.f32 v32, v9;
	v32 =	vsub.f32 v60, v42  }
0x1f8: {  	v34 =	vmul.f32 v34, v13;
	v36 =	vand.u32 $0x7FFFFFFF, v36;
	v26 =	vadd.f32 v43, v26;
	v43 =	vld [tilespmem:s24+$0x3B0]  }
0x1f9: {  	v51 =	vld [tilespmem:s24+$0xC3B0];
	v30 =	vand.u32 $0x7FFFFFFF, v30;
	v37 =	vsub.f32 v39, v49;
	v32 =	vand.u32 $0x7FFFFFFF, v32  }
0x1fa: {  	v40 =	vld [tilespmem:s24+$0x4354];
	v36 =	vmul.f32 v36, v20;
	v54 =	vmul.f32 v32, v17;
	v26 =	vadd.f32 v47, v26  }
0x1fb: {  	v42 =	vld [tilespmem:s24+$0x43D0];
	v37 =	vand.u32 $0x7FFFFFFF, v37;
	v47 =	vmul.f32 v29, v3;
	v32 =	vsub.f32 v53, v55  }
0x1fc: {  	v61 =	vld [tilespmem:s24+$0x4400];
	v37 =	vmul.f32 v37, v21;
	v26 =	vadd.f32 v50, v26;
	v50 =	vmul.f32 v30, v10  }
0x1fd: {  	v59 =	vld [tilespmem:s24+$0x400];
	v32 =	vand.u32 $0x7FFFFFFF, v32;
	v52 =	vsub.f32 v43, v45;
	v29 =	vsub.f32 v43, v48  }
0x1fe: {  	v46 =	vld [tilespmem:s24+$0x8354];
	v30 =	vsub.f32 v43, v51;
	v26 =	vadd.f32 v27, v26;
	v27 =	vmul.f32 v58, v15  }
0x1ff: {  	v63 =	vld [tilespmem:s24+$0x8400];
	v43 =	vmul.f32 v32, v5;
	v33 =	vand.u32 $0x7FFFFFFF, v52;
	v29 =	vand.u32 $0x7FFFFFFF, v29  }
0x200: {  	v48 =	vld [tilespmem:s24+$0x83D0];
	v30 =	vand.u32 $0x7FFFFFFF, v30;
	v52 =	vsub.f32 v38, v42;
	v27 =	vadd.f32 v27, v28  }
0x201: {  	v58 =	vld [tilespmem:s24+$0xC3C0];
	v26 =	vadd.f32 v31, v26;
	v31 =	vsub.f32 v39, v40;
	v57 =	vmul.f32 v33, v4  }
0x202: {  	v60 =	vmul.f32 v29, v11;
	v29 =	vsub.f32 v59, v61;
	v32 =	vand.u32 $0x7FFFFFFF, v52  }
0x203: {  	v56 =	vld [tilespmem:s24+$0x83C0];
	v27 =	vadd.f32 v62, v27;
	v26 =	vadd.f32 v34, v26;
	v31 =	vand.u32 $0x7FFFFFFF, v31  }
0x204: {  	v45 =	vld [tilespmem:s24+$0x410];
	v34 =	vsub.f32 v39, v46;
	v62 =	vmul.f32 v30, v18;
	v29 =	vand.u32 $0x7FFFFFFF, v29  }
0x205: {  	v51 =	vld [tilespmem:s24+$0xC3D0];
	v30 =	vsub.f32 v59, v63;
	v32 =	vmul.f32 v32, v6;
	v27 =	vadd.f32 v41, v27  }
0x206: {  	v42 =	vld [tilespmem:s24+$0x4430];
	v35 =	vsub.f32 v38, v48;
	v31 =	vmul.f32 v31, v7;
	v33 =	vsub.f32 v53, v58  }
0x207: {  	v63 =	vld [tilespmem:s24+$0x430];
	v29 =	vmul.f32 v29, v1;
	v26 =	vadd.f32 v36, v26;
	v27 =	vadd.f32 v44, v27  }
0x208: {  	v34 =	vand.u32 $0x7FFFFFFF, v34;
	v41 =	vsub.f32 v53, v56;
	v30 =	vand.u32 $0x7FFFFFFF, v30;
	v44 =	vld [tilespmem:s24+$0xC400]  }
0x209: {  	v53 =	vld [tilespmem:s24+$0xC410];
	v35 =	vand.u32 $0x7FFFFFFF, v35;
	v34 =	vmul.f32 v34, v14;
	v27 =	vadd.f32 v47, v27  }
0x20a: {  	v49 =	vand.u32 $0x7FFFFFFF, v33;
	v29 =	vadd.f32 $0.0e+00, v29;
	v26 =	vadd.f32 v31, v26;
	v47 =	vld [tilespmem:s24+$0x4410]  }
0x20b: {  	v56 =	vld [tilespmem:s24+$0x420];
	v30 =	vmul.f32 v30, v8;
	v35 =	vmul.f32 v35, v13;
	v27 =	vadd.f32 v50, v27  }
0x20c: {  	v28 =	vmul.f32 v49, v19;
	v49 =	vsub.f32 v63, v42;
	v26 =	vadd.f32 v34, v26;
	v50 =	vld [tilespmem:s24+$0x8410]  }
0x20d: {  	v34 =	vand.u32 $0x7FFFFFFF, v41;
	v31 =	vsub.f32 v59, v44;
	v59 =	vld [tilespmem:s24+$0x8420];
	v27 =	vadd.f32 v54, v27  }
0x20e: {  	v48 =	vld [tilespmem:s24+$0xC430];
	v29 =	vadd.f32 v30, v29;
	v46 =	vmul.f32 v34, v12;
	v36 =	vsub.f32 v45, v53  }
0x20f: {  	v34 =	vand.u32 $0x7FFFFFFF, v49;
	v55 =	vsub.f32 v45, v47;
	v27 =	vadd.f32 v57, v27;
	v57 =	vld [tilespmem:s24+$0x4420]  }
0x210: {  	v39 =	vld [tilespmem:s24+$0x450];
	v26 =	vadd.f32 v37, v26;
	v37 =	vsub.f32 v38, v51;
	v54 =	vand.u32 $0x7FFFFFFF, v31  }
0x211: {  	v31 =	vand.u32 $0x7FFFFFFF, v55;
	v33 =	vsub.f32 v45, v50;
	v45 =	vld [tilespmem:s24+$0x8430];
	v27 =	vadd.f32 v60, v27  }
0x212: {  	v36 =	vand.u32 $0x7FFFFFFF, v36;
	v50 =	vld [tilespmem:s24+$0x440];
	v58 =	vmul.f32 v31, v2;
	v31 =	vsub.f32 v56, v59  }
0x213: {  	v41 =	vmul.f32 v36, v16;
	v37 =	vand.u32 $0x7FFFFFFF, v37;
	v27 =	vadd.f32 v62, v27;
	v62 =	vld [tilespmem:s24+$0xC420]  }
0x214: {  	v55 =	vld [tilespmem:s24+$0xC440];
	v33 =	vand.u32 $0x7FFFFFFF, v33;
	v31 =	vand.u32 $0x7FFFFFFF, v31;
	v30 =	vsub.f32 v56, v57  }
0x215: {  	v47 =	vmul.f32 v31, v10;
	v31 =	vsub.f32 v63, v48;
	v48 =	vld [tilespmem:s24+$0x8450];
	v27 =	vadd.f32 v43, v27  }
0x216: {  	v40 =	vld [tilespmem:s24+$0x3D4];
	v37 =	vmul.f32 v37, v20;
	v61 =	vmul.f32 v33, v9;
	v30 =	vand.u32 $0x7FFFFFFF, v30  }
0x217: {  	v60 =	vld [tilespmem:s24+$0x43D4];
	v31 =	vand.u32 $0x7FFFFFFF, v31;
	v27 =	vadd.f32 v46, v27;
	v44 =	vmul.f32 v30, v3  }
0x218: {  	v52 =	vld [tilespmem:s24+$0x4440];
	v30 =	vsub.f32 v63, v45;
	v59 =	vmul.f32 v31, v18;
	v33 =	vsub.f32 v56, v62  }
0x219: {  	v46 =	vld [tilespmem:s24+$0xC3D4];
	v27 =	vadd.f32 v28, v27;
	v28 =	vmul.f32 v54, v15;
	v54 =	vmul.f32 v34, v4  }
0x21a: {  	v53 =	vld [tilespmem:s24+$0x8440];
	v30 =	vand.u32 $0x7FFFFFFF, v30;
	v34 =	vsub.f32 v50, v55;
	v36 =	vsub.f32 v39, v48  }
0x21b: {  	v43 =	vld [tilespmem:s24+$0x83D4];
	v33 =	vand.u32 $0x7FFFFFFF, v33;
	v57 =	vmul.f32 v30, v11;
	v28 =	vadd.f32 v28, v29  }
0x21c: {  	v62 =	vld [tilespmem:s24+$0x4450];
	v27 =	vadd.f32 v32, v27;
	v32 =	vsub.f32 v40, v60;
	v51 =	vmul.f32 v33, v17  }
0x21d: {  	v45 =	vld [tilespmem:s24+$0x490];
	v33 =	vsub.f32 v50, v52;
	v49 =	vand.u32 $0x7FFFFFFF, v34;
	v28 =	vadd.f32 v58, v28  }
0x21e: {  	v56 =	vld [tilespmem:s24+$0x480];
	v36 =	vand.u32 $0x7FFFFFFF, v36;
	v38 =	vsub.f32 v40, v46;
	v29 =	vmul.f32 v49, v19  }
0x21f: {  	v60 =	vld [tilespmem:s24+$0x8480];
	v36 =	vmul.f32 v36, v13;
	v27 =	vadd.f32 v35, v27;
	v28 =	vadd.f32 v61, v28  }
0x220: {  	v49 =	vld [tilespmem:s24+$0xC454];
	v32 =	vand.u32 $0x7FFFFFFF, v32;
	v35 =	vsub.f32 v40, v43;
	v33 =	vand.u32 $0x7FFFFFFF, v33  }
0x221: {  	v58 =	vld [tilespmem:s24+$0x4480];
	v52 =	vsub.f32 v39, v62;
	v32 =	vmul.f32 v32, v7;
	v28 =	vadd.f32 v41, v28  }
0x222: {  	v62 =	vld [tilespmem:s24+$0xC4A0];
	v38 =	vand.u32 $0x7FFFFFFF, v38;
	v63 =	vmul.f32 v33, v5;
	v27 =	vadd.f32 v37, v27  }
0x223: {  	v35 =	vand.u32 $0x7FFFFFFF, v35;
	v61 =	vsub.f32 v50, v53;
	v53 =	vld [tilespmem:s24+$0xC490];
	v28 =	vadd.f32 v44, v28  }
0x224: {  	v38 =	vmul.f32 v38, v21;
	v50 =	vld [tilespmem:s24+$0x8490];
	v33 =	vand.u32 $0x7FFFFFFF, v52;
	v31 =	vsub.f32 v56, v60  }
0x225: {  	v35 =	vmul.f32 v35, v14;
	v27 =	vadd.f32 v32, v27;
	v44 =	vld [tilespmem:s24+$0xC480];
	v28 =	vadd.f32 v47, v28  }
0x226: {  	v33 =	vmul.f32 v33, v6;
	v30 =	vsub.f32 v56, v58;
	v31 =	vand.u32 $0x7FFFFFFF, v31;
	v47 =	vld [tilespmem:s24+$0x4490]  }
0x227: {  	v41 =	vld [tilespmem:s24+$0x454];
	v27 =	vadd.f32 v35, v27;
	v35 =	vand.u32 $0x7FFFFFFF, v61;
	v28 =	vadd.f32 v51, v28  }
0x228: {  	v31 =	vmul.f32 v31, v8;
	v46 =	vmul.f32 v35, v12;
	v37 =	vsub.f32 v45, v53;
	v53 =	vld [tilespmem:s24+$0x4C0]  }
0x229: {  	v30 =	vand.u32 $0x7FFFFFFF, v30;
	v34 =	vsub.f32 v45, v50;
	v51 =	vld [tilespmem:s24+$0xC450];
	v28 =	vadd.f32 v54, v28  }
0x22a: {  	v27 =	vadd.f32 v38, v27;
	v30 =	vmul.f32 v30, v1;
	v32 =	vsub.f32 v56, v44;
	v56 =	vld [tilespmem:s24+$0x4A0]  }
0x22b: {  	v34 =	vand.u32 $0x7FFFFFFF, v34;
	v55 =	vsub.f32 v45, v47;
	v28 =	vadd.f32 v57, v28;
	v57 =	vld [tilespmem:s24+$0x44A0]  }
0x22c: {  	v37 =	vand.u32 $0x7FFFFFFF, v37;
	v30 =	vadd.f32 $0.0e+00, v30;
	v61 =	vmul.f32 v34, v9;
	v45 =	vld [tilespmem:s24+$0x44B0]  }
0x22d: {  	v54 =	vand.u32 $0x7FFFFFFF, v32;
	v32 =	vand.u32 $0x7FFFFFFF, v55;
	v55 =	vld [tilespmem:s24+$0x44C0];
	v28 =	vadd.f32 v59, v28  }
0x22e: {  	v44 =	vmul.f32 v37, v16;
	v30 =	vadd.f32 v31, v30;
	v38 =	vsub.f32 v39, v51;
	v59 =	vld [tilespmem:s24+$0x84A0]  }
0x22f: {  	v39 =	vsub.f32 v41, v49;
	v58 =	vmul.f32 v32, v2;
	v28 =	vadd.f32 v63, v28;
	v63 =	vld [tilespmem:s24+$0x4B0]  }
0x230: {  	v48 =	vld [tilespmem:s24+$0x84B0];
	v34 =	vsub.f32 v56, v62;
	v38 =	vand.u32 $0x7FFFFFFF, v38;
	v31 =	vsub.f32 v56, v57  }
0x231: {  	v60 =	vld [tilespmem:s24+$0x4454];
	v39 =	vand.u32 $0x7FFFFFFF, v39;
	v38 =	vmul.f32 v38, v20;
	v28 =	vadd.f32 v46, v28  }
0x232: {  	v51 =	vld [tilespmem:s24+$0xC4B0];
	v34 =	vand.u32 $0x7FFFFFFF, v34;
	v39 =	vmul.f32 v39, v21;
	v31 =	vand.u32 $0x7FFFFFFF, v31  }
0x233: {  	v42 =	vld [tilespmem:s24+$0x4D4];
	v32 =	vsub.f32 v56, v59;
	v28 =	vadd.f32 v29, v28;
	v29 =	vmul.f32 v54, v15  }
0x234: {  	v46 =	vld [tilespmem:s24+$0x8454];
	v54 =	vmul.f32 v34, v17;
	v34 =	vsub.f32 v53, v55;
	v52 =	vsub.f32 v63, v45  }
0x235: {  	v40 =	vld [tilespmem:s24+$0x4D0];
	v47 =	vmul.f32 v31, v3;
	v31 =	vsub.f32 v63, v48;
	v29 =	vadd.f32 v29, v30  }
0x236: {  	v59 =	vld [tilespmem:s24+$0x500];
	v32 =	vand.u32 $0x7FFFFFFF, v32;
	v28 =	vadd.f32 v33, v28;
	v33 =	vsub.f32 v41, v60  }
0x237: {  	v45 =	vld [tilespmem:s24+$0x44D0];
	v50 =	vmul.f32 v32, v10;
	v32 =	vsub.f32 v63, v51;
	v34 =	vand.u32 $0x7FFFFFFF, v34  }
0x238: {  	v63 =	vld [tilespmem:s24+$0x8500];
	v35 =	vand.u32 $0x7FFFFFFF, v52;
	v31 =	vand.u32 $0x7FFFFFFF, v31;
	v29 =	vadd.f32 v58, v29  }
0x239: {  	v51 =	vld [tilespmem:s24+$0x84D0];
	v28 =	vadd.f32 v36, v28;
	v33 =	vand.u32 $0x7FFFFFFF, v33;
	v36 =	vsub.f32 v41, v46  }
0x23a: {  	v56 =	vld [tilespmem:s24+$0x84C0];
	v57 =	vmul.f32 v35, v4;
	v60 =	vmul.f32 v31, v11;
	v32 =	vand.u32 $0x7FFFFFFF, v32  }
0x23b: {  	v58 =	vld [tilespmem:s24+$0xC4C0];
	v46 =	vmul.f32 v34, v5;
	v33 =	vmul.f32 v33, v7;
	v29 =	vadd.f32 v61, v29  }
0x23c: {  	v48 =	vld [tilespmem:s24+$0x510];
	v62 =	vmul.f32 v32, v18;
	v28 =	vadd.f32 v38, v28;
	v55 =	vsub.f32 v40, v45  }
0x23d: {  	v36 =	vand.u32 $0x7FFFFFFF, v36;
	v61 =	vld [tilespmem:s24+$0x4500];
	v32 =	vsub.f32 v59, v63;
	v29 =	vadd.f32 v44, v29  }
0x23e: {  	v45 =	vld [tilespmem:s24+$0xC520];
	v36 =	vmul.f32 v36, v14;
	v37 =	vsub.f32 v40, v51;
	v28 =	vadd.f32 v33, v28  }
0x23f: {  	v51 =	vld [tilespmem:s24+$0x8530];
	v44 =	vsub.f32 v53, v56;
	v34 =	vand.u32 $0x7FFFFFFF, v55;
	v29 =	vadd.f32 v47, v29  }
0x240: {  	v56 =	vld [tilespmem:s24+$0xC510];
	v35 =	vsub.f32 v53, v58;
	v32 =	vand.u32 $0x7FFFFFFF, v32;
	v34 =	vmul.f32 v34, v6  }
0x241: {  	v53 =	vld [tilespmem:s24+$0x8510];
	v37 =	vand.u32 $0x7FFFFFFF, v37;
	v28 =	vadd.f32 v36, v28;
	v29 =	vadd.f32 v50, v29  }
0x242: {  	v47 =	vld [tilespmem:s24+$0xC500];
	v36 =	vand.u32 $0x7FFFFFFF, v44;
	v32 =	vmul.f32 v32, v8;
	v37 =	vmul.f32 v37, v13  }
0x243: {  	v31 =	vsub.f32 v59, v61;
	v52 =	vand.u32 $0x7FFFFFFF, v35;
	v50 =	vld [tilespmem:s24+$0x4510];
	v29 =	vadd.f32 v54, v29  }
0x244: {  	v49 =	vmul.f32 v36, v12;
	v30 =	vmul.f32 v52, v19;
	v52 =	vld [tilespmem:s24+$0xC4D4]  }
0x245: {  	v31 =	vand.u32 $0x7FFFFFFF, v31;
	v38 =	vsub.f32 v48, v56;
	v54 =	vld [tilespmem:s24+$0xC4D0];
	v29 =	vadd.f32 v57, v29  }
0x246: {  	v28 =	vadd.f32 v39, v28;
	v56 =	vld [tilespmem:s24+$0x540];
	v31 =	vmul.f32 v31, v1;
	v35 =	vsub.f32 v48, v53  }
0x247: {  	v33 =	vsub.f32 v59, v47;
	v59 =	vld [tilespmem:s24+$0x520];
	v38 =	vand.u32 $0x7FFFFFFF, v38;
	v29 =	vadd.f32 v60, v29  }
0x248: {  	v31 =	vadd.f32 $0.0e+00, v31;
	v35 =	vand.u32 $0x7FFFFFFF, v35;
	v47 =	vmul.f32 v38, v16;
	v60 =	vld [tilespmem:s24+$0x4520]  }
0x249: {  	v57 =	vand.u32 $0x7FFFFFFF, v33;
	v58 =	vsub.f32 v48, v50;
	v48 =	vld [tilespmem:s24+$0x4530];
	v29 =	vadd.f32 v62, v29  }
0x24a: {  	v44 =	vmul.f32 v35, v9;
	v31 =	vadd.f32 v32, v31;
	v39 =	vsub.f32 v40, v54;
	v62 =	vld [tilespmem:s24+$0x8520]  }
0x24b: {  	v33 =	vand.u32 $0x7FFFFFFF, v58;
	v58 =	vld [tilespmem:s24+$0x4540];
	v40 =	vsub.f32 v42, v52;
	v29 =	vadd.f32 v46, v29  }
0x24c: {  	v61 =	vmul.f32 v33, v2;
	v35 =	vsub.f32 v59, v45;
	v39 =	vand.u32 $0x7FFFFFFF, v39;
	v46 =	vld [tilespmem:s24+$0x530]  }
0x24d: {  	v63 =	vld [tilespmem:s24+$0x44D4];
	v40 =	vand.u32 $0x7FFFFFFF, v40;
	v32 =	vsub.f32 v59, v60;
	v29 =	vadd.f32 v49, v29  }
0x24e: {  	v54 =	vld [tilespmem:s24+$0xC530];
	v39 =	vmul.f32 v39, v20;
	v35 =	vand.u32 $0x7FFFFFFF, v35;
	v40 =	vmul.f32 v40, v21  }
0x24f: {  	v32 =	vand.u32 $0x7FFFFFFF, v32;
	v33 =	vsub.f32 v59, v62;
	v29 =	vadd.f32 v30, v29  }
0x250: {  	v41 =	vld [tilespmem:s24+$0x550];
	v30 =	vmul.f32 v57, v15;
	v57 =	vmul.f32 v35, v17;
	v35 =	vsub.f32 v56, v58  }
0x251: {  	v49 =	vld [tilespmem:s24+$0x84D4];
	v50 =	vmul.f32 v32, v3;
	v55 =	vsub.f32 v46, v48;
	v32 =	vsub.f32 v46, v51  }
0x252: {  	v62 =	vld [tilespmem:s24+$0x580];
	v33 =	vand.u32 $0x7FFFFFFF, v33;
	v30 =	vadd.f32 v30, v31;
	v29 =	vadd.f32 v34, v29  }
0x253: {  	v48 =	vld [tilespmem:s24+$0x4550];
	v34 =	vsub.f32 v42, v63;
	v53 =	vmul.f32 v33, v10;
	v33 =	vsub.f32 v46, v54  }
0x254: {  	v46 =	vld [tilespmem:s24+$0x8580];
	v35 =	vand.u32 $0x7FFFFFFF, v35;
	v36 =	vand.u32 $0x7FFFFFFF, v55;
	v32 =	vand.u32 $0x7FFFFFFF, v32  }
0x255: {  	v54 =	vld [tilespmem:s24+$0x8550];
	v30 =	vadd.f32 v61, v30;
	v29 =	vadd.f32 v37, v29;
	v34 =	vand.u32 $0x7FFFFFFF, v34  }
0x256: {  	v59 =	vld [tilespmem:s24+$0x8540];
	v37 =	vsub.f32 v42, v49;
	v60 =	vmul.f32 v36, v4;
	v63 =	vmul.f32 v32, v11  }
0x257: {  	v61 =	vld [tilespmem:s24+$0xC540];
	v33 =	vand.u32 $0x7FFFFFFF, v33;
	v49 =	vmul.f32 v35, v5;
	v34 =	vmul.f32 v34, v7  }
0x258: {  	v43 =	vld [tilespmem:s24+$0x554];
	v45 =	vmul.f32 v33, v18;
	v30 =	vadd.f32 v44, v30;
	v29 =	vadd.f32 v39, v29  }
0x259: {  	v37 =	vand.u32 $0x7FFFFFFF, v37;
	v44 =	vld [tilespmem:s24+$0x4580];
	v58 =	vsub.f32 v41, v48;
	v33 =	vsub.f32 v62, v46  }
0x25a: {  	v51 =	vld [tilespmem:s24+$0x590];
	v37 =	vmul.f32 v37, v14;
	v38 =	vsub.f32 v41, v54;
	v30 =	vadd.f32 v47, v30  }
0x25b: {  	v29 =	vadd.f32 v34, v29;
	v47 =	vsub.f32 v56, v59;
	v59 =	vld [tilespmem:s24+$0xC590];
	v35 =	vand.u32 $0x7FFFFFFF, v58  }
0x25c: {  	v36 =	vsub.f32 v56, v61;
	v56 =	vld [tilespmem:s24+$0x8590];
	v33 =	vand.u32 $0x7FFFFFFF, v33;
	v30 =	vadd.f32 v50, v30  }
0x25d: {  	v35 =	vmul.f32 v35, v6;
	v38 =	vand.u32 $0x7FFFFFFF, v38;
	v29 =	vadd.f32 v37, v29;
	v50 =	vld [tilespmem:s24+$0xC580]  }
0x25e: {  	v46 =	vld [tilespmem:s24+$0x85A0];
	v37 =	vand.u32 $0x7FFFFFFF, v47;
	v32 =	vsub.f32 v62, v44;
	v30 =	vadd.f32 v53, v30  }
0x25f: {  	v33 =	vmul.f32 v33, v8;
	v38 =	vmul.f32 v38, v13;
	v55 =	vand.u32 $0x7FFFFFFF, v36;
	v53 =	vld [tilespmem:s24+$0x4590]  }
0x260: {  	v29 =	vadd.f32 v40, v29;
	v32 =	vand.u32 $0x7FFFFFFF, v32;
	v30 =	vadd.f32 v57, v30;
	v57 =	vld [tilespmem:s24+$0xC550]  }
0x261: {  	v39 =	vsub.f32 v51, v59;
	v32 =	vmul.f32 v32, v1;
	v36 =	vsub.f32 v51, v56;
	v56 =	vld [tilespmem:s24+$0xC554]  }
0x262: {  	v52 =	vmul.f32 v37, v12;
	v34 =	vsub.f32 v62, v50;
	v62 =	vld [tilespmem:s24+$0x5A0];
	v30 =	vadd.f32 v60, v30  }
0x263: {  	v58 =	vld [tilespmem:s24+$0xC5B0];
	v31 =	vmul.f32 v55, v19;
	v39 =	vand.u32 $0x7FFFFFFF, v39;
	v32 =	vadd.f32 $0.0e+00, v32  }
0x264: {  	v36 =	vand.u32 $0x7FFFFFFF, v36;
	v61 =	vsub.f32 v51, v53;
	v30 =	vadd.f32 v63, v30;
	v63 =	vld [tilespmem:s24+$0x45A0]  }
0x265: {  	v50 =	vld [tilespmem:s24+$0x5B0];
	v60 =	vand.u32 $0x7FFFFFFF, v34;
	v48 =	vmul.f32 v36, v9;
	v51 =	vmul.f32 v39, v16  }
0x266: {  	v42 =	vld [tilespmem:s24+$0x5D0];
	v34 =	vand.u32 $0x7FFFFFFF, v61;
	v40 =	vsub.f32 v41, v57;
	v30 =	vadd.f32 v45, v30  }
0x267: {  	v47 =	vld [tilespmem:s24+$0x4554];
	v41 =	vsub.f32 v43, v56;
	v45 =	vmul.f32 v34, v2;
	v34 =	vsub.f32 v62, v46  }
0x268: {  	v55 =	vld [tilespmem:s24+$0x85B0];
	v32 =	vadd.f32 v33, v32;
	v40 =	vand.u32 $0x7FFFFFFF, v40;
	v30 =	vadd.f32 v49, v30  }
0x269: {  	v41 =	vand.u32 $0x7FFFFFFF, v41;
	v49 =	vld [tilespmem:s24+$0xC5A0];
	v34 =	vand.u32 $0x7FFFFFFF, v34;
	v33 =	vsub.f32 v62, v63  }
0x26a: {  	v57 =	vmul.f32 v34, v10;
	v34 =	vsub.f32 v50, v58;
	v58 =	vld [tilespmem:s24+$0x85D0];
	v30 =	vadd.f32 v52, v30  }
0x26b: {  	v40 =	vmul.f32 v40, v20;
	v41 =	vmul.f32 v41, v21;
	v52 =	vld [tilespmem:s24+$0x45B0]  }
0x26c: {  	v53 =	vld [tilespmem:s24+$0x8554];
	v33 =	vand.u32 $0x7FFFFFFF, v33;
	v30 =	vadd.f32 v31, v30;
	v31 =	vmul.f32 v60, v15  }
0x26d: {  	v46 =	vld [tilespmem:s24+$0x600];
	v34 =	vand.u32 $0x7FFFFFFF, v34;
	v54 =	vmul.f32 v33, v3;
	v33 =	vsub.f32 v50, v55  }
0x26e: {  	v63 =	vld [tilespmem:s24+$0x85C0];
	v36 =	vsub.f32 v62, v49;
	v49 =	vmul.f32 v34, v18;
	v31 =	vadd.f32 v31, v32  }
0x26f: {  	v60 =	vld [tilespmem:s24+$0x5C0];
	v30 =	vadd.f32 v35, v30;
	v35 =	vsub.f32 v43, v47;
	v33 =	vand.u32 $0x7FFFFFFF, v33  }
0x270: {  	v62 =	vld [tilespmem:s24+$0x45C0];
	v39 =	vsub.f32 v42, v58;
	v36 =	vand.u32 $0x7FFFFFFF, v36;
	v59 =	vsub.f32 v50, v52  }
0x271: {  	v47 =	vmul.f32 v33, v11;
	v50 =	vld [tilespmem:s24+$0x8600];
	v31 =	vadd.f32 v45, v31;
	v30 =	vadd.f32 v38, v30  }
0x272: {  	v52 =	vld [tilespmem:s24+$0x45D0];
	v35 =	vand.u32 $0x7FFFFFFF, v35;
	v61 =	vmul.f32 v36, v17;
	v38 =	vsub.f32 v43, v53  }
0x273: {  	v45 =	vld [tilespmem:s24+$0xC5C0];
	v39 =	vand.u32 $0x7FFFFFFF, v39;
	v35 =	vmul.f32 v35, v7;
	v31 =	vadd.f32 v48, v31  }
0x274: {  	v37 =	vand.u32 $0x7FFFFFFF, v59;
	v39 =	vmul.f32 v39, v13;
	v30 =	vadd.f32 v40, v30;
	v48 =	vld [tilespmem:s24+$0x4600]  }
0x275: {  	v55 =	vld [tilespmem:s24+$0x610];
	v44 =	vmul.f32 v37, v4;
	v36 =	vsub.f32 v60, v62;
	v31 =	vadd.f32 v51, v31  }
0x276: {  	v38 =	vand.u32 $0x7FFFFFFF, v38;
	v30 =	vadd.f32 v35, v30;
	v51 =	vsub.f32 v60, v63;
	v63 =	vld [tilespmem:s24+$0xC610]  }
0x277: {  	v38 =	vmul.f32 v38, v14;
	v34 =	vsub.f32 v46, v50;
	v50 =	vld [tilespmem:s24+$0x620];
	v31 =	vadd.f32 v54, v31  }
0x278: {  	v36 =	vand.u32 $0x7FFFFFFF, v36;
	v62 =	vsub.f32 v42, v52;
	v37 =	vsub.f32 v60, v45;
	v60 =	vld [tilespmem:s24+$0x8610]  }
0x279: {  	v53 =	vmul.f32 v36, v5;
	v54 =	vld [tilespmem:s24+$0xC600];
	v33 =	vsub.f32 v46, v48;
	v31 =	vadd.f32 v57, v31  }
0x27a: {  	v30 =	vadd.f32 v38, v30;
	v38 =	vand.u32 $0x7FFFFFFF, v51;
	v34 =	vand.u32 $0x7FFFFFFF, v34;
	v51 =	vld [tilespmem:s24+$0x4620]  }
0x27b: {  	v36 =	vand.u32 $0x7FFFFFFF, v62;
	v62 =	vld [tilespmem:s24+$0x8630];
	v33 =	vand.u32 $0x7FFFFFFF, v33;
	v31 =	vadd.f32 v61, v31  }
0x27c: {  	v56 =	vmul.f32 v38, v12;
	v59 =	vand.u32 $0x7FFFFFFF, v37;
	v57 =	vld [tilespmem:s24+$0x4610];
	v33 =	vmul.f32 v33, v1  }
0x27d: {  	v34 =	vmul.f32 v34, v8;
	v30 =	vadd.f32 v41, v30;
	v61 =	vld [tilespmem:s24+$0xC5D0];
	v31 =	vadd.f32 v44, v31  }
0x27e: {  	v36 =	vmul.f32 v36, v6;
	v40 =	vsub.f32 v55, v63;
	v63 =	vld [tilespmem:s24+$0xC5D4];
	v33 =	vadd.f32 $0.0e+00, v33  }
0x27f: {  	v32 =	vmul.f32 v59, v19;
	v37 =	vsub.f32 v55, v60;
	v44 =	vld [tilespmem:s24+$0x5D4];
	v31 =	vadd.f32 v47, v31  }
0x280: {  	v59 =	vld [tilespmem:s24+$0x4630];
	v35 =	vsub.f32 v46, v54;
	v40 =	vand.u32 $0x7FFFFFFF, v40;
	v33 =	vadd.f32 v34, v33  }
0x281: {  	v60 =	vld [tilespmem:s24+$0x85D4];
	v37 =	vand.u32 $0x7FFFFFFF, v37;
	v34 =	vsub.f32 v50, v51;
	v31 =	vadd.f32 v49, v31  }
0x282: {  	v58 =	vmul.f32 v40, v16;
	v41 =	vsub.f32 v42, v61;
	v49 =	vsub.f32 v55, v57;
	v57 =	vld [tilespmem:s24+$0x630]  }
0x283: {  	v48 =	vand.u32 $0x7FFFFFFF, v35;
	v55 =	vmul.f32 v37, v9;
	v31 =	vadd.f32 v53, v31;
	v53 =	vld [tilespmem:s24+$0x8620]  }
0x284: {  	v54 =	vld [tilespmem:s24+$0x45D4];
	v34 =	vand.u32 $0x7FFFFFFF, v34;
	v41 =	vand.u32 $0x7FFFFFFF, v41;
	v42 =	vsub.f32 v44, v63  }
0x285: {  	v61 =	vmul.f32 v34, v3;
	v35 =	vand.u32 $0x7FFFFFFF, v49;
	v31 =	vadd.f32 v56, v31;
	v56 =	vld [tilespmem:s24+$0xC620]  }
0x286: {  	v46 =	vld [tilespmem:s24+$0xC630];
	v41 =	vmul.f32 v41, v20;
	v52 =	vmul.f32 v35, v2;
	v42 =	vand.u32 $0x7FFFFFFF, v42  }
0x287: {  	v51 =	vld [tilespmem:s24+$0x8640];
	v47 =	vsub.f32 v57, v59;
	v31 =	vadd.f32 v32, v31;
	v32 =	vmul.f32 v48, v15  }
0x288: {  	v42 =	vmul.f32 v42, v21;
	v34 =	vsub.f32 v57, v62;
	v62 =	vld [tilespmem:s24+$0xC680];
	v35 =	vsub.f32 v50, v53  }
0x289: {  	v48 =	vld [tilespmem:s24+$0x640];
	v38 =	vand.u32 $0x7FFFFFFF, v47;
	v32 =	vadd.f32 v32, v33;
	v31 =	vadd.f32 v36, v31  }
0x28a: {  	v53 =	vld [tilespmem:s24+$0xC640];
	v34 =	vand.u32 $0x7FFFFFFF, v34;
	v36 =	vsub.f32 v44, v54;
	v37 =	vsub.f32 v50, v56  }
0x28b: {  	v54 =	vld [tilespmem:s24+$0x680];
	v35 =	vand.u32 $0x7FFFFFFF, v35;
	v32 =	vadd.f32 v52, v32;
	v31 =	vadd.f32 v39, v31  }
0x28c: {  	v50 =	vld [tilespmem:s24+$0x4640];
	v45 =	vmul.f32 v35, v10;
	v36 =	vand.u32 $0x7FFFFFFF, v36;
	v39 =	vsub.f32 v44, v60  }
0x28d: {  	v56 =	vld [tilespmem:s24+$0x4680];
	v52 =	vmul.f32 v38, v4;
	v35 =	vsub.f32 v57, v46;
	v37 =	vand.u32 $0x7FFFFFFF, v37  }
0x28e: {  	v43 =	vld [tilespmem:s24+$0x650];
	v36 =	vmul.f32 v36, v7;
	v59 =	vsub.f32 v48, v51;
	v32 =	vadd.f32 v55, v32  }
0x28f: {  	v63 =	vld [tilespmem:s24+$0x690];
	v31 =	vadd.f32 v41, v31;
	v49 =	vmul.f32 v37, v17;
	v39 =	vand.u32 $0x7FFFFFFF, v39  }
0x290: {  	v55 =	vmul.f32 v34, v11;
	v38 =	vsub.f32 v48, v53;
	v53 =	vld [tilespmem:s24+$0xC690];
	v32 =	vadd.f32 v58, v32  }
0x291: {  	v51 =	vld [tilespmem:s24+$0xC650];
	v39 =	vmul.f32 v39, v14;
	v31 =	vadd.f32 v36, v31;
	v37 =	vsub.f32 v48, v50  }
0x292: {  	v35 =	vand.u32 $0x7FFFFFFF, v35;
	v58 =	vld [tilespmem:s24+$0x8680];
	v34 =	vsub.f32 v54, v56;
	v36 =	vsub.f32 v54, v62  }
0x293: {  	v57 =	vmul.f32 v35, v18;
	v48 =	vld [tilespmem:s24+$0x8650];
	v32 =	vadd.f32 v61, v32;
	v31 =	vadd.f32 v39, v31  }
0x294: {  	v47 =	vld [tilespmem:s24+$0x4690];
	v37 =	vand.u32 $0x7FFFFFFF, v37;
	v39 =	vand.u32 $0x7FFFFFFF, v59;
	v34 =	vand.u32 $0x7FFFFFFF, v34  }
0x295: {  	v50 =	vld [tilespmem:s24+$0x8690];
	v61 =	vmul.f32 v37, v5;
	v41 =	vsub.f32 v63, v53;
	v32 =	vadd.f32 v45, v32  }
0x296: {  	v60 =	vld [tilespmem:s24+$0x4650];
	v34 =	vmul.f32 v34, v1;
	v31 =	vadd.f32 v42, v31;
	v42 =	vsub.f32 v43, v51  }
0x297: {  	v44 =	vld [tilespmem:s24+$0x6D0];
	v46 =	vmul.f32 v39, v12;
	v35 =	vsub.f32 v54, v58;
	v32 =	vadd.f32 v49, v32  }
0x298: {  	v53 =	vld [tilespmem:s24+$0xC654];
	v34 =	vadd.f32 $0.0e+00, v34;
	v54 =	vand.u32 $0x7FFFFFFF, v36;
	v40 =	vsub.f32 v43, v48  }
0x299: {  	v45 =	vld [tilespmem:s24+$0x654];
	v41 =	vand.u32 $0x7FFFFFFF, v41;
	v49 =	vand.u32 $0x7FFFFFFF, v38;
	v32 =	vadd.f32 v52, v32  }
0x29a: {  	v56 =	vld [tilespmem:s24+$0x6A0];
	v38 =	vsub.f32 v63, v50;
	v48 =	vmul.f32 v41, v16;
	v42 =	vand.u32 $0x7FFFFFFF, v42  }
0x29b: {  	v62 =	vld [tilespmem:s24+$0xC6A0];
	v33 =	vmul.f32 v49, v19;
	v35 =	vand.u32 $0x7FFFFFFF, v35;
	v32 =	vadd.f32 v55, v32  }
0x29c: {  	v59 =	vld [tilespmem:s24+$0x86A0];
	v40 =	vand.u32 $0x7FFFFFFF, v40;
	v42 =	vmul.f32 v42, v20;
	v52 =	vsub.f32 v43, v60  }
0x29d: {  	v49 =	vld [tilespmem:s24+$0x46B0];
	v35 =	vmul.f32 v35, v8;
	v38 =	vand.u32 $0x7FFFFFFF, v38;
	v32 =	vadd.f32 v57, v32  }
0x29e: {  	v40 =	vmul.f32 v40, v13;
	v43 =	vsub.f32 v45, v53;
	v55 =	vsub.f32 v63, v47;
	v63 =	vld [tilespmem:s24+$0x6B0]  }
0x29f: {  	v37 =	vand.u32 $0x7FFFFFFF, v52;
	v34 =	vadd.f32 v35, v34;
	v57 =	vld [tilespmem:s24+$0x46A0];
	v32 =	vadd.f32 v61, v32  }
0x2a0: {  	v50 =	vld [tilespmem:s24+$0x8654];
	v37 =	vmul.f32 v37, v6;
	v43 =	vand.u32 $0x7FFFFFFF, v43;
	v36 =	vand.u32 $0x7FFFFFFF, v55  }
0x2a1: {  	v55 =	vld [tilespmem:s24+$0xC6B0];
	v58 =	vmul.f32 v36, v2;
	v36 =	vsub.f32 v56, v59;
	v32 =	vadd.f32 v46, v32  }
0x2a2: {  	v60 =	vld [tilespmem:s24+$0x4654];
	v43 =	vmul.f32 v43, v21;
	v61 =	vmul.f32 v38, v9;
	v38 =	vsub.f32 v56, v62  }
0x2a3: {  	v41 =	vld [tilespmem:s24+$0x6C0];
	v36 =	vand.u32 $0x7FFFFFFF, v36;
	v32 =	vadd.f32 v33, v32;
	v33 =	vmul.f32 v54, v15  }
0x2a4: {  	v52 =	vld [tilespmem:s24+$0x86B0];
	v38 =	vand.u32 $0x7FFFFFFF, v38;
	v35 =	vsub.f32 v56, v57;
	v56 =	vsub.f32 v63, v49  }
0x2a5: {  	v59 =	vld [tilespmem:s24+$0x86C0];
	v57 =	vmul.f32 v38, v17;
	v54 =	vmul.f32 v36, v10;
	v33 =	vadd.f32 v33, v34  }
0x2a6: {  	v62 =	vld [tilespmem:s24+$0x700];
	v36 =	vsub.f32 v63, v55;
	v35 =	vand.u32 $0x7FFFFFFF, v35;
	v32 =	vadd.f32 v37, v32  }
0x2a7: {  	v39 =	vand.u32 $0x7FFFFFFF, v56;
	v37 =	vsub.f32 v45, v60;
	v33 =	vadd.f32 v58, v33;
	v58 =	vld [tilespmem:s24+$0x46C0]  }
0x2a8: {  	v51 =	vmul.f32 v35, v3;
	v32 =	vadd.f32 v40, v32;
	v40 =	vsub.f32 v45, v50;
	v50 =	vld [tilespmem:s24+$0x8700]  }
0x2a9: {  	v46 =	vld [tilespmem:s24+$0x6D4];
	v35 =	vsub.f32 v63, v52;
	v36 =	vand.u32 $0x7FFFFFFF, v36;
	v37 =	vand.u32 $0x7FFFFFFF, v37  }
0x2aa: {  	v37 =	vmul.f32 v37, v7;
	v33 =	vadd.f32 v61, v33;
	v32 =	vadd.f32 v42, v32;
	v61 =	vld [tilespmem:s24+$0xC6C0]  }
0x2ab: {  	v55 =	vld [tilespmem:s24+$0x710];
	v60 =	vmul.f32 v39, v4;
	v49 =	vmul.f32 v36, v18;
	v40 =	vand.u32 $0x7FFFFFFF, v40  }
0x2ac: {  	v40 =	vmul.f32 v40, v14;
	v33 =	vadd.f32 v48, v33;
	v32 =	vadd.f32 v37, v32;
	v48 =	vld [tilespmem:s24+$0x4700]  }
0x2ad: {  	v52 =	vld [tilespmem:s24+$0x46D0];
	v35 =	vand.u32 $0x7FFFFFFF, v35;
	v38 =	vsub.f32 v41, v58;
	v36 =	vsub.f32 v62, v50  }
0x2ae: {  	v63 =	vmul.f32 v35, v11;
	v58 =	vld [tilespmem:s24+$0x86D0];
	v33 =	vadd.f32 v51, v33;
	v32 =	vadd.f32 v40, v32  }
0x2af: {  	v51 =	vsub.f32 v41, v59;
	v38 =	vand.u32 $0x7FFFFFFF, v38;
	v39 =	vsub.f32 v41, v61;
	v61 =	vld [tilespmem:s24+$0xC6D0]  }
0x2b0: {  	v36 =	vand.u32 $0x7FFFFFFF, v36;
	v33 =	vadd.f32 v54, v33;
	v53 =	vmul.f32 v38, v5;
	v54 =	vld [tilespmem:s24+$0xC700]  }
0x2b1: {  	v50 =	vld [tilespmem:s24+$0x720];
	v40 =	vand.u32 $0x7FFFFFFF, v51;
	v32 =	vadd.f32 v43, v32;
	v35 =	vsub.f32 v62, v48  }
0x2b2: {  	v36 =	vmul.f32 v36, v8;
	v51 =	vld [tilespmem:s24+$0x4720];
	v56 =	vmul.f32 v40, v12;
	v33 =	vadd.f32 v57, v33  }
0x2b3: {  	v59 =	vand.u32 $0x7FFFFFFF, v39;
	v57 =	vld [tilespmem:s24+$0x4710];
	v41 =	vsub.f32 v44, v58;
	v35 =	vand.u32 $0x7FFFFFFF, v35  }
0x2b4: {  	v34 =	vmul.f32 v59, v19;
	v59 =	vld [tilespmem:s24+$0x4730];
	v33 =	vadd.f32 v60, v33;
	v35 =	vmul.f32 v35, v1  }
0x2b5: {  	v60 =	vld [tilespmem:s24+$0x8710];
	v41 =	vand.u32 $0x7FFFFFFF, v41;
	v43 =	vsub.f32 v44, v61;
	v37 =	vsub.f32 v62, v54  }
0x2b6: {  	v62 =	vsub.f32 v44, v52;
	v41 =	vmul.f32 v41, v13;
	v33 =	vadd.f32 v63, v33;
	v63 =	vld [tilespmem:s24+$0xC710]  }
0x2b7: {  	v54 =	vld [tilespmem:s24+$0x46D4];
	v35 =	vadd.f32 $0.0e+00, v35;
	v43 =	vand.u32 $0x7FFFFFFF, v43;
	v48 =	vand.u32 $0x7FFFFFFF, v37  }
0x2b8: {  	v38 =	vand.u32 $0x7FFFFFFF, v62;
	v33 =	vadd.f32 v49, v33;
	v49 =	vsub.f32 v55, v57;
	v57 =	vld [tilespmem:s24+$0x730]  }
0x2b9: {  	v62 =	vld [tilespmem:s24+$0x8730];
	v43 =	vmul.f32 v43, v20;
	v35 =	vadd.f32 v36, v35;
	v36 =	vsub.f32 v50, v51  }
0x2ba: {  	v38 =	vmul.f32 v38, v6;
	v39 =	vsub.f32 v55, v60;
	v33 =	vadd.f32 v53, v33;
	v53 =	vld [tilespmem:s24+$0x8720]  }
0x2bb: {  	v51 =	vld [tilespmem:s24+$0x4740];
	v37 =	vand.u32 $0x7FFFFFFF, v49;
	v36 =	vand.u32 $0x7FFFFFFF, v36;
	v42 =	vsub.f32 v55, v63  }
0x2bc: {  	v52 =	vmul.f32 v37, v2;
	v39 =	vand.u32 $0x7FFFFFFF, v39;
	v63 =	vld [tilespmem:s24+$0xC6D4];
	v33 =	vadd.f32 v56, v33  }
0x2bd: {  	v61 =	vmul.f32 v36, v3;
	v56 =	vld [tilespmem:s24+$0xC720];
	v42 =	vand.u32 $0x7FFFFFFF, v42;
	v49 =	vsub.f32 v57, v59  }
0x2be: {  	v60 =	vld [tilespmem:s24+$0x86D4];
	v36 =	vsub.f32 v57, v62;
	v33 =	vadd.f32 v34, v33;
	v34 =	vmul.f32 v48, v15  }
0x2bf: {  	v55 =	vmul.f32 v39, v9;
	v58 =	vmul.f32 v42, v16;
	v48 =	vld [tilespmem:s24+$0xC730];
	v37 =	vsub.f32 v50, v53  }
0x2c0: {  	v42 =	vld [tilespmem:s24+$0x740];
	v40 =	vand.u32 $0x7FFFFFFF, v49;
	v36 =	vand.u32 $0x7FFFFFFF, v36;
	v34 =	vadd.f32 v34, v35  }
0x2c1: {  	v33 =	vadd.f32 v38, v33;
	v38 =	vsub.f32 v46, v54;
	v53 =	vmul.f32 v40, v4;
	v54 =	vld [tilespmem:s24+$0x4780]  }
0x2c2: {  	v44 =	vsub.f32 v46, v63;
	v63 =	vld [tilespmem:s24+$0x790];
	v37 =	vand.u32 $0x7FFFFFFF, v37;
	v39 =	vsub.f32 v50, v56  }
0x2c3: {  	v56 =	vmul.f32 v36, v11;
	v34 =	vadd.f32 v52, v34;
	v33 =	vadd.f32 v41, v33;
	v52 =	vld [tilespmem:s24+$0x780]  }
0x2c4: {  	v47 =	vmul.f32 v37, v10;
	v38 =	vand.u32 $0x7FFFFFFF, v38;
	v37 =	vsub.f32 v57, v48;
	v57 =	vld [tilespmem:s24+$0x8780]  }
0x2c5: {  	v41 =	vsub.f32 v46, v60;
	v62 =	vand.u32 $0x7FFFFFFF, v44;
	v48 =	vld [tilespmem:s24+$0x4790];
	v34 =	vadd.f32 v55, v34  }
0x2c6: {  	v38 =	vmul.f32 v38, v7;
	v60 =	vsub.f32 v42, v51;
	v51 =	vld [tilespmem:s24+$0xC790];
	v33 =	vadd.f32 v43, v33  }
0x2c7: {  	v39 =	vand.u32 $0x7FFFFFFF, v39;
	v55 =	vld [tilespmem:s24+$0x8740];
	v41 =	vand.u32 $0x7FFFFFFF, v41;
	v34 =	vadd.f32 v58, v34  }
0x2c8: {  	v50 =	vmul.f32 v39, v17;
	v41 =	vmul.f32 v41, v14;
	v33 =	vadd.f32 v38, v33  }
0x2c9: {  	v49 =	vld [tilespmem:s24+$0x8790];
	v37 =	vand.u32 $0x7FFFFFFF, v37;
	v40 =	vsub.f32 v52, v54;
	v34 =	vadd.f32 v61, v34  }
0x2ca: {  	v46 =	vld [tilespmem:s24+$0x750];
	v59 =	vmul.f32 v37, v18;
	v33 =	vadd.f32 v41, v33;
	v36 =	vsub.f32 v52, v57  }
0x2cb: {  	v58 =	vld [tilespmem:s24+$0xC740];
	v41 =	vmul.f32 v62, v21;
	v37 =	vsub.f32 v63, v48;
	v43 =	vsub.f32 v63, v51  }
0x2cc: {  	v44 =	vld [tilespmem:s24+$0x754];
	v40 =	vand.u32 $0x7FFFFFFF, v40;
	v38 =	vsub.f32 v42, v55;
	v34 =	vadd.f32 v47, v34  }
0x2cd: {  	v61 =	vld [tilespmem:s24+$0xC780];
	v47 =	vand.u32 $0x7FFFFFFF, v60;
	v33 =	vadd.f32 v41, v33;
	v40 =	vmul.f32 v40, v1  }
0x2ce: {  	v55 =	vld [tilespmem:s24+$0xC750];
	v36 =	vand.u32 $0x7FFFFFFF, v36;
	v37 =	vand.u32 $0x7FFFFFFF, v37;
	v41 =	vsub.f32 v63, v49  }
0x2cf: {  	v57 =	vld [tilespmem:s24+$0xC7A0];
	v35 =	vmul.f32 v47, v5;
	v38 =	vand.u32 $0x7FFFFFFF, v38;
	v36 =	vmul.f32 v36, v8  }
0x2d0: {  	v47 =	vld [tilespmem:s24+$0x7A0];
	v42 =	vsub.f32 v42, v58;
	v37 =	vmul.f32 v37, v2;
	v34 =	vadd.f32 v50, v34  }
0x2d1: {  	v54 =	vld [tilespmem:s24+$0x87A0];
	v58 =	vand.u32 $0x7FFFFFFF, v43;
	v40 =	vadd.f32 $0.0e+00, v40;
	v38 =	vmul.f32 v38, v12  }
0x2d2: {  	v41 =	vand.u32 $0x7FFFFFFF, v41;
	v39 =	vsub.f32 v52, v61;
	v52 =	vld [tilespmem:s24+$0x47A0];
	v34 =	vadd.f32 v53, v34  }
0x2d3: {  	v48 =	vld [tilespmem:s24+$0x4754];
	v60 =	vmul.f32 v58, v16;
	v42 =	vand.u32 $0x7FFFFFFF, v42;
	v45 =	vsub.f32 v46, v55  }
0x2d4: {  	v50 =	vld [tilespmem:s24+$0x4750];
	v42 =	vmul.f32 v42, v19;
	v39 =	vand.u32 $0x7FFFFFFF, v39;
	v34 =	vadd.f32 v56, v34  }
0x2d5: {  	v51 =	vld [tilespmem:s24+$0x7C0];
	v56 =	vmul.f32 v41, v9;
	v41 =	vsub.f32 v47, v57;
	v45 =	vand.u32 $0x7FFFFFFF, v45  }
0x2d6: {  	v36 =	vadd.f32 v36, v40;
	v53 =	vld [tilespmem:s24+$0x8750];
	v39 =	vmul.f32 v39, v15;
	v45 =	vmul.f32 v45, v20  }
0x2d7: {  	v63 =	vld [tilespmem:s24+$0x87B0];
	v34 =	vadd.f32 v59, v34;
	v40 =	vsub.f32 v47, v52;
	v41 =	vand.u32 $0x7FFFFFFF, v41  }
0x2d8: {  	v36 =	vadd.f32 v39, v36;
	v59 =	vld [tilespmem:s24+$0x7B0];
	v39 =	vsub.f32 v47, v54;
	v52 =	vmul.f32 v41, v17  }
0x2d9: {  	v61 =	vld [tilespmem:s24+$0x47B0];
	v34 =	vadd.f32 v35, v34;
	v35 =	vsub.f32 v46, v50;
	v40 =	vand.u32 $0x7FFFFFFF, v40  }
0x2da: {  	v36 =	vadd.f32 v37, v36;
	v39 =	vand.u32 $0x7FFFFFFF, v39;
	v50 =	vld [tilespmem:s24+$0xC7B0];
	v62 =	vmul.f32 v40, v3  }
0x2db: {  	v43 =	vld [tilespmem:s24+$0x7D0];
	v34 =	vadd.f32 v38, v34;
	v35 =	vand.u32 $0x7FFFFFFF, v35;
	v38 =	vsub.f32 v46, v53  }
0x2dc: {  	v49 =	vmul.f32 v39, v10;
	v36 =	vadd.f32 v56, v36;
	v53 =	vld [tilespmem:s24+$0x47C0];
	v35 =	vmul.f32 v35, v6  }
0x2dd: {  	v56 =	vld [tilespmem:s24+$0x87C0];
	v40 =	vsub.f32 v59, v63;
	v34 =	vadd.f32 v42, v34;
	v38 =	vand.u32 $0x7FFFFFFF, v38  }
0x2de: {  	v57 =	vld [tilespmem:s24+$0xC754];
	v36 =	vadd.f32 v60, v36;
	v42 =	vsub.f32 v59, v61;
	v38 =	vmul.f32 v38, v13  }
0x2df: {  	v54 =	vld [tilespmem:s24+$0x8754];
	v40 =	vand.u32 $0x7FFFFFFF, v40;
	v39 =	vsub.f32 v59, v50;
	v34 =	vadd.f32 v35, v34  }
0x2e0: {  	v59 =	vld [tilespmem:s24+$0x4800];
	v36 =	vadd.f32 v62, v36;
	v42 =	vand.u32 $0x7FFFFFFF, v42;
	v35 =	vsub.f32 v44, v48  }
0x2e1: {  	v61 =	vmul.f32 v40, v11;
	v62 =	vld [tilespmem:s24+$0xC7C0];
	v55 =	vmul.f32 v42, v4;
	v41 =	vsub.f32 v51, v53  }
0x2e2: {  	v48 =	vld [tilespmem:s24+$0x47D0];
	v39 =	vand.u32 $0x7FFFFFFF, v39;
	v42 =	vsub.f32 v51, v56;
	v36 =	vadd.f32 v49, v36  }
0x2e3: {  	v53 =	vld [tilespmem:s24+$0x810];
	v34 =	vadd.f32 v38, v34;
	v35 =	vand.u32 $0x7FFFFFFF, v35;
	v63 =	vmul.f32 v39, v18  }
0x2e4: {  	v49 =	vld [tilespmem:s24+$0x800];
	v38 =	vsub.f32 v44, v54;
	v44 =	vsub.f32 v44, v57;
	v35 =	vmul.f32 v35, v7  }
0x2e5: {  	v57 =	vld [tilespmem:s24+$0x8810];
	v41 =	vand.u32 $0x7FFFFFFF, v41;
	v60 =	vand.u32 $0x7FFFFFFF, v42;
	v36 =	vadd.f32 v52, v36  }
0x2e6: {  	v34 =	vadd.f32 v45, v34;
	v58 =	vmul.f32 v41, v5;
	v38 =	vand.u32 $0x7FFFFFFF, v38  }
0x2e7: {  	v52 =	vand.u32 $0x7FFFFFFF, v44;
	v40 =	vsub.f32 v51, v62;
	v62 =	vld [tilespmem:s24+$0x8800];
	v39 =	vsub.f32 v43, v48  }
0x2e8: {  	v38 =	vmul.f32 v38, v14;
	v51 =	vld [tilespmem:s24+$0xC800];
	v36 =	vadd.f32 v55, v36;
	v34 =	vadd.f32 v35, v34  }
0x2e9: {  	v35 =	vmul.f32 v60, v12;
	v55 =	vld [tilespmem:s24+$0x4810];
	v40 =	vand.u32 $0x7FFFFFFF, v40;
	v41 =	vsub.f32 v49, v59  }
0x2ea: {  	v54 =	vand.u32 $0x7FFFFFFF, v39;
	v59 =	vld [tilespmem:s24+$0xC810];
	v42 =	vsub.f32 v53, v57;
	v36 =	vadd.f32 v61, v36  }
0x2eb: {  	v61 =	vld [tilespmem:s24+$0x87D0];
	v50 =	vmul.f32 v40, v19;
	v34 =	vadd.f32 v38, v34;
	v38 =	vmul.f32 v52, v21  }
0x2ec: {  	v48 =	vld [tilespmem:s24+$0x820];
	v41 =	vand.u32 $0x7FFFFFFF, v41;
	v36 =	vadd.f32 v63, v36;
	v37 =	vsub.f32 v49, v62  }
0x2ed: {  	v60 =	vld [tilespmem:s24+$0x4820];
	v34 =	vadd.f32 v38, v34;
	v41 =	vmul.f32 v41, v1;
	v40 =	vsub.f32 v49, v51  }
0x2ee: {  	v42 =	vand.u32 $0x7FFFFFFF, v42;
	v63 =	vld [tilespmem:s24+$0xC7D0];
	v39 =	vsub.f32 v53, v55;
	v36 =	vadd.f32 v58, v36  }
0x2ef: {  	v51 =	vld [tilespmem:s24+$0xC820];
	v37 =	vand.u32 $0x7FFFFFFF, v37;
	v41 =	vadd.f32 $0.0e+00, v41;
	v40 =	vand.u32 $0x7FFFFFFF, v40  }
0x2f0: {  	v47 =	vld [tilespmem:s24+$0x7D4];
	v44 =	vsub.f32 v53, v59;
	v56 =	vsub.f32 v43, v61;
	v37 =	vmul.f32 v37, v8  }
0x2f1: {  	v57 =	vld [tilespmem:s24+$0xC830];
	v40 =	vmul.f32 v40, v15;
	v39 =	vand.u32 $0x7FFFFFFF, v39;
	v35 =	vadd.f32 v35, v36  }
0x2f2: {  	v62 =	vld [tilespmem:s24+$0x8820];
	v36 =	vmul.f32 v54, v6;
	v39 =	vmul.f32 v39, v2;
	v52 =	vand.u32 $0x7FFFFFFF, v44  }
0x2f3: {  	v58 =	vld [tilespmem:s24+$0x47D4];
	v38 =	vand.u32 $0x7FFFFFFF, v56;
	v43 =	vsub.f32 v43, v63;
	v37 =	vadd.f32 v37, v41  }
0x2f4: {  	v44 =	vld [tilespmem:s24+$0x830];
	v41 =	vsub.f32 v48, v60;
	v53 =	vmul.f32 v52, v16;
	v59 =	vsub.f32 v48, v51  }
0x2f5: {  	v61 =	vld [tilespmem:s24+$0x87D4];
	v35 =	vadd.f32 v50, v35;
	v38 =	vmul.f32 v38, v13;
	v50 =	vmul.f32 v42, v9  }
0x2f6: {  	v63 =	vld [tilespmem:s24+$0xC7D4];
	v43 =	vand.u32 $0x7FFFFFFF, v43;
	v37 =	vadd.f32 v40, v37;
	v41 =	vand.u32 $0x7FFFFFFF, v41  }
0x2f7: {  	v55 =	vld [tilespmem:s24+$0x8830];
	v40 =	vsub.f32 v48, v62;
	v35 =	vadd.f32 v36, v35;
	v43 =	vmul.f32 v43, v20  }
0x2f8: {  	v54 =	vld [tilespmem:s24+$0x4830];
	v36 =	vsub.f32 v47, v58;
	v56 =	vmul.f32 v41, v3;
	v37 =	vadd.f32 v39, v37  }
0x2f9: {  	v58 =	vand.u32 $0x7FFFFFFF, v40;
	v40 =	vand.u32 $0x7FFFFFFF, v59;
	v41 =	vsub.f32 v44, v57  }
0x2fa: {  	v60 =	vld [tilespmem:s24+$0x880];
	v35 =	vadd.f32 v38, v35;
	v36 =	vand.u32 $0x7FFFFFFF, v36;
	v37 =	vadd.f32 v50, v37  }
0x2fb: {  	v38 =	vsub.f32 v47, v61;
	v61 =	vld [tilespmem:s24+$0x4880];
	v46 =	vsub.f32 v47, v63;
	v62 =	vmul.f32 v40, v17  }
0x2fc: {  	v63 =	vld [tilespmem:s24+$0x8880];
	v36 =	vmul.f32 v36, v7;
	v35 =	vadd.f32 v43, v35;
	v37 =	vadd.f32 v53, v37  }
0x2fd: {  	v47 =	vld [tilespmem:s24+$0x890];
	v50 =	vsub.f32 v44, v55;
	v38 =	vand.u32 $0x7FFFFFFF, v38;
	v43 =	vsub.f32 v44, v54  }
0x2fe: {  	v55 =	vld [tilespmem:s24+$0x4890];
	v35 =	vadd.f32 v36, v35;
	v36 =	vmul.f32 v58, v10;
	v37 =	vadd.f32 v56, v37  }
0x2ff: {  	v51 =	vld [tilespmem:s24+$0x4840];
	v57 =	vand.u32 $0x7FFFFFFF, v41;
	v46 =	vand.u32 $0x7FFFFFFF, v46;
	v38 =	vmul.f32 v38, v14  }
0x300: {  	v53 =	vld [tilespmem:s24+$0xC880];
	v46 =	vmul.f32 v46, v21;
	v49 =	vand.u32 $0x7FFFFFFF, v43;
	v36 =	vadd.f32 v36, v37  }
0x301: {  	v48 =	vld [tilespmem:s24+$0x840];
	v43 =	vand.u32 $0x7FFFFFFF, v50;
	v52 =	vmul.f32 v49, v4;
	v39 =	vsub.f32 v60, v61  }
0x302: {  	v59 =	vld [tilespmem:s24+$0xC840];
	v54 =	vmul.f32 v43, v11;
	v40 =	vsub.f32 v60, v63;
	v36 =	vadd.f32 v62, v36  }
0x303: {  	v58 =	vld [tilespmem:s24+$0x8890];
	v35 =	vadd.f32 v38, v35;
	v63 =	vsub.f32 v47, v55;
	v39 =	vand.u32 $0x7FFFFFFF, v39  }
0x304: {  	v56 =	vld [tilespmem:s24+$0x8840];
	v37 =	vmul.f32 v57, v18;
	v39 =	vmul.f32 v39, v1;
	v36 =	vadd.f32 v52, v36  }
0x305: {  	v61 =	vld [tilespmem:s24+$0xC890];
	v40 =	vand.u32 $0x7FFFFFFF, v40;
	v35 =	vadd.f32 v46, v35;
	v38 =	vsub.f32 v60, v53  }
0x306: {  	v49 =	vld [tilespmem:s24+$0x850];
	v40 =	vmul.f32 v40, v8;
	v39 =	vadd.f32 $0.0e+00, v39;
	v36 =	vadd.f32 v54, v36  }
0x307: {  	v60 =	vsub.f32 v48, v51;
	v53 =	vld [tilespmem:s24+$0x48A0];
	v46 =	vsub.f32 v48, v59;
	v62 =	vand.u32 $0x7FFFFFFF, v38  }
0x308: {  	v52 =	vld [tilespmem:s24+$0x8A0];
	v39 =	vadd.f32 v40, v39;
	v36 =	vadd.f32 v37, v36;
	v37 =	vmul.f32 v62, v15  }
0x309: {  	v55 =	vld [tilespmem:s24+$0x4850];
	v41 =	vsub.f32 v47, v58;
	v42 =	vand.u32 $0x7FFFFFFF, v60;
	v38 =	vand.u32 $0x7FFFFFFF, v63  }
0x30a: {  	v44 =	vsub.f32 v48, v56;
	v38 =	vmul.f32 v38, v2;
	v54 =	vld [tilespmem:s24+$0x88A0];
	v37 =	vadd.f32 v37, v39  }
0x30b: {  	v45 =	vsub.f32 v47, v61;
	v46 =	vand.u32 $0x7FFFFFFF, v46;
	v63 =	vld [tilespmem:s24+$0xC850];
	v41 =	vand.u32 $0x7FFFFFFF, v41  }
0x30c: {  	v57 =	vld [tilespmem:s24+$0xC8A0];
	v42 =	vmul.f32 v42, v5;
	v56 =	vmul.f32 v41, v9;
	v37 =	vadd.f32 v38, v37  }
0x30d: {  	v59 =	vld [tilespmem:s24+$0x48B0];
	v46 =	vmul.f32 v46, v19;
	v45 =	vand.u32 $0x7FFFFFFF, v45;
	v40 =	vsub.f32 v52, v53  }
0x30e: {  	v47 =	vld [tilespmem:s24+$0x8B0];
	v44 =	vand.u32 $0x7FFFFFFF, v44;
	v58 =	vmul.f32 v45, v16;
	v37 =	vadd.f32 v56, v37  }
0x30f: {  	v44 =	vmul.f32 v44, v12;
	v40 =	vand.u32 $0x7FFFFFFF, v40;
	v39 =	vsub.f32 v52, v54  }
0x310: {  	v62 =	vld [tilespmem:s24+$0x88B0];
	v48 =	vsub.f32 v49, v63;
	v61 =	vmul.f32 v40, v3;
	v37 =	vadd.f32 v58, v37  }
0x311: {  	v60 =	vld [tilespmem:s24+$0x8850];
	v41 =	vsub.f32 v52, v57;
	v36 =	vadd.f32 v42, v36;
	v39 =	vand.u32 $0x7FFFFFFF, v39  }
0x312: {  	v51 =	vld [tilespmem:s24+$0xC8B0];
	v42 =	vsub.f32 v49, v55;
	v50 =	vmul.f32 v39, v10;
	v37 =	vadd.f32 v61, v37  }
0x313: {  	v53 =	vld [tilespmem:s24+$0x8C0];
	v48 =	vand.u32 $0x7FFFFFFF, v48;
	v41 =	vand.u32 $0x7FFFFFFF, v41;
	v52 =	vsub.f32 v47, v59  }
0x314: {  	v55 =	vld [tilespmem:s24+$0x48C0];
	v36 =	vadd.f32 v44, v36;
	v54 =	vmul.f32 v41, v17;
	v37 =	vadd.f32 v50, v37  }
0x315: {  	v57 =	vld [tilespmem:s24+$0x88C0];
	v42 =	vand.u32 $0x7FFFFFFF, v42;
	v43 =	vand.u32 $0x7FFFFFFF, v52;
	v40 =	vsub.f32 v47, v62  }
0x316: {  	v63 =	vld [tilespmem:s24+$0x48D0];
	v44 =	vsub.f32 v49, v60;
	v56 =	vmul.f32 v43, v4;
	v37 =	vadd.f32 v54, v37  }
0x317: {  	v60 =	vld [tilespmem:s24+$0xC8C0];
	v42 =	vmul.f32 v42, v6;
	v39 =	vsub.f32 v47, v51;
	v40 =	vand.u32 $0x7FFFFFFF, v40  }
0x318: {  	v36 =	vadd.f32 v46, v36;
	v46 =	vld [tilespmem:s24+$0x854];
	v59 =	vmul.f32 v40, v11;
	v37 =	vadd.f32 v56, v37  }
0x319: {  	v44 =	vand.u32 $0x7FFFFFFF, v44;
	v41 =	vsub.f32 v53, v55;
	v58 =	vld [tilespmem:s24+$0x4854];
	v39 =	vand.u32 $0x7FFFFFFF, v39  }
0x31a: {  	v43 =	vsub.f32 v53, v57;
	v62 =	vmul.f32 v39, v18;
	v61 =	vld [tilespmem:s24+$0x8D0];
	v37 =	vadd.f32 v59, v37  }
0x31b: {  	v51 =	vld [tilespmem:s24+$0x8854];
	v44 =	vmul.f32 v44, v13;
	v36 =	vadd.f32 v42, v36;
	v41 =	vand.u32 $0x7FFFFFFF, v41  }
0x31c: {  	v43 =	vand.u32 $0x7FFFFFFF, v43;
	v49 =	vmul.f32 v41, v5;
	v50 =	vld [tilespmem:s24+$0x88D0];
	v37 =	vadd.f32 v62, v37  }
0x31d: {  	v57 =	vld [tilespmem:s24+$0xC854];
	v40 =	vsub.f32 v53, v60;
	v36 =	vadd.f32 v44, v36;
	v44 =	vmul.f32 v48, v20  }
0x31e: {  	v52 =	vmul.f32 v43, v12;
	v53 =	vld [tilespmem:s24+$0xC8D0];
	v42 =	vsub.f32 v46, v58;
	v37 =	vadd.f32 v49, v37  }
0x31f: {  	(xrf2) =	vadd.scan.msk.f32 $0xffff, v22;
	v55 =	vld [tilespmem:s24+$0x8D4];
	v22 =	vadd.f32 v44, v36;
	v54 =	vand.u32 $0x7FFFFFFF, v40;
	v39 =	vsub.f32 v61, v63  }
0x320: {  	(xrf2) =	vadd.scan.msk.f32 $0xffff, v23;
	v23 =	vand.u32 $0x7FFFFFFF, v42;
	v36 =	vmul.f32 v54, v19;
	v56 =	vld [tilespmem:s24+$0x48D4];
	v37 =	vadd.f32 v52, v37  }
0x321: {  	v23 =	vmul.f32 v23, v7;
	v39 =	vand.u32 $0x7FFFFFFF, v39;
	v41 =	vsub.f32 v61, v50  }
0x322: {  	(xrf2) =	vadd.scan.msk.f32 $0xffff, v24;
	v60 =	vld [tilespmem:s24+$0x88D4];
	v58 =	vsub.f32 v46, v51;
	v59 =	vmul.f32 v39, v6;
	v36 =	vadd.f32 v36, v37  }
0x323: {  	(xrf2) =	vadd.scan.msk.f32 $0xffff, v25;
	v22 =	vadd.f32 v23, v22;
	v23 =	vsub.f32 v61, v53;
	v61 =	vand.u32 $0x7FFFFFFF, v41  }
0x324: {  	(xrf2) =	vadd.scan.msk.f32 $0xffff, v26;
	v24 =	vsub.f32 v46, v57;
	v63 =	vld [tilespmem:s24+$0xC8D4];
	v26 =	vmul.f32 v61, v13;
	v62 =	vadd.f32 v59, v36  }
0x325: {  	(xrf2) =	vadd.scan.msk.f32 $0xffff, v27;
	v25 =	vand.u32 $0x7FFFFFFF, v58;
	v23 =	vand.u32 $0x7FFFFFFF, v23;
	v37 =	vsub.f32 v55, v56  }
0x326: {  	(xrf2) =	vadd.scan.msk.f32 $0xffff, v28;
	v25 =	vmul.f32 v25, v14;
	v23 =	vmul.f32 v23, v20;
	v26 =	vadd.f32 v26, v62  }
0x327: {  	(xrf2) =	vadd.scan.msk.f32 $0xffff, v29;
	v24 =	vand.u32 $0x7FFFFFFF, v24;
	v39 =	vsub.f32 v55, v60;
	v38 =	vand.u32 $0x7FFFFFFF, v37  }
0x328: {  	(xrf2) =	vadd.scan.msk.f32 $0xffff, v30;
	v22 =	vadd.f32 v25, v22;
	v25 =	vmul.f32 v38, v7;
	v23 =	vadd.f32 v23, v26  }
0x329: {  	(xrf2) =	vadd.scan.msk.f32 $0xffff, v31;
	v24 =	vmul.f32 v24, v21;
	v27 =	vand.u32 $0x7FFFFFFF, v39;
	v42 =	vsub.f32 v55, v63;
	v41, _, _ =	vpop (xrf2)  }
0x32a: {  	(xrf2) =	vadd.scan.msk.f32 $0xffff, v32;
	v44 =	vmul.f32 v27, v14;
	v43, _, _ =	vpop (xrf2);
	v23 =	vadd.f32 v25, v23  }
0x32b: {  	(xrf2) =	vadd.scan.msk.f32 $0xffff, v33;
	v22 =	vadd.f32 v24, v22;
	v46 =	vand.u32 $0x7FFFFFFF, v42;
	v29 =	vbroadcast v43, $0xF  }
0x32c: {  	v45, _, _ =	vpop (xrf2);
	(xrf2) =	vadd.scan.msk.f32 $0xffff, v34;
	v24 =	vmul.f32 v46, v21;
	v26 =	vbroadcast v41, $0xF;
	v23 =	vadd.f32 v44, v23  }
0x32d: {  	v47, _, _ =	vpop (xrf2);
	(xrf2) =	vadd.scan.msk.f32 $0xffff, v35;
	v48 =	vbroadcast v45, $0xF  }
0x32e: {  	v49 =	vbroadcast v47, $0xF;
	v50, _, _ =	vpop (xrf2);
	(xrf2) =	vadd.scan.msk.f32 $0xffff, v22;
	v26 =	vsel vm0, v26, v29;
	v23 =	vadd.f32 v24, v23  }
0x32f: {  	v22, _, _ =	vpop (xrf2);
	v51 =	vbroadcast v50, $0xF;
	v25 =	vsel vm1, v26, v48  }
0x330: {  	v52, _, _ =	vpop (xrf2);
	v22 =	vbroadcast v22, $0xF;
	v25 =	vsel vm2, v25, v49  }
0x331: {  	v53, _, _ =	vpop (xrf2);
	v25 =	vsel vm3, v25, v51;
	v24 =	vbroadcast v52, $0xF  }
0x332: {  	v54 =	vbroadcast v53, $0xF;
	v22 =	vsel vm4, v25, v22;
	(xrf2) =	vadd.scan.msk.f32 $0xffff, v23;
	v23, _, _ =	vpop (xrf2)  }
0x333: {  	v22 =	vsel vm5, v22, v24;
	v55, _, _ =	vpop (xrf2);
	v23 =	vbroadcast v23, $0xF  }
0x334: {  	v22 =	vsel vm6, v22, v54;
	v56, _, _ =	vpop (xrf2);
	v57 =	vbroadcast v55, $0xF  }
0x335: {  	v58, _, _ =	vpop (xrf2);
	v22 =	vsel vm7, v22, v23;
	v23 =	vbroadcast v56, $0xF  }
0x336: {  	v59, _, _ =	vpop (xrf2);
	v22 =	vsel vm8, v22, v57;
	v60 =	vbroadcast v58, $0xF  }
0x337: {  	v61, _, _ =	vpop (xrf2);
	v22 =	vsel vm9, v22, v23;
	v23 =	vbroadcast v59, $0xF  }
0x338: {  	v62, _, _ =	vpop (xrf2);
	v22 =	vsel vm10, v22, v60  }
0x339: {  	v22 =	vsel vm11, v22, v23;
	v23 =	vbroadcast v62, $0xF  }
0x33a: {  	v63 =	vbroadcast v61, $0xF;
	_ =	sdelay $0x1  }
0x33b: {  	v22 =	vsel vm12, v22, v63  }
0x33c: {  	v22 =	vsel vm13, v22, v23;
	v23, _, _ =	vpop (xrf2)  }
0x33d: {  	v22 =	vsel vm14, v22, v23  }
0x33e: {  	v22 =	vadd.f32 v22, v0;
	_ =	sdelay $0x1  }
0x33f: {  	v22 =	vsub.f32 $0.0e+00, v22;
	_ =	sdelay $0x1  }
0x340: {  	v22 =	vmul.f32 $1.442695020e+00, v22;
	_ =	sdelay $0x1  }
0x341: {  	(erf) = vpow2.f32 v22;
	_ =	sdelay $0x8  }
0x342: {  	v22 =	vpop (erf)  }
0x343: {  	v22 =	vadd.f32 $1.000000000e+00, v22;
	_ =	sdelay $0x1  }
0x344: {  	(erf) = vrcp.f32 v22;
	_ =	sdelay $0x4  }
0x345: {  	p0 =	sne.s32 s23, $0x7  }
.Ltmp1:
0x346: {  	_ = 	snop;
	(pc) =	sbr.rel @p0 .LBB2_5-.Ltmp1, $4  }
0x347: {  	_ = 	snop  }
0x348: {  	s0 =	sshll.u32 s23, $0x4  }
0x349: {  	s0 =	sand.u32 $0x3FFFFFF0, s0;
	v22 =	vpop (erf)  }
0x34a: {  	s23 =	sadd.s32 $0x1, s23;
	[tilespmem:s0+$0x10280] =	vst v22  }
0x34b: {  	s21 =	sadd.s32 $0x1, s21  }
0x34c: {  	p0 =	sne.s32 s21, $0x4  }
.Ltmp2:
0x34d: {  	s0 =	sadd.s32 s3, s22;
	(pc) =	sbr.rel @p0 .LBB2_2-.Ltmp2, $4  }
0x34e: {  	[hbm4b:s0+s4] =	stream.linear.scatter [tilespmem:s19], [sflag:$0x5], $0x80, $0x38;
	[tilespmem:$0x10300] =	vst v63  }
0x34f: {  	_ =	swait.ge [sflag:s14], $0x80  }
0x350: {  	[sflag:s14] =	ssyncset.done $0x0  }
0x351: {  	[sflag:s14] =	ssyncadd.s32 $0xFFFFFF80  }
0x352: {  	s20 =	sadd.s32 $0x1, s20  }
0x353: {  	p0 =	sne.s32 s20, s12  }
.Ltmp3:
0x354: {  	_ = 	snop;
	(pc) =	sbr.rel @p0 .LBB2_1-.Ltmp3, $1  }
0x355: {  	_ =	sdelay $0x3  }
0x356: {  	_ =	sfence.sel $0x180000  }
0x357: {  	[bflag:$0x0] =	sbarrier.arrive $0xFFFF  }
0x358: {  	_ =	strace $0x90000047  }
0x359: {  	s0 =	stileid.u32;
	[bflag:$0x2] =	sbarrier.arrive $0xFFFF  }
0x35a: {  	p0 =	sne.s32 s0, $0x0;
	s0 =	rddreg [dreg:$0x4]  }
0x35b: {  	s0 =	sadd.s32 @!p0 $0x100000, s0  }
0x35c: {  	[sflag:s0] =	ssyncadd.tile.s32 @!p0 $0x1;
	_ =	shalt  }
.Lfunc_end2:
_tile_overlayer_lowered:
.L_overlay_start_2:
0x35d: {  	(tag) =	ssettag $0x2  }
0x35e: {  	s0 =	rddreg [dreg:$0x0];
	s2 =	stileid.u32  }
0x35f: {  	s1 =	rddreg [dreg:$0x1];
	p0 =	sne.s32 s2, $0x0  }
0x360: {  	s3 =	rddreg [dreg:$0x2];
	[bflag:$0x3] =	sbarrier.arrive $0xFFFF;
	s2 =	simm.s32 @!p0 $0x1C05  }
0x361: {  	[timem:s3], [sflag:s2] =	dma.local @!p0 [hbm:s0], s1  }
0x362: {  	s0 =	simm.s32 @!p0 $0x5  }
0x363: {  	_ =	swait.ge @!p0 [sflag:s0], s1  }
0x364: {  	s1 =	ssub.s32 @!p0 $0x0, s1;
	[sflag:s0] =	ssyncset.done @!p0 $0x0  }
0x365: {  	[sflag:s0] =	ssyncadd.s32 @!p0 s1  }
0x366: {  	[bflag:$0x3] =	sbarrier.arrive $0xFFFF  }
0x367: {  	_ =	shalt  }

</sc_bundles>
